<compile_context>
chip_gen: v7x
topology: tpu7x:2x2x1
jax: 0.10.2.dev20260603
libtpu: 0.0.44.dev20260713+nightly
codegen_flags: <defaults>
</compile_context>

<pallas_src>
import functools

import jax
import jax.numpy as jnp
from jax import lax
from jax.experimental import pallas as pl
from jax.experimental.pallas import tpu as pltpu
from jax.experimental.pallas import tpu_sc as plsc

OUT_DIM = 64
PAD_DIM = 128
W = 256


@functools.lru_cache(maxsize=None)
def _make_gather(NB, T):
    info = plsc.get_sparse_core_info()
    NC, NS = info.num_cores, info.num_subcores
    NW = NC * NS
    b_per_w = NB // NW
    assert NB % NW == 0 and b_per_w == 2 * W

    mesh = plsc.VectorSubcoreMesh(core_axis_name="c", subcore_axis_name="s")

    @functools.partial(
        pl.kernel,
        mesh=mesh,
        out_type=jax.ShapeDtypeStruct((T, OUT_DIM, NB), jnp.float32),
        scratch_types=[
            pltpu.VMEM((W,), jnp.int32),
            pltpu.VMEM((W,), jnp.int32),
            pltpu.VMEM((2, W, PAD_DIM), jnp.float32),
            pltpu.VMEM((2, OUT_DIM, W), jnp.float32),
            pltpu.SemaphoreType.DMA,
            pltpu.SemaphoreType.DMA,
            pltpu.SemaphoreType.DMA,
            pltpu.SemaphoreType.DMA,
        ],
        compiler_params=pltpu.CompilerParams(use_tc_tiling_on_sc=True, needs_layout_passes=False),
    )
    def k(idx_hbm, table_hbm, out_hbm, idx0, idx1, g_buf, t_buf,
          gs0, gs1, os0, os1):
        wid = lax.axis_index("s") * NC + lax.axis_index("c")
        b0 = wid * b_per_w
        idxs = [idx0, idx1]
        gsem = [gs0, gs1]
        osem = [os0, os1]
        iota = lax.iota(jnp.int32, 16)

        def load_idx(t, h, s):
            off = t * NB + b0 + h * W
            pltpu.sync_copy(idx_hbm.at[pl.ds(off, W)], idxs[s])

        def start_gather(s):
            pltpu.async_copy(table_hbm.at[idxs[s]], g_buf.at[s], gsem[s])

        def wait_gather(s):
            pltpu.make_async_copy(
                table_hbm.at[idxs[s]], g_buf.at[s], gsem[s]
            ).wait()

        def out_slice(t, h):
            return out_hbm.at[t, pl.ds(0, OUT_DIM), pl.ds(b0 + h * W, W)]

        def start_store(t, h, s):
            pltpu.async_copy(t_buf.at[s], out_slice(t, h), osem[s])

        def wait_store(t, h, s):
            pltpu.make_async_copy(t_buf.at[s], out_slice(t, h), osem[s]).wait()

        rots = [lax.rem(iota + r, jnp.int32(16)) for r in range(16)]

        def transpose(s):
            src = g_buf.at[s]
            dst = t_buf.at[s]

            def jbody(jj, carry):
                rows = iota + jj * 16
                for cc in range(OUT_DIM // 16):
                    cols = [rots[r] + (16 * cc) for r in range(16)]
                    vs = [
                        plsc.load_gather(src, [rows, cols[r]])
                        for r in range(16)
                    ]
                    for r in range(16):
                        plsc.store_scatter(dst, [cols[r], rows], vs[r])
                return carry

            lax.fori_loop(0, W // 16, jbody, 0)

        load_idx(0, 0, 0)
        start_gather(0)

        def body(u, carry):
            load_idx(u, 1, 1)
            start_gather(1)
            wait_gather(0)

            @pl.when(u >= 1)
            def _():
                wait_store(u - 1, 0, 0)

            transpose(0)
            start_store(u, 0, 0)

            @pl.when(u + 1 <= T - 1)
            def _():
                load_idx(u + 1, 0, 0)
                start_gather(0)

            wait_gather(1)

            @pl.when(u >= 1)
            def _():
                wait_store(u - 1, 1, 1)

            transpose(1)
            start_store(u, 1, 1)
            return carry

        lax.fori_loop(0, T, body, 0)
        wait_store(T - 1, 0, 0)
        wait_store(T - 1, 1, 1)

    return k


def kernel(x, table):
    NB, T = x.shape
    idx = x.T.reshape(NB * T).astype(jnp.int32)
    table_pad = jnp.pad(table, ((0, 0), (0, PAD_DIM - OUT_DIM)))
    out = _make_gather(NB, T)(idx, table_pad)
    return jnp.transpose(out, (2, 0, 1))

# --- scband reference (transcript-rebuilt; emitter-appended) ---
"""Pipeline reference for scband-language-idembedding-17815524343952 (READ-ONLY COPY).

The authoritative reference and input builder live on the scoring server;
editing this copy changes nothing except your own understanding.
"""

import jax, jax.numpy as jnp
import numpy as np

LANG_NUMS = 100000
OUT_DIM = 64

def setup_inputs(seed: int = 0) -> dict:
    key = jax.random.key(seed)
    k_idx, k_tab = jax.random.split(key)
    x = jax.random.randint(k_idx, (16384, 200), 0, LANG_NUMS, dtype=jnp.int64)
    table = jax.random.normal(k_tab, (LANG_NUMS, OUT_DIM), dtype=jnp.float32)
    return {"x": x, "table": table}

def reference(x, table):
    # nn.Embedding lookup: gather rows of the table by index
    return jnp.take(table, x, axis=0)

if __name__ == "__main__":
    import jax
    _d = setup_inputs()
    print(jax.jit(kernel)(*tuple(_d.values())))

</pallas_src>

<mosaic_0001>
#map = affine_map<(d0, d1) -> (0)>
#map1 = affine_map<(d0, d1) -> (0, 0)>
#map2 = affine_map<(d0, d1) -> (0, 0, 0)>
module attributes {stable_mosaic.version = 14 : i64} {
  func.func @k(%arg0: i32, %arg1: i32, %arg2: memref<3276800xi32, #tpu.memory_space<hbm>>, %arg3: memref<100000x128xf32, #tpu.memory_space<hbm>>, %arg4: memref<200x64x16384xf32, #tpu.memory_space<hbm>>, %arg5: memref<256xi32, #tpu.memory_space<vmem>>, %arg6: memref<256xi32, #tpu.memory_space<vmem>>, %arg7: memref<2x256x128xf32, #tpu.memory_space<vmem>>, %arg8: memref<2x64x256xf32, #tpu.memory_space<vmem>>, %arg9: memref<!tpu.dma_semaphore, #tpu.memory_space<semaphore_mem>>, %arg10: memref<!tpu.dma_semaphore, #tpu.memory_space<semaphore_mem>>, %arg11: memref<!tpu.dma_semaphore, #tpu.memory_space<semaphore_mem>>, %arg12: memref<!tpu.dma_semaphore, #tpu.memory_space<semaphore_mem>>) attributes {dimension_semantics = [#tpu.dimension_semantics<core_parallel>, #tpu.dimension_semantics<subcore_parallel>], iteration_bounds = array<i64: 2, 16>, scalar_prefetch = 0 : i64, scratch_operands = 8 : i64, tpu.core_type = #tpu.core_type<sc_vector_subcore>, window_params = [{transform_indices = #map}, {transform_indices = #map1}, {transform_indices = #map2}]} {
    %mul3A = arith.constant 2 : i32
    %mul3A_0 = arith.muli %arg1, %mul3A : i32
    %add3A = arith.addi %mul3A_0, %arg0 : i32
    %mul3A_1 = arith.constant 512 : i32
    %mul3A_2 = arith.muli %add3A, %mul3A_1 : i32
    %iota3A = tpu.iota {dimensions = array<i32: 0>} : vector<16xi32>
    %add3A_3 = arith.constant 0 : i32
    %add3A_4 = vector.broadcast %add3A_3 : i32 to vector<16xi32>
    %add3A_5 = arith.addi %iota3A, %add3A_4 : vector<16xi32>
    %rem3A = arith.constant 16 : i32
    %rem3A_6 = vector.broadcast %rem3A : i32 to vector<16xi32>
    %rem3A_7 = arith.remsi %add3A_5, %rem3A_6 : vector<16xi32>
    %add3A_8 = arith.constant 1 : i32
    %add3A_9 = vector.broadcast %add3A_8 : i32 to vector<16xi32>
    %add3A_10 = arith.addi %iota3A, %add3A_9 : vector<16xi32>
    %rem3A_11 = arith.constant 16 : i32
    %rem3A_12 = vector.broadcast %rem3A_11 : i32 to vector<16xi32>
    %rem3A_13 = arith.remsi %add3A_10, %rem3A_12 : vector<16xi32>
    %add3A_14 = arith.constant 2 : i32
    %add3A_15 = vector.broadcast %add3A_14 : i32 to vector<16xi32>
    %add3A_16 = arith.addi %iota3A, %add3A_15 : vector<16xi32>
    %rem3A_17 = arith.constant 16 : i32
    %rem3A_18 = vector.broadcast %rem3A_17 : i32 to vector<16xi32>
    %rem3A_19 = arith.remsi %add3A_16, %rem3A_18 : vector<16xi32>
    %add3A_20 = arith.constant 3 : i32
    %add3A_21 = vector.broadcast %add3A_20 : i32 to vector<16xi32>
    %add3A_22 = arith.addi %iota3A, %add3A_21 : vector<16xi32>
    %rem3A_23 = arith.constant 16 : i32
    %rem3A_24 = vector.broadcast %rem3A_23 : i32 to vector<16xi32>
    %rem3A_25 = arith.remsi %add3A_22, %rem3A_24 : vector<16xi32>
    %add3A_26 = arith.constant 4 : i32
    %add3A_27 = vector.broadcast %add3A_26 : i32 to vector<16xi32>
    %add3A_28 = arith.addi %iota3A, %add3A_27 : vector<16xi32>
    %rem3A_29 = arith.constant 16 : i32
    %rem3A_30 = vector.broadcast %rem3A_29 : i32 to vector<16xi32>
    %rem3A_31 = arith.remsi %add3A_28, %rem3A_30 : vector<16xi32>
    %add3A_32 = arith.constant 5 : i32
    %add3A_33 = vector.broadcast %add3A_32 : i32 to vector<16xi32>
    %add3A_34 = arith.addi %iota3A, %add3A_33 : vector<16xi32>
    %rem3A_35 = arith.constant 16 : i32
    %rem3A_36 = vector.broadcast %rem3A_35 : i32 to vector<16xi32>
    %rem3A_37 = arith.remsi %add3A_34, %rem3A_36 : vector<16xi32>
    %add3A_38 = arith.constant 6 : i32
    %add3A_39 = vector.broadcast %add3A_38 : i32 to vector<16xi32>
    %add3A_40 = arith.addi %iota3A, %add3A_39 : vector<16xi32>
    %rem3A_41 = arith.constant 16 : i32
    %rem3A_42 = vector.broadcast %rem3A_41 : i32 to vector<16xi32>
    %rem3A_43 = arith.remsi %add3A_40, %rem3A_42 : vector<16xi32>
    %add3A_44 = arith.constant 7 : i32
    %add3A_45 = vector.broadcast %add3A_44 : i32 to vector<16xi32>
    %add3A_46 = arith.addi %iota3A, %add3A_45 : vector<16xi32>
    %rem3A_47 = arith.constant 16 : i32
    %rem3A_48 = vector.broadcast %rem3A_47 : i32 to vector<16xi32>
    %rem3A_49 = arith.remsi %add3A_46, %rem3A_48 : vector<16xi32>
    %add3A_50 = arith.constant 8 : i32
    %add3A_51 = vector.broadcast %add3A_50 : i32 to vector<16xi32>
    %add3A_52 = arith.addi %iota3A, %add3A_51 : vector<16xi32>
    %rem3A_53 = arith.constant 16 : i32
    %rem3A_54 = vector.broadcast %rem3A_53 : i32 to vector<16xi32>
    %rem3A_55 = arith.remsi %add3A_52, %rem3A_54 : vector<16xi32>
    %add3A_56 = arith.constant 9 : i32
    %add3A_57 = vector.broadcast %add3A_56 : i32 to vector<16xi32>
    %add3A_58 = arith.addi %iota3A, %add3A_57 : vector<16xi32>
    %rem3A_59 = arith.constant 16 : i32
    %rem3A_60 = vector.broadcast %rem3A_59 : i32 to vector<16xi32>
    %rem3A_61 = arith.remsi %add3A_58, %rem3A_60 : vector<16xi32>
    %add3A_62 = arith.constant 10 : i32
    %add3A_63 = vector.broadcast %add3A_62 : i32 to vector<16xi32>
    %add3A_64 = arith.addi %iota3A, %add3A_63 : vector<16xi32>
    %rem3A_65 = arith.constant 16 : i32
    %rem3A_66 = vector.broadcast %rem3A_65 : i32 to vector<16xi32>
    %rem3A_67 = arith.remsi %add3A_64, %rem3A_66 : vector<16xi32>
    %add3A_68 = arith.constant 11 : i32
    %add3A_69 = vector.broadcast %add3A_68 : i32 to vector<16xi32>
    %add3A_70 = arith.addi %iota3A, %add3A_69 : vector<16xi32>
    %rem3A_71 = arith.constant 16 : i32
    %rem3A_72 = vector.broadcast %rem3A_71 : i32 to vector<16xi32>
    %rem3A_73 = arith.remsi %add3A_70, %rem3A_72 : vector<16xi32>
    %add3A_74 = arith.constant 12 : i32
    %add3A_75 = vector.broadcast %add3A_74 : i32 to vector<16xi32>
    %add3A_76 = arith.addi %iota3A, %add3A_75 : vector<16xi32>
    %rem3A_77 = arith.constant 16 : i32
    %rem3A_78 = vector.broadcast %rem3A_77 : i32 to vector<16xi32>
    %rem3A_79 = arith.remsi %add3A_76, %rem3A_78 : vector<16xi32>
    %add3A_80 = arith.constant 13 : i32
    %add3A_81 = vector.broadcast %add3A_80 : i32 to vector<16xi32>
    %add3A_82 = arith.addi %iota3A, %add3A_81 : vector<16xi32>
    %rem3A_83 = arith.constant 16 : i32
    %rem3A_84 = vector.broadcast %rem3A_83 : i32 to vector<16xi32>
    %rem3A_85 = arith.remsi %add3A_82, %rem3A_84 : vector<16xi32>
    %add3A_86 = arith.constant 14 : i32
    %add3A_87 = vector.broadcast %add3A_86 : i32 to vector<16xi32>
    %add3A_88 = arith.addi %iota3A, %add3A_87 : vector<16xi32>
    %rem3A_89 = arith.constant 16 : i32
    %rem3A_90 = vector.broadcast %rem3A_89 : i32 to vector<16xi32>
    %rem3A_91 = arith.remsi %add3A_88, %rem3A_90 : vector<16xi32>
    %add3A_92 = arith.constant 15 : i32
    %add3A_93 = vector.broadcast %add3A_92 : i32 to vector<16xi32>
    %add3A_94 = arith.addi %iota3A, %add3A_93 : vector<16xi32>
    %rem3A_95 = arith.constant 16 : i32
    %rem3A_96 = vector.broadcast %rem3A_95 : i32 to vector<16xi32>
    %rem3A_97 = arith.remsi %add3A_94, %rem3A_96 : vector<16xi32>
    %add3A_98 = arith.constant 0 : i32
    %add3A_99 = arith.addi %add3A_98, %mul3A_2 : i32
    %add3A_100 = arith.constant 0 : i32
    %add3A_101 = arith.addi %add3A_99, %add3A_100 : i32
    "tpu.region"() ({
      %run_scoped3A = tpu.sem_alloc : memref<!tpu.dma_semaphore, #tpu.memory_space<semaphore_mem>>
      %dma_start3A_149 = tpu.memref_slice %arg2[%add3A_101] : memref<3276800xi32, #tpu.memory_space<hbm>> -> memref<256xi32, #tpu.memory_space<hbm>>
      %dma_start3A_150 = tpu.memref_slice %arg2[%add3A_101] : memref<3276800xi32, #tpu.memory_space<hbm>> -> memref<256xi32, #tpu.memory_space<hbm>>
      tpu.enqueue_dma source(%dma_start3A_150 : memref<256xi32, #tpu.memory_space<hbm>>) target(%arg5 : memref<256xi32, #tpu.memory_space<vmem>>) target_semaphore(%run_scoped3A : memref<!tpu.dma_semaphore, #tpu.memory_space<semaphore_mem>>)
      %dma_wait3A_151 = tpu.memref_slice %arg2[%add3A_101] : memref<3276800xi32, #tpu.memory_space<hbm>> -> memref<256xi32, #tpu.memory_space<hbm>>
      %dma_wait3A_152 = tpu.memref_slice %arg2[%add3A_101] : memref<3276800xi32, #tpu.memory_space<hbm>> -> memref<256xi32, #tpu.memory_space<hbm>>
      tpu.wait_dma2 semaphore(%run_scoped3A : memref<!tpu.dma_semaphore, #tpu.memory_space<semaphore_mem>>) src(%dma_wait3A_152 : memref<256xi32, #tpu.memory_space<hbm>>) dst(%arg5 : memref<256xi32, #tpu.memory_space<vmem>>)
      tpu.yield
    }) : () -> ()
    %dma_start3A = arith.constant 0 : i32
    %dma_start3A_102 = arith.constant 0 : i32
    %dma_start3A_103 = arith.constant 0 : i32
    %dma_start3A_104 = tpu.memref_slice %arg7[%dma_start3A, %dma_start3A_102, %dma_start3A_103] : memref<2x256x128xf32, #tpu.memory_space<vmem>> -> memref<1x256x128xf32, #tpu.memory_space<vmem>>
    %dma_start3A_105 = tpu.memref_squeeze %dma_start3A_104 : memref<1x256x128xf32, #tpu.memory_space<vmem>> -> memref<256x128xf32, #tpu.memory_space<vmem>>
    %dma_start3A_106 = arith.constant 0 : i32
    %dma_start3A_107 = arith.constant 0 : i32
    %dma_start3A_108 = tpu.memref_slice %arg3[%dma_start3A_106, %dma_start3A_107] : memref<100000x128xf32, #tpu.memory_space<hbm>> -> memref<100000x128xf32, #tpu.memory_space<hbm>>
    tpu.enqueue_indirect_dma source(%dma_start3A_108 : memref<100000x128xf32, #tpu.memory_space<hbm>>) target(%dma_start3A_105 : memref<256x128xf32, #tpu.memory_space<vmem>>) offsets(%arg5 : memref<256xi32, #tpu.memory_space<vmem>>) semaphore(%arg9 : memref<!tpu.dma_semaphore, #tpu.memory_space<semaphore_mem>>)
    %scan3A = arith.constant 0 : i32
    %scan3A_109 = arith.constant 0 : i32
    %scan3A_110 = arith.constant 200 : i32
    %scan3A_111 = arith.addi %scan3A_109, %scan3A_110 : i32
    %scan3A_112 = arith.constant 1 : i32
    scf.for %scan3A_149 = %scan3A_109 to %scan3A_111 step %scan3A_112  : i32 {
      %mul3A_150 = arith.constant 16384 : i32
      %mul3A_151 = arith.muli %scan3A_149, %mul3A_150 : i32
      %add3A_152 = arith.addi %mul3A_151, %mul3A_2 : i32
      %add3A_153 = arith.constant 256 : i32
      %add3A_154 = arith.addi %add3A_152, %add3A_153 : i32
      "tpu.region"() ({
        %run_scoped3A = tpu.sem_alloc : memref<!tpu.dma_semaphore, #tpu.memory_space<semaphore_mem>>
        %dma_start3A_242 = tpu.memref_slice %arg2[%add3A_154] : memref<3276800xi32, #tpu.memory_space<hbm>> -> memref<256xi32, #tpu.memory_space<hbm>>
        %dma_start3A_243 = tpu.memref_slice %arg2[%add3A_154] : memref<3276800xi32, #tpu.memory_space<hbm>> -> memref<256xi32, #tpu.memory_space<hbm>>
        tpu.enqueue_dma source(%dma_start3A_243 : memref<256xi32, #tpu.memory_space<hbm>>) target(%arg6 : memref<256xi32, #tpu.memory_space<vmem>>) target_semaphore(%run_scoped3A : memref<!tpu.dma_semaphore, #tpu.memory_space<semaphore_mem>>)
        %dma_wait3A_244 = tpu.memref_slice %arg2[%add3A_154] : memref<3276800xi32, #tpu.memory_space<hbm>> -> memref<256xi32, #tpu.memory_space<hbm>>
        %dma_wait3A_245 = tpu.memref_slice %arg2[%add3A_154] : memref<3276800xi32, #tpu.memory_space<hbm>> -> memref<256xi32, #tpu.memory_space<hbm>>
        tpu.wait_dma2 semaphore(%run_scoped3A : memref<!tpu.dma_semaphore, #tpu.memory_space<semaphore_mem>>) src(%dma_wait3A_245 : memref<256xi32, #tpu.memory_space<hbm>>) dst(%arg6 : memref<256xi32, #tpu.memory_space<vmem>>)
        tpu.yield
      }) : () -> ()
      %dma_start3A_155 = arith.constant 1 : i32
      %dma_start3A_156 = arith.constant 0 : i32
      %dma_start3A_157 = arith.constant 0 : i32
      %dma_start3A_158 = tpu.memref_slice %arg7[%dma_start3A_155, %dma_start3A_156, %dma_start3A_157] : memref<2x256x128xf32, #tpu.memory_space<vmem>> -> memref<1x256x128xf32, #tpu.memory_space<vmem>>
      %dma_start3A_159 = tpu.memref_squeeze %dma_start3A_158 : memref<1x256x128xf32, #tpu.memory_space<vmem>> -> memref<256x128xf32, #tpu.memory_space<vmem>>
      %dma_start3A_160 = arith.constant 0 : i32
      %dma_start3A_161 = arith.constant 0 : i32
      %dma_start3A_162 = tpu.memref_slice %arg3[%dma_start3A_160, %dma_start3A_161] : memref<100000x128xf32, #tpu.memory_space<hbm>> -> memref<100000x128xf32, #tpu.memory_space<hbm>>
      tpu.enqueue_indirect_dma source(%dma_start3A_162 : memref<100000x128xf32, #tpu.memory_space<hbm>>) target(%dma_start3A_159 : memref<256x128xf32, #tpu.memory_space<vmem>>) offsets(%arg6 : memref<256xi32, #tpu.memory_space<vmem>>) semaphore(%arg10 : memref<!tpu.dma_semaphore, #tpu.memory_space<semaphore_mem>>)
      %dma_wait3A_163 = arith.constant 0 : i32
      %dma_wait3A_164 = arith.constant 0 : i32
      %dma_wait3A_165 = arith.constant 0 : i32
      %dma_wait3A_166 = tpu.memref_slice %arg7[%dma_wait3A_163, %dma_wait3A_164, %dma_wait3A_165] : memref<2x256x128xf32, #tpu.memory_space<vmem>> -> memref<1x256x128xf32, #tpu.memory_space<vmem>>
      %dma_wait3A_167 = tpu.memref_squeeze %dma_wait3A_166 : memref<1x256x128xf32, #tpu.memory_space<vmem>> -> memref<256x128xf32, #tpu.memory_space<vmem>>
      %dma_wait3A_168 = arith.constant 0 : i32
      %dma_wait3A_169 = arith.constant 0 : i32
      %dma_wait3A_170 = tpu.memref_slice %arg3[%dma_wait3A_168, %dma_wait3A_169] : memref<100000x128xf32, #tpu.memory_space<hbm>> -> memref<100000x128xf32, #tpu.memory_space<hbm>>
      tpu.wait_indirect_dma semaphore(%arg9 : memref<!tpu.dma_semaphore, #tpu.memory_space<semaphore_mem>>) src(%dma_wait3A_170 : memref<100000x128xf32, #tpu.memory_space<hbm>>) dst(%dma_wait3A_167 : memref<256x128xf32, #tpu.memory_space<vmem>>)
      %ge3A = arith.constant 1 : i32
      %ge3A_171 = arith.cmpi sge, %scan3A_149, %ge3A : i32
      %convert_element_type3A = arith.extui %ge3A_171 : i1 to i32
      %cond3A = arith.constant 0 : i32
      %cond3A_172 = arith.cmpi ne, %convert_element_type3A, %cond3A : i32
      scf.if %cond3A_172 {
        %sub3A = arith.constant 1 : i32
        %sub3A_242 = arith.subi %scan3A_149, %sub3A : i32
        %add3A_243 = arith.constant 0 : i32
        %add3A_244 = arith.addi %mul3A_2, %add3A_243 : i32
        %dma_wait3A_245 = arith.constant 0 : i32
        %dma_wait3A_246 = arith.constant 0 : i32
        %dma_wait3A_247 = arith.constant 0 : i32
        %dma_wait3A_248 = tpu.memref_slice %arg8[%dma_wait3A_245, %dma_wait3A_246, %dma_wait3A_247] : memref<2x64x256xf32, #tpu.memory_space<vmem>> -> memref<1x64x256xf32, #tpu.memory_space<vmem>>
        %dma_wait3A_249 = tpu.memref_squeeze %dma_wait3A_248 : memref<1x64x256xf32, #tpu.memory_space<vmem>> -> memref<64x256xf32, #tpu.memory_space<vmem>>
        %dma_wait3A_250 = arith.constant 0 : i32
        %dma_wait3A_251 = tpu.memref_slice %arg4[%sub3A_242, %dma_wait3A_250, %add3A_244] : memref<200x64x16384xf32, #tpu.memory_space<hbm>> -> memref<1x64x256xf32, #tpu.memory_space<hbm>>
        %dma_wait3A_252 = tpu.memref_squeeze %dma_wait3A_251 : memref<1x64x256xf32, #tpu.memory_space<hbm>> -> memref<64x256xf32, #tpu.memory_space<hbm>>
        %dma_wait3A_253 = arith.constant 0 : i32
        %dma_wait3A_254 = tpu.memref_slice %arg4[%sub3A_242, %dma_wait3A_253, %add3A_244] : memref<200x64x16384xf32, #tpu.memory_space<hbm>> -> memref<1x64x256xf32, #tpu.memory_space<hbm>>
        %dma_wait3A_255 = tpu.memref_squeeze %dma_wait3A_254 : memref<1x64x256xf32, #tpu.memory_space<hbm>> -> memref<64x256xf32, #tpu.memory_space<hbm>>
        %dma_wait3A_256 = arith.constant 0 : i32
        %dma_wait3A_257 = arith.constant 0 : i32
        %dma_wait3A_258 = tpu.memref_slice %arg8[%dma_wait3A_245, %dma_wait3A_256, %dma_wait3A_257] : memref<2x64x256xf32, #tpu.memory_space<vmem>> -> memref<1x64x256xf32, #tpu.memory_space<vmem>>
        %dma_wait3A_259 = tpu.memref_squeeze %dma_wait3A_258 : memref<1x64x256xf32, #tpu.memory_space<vmem>> -> memref<64x256xf32, #tpu.memory_space<vmem>>
        tpu.wait_dma2 semaphore(%arg11 : memref<!tpu.dma_semaphore, #tpu.memory_space<semaphore_mem>>) src(%dma_wait3A_259 : memref<64x256xf32, #tpu.memory_space<vmem>>) dst(%dma_wait3A_255 : memref<64x256xf32, #tpu.memory_space<hbm>>)
      } else {
      }
      %scan3A_173 = arith.constant 0 : i32
      %scan3A_174 = arith.constant 0 : i32
      %scan3A_175 = arith.constant 0 : i32
      %scan3A_176 = arith.constant 0 : i32
      %scan3A_177 = arith.constant 16 : i32
      %scan3A_178 = arith.addi %scan3A_176, %scan3A_177 : i32
      %scan3A_179 = arith.constant 1 : i32
      scf.for %scan3A_242 = %scan3A_176 to %scan3A_178 step %scan3A_179  : i32 {
        %mul3A_243 = arith.constant 16 : i32
        %mul3A_244 = arith.muli %scan3A_242, %mul3A_243 : i32
        %add3A_245 = vector.broadcast %mul3A_244 : i32 to vector<16xi32>
        %add3A_246 = arith.addi %iota3A, %add3A_245 : vector<16xi32>
        %add3A_247 = arith.constant 0 : i32
        %add3A_248 = vector.broadcast %add3A_247 : i32 to vector<16xi32>
        %add3A_249 = arith.addi %rem3A_7, %add3A_248 : vector<16xi32>
        %add3A_250 = arith.constant 0 : i32
        %add3A_251 = vector.broadcast %add3A_250 : i32 to vector<16xi32>
        %add3A_252 = arith.addi %rem3A_13, %add3A_251 : vector<16xi32>
        %add3A_253 = arith.constant 0 : i32
        %add3A_254 = vector.broadcast %add3A_253 : i32 to vector<16xi32>
        %add3A_255 = arith.addi %rem3A_19, %add3A_254 : vector<16xi32>
        %add3A_256 = arith.constant 0 : i32
        %add3A_257 = vector.broadcast %add3A_256 : i32 to vector<16xi32>
        %add3A_258 = arith.addi %rem3A_25, %add3A_257 : vector<16xi32>
        %add3A_259 = arith.constant 0 : i32
        %add3A_260 = vector.broadcast %add3A_259 : i32 to vector<16xi32>
        %add3A_261 = arith.addi %rem3A_31, %add3A_260 : vector<16xi32>
        %add3A_262 = arith.constant 0 : i32
        %add3A_263 = vector.broadcast %add3A_262 : i32 to vector<16xi32>
        %add3A_264 = arith.addi %rem3A_37, %add3A_263 : vector<16xi32>
        %add3A_265 = arith.constant 0 : i32
        %add3A_266 = vector.broadcast %add3A_265 : i32 to vector<16xi32>
        %add3A_267 = arith.addi %rem3A_43, %add3A_266 : vector<16xi32>
        %add3A_268 = arith.constant 0 : i32
        %add3A_269 = vector.broadcast %add3A_268 : i32 to vector<16xi32>
        %add3A_270 = arith.addi %rem3A_49, %add3A_269 : vector<16xi32>
        %add3A_271 = arith.constant 0 : i32
        %add3A_272 = vector.broadcast %add3A_271 : i32 to vector<16xi32>
        %add3A_273 = arith.addi %rem3A_55, %add3A_272 : vector<16xi32>
        %add3A_274 = arith.constant 0 : i32
        %add3A_275 = vector.broadcast %add3A_274 : i32 to vector<16xi32>
        %add3A_276 = arith.addi %rem3A_61, %add3A_275 : vector<16xi32>
        %add3A_277 = arith.constant 0 : i32
        %add3A_278 = vector.broadcast %add3A_277 : i32 to vector<16xi32>
        %add3A_279 = arith.addi %rem3A_67, %add3A_278 : vector<16xi32>
        %add3A_280 = arith.constant 0 : i32
        %add3A_281 = vector.broadcast %add3A_280 : i32 to vector<16xi32>
        %add3A_282 = arith.addi %rem3A_73, %add3A_281 : vector<16xi32>
        %add3A_283 = arith.constant 0 : i32
        %add3A_284 = vector.broadcast %add3A_283 : i32 to vector<16xi32>
        %add3A_285 = arith.addi %rem3A_79, %add3A_284 : vector<16xi32>
        %add3A_286 = arith.constant 0 : i32
        %add3A_287 = vector.broadcast %add3A_286 : i32 to vector<16xi32>
        %add3A_288 = arith.addi %rem3A_85, %add3A_287 : vector<16xi32>
        %add3A_289 = arith.constant 0 : i32
        %add3A_290 = vector.broadcast %add3A_289 : i32 to vector<16xi32>
        %add3A_291 = arith.addi %rem3A_91, %add3A_290 : vector<16xi32>
        %add3A_292 = arith.constant 0 : i32
        %add3A_293 = vector.broadcast %add3A_292 : i32 to vector<16xi32>
        %add3A_294 = arith.addi %rem3A_97, %add3A_293 : vector<16xi32>
        %gather3A = arith.constant 0 : i32
        %gather3A_295 = arith.constant 0 : i32
        %gather3A_296 = tpu.memref_slice %arg7[%scan3A_174, %gather3A, %gather3A_295] : memref<2x256x128xf32, #tpu.memory_space<vmem>> -> memref<1x256x128xf32, #tpu.memory_space<vmem>>
        %gather3A_297 = tpu.memref_squeeze %gather3A_296 : memref<1x256x128xf32, #tpu.memory_space<vmem>> -> memref<256x128xf32, #tpu.memory_space<vmem>>
        %gather3A_298 = tpu.vector_load_idx %gather3A_297[%add3A_246, %add3A_249] : memref<256x128xf32, #tpu.memory_space<vmem>>[vector<16xi32>, vector<16xi32>], vector<16xf32>,
        %gather3A_299 = arith.constant 0 : i32
        %gather3A_300 = arith.constant 0 : i32
        %gather3A_301 = tpu.memref_slice %arg7[%scan3A_174, %gather3A_299, %gather3A_300] : memref<2x256x128xf32, #tpu.memory_space<vmem>> -> memref<1x256x128xf32, #tpu.memory_space<vmem>>
        %gather3A_302 = tpu.memref_squeeze %gather3A_301 : memref<1x256x128xf32, #tpu.memory_space<vmem>> -> memref<256x128xf32, #tpu.memory_space<vmem>>
        %gather3A_303 = tpu.vector_load_idx %gather3A_302[%add3A_246, %add3A_252] : memref<256x128xf32, #tpu.memory_space<vmem>>[vector<16xi32>, vector<16xi32>], vector<16xf32>,
        %gather3A_304 = arith.constant 0 : i32
        %gather3A_305 = arith.constant 0 : i32
        %gather3A_306 = tpu.memref_slice %arg7[%scan3A_174, %gather3A_304, %gather3A_305] : memref<2x256x128xf32, #tpu.memory_space<vmem>> -> memref<1x256x128xf32, #tpu.memory_space<vmem>>
        %gather3A_307 = tpu.memref_squeeze %gather3A_306 : memref<1x256x128xf32, #tpu.memory_space<vmem>> -> memref<256x128xf32, #tpu.memory_space<vmem>>
        %gather3A_308 = tpu.vector_load_idx %gather3A_307[%add3A_246, %add3A_255] : memref<256x128xf32, #tpu.memory_space<vmem>>[vector<16xi32>, vector<16xi32>], vector<16xf32>,
        %gather3A_309 = arith.constant 0 : i32
        %gather3A_310 = arith.constant 0 : i32
        %gather3A_311 = tpu.memref_slice %arg7[%scan3A_174, %gather3A_309, %gather3A_310] : memref<2x256x128xf32, #tpu.memory_space<vmem>> -> memref<1x256x128xf32, #tpu.memory_space<vmem>>
        %gather3A_312 = tpu.memref_squeeze %gather3A_311 : memref<1x256x128xf32, #tpu.memory_space<vmem>> -> memref<256x128xf32, #tpu.memory_space<vmem>>
        %gather3A_313 = tpu.vector_load_idx %gather3A_312[%add3A_246, %add3A_258] : memref<256x128xf32, #tpu.memory_space<vmem>>[vector<16xi32>, vector<16xi32>], vector<16xf32>,
        %gather3A_314 = arith.constant 0 : i32
        %gather3A_315 = arith.constant 0 : i32
        %gather3A_316 = tpu.memref_slice %arg7[%scan3A_174, %gather3A_314, %gather3A_315] : memref<2x256x128xf32, #tpu.memory_space<vmem>> -> memref<1x256x128xf32, #tpu.memory_space<vmem>>
        %gather3A_317 = tpu.memref_squeeze %gather3A_316 : memref<1x256x128xf32, #tpu.memory_space<vmem>> -> memref<256x128xf32, #tpu.memory_space<vmem>>
        %gather3A_318 = tpu.vector_load_idx %gather3A_317[%add3A_246, %add3A_261] : memref<256x128xf32, #tpu.memory_space<vmem>>[vector<16xi32>, vector<16xi32>], vector<16xf32>,
        %gather3A_319 = arith.constant 0 : i32
        %gather3A_320 = arith.constant 0 : i32
        %gather3A_321 = tpu.memref_slice %arg7[%scan3A_174, %gather3A_319, %gather3A_320] : memref<2x256x128xf32, #tpu.memory_space<vmem>> -> memref<1x256x128xf32, #tpu.memory_space<vmem>>
        %gather3A_322 = tpu.memref_squeeze %gather3A_321 : memref<1x256x128xf32, #tpu.memory_space<vmem>> -> memref<256x128xf32, #tpu.memory_space<vmem>>
        %gather3A_323 = tpu.vector_load_idx %gather3A_322[%add3A_246, %add3A_264] : memref<256x128xf32, #tpu.memory_space<vmem>>[vector<16xi32>, vector<16xi32>], vector<16xf32>,
        %gather3A_324 = arith.constant 0 : i32
        %gather3A_325 = arith.constant 0 : i32
        %gather3A_326 = tpu.memref_slice %arg7[%scan3A_174, %gather3A_324, %gather3A_325] : memref<2x256x128xf32, #tpu.memory_space<vmem>> -> memref<1x256x128xf32, #tpu.memory_space<vmem>>
        %gather3A_327 = tpu.memref_squeeze %gather3A_326 : memref<1x256x128xf32, #tpu.memory_space<vmem>> -> memref<256x128xf32, #tpu.memory_space<vmem>>
        %gather3A_328 = tpu.vector_load_idx %gather3A_327[%add3A_246, %add3A_267] : memref<256x128xf32, #tpu.memory_space<vmem>>[vector<16xi32>, vector<16xi32>], vector<16xf32>,
        %gather3A_329 = arith.constant 0 : i32
        %gather3A_330 = arith.constant 0 : i32
        %gather3A_331 = tpu.memref_slice %arg7[%scan3A_174, %gather3A_329, %gather3A_330] : memref<2x256x128xf32, #tpu.memory_space<vmem>> -> memref<1x256x128xf32, #tpu.memory_space<vmem>>
        %gather3A_332 = tpu.memref_squeeze %gather3A_331 : memref<1x256x128xf32, #tpu.memory_space<vmem>> -> memref<256x128xf32, #tpu.memory_space<vmem>>
        %gather3A_333 = tpu.vector_load_idx %gather3A_332[%add3A_246, %add3A_270] : memref<256x128xf32, #tpu.memory_space<vmem>>[vector<16xi32>, vector<16xi32>], vector<16xf32>,
        %gather3A_334 = arith.constant 0 : i32
        %gather3A_335 = arith.constant 0 : i32
        %gather3A_336 = tpu.memref_slice %arg7[%scan3A_174, %gather3A_334, %gather3A_335] : memref<2x256x128xf32, #tpu.memory_space<vmem>> -> memref<1x256x128xf32, #tpu.memory_space<vmem>>
        %gather3A_337 = tpu.memref_squeeze %gather3A_336 : memref<1x256x128xf32, #tpu.memory_space<vmem>> -> memref<256x128xf32, #tpu.memory_space<vmem>>
        %gather3A_338 = tpu.vector_load_idx %gather3A_337[%add3A_246, %add3A_273] : memref<256x128xf32, #tpu.memory_space<vmem>>[vector<16xi32>, vector<16xi32>], vector<16xf32>,
        %gather3A_339 = arith.constant 0 : i32
        %gather3A_340 = arith.constant 0 : i32
        %gather3A_341 = tpu.memref_slice %arg7[%scan3A_174, %gather3A_339, %gather3A_340] : memref<2x256x128xf32, #tpu.memory_space<vmem>> -> memref<1x256x128xf32, #tpu.memory_space<vmem>>
        %gather3A_342 = tpu.memref_squeeze %gather3A_341 : memref<1x256x128xf32, #tpu.memory_space<vmem>> -> memref<256x128xf32, #tpu.memory_space<vmem>>
        %gather3A_343 = tpu.vector_load_idx %gather3A_342[%add3A_246, %add3A_276] : memref<256x128xf32, #tpu.memory_space<vmem>>[vector<16xi32>, vector<16xi32>], vector<16xf32>,
        %gather3A_344 = arith.constant 0 : i32
        %gather3A_345 = arith.constant 0 : i32
        %gather3A_346 = tpu.memref_slice %arg7[%scan3A_174, %gather3A_344, %gather3A_345] : memref<2x256x128xf32, #tpu.memory_space<vmem>> -> memref<1x256x128xf32, #tpu.memory_space<vmem>>
        %gather3A_347 = tpu.memref_squeeze %gather3A_346 : memref<1x256x128xf32, #tpu.memory_space<vmem>> -> memref<256x128xf32, #tpu.memory_space<vmem>>
        %gather3A_348 = tpu.vector_load_idx %gather3A_347[%add3A_246, %add3A_279] : memref<256x128xf32, #tpu.memory_space<vmem>>[vector<16xi32>, vector<16xi32>], vector<16xf32>,
        %gather3A_349 = arith.constant 0 : i32
        %gather3A_350 = arith.constant 0 : i32
        %gather3A_351 = tpu.memref_slice %arg7[%scan3A_174, %gather3A_349, %gather3A_350] : memref<2x256x128xf32, #tpu.memory_space<vmem>> -> memref<1x256x128xf32, #tpu.memory_space<vmem>>
        %gather3A_352 = tpu.memref_squeeze %gather3A_351 : memref<1x256x128xf32, #tpu.memory_space<vmem>> -> memref<256x128xf32, #tpu.memory_space<vmem>>
        %gather3A_353 = tpu.vector_load_idx %gather3A_352[%add3A_246, %add3A_282] : memref<256x128xf32, #tpu.memory_space<vmem>>[vector<16xi32>, vector<16xi32>], vector<16xf32>,
        %gather3A_354 = arith.constant 0 : i32
        %gather3A_355 = arith.constant 0 : i32
        %gather3A_356 = tpu.memref_slice %arg7[%scan3A_174, %gather3A_354, %gather3A_355] : memref<2x256x128xf32, #tpu.memory_space<vmem>> -> memref<1x256x128xf32, #tpu.memory_space<vmem>>
        %gather3A_357 = tpu.memref_squeeze %gather3A_356 : memref<1x256x128xf32, #tpu.memory_space<vmem>> -> memref<256x128xf32, #tpu.memory_space<vmem>>
        %gather3A_358 = tpu.vector_load_idx %gather3A_357[%add3A_246, %add3A_285] : memref<256x128xf32, #tpu.memory_space<vmem>>[vector<16xi32>, vector<16xi32>], vector<16xf32>,
        %gather3A_359 = arith.constant 0 : i32
        %gather3A_360 = arith.constant 0 : i32
        %gather3A_361 = tpu.memref_slice %arg7[%scan3A_174, %gather3A_359, %gather3A_360] : memref<2x256x128xf32, #tpu.memory_space<vmem>> -> memref<1x256x128xf32, #tpu.memory_space<vmem>>
        %gather3A_362 = tpu.memref_squeeze %gather3A_361 : memref<1x256x128xf32, #tpu.memory_space<vmem>> -> memref<256x128xf32, #tpu.memory_space<vmem>>
        %gather3A_363 = tpu.vector_load_idx %gather3A_362[%add3A_246, %add3A_288] : memref<256x128xf32, #tpu.memory_space<vmem>>[vector<16xi32>, vector<16xi32>], vector<16xf32>,
        %gather3A_364 = arith.constant 0 : i32
        %gather3A_365 = arith.constant 0 : i32
        %gather3A_366 = tpu.memref_slice %arg7[%scan3A_174, %gather3A_364, %gather3A_365] : memref<2x256x128xf32, #tpu.memory_space<vmem>> -> memref<1x256x128xf32, #tpu.memory_space<vmem>>
        %gather3A_367 = tpu.memref_squeeze %gather3A_366 : memref<1x256x128xf32, #tpu.memory_space<vmem>> -> memref<256x128xf32, #tpu.memory_space<vmem>>
        %gather3A_368 = tpu.vector_load_idx %gather3A_367[%add3A_246, %add3A_291] : memref<256x128xf32, #tpu.memory_space<vmem>>[vector<16xi32>, vector<16xi32>], vector<16xf32>,
        %gather3A_369 = arith.constant 0 : i32
        %gather3A_370 = arith.constant 0 : i32
        %gather3A_371 = tpu.memref_slice %arg7[%scan3A_174, %gather3A_369, %gather3A_370] : memref<2x256x128xf32, #tpu.memory_space<vmem>> -> memref<1x256x128xf32, #tpu.memory_space<vmem>>
        %gather3A_372 = tpu.memref_squeeze %gather3A_371 : memref<1x256x128xf32, #tpu.memory_space<vmem>> -> memref<256x128xf32, #tpu.memory_space<vmem>>
        %gather3A_373 = tpu.vector_load_idx %gather3A_372[%add3A_246, %add3A_294] : memref<256x128xf32, #tpu.memory_space<vmem>>[vector<16xi32>, vector<16xi32>], vector<16xf32>,
        %scatter3A = arith.constant 0 : i32
        %scatter3A_374 = arith.constant 0 : i32
        %scatter3A_375 = tpu.memref_slice %arg8[%scan3A_175, %scatter3A, %scatter3A_374] : memref<2x64x256xf32, #tpu.memory_space<vmem>> -> memref<1x64x256xf32, #tpu.memory_space<vmem>>
        %scatter3A_376 = tpu.memref_squeeze %scatter3A_375 : memref<1x64x256xf32, #tpu.memory_space<vmem>> -> memref<64x256xf32, #tpu.memory_space<vmem>>
        tpu.vector_store_idx %scatter3A_376[%add3A_249, %add3A_246], %gather3A_298 : memref<64x256xf32, #tpu.memory_space<vmem>>[vector<16xi32>, vector<16xi32>], vector<16xf32>,
        %scatter3A_377 = arith.constant 0 : i32
        %scatter3A_378 = arith.constant 0 : i32
        %scatter3A_379 = tpu.memref_slice %arg8[%scan3A_175, %scatter3A_377, %scatter3A_378] : memref<2x64x256xf32, #tpu.memory_space<vmem>> -> memref<1x64x256xf32, #tpu.memory_space<vmem>>
        %scatter3A_380 = tpu.memref_squeeze %scatter3A_379 : memref<1x64x256xf32, #tpu.memory_space<vmem>> -> memref<64x256xf32, #tpu.memory_space<vmem>>
        tpu.vector_store_idx %scatter3A_380[%add3A_252, %add3A_246], %gather3A_303 : memref<64x256xf32, #tpu.memory_space<vmem>>[vector<16xi32>, vector<16xi32>], vector<16xf32>,
        %scatter3A_381 = arith.constant 0 : i32
        %scatter3A_382 = arith.constant 0 : i32
        %scatter3A_383 = tpu.memref_slice %arg8[%scan3A_175, %scatter3A_381, %scatter3A_382] : memref<2x64x256xf32, #tpu.memory_space<vmem>> -> memref<1x64x256xf32, #tpu.memory_space<vmem>>
        %scatter3A_384 = tpu.memref_squeeze %scatter3A_383 : memref<1x64x256xf32, #tpu.memory_space<vmem>> -> memref<64x256xf32, #tpu.memory_space<vmem>>
        tpu.vector_store_idx %scatter3A_384[%add3A_255, %add3A_246], %gather3A_308 : memref<64x256xf32, #tpu.memory_space<vmem>>[vector<16xi32>, vector<16xi32>], vector<16xf32>,
        %scatter3A_385 = arith.constant 0 : i32
        %scatter3A_386 = arith.constant 0 : i32
        %scatter3A_387 = tpu.memref_slice %arg8[%scan3A_175, %scatter3A_385, %scatter3A_386] : memref<2x64x256xf32, #tpu.memory_space<vmem>> -> memref<1x64x256xf32, #tpu.memory_space<vmem>>
        %scatter3A_388 = tpu.memref_squeeze %scatter3A_387 : memref<1x64x256xf32, #tpu.memory_space<vmem>> -> memref<64x256xf32, #tpu.memory_space<vmem>>
        tpu.vector_store_idx %scatter3A_388[%add3A_258, %add3A_246], %gather3A_313 : memref<64x256xf32, #tpu.memory_space<vmem>>[vector<16xi32>, vector<16xi32>], vector<16xf32>,
        %scatter3A_389 = arith.constant 0 : i32
        %scatter3A_390 = arith.constant 0 : i32
        %scatter3A_391 = tpu.memref_slice %arg8[%scan3A_175, %scatter3A_389, %scatter3A_390] : memref<2x64x256xf32, #tpu.memory_space<vmem>> -> memref<1x64x256xf32, #tpu.memory_space<vmem>>
        %scatter3A_392 = tpu.memref_squeeze %scatter3A_391 : memref<1x64x256xf32, #tpu.memory_space<vmem>> -> memref<64x256xf32, #tpu.memory_space<vmem>>
        tpu.vector_store_idx %scatter3A_392[%add3A_261, %add3A_246], %gather3A_318 : memref<64x256xf32, #tpu.memory_space<vmem>>[vector<16xi32>, vector<16xi32>], vector<16xf32>,
        %scatter3A_393 = arith.constant 0 : i32
        %scatter3A_394 = arith.constant 0 : i32
        %scatter3A_395 = tpu.memref_slice %arg8[%scan3A_175, %scatter3A_393, %scatter3A_394] : memref<2x64x256xf32, #tpu.memory_space<vmem>> -> memref<1x64x256xf32, #tpu.memory_space<vmem>>
        %scatter3A_396 = tpu.memref_squeeze %scatter3A_395 : memref<1x64x256xf32, #tpu.memory_space<vmem>> -> memref<64x256xf32, #tpu.memory_space<vmem>>
        tpu.vector_store_idx %scatter3A_396[%add3A_264, %add3A_246], %gather3A_323 : memref<64x256xf32, #tpu.memory_space<vmem>>[vector<16xi32>, vector<16xi32>], vector<16xf32>,
        %scatter3A_397 = arith.constant 0 : i32
        %scatter3A_398 = arith.constant 0 : i32
        %scatter3A_399 = tpu.memref_slice %arg8[%scan3A_175, %scatter3A_397, %scatter3A_398] : memref<2x64x256xf32, #tpu.memory_space<vmem>> -> memref<1x64x256xf32, #tpu.memory_space<vmem>>
        %scatter3A_400 = tpu.memref_squeeze %scatter3A_399 : memref<1x64x256xf32, #tpu.memory_space<vmem>> -> memref<64x256xf32, #tpu.memory_space<vmem>>
        tpu.vector_store_idx %scatter3A_400[%add3A_267, %add3A_246], %gather3A_328 : memref<64x256xf32, #tpu.memory_space<vmem>>[vector<16xi32>, vector<16xi32>], vector<16xf32>,
        %scatter3A_401 = arith.constant 0 : i32
        %scatter3A_402 = arith.constant 0 : i32
        %scatter3A_403 = tpu.memref_slice %arg8[%scan3A_175, %scatter3A_401, %scatter3A_402] : memref<2x64x256xf32, #tpu.memory_space<vmem>> -> memref<1x64x256xf32, #tpu.memory_space<vmem>>
        %scatter3A_404 = tpu.memref_squeeze %scatter3A_403 : memref<1x64x256xf32, #tpu.memory_space<vmem>> -> memref<64x256xf32, #tpu.memory_space<vmem>>
        tpu.vector_store_idx %scatter3A_404[%add3A_270, %add3A_246], %gather3A_333 : memref<64x256xf32, #tpu.memory_space<vmem>>[vector<16xi32>, vector<16xi32>], vector<16xf32>,
        %scatter3A_405 = arith.constant 0 : i32
        %scatter3A_406 = arith.constant 0 : i32
        %scatter3A_407 = tpu.memref_slice %arg8[%scan3A_175, %scatter3A_405, %scatter3A_406] : memref<2x64x256xf32, #tpu.memory_space<vmem>> -> memref<1x64x256xf32, #tpu.memory_space<vmem>>
        %scatter3A_408 = tpu.memref_squeeze %scatter3A_407 : memref<1x64x256xf32, #tpu.memory_space<vmem>> -> memref<64x256xf32, #tpu.memory_space<vmem>>
        tpu.vector_store_idx %scatter3A_408[%add3A_273, %add3A_246], %gather3A_338 : memref<64x256xf32, #tpu.memory_space<vmem>>[vector<16xi32>, vector<16xi32>], vector<16xf32>,
        %scatter3A_409 = arith.constant 0 : i32
        %scatter3A_410 = arith.constant 0 : i32
        %scatter3A_411 = tpu.memref_slice %arg8[%scan3A_175, %scatter3A_409, %scatter3A_410] : memref<2x64x256xf32, #tpu.memory_space<vmem>> -> memref<1x64x256xf32, #tpu.memory_space<vmem>>
        %scatter3A_412 = tpu.memref_squeeze %scatter3A_411 : memref<1x64x256xf32, #tpu.memory_space<vmem>> -> memref<64x256xf32, #tpu.memory_space<vmem>>
        tpu.vector_store_idx %scatter3A_412[%add3A_276, %add3A_246], %gather3A_343 : memref<64x256xf32, #tpu.memory_space<vmem>>[vector<16xi32>, vector<16xi32>], vector<16xf32>,
        %scatter3A_413 = arith.constant 0 : i32
        %scatter3A_414 = arith.constant 0 : i32
        %scatter3A_415 = tpu.memref_slice %arg8[%scan3A_175, %scatter3A_413, %scatter3A_414] : memref<2x64x256xf32, #tpu.memory_space<vmem>> -> memref<1x64x256xf32, #tpu.memory_space<vmem>>
        %scatter3A_416 = tpu.memref_squeeze %scatter3A_415 : memref<1x64x256xf32, #tpu.memory_space<vmem>> -> memref<64x256xf32, #tpu.memory_space<vmem>>
        tpu.vector_store_idx %scatter3A_416[%add3A_279, %add3A_246], %gather3A_348 : memref<64x256xf32, #tpu.memory_space<vmem>>[vector<16xi32>, vector<16xi32>], vector<16xf32>,
        %scatter3A_417 = arith.constant 0 : i32
        %scatter3A_418 = arith.constant 0 : i32
        %scatter3A_419 = tpu.memref_slice %arg8[%scan3A_175, %scatter3A_417, %scatter3A_418] : memref<2x64x256xf32, #tpu.memory_space<vmem>> -> memref<1x64x256xf32, #tpu.memory_space<vmem>>
        %scatter3A_420 = tpu.memref_squeeze %scatter3A_419 : memref<1x64x256xf32, #tpu.memory_space<vmem>> -> memref<64x256xf32, #tpu.memory_space<vmem>>
        tpu.vector_store_idx %scatter3A_420[%add3A_282, %add3A_246], %gather3A_353 : memref<64x256xf32, #tpu.memory_space<vmem>>[vector<16xi32>, vector<16xi32>], vector<16xf32>,
        %scatter3A_421 = arith.constant 0 : i32
        %scatter3A_422 = arith.constant 0 : i32
        %scatter3A_423 = tpu.memref_slice %arg8[%scan3A_175, %scatter3A_421, %scatter3A_422] : memref<2x64x256xf32, #tpu.memory_space<vmem>> -> memref<1x64x256xf32, #tpu.memory_space<vmem>>
        %scatter3A_424 = tpu.memref_squeeze %scatter3A_423 : memref<1x64x256xf32, #tpu.memory_space<vmem>> -> memref<64x256xf32, #tpu.memory_space<vmem>>
        tpu.vector_store_idx %scatter3A_424[%add3A_285, %add3A_246], %gather3A_358 : memref<64x256xf32, #tpu.memory_space<vmem>>[vector<16xi32>, vector<16xi32>], vector<16xf32>,
        %scatter3A_425 = arith.constant 0 : i32
        %scatter3A_426 = arith.constant 0 : i32
        %scatter3A_427 = tpu.memref_slice %arg8[%scan3A_175, %scatter3A_425, %scatter3A_426] : memref<2x64x256xf32, #tpu.memory_space<vmem>> -> memref<1x64x256xf32, #tpu.memory_space<vmem>>
        %scatter3A_428 = tpu.memref_squeeze %scatter3A_427 : memref<1x64x256xf32, #tpu.memory_space<vmem>> -> memref<64x256xf32, #tpu.memory_space<vmem>>
        tpu.vector_store_idx %scatter3A_428[%add3A_288, %add3A_246], %gather3A_363 : memref<64x256xf32, #tpu.memory_space<vmem>>[vector<16xi32>, vector<16xi32>], vector<16xf32>,
        %scatter3A_429 = arith.constant 0 : i32
        %scatter3A_430 = arith.constant 0 : i32
        %scatter3A_431 = tpu.memref_slice %arg8[%scan3A_175, %scatter3A_429, %scatter3A_430] : memref<2x64x256xf32, #tpu.memory_space<vmem>> -> memref<1x64x256xf32, #tpu.memory_space<vmem>>
        %scatter3A_432 = tpu.memref_squeeze %scatter3A_431 : memref<1x64x256xf32, #tpu.memory_space<vmem>> -> memref<64x256xf32, #tpu.memory_space<vmem>>
        tpu.vector_store_idx %scatter3A_432[%add3A_291, %add3A_246], %gather3A_368 : memref<64x256xf32, #tpu.memory_space<vmem>>[vector<16xi32>, vector<16xi32>], vector<16xf32>,
        %scatter3A_433 = arith.constant 0 : i32
        %scatter3A_434 = arith.constant 0 : i32
        %scatter3A_435 = tpu.memref_slice %arg8[%scan3A_175, %scatter3A_433, %scatter3A_434] : memref<2x64x256xf32, #tpu.memory_space<vmem>> -> memref<1x64x256xf32, #tpu.memory_space<vmem>>
        %scatter3A_436 = tpu.memref_squeeze %scatter3A_435 : memref<1x64x256xf32, #tpu.memory_space<vmem>> -> memref<64x256xf32, #tpu.memory_space<vmem>>
        tpu.vector_store_idx %scatter3A_436[%add3A_294, %add3A_246], %gather3A_373 : memref<64x256xf32, #tpu.memory_space<vmem>>[vector<16xi32>, vector<16xi32>], vector<16xf32>,
        %add3A_437 = arith.constant 16 : i32
        %add3A_438 = vector.broadcast %add3A_437 : i32 to vector<16xi32>
        %add3A_439 = arith.addi %rem3A_7, %add3A_438 : vector<16xi32>
        %add3A_440 = arith.constant 16 : i32
        %add3A_441 = vector.broadcast %add3A_440 : i32 to vector<16xi32>
        %add3A_442 = arith.addi %rem3A_13, %add3A_441 : vector<16xi32>
        %add3A_443 = arith.constant 16 : i32
        %add3A_444 = vector.broadcast %add3A_443 : i32 to vector<16xi32>
        %add3A_445 = arith.addi %rem3A_19, %add3A_444 : vector<16xi32>
        %add3A_446 = arith.constant 16 : i32
        %add3A_447 = vector.broadcast %add3A_446 : i32 to vector<16xi32>
        %add3A_448 = arith.addi %rem3A_25, %add3A_447 : vector<16xi32>
        %add3A_449 = arith.constant 16 : i32
        %add3A_450 = vector.broadcast %add3A_449 : i32 to vector<16xi32>
        %add3A_451 = arith.addi %rem3A_31, %add3A_450 : vector<16xi32>
        %add3A_452 = arith.constant 16 : i32
        %add3A_453 = vector.broadcast %add3A_452 : i32 to vector<16xi32>
        %add3A_454 = arith.addi %rem3A_37, %add3A_453 : vector<16xi32>
        %add3A_455 = arith.constant 16 : i32
        %add3A_456 = vector.broadcast %add3A_455 : i32 to vector<16xi32>
        %add3A_457 = arith.addi %rem3A_43, %add3A_456 : vector<16xi32>
        %add3A_458 = arith.constant 16 : i32
        %add3A_459 = vector.broadcast %add3A_458 : i32 to vector<16xi32>
        %add3A_460 = arith.addi %rem3A_49, %add3A_459 : vector<16xi32>
        %add3A_461 = arith.constant 16 : i32
        %add3A_462 = vector.broadcast %add3A_461 : i32 to vector<16xi32>
        %add3A_463 = arith.addi %rem3A_55, %add3A_462 : vector<16xi32>
        %add3A_464 = arith.constant 16 : i32
        %add3A_465 = vector.broadcast %add3A_464 : i32 to vector<16xi32>
        %add3A_466 = arith.addi %rem3A_61, %add3A_465 : vector<16xi32>
        %add3A_467 = arith.constant 16 : i32
        %add3A_468 = vector.broadcast %add3A_467 : i32 to vector<16xi32>
        %add3A_469 = arith.addi %rem3A_67, %add3A_468 : vector<16xi32>
        %add3A_470 = arith.constant 16 : i32
        %add3A_471 = vector.broadcast %add3A_470 : i32 to vector<16xi32>
        %add3A_472 = arith.addi %rem3A_73, %add3A_471 : vector<16xi32>
        %add3A_473 = arith.constant 16 : i32
        %add3A_474 = vector.broadcast %add3A_473 : i32 to vector<16xi32>
        %add3A_475 = arith.addi %rem3A_79, %add3A_474 : vector<16xi32>
        %add3A_476 = arith.constant 16 : i32
        %add3A_477 = vector.broadcast %add3A_476 : i32 to vector<16xi32>
        %add3A_478 = arith.addi %rem3A_85, %add3A_477 : vector<16xi32>
        %add3A_479 = arith.constant 16 : i32
        %add3A_480 = vector.broadcast %add3A_479 : i32 to vector<16xi32>
        %add3A_481 = arith.addi %rem3A_91, %add3A_480 : vector<16xi32>
        %add3A_482 = arith.constant 16 : i32
        %add3A_483 = vector.broadcast %add3A_482 : i32 to vector<16xi32>
        %add3A_484 = arith.addi %rem3A_97, %add3A_483 : vector<16xi32>
        %gather3A_485 = arith.constant 0 : i32
        %gather3A_486 = arith.constant 0 : i32
        %gather3A_487 = tpu.memref_slice %arg7[%scan3A_174, %gather3A_485, %gather3A_486] : memref<2x256x128xf32, #tpu.memory_space<vmem>> -> memref<1x256x128xf32, #tpu.memory_space<vmem>>
        %gather3A_488 = tpu.memref_squeeze %gather3A_487 : memref<1x256x128xf32, #tpu.memory_space<vmem>> -> memref<256x128xf32, #tpu.memory_space<vmem>>
        %gather3A_489 = tpu.vector_load_idx %gather3A_488[%add3A_246, %add3A_439] : memref<256x128xf32, #tpu.memory_space<vmem>>[vector<16xi32>, vector<16xi32>], vector<16xf32>,
        %gather3A_490 = arith.constant 0 : i32
        %gather3A_491 = arith.constant 0 : i32
        %gather3A_492 = tpu.memref_slice %arg7[%scan3A_174, %gather3A_490, %gather3A_491] : memref<2x256x128xf32, #tpu.memory_space<vmem>> -> memref<1x256x128xf32, #tpu.memory_space<vmem>>
        %gather3A_493 = tpu.memref_squeeze %gather3A_492 : memref<1x256x128xf32, #tpu.memory_space<vmem>> -> memref<256x128xf32, #tpu.memory_space<vmem>>
        %gather3A_494 = tpu.vector_load_idx %gather3A_493[%add3A_246, %add3A_442] : memref<256x128xf32, #tpu.memory_space<vmem>>[vector<16xi32>, vector<16xi32>], vector<16xf32>,
        %gather3A_495 = arith.constant 0 : i32
        %gather3A_496 = arith.constant 0 : i32
        %gather3A_497 = tpu.memref_slice %arg7[%scan3A_174, %gather3A_495, %gather3A_496] : memref<2x256x128xf32, #tpu.memory_space<vmem>> -> memref<1x256x128xf32, #tpu.memory_space<vmem>>
        %gather3A_498 = tpu.memref_squeeze %gather3A_497 : memref<1x256x128xf32, #tpu.memory_space<vmem>> -> memref<256x128xf32, #tpu.memory_space<vmem>>
        %gather3A_499 = tpu.vector_load_idx %gather3A_498[%add3A_246, %add3A_445] : memref<256x128xf32, #tpu.memory_space<vmem>>[vector<16xi32>, vector<16xi32>], vector<16xf32>,
        %gather3A_500 = arith.constant 0 : i32
        %gather3A_501 = arith.constant 0 : i32
        %gather3A_502 = tpu.memref_slice %arg7[%scan3A_174, %gather3A_500, %gather3A_501] : memref<2x256x128xf32, #tpu.memory_space<vmem>> -> memref<1x256x128xf32, #tpu.memory_space<vmem>>
        %gather3A_503 = tpu.memref_squeeze %gather3A_502 : memref<1x256x128xf32, #tpu.memory_space<vmem>> -> memref<256x128xf32, #tpu.memory_space<vmem>>
        %gather3A_504 = tpu.vector_load_idx %gather3A_503[%add3A_246, %add3A_448] : memref<256x128xf32, #tpu.memory_space<vmem>>[vector<16xi32>, vector<16xi32>], vector<16xf32>,
        %gather3A_505 = arith.constant 0 : i32
        %gather3A_506 = arith.constant 0 : i32
        %gather3A_507 = tpu.memref_slice %arg7[%scan3A_174, %gather3A_505, %gather3A_506] : memref<2x256x128xf32, #tpu.memory_space<vmem>> -> memref<1x256x128xf32, #tpu.memory_space<vmem>>
        %gather3A_508 = tpu.memref_squeeze %gather3A_507 : memref<1x256x128xf32, #tpu.memory_space<vmem>> -> memref<256x128xf32, #tpu.memory_space<vmem>>
        %gather3A_509 = tpu.vector_load_idx %gather3A_508[%add3A_246, %add3A_451] : memref<256x128xf32, #tpu.memory_space<vmem>>[vector<16xi32>, vector<16xi32>], vector<16xf32>,
        %gather3A_510 = arith.constant 0 : i32
        %gather3A_511 = arith.constant 0 : i32
        %gather3A_512 = tpu.memref_slice %arg7[%scan3A_174, %gather3A_510, %gather3A_511] : memref<2x256x128xf32, #tpu.memory_space<vmem>> -> memref<1x256x128xf32, #tpu.memory_space<vmem>>
        %gather3A_513 = tpu.memref_squeeze %gather3A_512 : memref<1x256x128xf32, #tpu.memory_space<vmem>> -> memref<256x128xf32, #tpu.memory_space<vmem>>
        %gather3A_514 = tpu.vector_load_idx %gather3A_513[%add3A_246, %add3A_454] : memref<256x128xf32, #tpu.memory_space<vmem>>[vector<16xi32>, vector<16xi32>], vector<16xf32>,
        %gather3A_515 = arith.constant 0 : i32
        %gather3A_516 = arith.constant 0 : i32
        %gather3A_517 = tpu.memref_slice %arg7[%scan3A_174, %gather3A_515, %gather3A_516] : memref<2x256x128xf32, #tpu.memory_space<vmem>> -> memref<1x256x128xf32, #tpu.memory_space<vmem>>
        %gather3A_518 = tpu.memref_squeeze %gather3A_517 : memref<1x256x128xf32, #tpu.memory_space<vmem>> -> memref<256x128xf32, #tpu.memory_space<vmem>>
        %gather3A_519 = tpu.vector_load_idx %gather3A_518[%add3A_246, %add3A_457] : memref<256x128xf32, #tpu.memory_space<vmem>>[vector<16xi32>, vector<16xi32>], vector<16xf32>,
        %gather3A_520 = arith.constant 0 : i32
        %gather3A_521 = arith.constant 0 : i32
        %gather3A_522 = tpu.memref_slice %arg7[%scan3A_174, %gather3A_520, %gather3A_521] : memref<2x256x128xf32, #tpu.memory_space<vmem>> -> memref<1x256x128xf32, #tpu.memory_space<vmem>>
        %gather3A_523 = tpu.memref_squeeze %gather3A_522 : memref<1x256x128xf32, #tpu.memory_space<vmem>> -> memref<256x128xf32, #tpu.memory_space<vmem>>
        %gather3A_524 = tpu.vector_load_idx %gather3A_523[%add3A_246, %add3A_460] : memref<256x128xf32, #tpu.memory_space<vmem>>[vector<16xi32>, vector<16xi32>], vector<16xf32>,
        %gather3A_525 = arith.constant 0 : i32
        %gather3A_526 = arith.constant 0 : i32
        %gather3A_527 = tpu.memref_slice %arg7[%scan3A_174, %gather3A_525, %gather3A_526] : memref<2x256x128xf32, #tpu.memory_space<vmem>> -> memref<1x256x128xf32, #tpu.memory_space<vmem>>
        %gather3A_528 = tpu.memref_squeeze %gather3A_527 : memref<1x256x128xf32, #tpu.memory_space<vmem>> -> memref<256x128xf32, #tpu.memory_space<vmem>>
        %gather3A_529 = tpu.vector_load_idx %gather3A_528[%add3A_246, %add3A_463] : memref<256x128xf32, #tpu.memory_space<vmem>>[vector<16xi32>, vector<16xi32>], vector<16xf32>,
        %gather3A_530 = arith.constant 0 : i32
        %gather3A_531 = arith.constant 0 : i32
        %gather3A_532 = tpu.memref_slice %arg7[%scan3A_174, %gather3A_530, %gather3A_531] : memref<2x256x128xf32, #tpu.memory_space<vmem>> -> memref<1x256x128xf32, #tpu.memory_space<vmem>>
        %gather3A_533 = tpu.memref_squeeze %gather3A_532 : memref<1x256x128xf32, #tpu.memory_space<vmem>> -> memref<256x128xf32, #tpu.memory_space<vmem>>
        %gather3A_534 = tpu.vector_load_idx %gather3A_533[%add3A_246, %add3A_466] : memref<256x128xf32, #tpu.memory_space<vmem>>[vector<16xi32>, vector<16xi32>], vector<16xf32>,
        %gather3A_535 = arith.constant 0 : i32
        %gather3A_536 = arith.constant 0 : i32
        %gather3A_537 = tpu.memref_slice %arg7[%scan3A_174, %gather3A_535, %gather3A_536] : memref<2x256x128xf32, #tpu.memory_space<vmem>> -> memref<1x256x128xf32, #tpu.memory_space<vmem>>
        %gather3A_538 = tpu.memref_squeeze %gather3A_537 : memref<1x256x128xf32, #tpu.memory_space<vmem>> -> memref<256x128xf32, #tpu.memory_space<vmem>>
        %gather3A_539 = tpu.vector_load_idx %gather3A_538[%add3A_246, %add3A_469] : memref<256x128xf32, #tpu.memory_space<vmem>>[vector<16xi32>, vector<16xi32>], vector<16xf32>,
        %gather3A_540 = arith.constant 0 : i32
        %gather3A_541 = arith.constant 0 : i32
        %gather3A_542 = tpu.memref_slice %arg7[%scan3A_174, %gather3A_540, %gather3A_541] : memref<2x256x128xf32, #tpu.memory_space<vmem>> -> memref<1x256x128xf32, #tpu.memory_space<vmem>>
        %gather3A_543 = tpu.memref_squeeze %gather3A_542 : memref<1x256x128xf32, #tpu.memory_space<vmem>> -> memref<256x128xf32, #tpu.memory_space<vmem>>
        %gather3A_544 = tpu.vector_load_idx %gather3A_543[%add3A_246, %add3A_472] : memref<256x128xf32, #tpu.memory_space<vmem>>[vector<16xi32>, vector<16xi32>], vector<16xf32>,
        %gather3A_545 = arith.constant 0 : i32
        %gather3A_546 = arith.constant 0 : i32
        %gather3A_547 = tpu.memref_slice %arg7[%scan3A_174, %gather3A_545, %gather3A_546] : memref<2x256x128xf32, #tpu.memory_space<vmem>> -> memref<1x256x128xf32, #tpu.memory_space<vmem>>
        %gather3A_548 = tpu.memref_squeeze %gather3A_547 : memref<1x256x128xf32, #tpu.memory_space<vmem>> -> memref<256x128xf32, #tpu.memory_space<vmem>>
        %gather3A_549 = tpu.vector_load_idx %gather3A_548[%add3A_246, %add3A_475] : memref<256x128xf32, #tpu.memory_space<vmem>>[vector<16xi32>, vector<16xi32>], vector<16xf32>,
        %gather3A_550 = arith.constant 0 : i32
        %gather3A_551 = arith.constant 0 : i32
        %gather3A_552 = tpu.memref_slice %arg7[%scan3A_174, %gather3A_550, %gather3A_551] : memref<2x256x128xf32, #tpu.memory_space<vmem>> -> memref<1x256x128xf32, #tpu.memory_space<vmem>>
        %gather3A_553 = tpu.memref_squeeze %gather3A_552 : memref<1x256x128xf32, #tpu.memory_space<vmem>> -> memref<256x128xf32, #tpu.memory_space<vmem>>
        %gather3A_554 = tpu.vector_load_idx %gather3A_553[%add3A_246, %add3A_478] : memref<256x128xf32, #tpu.memory_space<vmem>>[vector<16xi32>, vector<16xi32>], vector<16xf32>,
        %gather3A_555 = arith.constant 0 : i32
        %gather3A_556 = arith.constant 0 : i32
        %gather3A_557 = tpu.memref_slice %arg7[%scan3A_174, %gather3A_555, %gather3A_556] : memref<2x256x128xf32, #tpu.memory_space<vmem>> -> memref<1x256x128xf32, #tpu.memory_space<vmem>>
        %gather3A_558 = tpu.memref_squeeze %gather3A_557 : memref<1x256x128xf32, #tpu.memory_space<vmem>> -> memref<256x128xf32, #tpu.memory_space<vmem>>
        %gather3A_559 = tpu.vector_load_idx %gather3A_558[%add3A_246, %add3A_481] : memref<256x128xf32, #tpu.memory_space<vmem>>[vector<16xi32>, vector<16xi32>], vector<16xf32>,
        %gather3A_560 = arith.constant 0 : i32
        %gather3A_561 = arith.constant 0 : i32
        %gather3A_562 = tpu.memref_slice %arg7[%scan3A_174, %gather3A_560, %gather3A_561] : memref<2x256x128xf32, #tpu.memory_space<vmem>> -> memref<1x256x128xf32, #tpu.memory_space<vmem>>
        %gather3A_563 = tpu.memref_squeeze %gather3A_562 : memref<1x256x128xf32, #tpu.memory_space<vmem>> -> memref<256x128xf32, #tpu.memory_space<vmem>>
        %gather3A_564 = tpu.vector_load_idx %gather3A_563[%add3A_246, %add3A_484] : memref<256x128xf32, #tpu.memory_space<vmem>>[vector<16xi32>, vector<16xi32>], vector<16xf32>,
        %scatter3A_565 = arith.constant 0 : i32
        %scatter3A_566 = arith.constant 0 : i32
        %scatter3A_567 = tpu.memref_slice %arg8[%scan3A_175, %scatter3A_565, %scatter3A_566] : memref<2x64x256xf32, #tpu.memory_space<vmem>> -> memref<1x64x256xf32, #tpu.memory_space<vmem>>
        %scatter3A_568 = tpu.memref_squeeze %scatter3A_567 : memref<1x64x256xf32, #tpu.memory_space<vmem>> -> memref<64x256xf32, #tpu.memory_space<vmem>>
        tpu.vector_store_idx %scatter3A_568[%add3A_439, %add3A_246], %gather3A_489 : memref<64x256xf32, #tpu.memory_space<vmem>>[vector<16xi32>, vector<16xi32>], vector<16xf32>,
        %scatter3A_569 = arith.constant 0 : i32
        %scatter3A_570 = arith.constant 0 : i32
        %scatter3A_571 = tpu.memref_slice %arg8[%scan3A_175, %scatter3A_569, %scatter3A_570] : memref<2x64x256xf32, #tpu.memory_space<vmem>> -> memref<1x64x256xf32, #tpu.memory_space<vmem>>
        %scatter3A_572 = tpu.memref_squeeze %scatter3A_571 : memref<1x64x256xf32, #tpu.memory_space<vmem>> -> memref<64x256xf32, #tpu.memory_space<vmem>>
        tpu.vector_store_idx %scatter3A_572[%add3A_442, %add3A_246], %gather3A_494 : memref<64x256xf32, #tpu.memory_space<vmem>>[vector<16xi32>, vector<16xi32>], vector<16xf32>,
        %scatter3A_573 = arith.constant 0 : i32
        %scatter3A_574 = arith.constant 0 : i32
        %scatter3A_575 = tpu.memref_slice %arg8[%scan3A_175, %scatter3A_573, %scatter3A_574] : memref<2x64x256xf32, #tpu.memory_space<vmem>> -> memref<1x64x256xf32, #tpu.memory_space<vmem>>
        %scatter3A_576 = tpu.memref_squeeze %scatter3A_575 : memref<1x64x256xf32, #tpu.memory_space<vmem>> -> memref<64x256xf32, #tpu.memory_space<vmem>>
        tpu.vector_store_idx %scatter3A_576[%add3A_445, %add3A_246], %gather3A_499 : memref<64x256xf32, #tpu.memory_space<vmem>>[vector<16xi32>, vector<16xi32>], vector<16xf32>,
        %scatter3A_577 = arith.constant 0 : i32
        %scatter3A_578 = arith.constant 0 : i32
        %scatter3A_579 = tpu.memref_slice %arg8[%scan3A_175, %scatter3A_577, %scatter3A_578] : memref<2x64x256xf32, #tpu.memory_space<vmem>> -> memref<1x64x256xf32, #tpu.memory_space<vmem>>
        %scatter3A_580 = tpu.memref_squeeze %scatter3A_579 : memref<1x64x256xf32, #tpu.memory_space<vmem>> -> memref<64x256xf32, #tpu.memory_space<vmem>>
        tpu.vector_store_idx %scatter3A_580[%add3A_448, %add3A_246], %gather3A_504 : memref<64x256xf32, #tpu.memory_space<vmem>>[vector<16xi32>, vector<16xi32>], vector<16xf32>,
        %scatter3A_581 = arith.constant 0 : i32
        %scatter3A_582 = arith.constant 0 : i32
        %scatter3A_583 = tpu.memref_slice %arg8[%scan3A_175, %scatter3A_581, %scatter3A_582] : memref<2x64x256xf32, #tpu.memory_space<vmem>> -> memref<1x64x256xf32, #tpu.memory_space<vmem>>
        %scatter3A_584 = tpu.memref_squeeze %scatter3A_583 : memref<1x64x256xf32, #tpu.memory_space<vmem>> -> memref<64x256xf32, #tpu.memory_space<vmem>>
        tpu.vector_store_idx %scatter3A_584[%add3A_451, %add3A_246], %gather3A_509 : memref<64x256xf32, #tpu.memory_space<vmem>>[vector<16xi32>, vector<16xi32>], vector<16xf32>,
        %scatter3A_585 = arith.constant 0 : i32
        %scatter3A_586 = arith.constant 0 : i32
        %scatter3A_587 = tpu.memref_slice %arg8[%scan3A_175, %scatter3A_585, %scatter3A_586] : memref<2x64x256xf32, #tpu.memory_space<vmem>> -> memref<1x64x256xf32, #tpu.memory_space<vmem>>
        %scatter3A_588 = tpu.memref_squeeze %scatter3A_587 : memref<1x64x256xf32, #tpu.memory_space<vmem>> -> memref<64x256xf32, #tpu.memory_space<vmem>>
        tpu.vector_store_idx %scatter3A_588[%add3A_454, %add3A_246], %gather3A_514 : memref<64x256xf32, #tpu.memory_space<vmem>>[vector<16xi32>, vector<16xi32>], vector<16xf32>,
        %scatter3A_589 = arith.constant 0 : i32
        %scatter3A_590 = arith.constant 0 : i32
        %scatter3A_591 = tpu.memref_slice %arg8[%scan3A_175, %scatter3A_589, %scatter3A_590] : memref<2x64x256xf32, #tpu.memory_space<vmem>> -> memref<1x64x256xf32, #tpu.memory_space<vmem>>
        %scatter3A_592 = tpu.memref_squeeze %scatter3A_591 : memref<1x64x256xf32, #tpu.memory_space<vmem>> -> memref<64x256xf32, #tpu.memory_space<vmem>>
        tpu.vector_store_idx %scatter3A_592[%add3A_457, %add3A_246], %gather3A_519 : memref<64x256xf32, #tpu.memory_space<vmem>>[vector<16xi32>, vector<16xi32>], vector<16xf32>,
        %scatter3A_593 = arith.constant 0 : i32
        %scatter3A_594 = arith.constant 0 : i32
        %scatter3A_595 = tpu.memref_slice %arg8[%scan3A_175, %scatter3A_593, %scatter3A_594] : memref<2x64x256xf32, #tpu.memory_space<vmem>> -> memref<1x64x256xf32, #tpu.memory_space<vmem>>
        %scatter3A_596 = tpu.memref_squeeze %scatter3A_595 : memref<1x64x256xf32, #tpu.memory_space<vmem>> -> memref<64x256xf32, #tpu.memory_space<vmem>>
        tpu.vector_store_idx %scatter3A_596[%add3A_460, %add3A_246], %gather3A_524 : memref<64x256xf32, #tpu.memory_space<vmem>>[vector<16xi32>, vector<16xi32>], vector<16xf32>,
        %scatter3A_597 = arith.constant 0 : i32
        %scatter3A_598 = arith.constant 0 : i32
        %scatter3A_599 = tpu.memref_slice %arg8[%scan3A_175, %scatter3A_597, %scatter3A_598] : memref<2x64x256xf32, #tpu.memory_space<vmem>> -> memref<1x64x256xf32, #tpu.memory_space<vmem>>
        %scatter3A_600 = tpu.memref_squeeze %scatter3A_599 : memref<1x64x256xf32, #tpu.memory_space<vmem>> -> memref<64x256xf32, #tpu.memory_space<vmem>>
        tpu.vector_store_idx %scatter3A_600[%add3A_463, %add3A_246], %gather3A_529 : memref<64x256xf32, #tpu.memory_space<vmem>>[vector<16xi32>, vector<16xi32>], vector<16xf32>,
        %scatter3A_601 = arith.constant 0 : i32
        %scatter3A_602 = arith.constant 0 : i32
        %scatter3A_603 = tpu.memref_slice %arg8[%scan3A_175, %scatter3A_601, %scatter3A_602] : memref<2x64x256xf32, #tpu.memory_space<vmem>> -> memref<1x64x256xf32, #tpu.memory_space<vmem>>
        %scatter3A_604 = tpu.memref_squeeze %scatter3A_603 : memref<1x64x256xf32, #tpu.memory_space<vmem>> -> memref<64x256xf32, #tpu.memory_space<vmem>>
        tpu.vector_store_idx %scatter3A_604[%add3A_466, %add3A_246], %gather3A_534 : memref<64x256xf32, #tpu.memory_space<vmem>>[vector<16xi32>, vector<16xi32>], vector<16xf32>,
        %scatter3A_605 = arith.constant 0 : i32
        %scatter3A_606 = arith.constant 0 : i32
        %scatter3A_607 = tpu.memref_slice %arg8[%scan3A_175, %scatter3A_605, %scatter3A_606] : memref<2x64x256xf32, #tpu.memory_space<vmem>> -> memref<1x64x256xf32, #tpu.memory_space<vmem>>
        %scatter3A_608 = tpu.memref_squeeze %scatter3A_607 : memref<1x64x256xf32, #tpu.memory_space<vmem>> -> memref<64x256xf32, #tpu.memory_space<vmem>>
        tpu.vector_store_idx %scatter3A_608[%add3A_469, %add3A_246], %gather3A_539 : memref<64x256xf32, #tpu.memory_space<vmem>>[vector<16xi32>, vector<16xi32>], vector<16xf32>,
        %scatter3A_609 = arith.constant 0 : i32
        %scatter3A_610 = arith.constant 0 : i32
        %scatter3A_611 = tpu.memref_slice %arg8[%scan3A_175, %scatter3A_609, %scatter3A_610] : memref<2x64x256xf32, #tpu.memory_space<vmem>> -> memref<1x64x256xf32, #tpu.memory_space<vmem>>
        %scatter3A_612 = tpu.memref_squeeze %scatter3A_611 : memref<1x64x256xf32, #tpu.memory_space<vmem>> -> memref<64x256xf32, #tpu.memory_space<vmem>>
        tpu.vector_store_idx %scatter3A_612[%add3A_472, %add3A_246], %gather3A_544 : memref<64x256xf32, #tpu.memory_space<vmem>>[vector<16xi32>, vector<16xi32>], vector<16xf32>,
        %scatter3A_613 = arith.constant 0 : i32
        %scatter3A_614 = arith.constant 0 : i32
        %scatter3A_615 = tpu.memref_slice %arg8[%scan3A_175, %scatter3A_613, %scatter3A_614] : memref<2x64x256xf32, #tpu.memory_space<vmem>> -> memref<1x64x256xf32, #tpu.memory_space<vmem>>
        %scatter3A_616 = tpu.memref_squeeze %scatter3A_615 : memref<1x64x256xf32, #tpu.memory_space<vmem>> -> memref<64x256xf32, #tpu.memory_space<vmem>>
        tpu.vector_store_idx %scatter3A_616[%add3A_475, %add3A_246], %gather3A_549 : memref<64x256xf32, #tpu.memory_space<vmem>>[vector<16xi32>, vector<16xi32>], vector<16xf32>,
        %scatter3A_617 = arith.constant 0 : i32
        %scatter3A_618 = arith.constant 0 : i32
        %scatter3A_619 = tpu.memref_slice %arg8[%scan3A_175, %scatter3A_617, %scatter3A_618] : memref<2x64x256xf32, #tpu.memory_space<vmem>> -> memref<1x64x256xf32, #tpu.memory_space<vmem>>
        %scatter3A_620 = tpu.memref_squeeze %scatter3A_619 : memref<1x64x256xf32, #tpu.memory_space<vmem>> -> memref<64x256xf32, #tpu.memory_space<vmem>>
        tpu.vector_store_idx %scatter3A_620[%add3A_478, %add3A_246], %gather3A_554 : memref<64x256xf32, #tpu.memory_space<vmem>>[vector<16xi32>, vector<16xi32>], vector<16xf32>,
        %scatter3A_621 = arith.constant 0 : i32
        %scatter3A_622 = arith.constant 0 : i32
        %scatter3A_623 = tpu.memref_slice %arg8[%scan3A_175, %scatter3A_621, %scatter3A_622] : memref<2x64x256xf32, #tpu.memory_space<vmem>> -> memref<1x64x256xf32, #tpu.memory_space<vmem>>
        %scatter3A_624 = tpu.memref_squeeze %scatter3A_623 : memref<1x64x256xf32, #tpu.memory_space<vmem>> -> memref<64x256xf32, #tpu.memory_space<vmem>>
        tpu.vector_store_idx %scatter3A_624[%add3A_481, %add3A_246], %gather3A_559 : memref<64x256xf32, #tpu.memory_space<vmem>>[vector<16xi32>, vector<16xi32>], vector<16xf32>,
        %scatter3A_625 = arith.constant 0 : i32
        %scatter3A_626 = arith.constant 0 : i32
        %scatter3A_627 = tpu.memref_slice %arg8[%scan3A_175, %scatter3A_625, %scatter3A_626] : memref<2x64x256xf32, #tpu.memory_space<vmem>> -> memref<1x64x256xf32, #tpu.memory_space<vmem>>
        %scatter3A_628 = tpu.memref_squeeze %scatter3A_627 : memref<1x64x256xf32, #tpu.memory_space<vmem>> -> memref<64x256xf32, #tpu.memory_space<vmem>>
        tpu.vector_store_idx %scatter3A_628[%add3A_484, %add3A_246], %gather3A_564 : memref<64x256xf32, #tpu.memory_space<vmem>>[vector<16xi32>, vector<16xi32>], vector<16xf32>,
        %add3A_629 = arith.constant 32 : i32
        %add3A_630 = vector.broadcast %add3A_629 : i32 to vector<16xi32>
        %add3A_631 = arith.addi %rem3A_7, %add3A_630 : vector<16xi32>
        %add3A_632 = arith.constant 32 : i32
        %add3A_633 = vector.broadcast %add3A_632 : i32 to vector<16xi32>
        %add3A_634 = arith.addi %rem3A_13, %add3A_633 : vector<16xi32>
        %add3A_635 = arith.constant 32 : i32
        %add3A_636 = vector.broadcast %add3A_635 : i32 to vector<16xi32>
        %add3A_637 = arith.addi %rem3A_19, %add3A_636 : vector<16xi32>
        %add3A_638 = arith.constant 32 : i32
        %add3A_639 = vector.broadcast %add3A_638 : i32 to vector<16xi32>
        %add3A_640 = arith.addi %rem3A_25, %add3A_639 : vector<16xi32>
        %add3A_641 = arith.constant 32 : i32
        %add3A_642 = vector.broadcast %add3A_641 : i32 to vector<16xi32>
        %add3A_643 = arith.addi %rem3A_31, %add3A_642 : vector<16xi32>
        %add3A_644 = arith.constant 32 : i32
        %add3A_645 = vector.broadcast %add3A_644 : i32 to vector<16xi32>
        %add3A_646 = arith.addi %rem3A_37, %add3A_645 : vector<16xi32>
        %add3A_647 = arith.constant 32 : i32
        %add3A_648 = vector.broadcast %add3A_647 : i32 to vector<16xi32>
        %add3A_649 = arith.addi %rem3A_43, %add3A_648 : vector<16xi32>
        %add3A_650 = arith.constant 32 : i32
        %add3A_651 = vector.broadcast %add3A_650 : i32 to vector<16xi32>
        %add3A_652 = arith.addi %rem3A_49, %add3A_651 : vector<16xi32>
        %add3A_653 = arith.constant 32 : i32
        %add3A_654 = vector.broadcast %add3A_653 : i32 to vector<16xi32>
        %add3A_655 = arith.addi %rem3A_55, %add3A_654 : vector<16xi32>
        %add3A_656 = arith.constant 32 : i32
        %add3A_657 = vector.broadcast %add3A_656 : i32 to vector<16xi32>
        %add3A_658 = arith.addi %rem3A_61, %add3A_657 : vector<16xi32>
        %add3A_659 = arith.constant 32 : i32
        %add3A_660 = vector.broadcast %add3A_659 : i32 to vector<16xi32>
        %add3A_661 = arith.addi %rem3A_67, %add3A_660 : vector<16xi32>
        %add3A_662 = arith.constant 32 : i32
        %add3A_663 = vector.broadcast %add3A_662 : i32 to vector<16xi32>
        %add3A_664 = arith.addi %rem3A_73, %add3A_663 : vector<16xi32>
        %add3A_665 = arith.constant 32 : i32
        %add3A_666 = vector.broadcast %add3A_665 : i32 to vector<16xi32>
        %add3A_667 = arith.addi %rem3A_79, %add3A_666 : vector<16xi32>
        %add3A_668 = arith.constant 32 : i32
        %add3A_669 = vector.broadcast %add3A_668 : i32 to vector<16xi32>
        %add3A_670 = arith.addi %rem3A_85, %add3A_669 : vector<16xi32>
        %add3A_671 = arith.constant 32 : i32
        %add3A_672 = vector.broadcast %add3A_671 : i32 to vector<16xi32>
        %add3A_673 = arith.addi %rem3A_91, %add3A_672 : vector<16xi32>
        %add3A_674 = arith.constant 32 : i32
        %add3A_675 = vector.broadcast %add3A_674 : i32 to vector<16xi32>
        %add3A_676 = arith.addi %rem3A_97, %add3A_675 : vector<16xi32>
        %gather3A_677 = arith.constant 0 : i32
        %gather3A_678 = arith.constant 0 : i32
        %gather3A_679 = tpu.memref_slice %arg7[%scan3A_174, %gather3A_677, %gather3A_678] : memref<2x256x128xf32, #tpu.memory_space<vmem>> -> memref<1x256x128xf32, #tpu.memory_space<vmem>>
        %gather3A_680 = tpu.memref_squeeze %gather3A_679 : memref<1x256x128xf32, #tpu.memory_space<vmem>> -> memref<256x128xf32, #tpu.memory_space<vmem>>
        %gather3A_681 = tpu.vector_load_idx %gather3A_680[%add3A_246, %add3A_631] : memref<256x128xf32, #tpu.memory_space<vmem>>[vector<16xi32>, vector<16xi32>], vector<16xf32>,
        %gather3A_682 = arith.constant 0 : i32
        %gather3A_683 = arith.constant 0 : i32
        %gather3A_684 = tpu.memref_slice %arg7[%scan3A_174, %gather3A_682, %gather3A_683] : memref<2x256x128xf32, #tpu.memory_space<vmem>> -> memref<1x256x128xf32, #tpu.memory_space<vmem>>
        %gather3A_685 = tpu.memref_squeeze %gather3A_684 : memref<1x256x128xf32, #tpu.memory_space<vmem>> -> memref<256x128xf32, #tpu.memory_space<vmem>>
        %gather3A_686 = tpu.vector_load_idx %gather3A_685[%add3A_246, %add3A_634] : memref<256x128xf32, #tpu.memory_space<vmem>>[vector<16xi32>, vector<16xi32>], vector<16xf32>,
        %gather3A_687 = arith.constant 0 : i32
        %gather3A_688 = arith.constant 0 : i32
        %gather3A_689 = tpu.memref_slice %arg7[%scan3A_174, %gather3A_687, %gather3A_688] : memref<2x256x128xf32, #tpu.memory_space<vmem>> -> memref<1x256x128xf32, #tpu.memory_space<vmem>>
        %gather3A_690 = tpu.memref_squeeze %gather3A_689 : memref<1x256x128xf32, #tpu.memory_space<vmem>> -> memref<256x128xf32, #tpu.memory_space<vmem>>
        %gather3A_691 = tpu.vector_load_idx %gather3A_690[%add3A_246, %add3A_637] : memref<256x128xf32, #tpu.memory_space<vmem>>[vector<16xi32>, vector<16xi32>], vector<16xf32>,
        %gather3A_692 = arith.constant 0 : i32
        %gather3A_693 = arith.constant 0 : i32
        %gather3A_694 = tpu.memref_slice %arg7[%scan3A_174, %gather3A_692, %gather3A_693] : memref<2x256x128xf32, #tpu.memory_space<vmem>> -> memref<1x256x128xf32, #tpu.memory_space<vmem>>
        %gather3A_695 = tpu.memref_squeeze %gather3A_694 : memref<1x256x128xf32, #tpu.memory_space<vmem>> -> memref<256x128xf32, #tpu.memory_space<vmem>>
        %gather3A_696 = tpu.vector_load_idx %gather3A_695[%add3A_246, %add3A_640] : memref<256x128xf32, #tpu.memory_space<vmem>>[vector<16xi32>, vector<16xi32>], vector<16xf32>,
        %gather3A_697 = arith.constant 0 : i32
        %gather3A_698 = arith.constant 0 : i32
        %gather3A_699 = tpu.memref_slice %arg7[%scan3A_174, %gather3A_697, %gather3A_698] : memref<2x256x128xf32, #tpu.memory_space<vmem>> -> memref<1x256x128xf32, #tpu.memory_space<vmem>>
        %gather3A_700 = tpu.memref_squeeze %gather3A_699 : memref<1x256x128xf32, #tpu.memory_space<vmem>> -> memref<256x128xf32, #tpu.memory_space<vmem>>
        %gather3A_701 = tpu.vector_load_idx %gather3A_700[%add3A_246, %add3A_643] : memref<256x128xf32, #tpu.memory_space<vmem>>[vector<16xi32>, vector<16xi32>], vector<16xf32>,
        %gather3A_702 = arith.constant 0 : i32
        %gather3A_703 = arith.constant 0 : i32
        %gather3A_704 = tpu.memref_slice %arg7[%scan3A_174, %gather3A_702, %gather3A_703] : memref<2x256x128xf32, #tpu.memory_space<vmem>> -> memref<1x256x128xf32, #tpu.memory_space<vmem>>
        %gather3A_705 = tpu.memref_squeeze %gather3A_704 : memref<1x256x128xf32, #tpu.memory_space<vmem>> -> memref<256x128xf32, #tpu.memory_space<vmem>>
        %gather3A_706 = tpu.vector_load_idx %gather3A_705[%add3A_246, %add3A_646] : memref<256x128xf32, #tpu.memory_space<vmem>>[vector<16xi32>, vector<16xi32>], vector<16xf32>,
        %gather3A_707 = arith.constant 0 : i32
        %gather3A_708 = arith.constant 0 : i32
        %gather3A_709 = tpu.memref_slice %arg7[%scan3A_174, %gather3A_707, %gather3A_708] : memref<2x256x128xf32, #tpu.memory_space<vmem>> -> memref<1x256x128xf32, #tpu.memory_space<vmem>>
        %gather3A_710 = tpu.memref_squeeze %gather3A_709 : memref<1x256x128xf32, #tpu.memory_space<vmem>> -> memref<256x128xf32, #tpu.memory_space<vmem>>
        %gather3A_711 = tpu.vector_load_idx %gather3A_710[%add3A_246, %add3A_649] : memref<256x128xf32, #tpu.memory_space<vmem>>[vector<16xi32>, vector<16xi32>], vector<16xf32>,
        %gather3A_712 = arith.constant 0 : i32
        %gather3A_713 = arith.constant 0 : i32
        %gather3A_714 = tpu.memref_slice %arg7[%scan3A_174, %gather3A_712, %gather3A_713] : memref<2x256x128xf32, #tpu.memory_space<vmem>> -> memref<1x256x128xf32, #tpu.memory_space<vmem>>
        %gather3A_715 = tpu.memref_squeeze %gather3A_714 : memref<1x256x128xf32, #tpu.memory_space<vmem>> -> memref<256x128xf32, #tpu.memory_space<vmem>>
        %gather3A_716 = tpu.vector_load_idx %gather3A_715[%add3A_246, %add3A_652] : memref<256x128xf32, #tpu.memory_space<vmem>>[vector<16xi32>, vector<16xi32>], vector<16xf32>,
        %gather3A_717 = arith.constant 0 : i32
        %gather3A_718 = arith.constant 0 : i32
        %gather3A_719 = tpu.memref_slice %arg7[%scan3A_174, %gather3A_717, %gather3A_718] : memref<2x256x128xf32, #tpu.memory_space<vmem>> -> memref<1x256x128xf32, #tpu.memory_space<vmem>>
        %gather3A_720 = tpu.memref_squeeze %gather3A_719 : memref<1x256x128xf32, #tpu.memory_space<vmem>> -> memref<256x128xf32, #tpu.memory_space<vmem>>
        %gather3A_721 = tpu.vector_load_idx %gather3A_720[%add3A_246, %add3A_655] : memref<256x128xf32, #tpu.memory_space<vmem>>[vector<16xi32>, vector<16xi32>], vector<16xf32>,
        %gather3A_722 = arith.constant 0 : i32
        %gather3A_723 = arith.constant 0 : i32
        %gather3A_724 = tpu.memref_slice %arg7[%scan3A_174, %gather3A_722, %gather3A_723] : memref<2x256x128xf32, #tpu.memory_space<vmem>> -> memref<1x256x128xf32, #tpu.memory_space<vmem>>
        %gather3A_725 = tpu.memref_squeeze %gather3A_724 : memref<1x256x128xf32, #tpu.memory_space<vmem>> -> memref<256x128xf32, #tpu.memory_space<vmem>>
        %gather3A_726 = tpu.vector_load_idx %gather3A_725[%add3A_246, %add3A_658] : memref<256x128xf32, #tpu.memory_space<vmem>>[vector<16xi32>, vector<16xi32>], vector<16xf32>,
        %gather3A_727 = arith.constant 0 : i32
        %gather3A_728 = arith.constant 0 : i32
        %gather3A_729 = tpu.memref_slice %arg7[%scan3A_174, %gather3A_727, %gather3A_728] : memref<2x256x128xf32, #tpu.memory_space<vmem>> -> memref<1x256x128xf32, #tpu.memory_space<vmem>>
        %gather3A_730 = tpu.memref_squeeze %gather3A_729 : memref<1x256x128xf32, #tpu.memory_space<vmem>> -> memref<256x128xf32, #tpu.memory_space<vmem>>
        %gather3A_731 = tpu.vector_load_idx %gather3A_730[%add3A_246, %add3A_661] : memref<256x128xf32, #tpu.memory_space<vmem>>[vector<16xi32>, vector<16xi32>], vector<16xf32>,
        %gather3A_732 = arith.constant 0 : i32
        %gather3A_733 = arith.constant 0 : i32
        %gather3A_734 = tpu.memref_slice %arg7[%scan3A_174, %gather3A_732, %gather3A_733] : memref<2x256x128xf32, #tpu.memory_space<vmem>> -> memref<1x256x128xf32, #tpu.memory_space<vmem>>
        %gather3A_735 = tpu.memref_squeeze %gather3A_734 : memref<1x256x128xf32, #tpu.memory_space<vmem>> -> memref<256x128xf32, #tpu.memory_space<vmem>>
        %gather3A_736 = tpu.vector_load_idx %gather3A_735[%add3A_246, %add3A_664] : memref<256x128xf32, #tpu.memory_space<vmem>>[vector<16xi32>, vector<16xi32>], vector<16xf32>,
        %gather3A_737 = arith.constant 0 : i32
        %gather3A_738 = arith.constant 0 : i32
        %gather3A_739 = tpu.memref_slice %arg7[%scan3A_174, %gather3A_737, %gather3A_738] : memref<2x256x128xf32, #tpu.memory_space<vmem>> -> memref<1x256x128xf32, #tpu.memory_space<vmem>>
        %gather3A_740 = tpu.memref_squeeze %gather3A_739 : memref<1x256x128xf32, #tpu.memory_space<vmem>> -> memref<256x128xf32, #tpu.memory_space<vmem>>
        %gather3A_741 = tpu.vector_load_idx %gather3A_740[%add3A_246, %add3A_667] : memref<256x128xf32, #tpu.memory_space<vmem>>[vector<16xi32>, vector<16xi32>], vector<16xf32>,
        %gather3A_742 = arith.constant 0 : i32
        %gather3A_743 = arith.constant 0 : i32
        %gather3A_744 = tpu.memref_slice %arg7[%scan3A_174, %gather3A_742, %gather3A_743] : memref<2x256x128xf32, #tpu.memory_space<vmem>> -> memref<1x256x128xf32, #tpu.memory_space<vmem>>
        %gather3A_745 = tpu.memref_squeeze %gather3A_744 : memref<1x256x128xf32, #tpu.memory_space<vmem>> -> memref<256x128xf32, #tpu.memory_space<vmem>>
        %gather3A_746 = tpu.vector_load_idx %gather3A_745[%add3A_246, %add3A_670] : memref<256x128xf32, #tpu.memory_space<vmem>>[vector<16xi32>, vector<16xi32>], vector<16xf32>,
        %gather3A_747 = arith.constant 0 : i32
        %gather3A_748 = arith.constant 0 : i32
        %gather3A_749 = tpu.memref_slice %arg7[%scan3A_174, %gather3A_747, %gather3A_748] : memref<2x256x128xf32, #tpu.memory_space<vmem>> -> memref<1x256x128xf32, #tpu.memory_space<vmem>>
        %gather3A_750 = tpu.memref_squeeze %gather3A_749 : memref<1x256x128xf32, #tpu.memory_space<vmem>> -> memref<256x128xf32, #tpu.memory_space<vmem>>
        %gather3A_751 = tpu.vector_load_idx %gather3A_750[%add3A_246, %add3A_673] : memref<256x128xf32, #tpu.memory_space<vmem>>[vector<16xi32>, vector<16xi32>], vector<16xf32>,
        %gather3A_752 = arith.constant 0 : i32
        %gather3A_753 = arith.constant 0 : i32
        %gather3A_754 = tpu.memref_slice %arg7[%scan3A_174, %gather3A_752, %gather3A_753] : memref<2x256x128xf32, #tpu.memory_space<vmem>> -> memref<1x256x128xf32, #tpu.memory_space<vmem>>
        %gather3A_755 = tpu.memref_squeeze %gather3A_754 : memref<1x256x128xf32, #tpu.memory_space<vmem>> -> memref<256x128xf32, #tpu.memory_space<vmem>>
        %gather3A_756 = tpu.vector_load_idx %gather3A_755[%add3A_246, %add3A_676] : memref<256x128xf32, #tpu.memory_space<vmem>>[vector<16xi32>, vector<16xi32>], vector<16xf32>,
        %scatter3A_757 = arith.constant 0 : i32
        %scatter3A_758 = arith.constant 0 : i32
        %scatter3A_759 = tpu.memref_slice %arg8[%scan3A_175, %scatter3A_757, %scatter3A_758] : memref<2x64x256xf32, #tpu.memory_space<vmem>> -> memref<1x64x256xf32, #tpu.memory_space<vmem>>
        %scatter3A_760 = tpu.memref_squeeze %scatter3A_759 : memref<1x64x256xf32, #tpu.memory_space<vmem>> -> memref<64x256xf32, #tpu.memory_space<vmem>>
        tpu.vector_store_idx %scatter3A_760[%add3A_631, %add3A_246], %gather3A_681 : memref<64x256xf32, #tpu.memory_space<vmem>>[vector<16xi32>, vector<16xi32>], vector<16xf32>,
        %scatter3A_761 = arith.constant 0 : i32
        %scatter3A_762 = arith.constant 0 : i32
        %scatter3A_763 = tpu.memref_slice %arg8[%scan3A_175, %scatter3A_761, %scatter3A_762] : memref<2x64x256xf32, #tpu.memory_space<vmem>> -> memref<1x64x256xf32, #tpu.memory_space<vmem>>
        %scatter3A_764 = tpu.memref_squeeze %scatter3A_763 : memref<1x64x256xf32, #tpu.memory_space<vmem>> -> memref<64x256xf32, #tpu.memory_space<vmem>>
        tpu.vector_store_idx %scatter3A_764[%add3A_634, %add3A_246], %gather3A_686 : memref<64x256xf32, #tpu.memory_space<vmem>>[vector<16xi32>, vector<16xi32>], vector<16xf32>,
        %scatter3A_765 = arith.constant 0 : i32
        %scatter3A_766 = arith.constant 0 : i32
        %scatter3A_767 = tpu.memref_slice %arg8[%scan3A_175, %scatter3A_765, %scatter3A_766] : memref<2x64x256xf32, #tpu.memory_space<vmem>> -> memref<1x64x256xf32, #tpu.memory_space<vmem>>
        %scatter3A_768 = tpu.memref_squeeze %scatter3A_767 : memref<1x64x256xf32, #tpu.memory_space<vmem>> -> memref<64x256xf32, #tpu.memory_space<vmem>>
        tpu.vector_store_idx %scatter3A_768[%add3A_637, %add3A_246], %gather3A_691 : memref<64x256xf32, #tpu.memory_space<vmem>>[vector<16xi32>, vector<16xi32>], vector<16xf32>,
        %scatter3A_769 = arith.constant 0 : i32
        %scatter3A_770 = arith.constant 0 : i32
        %scatter3A_771 = tpu.memref_slice %arg8[%scan3A_175, %scatter3A_769, %scatter3A_770] : memref<2x64x256xf32, #tpu.memory_space<vmem>> -> memref<1x64x256xf32, #tpu.memory_space<vmem>>
        %scatter3A_772 = tpu.memref_squeeze %scatter3A_771 : memref<1x64x256xf32, #tpu.memory_space<vmem>> -> memref<64x256xf32, #tpu.memory_space<vmem>>
        tpu.vector_store_idx %scatter3A_772[%add3A_640, %add3A_246], %gather3A_696 : memref<64x256xf32, #tpu.memory_space<vmem>>[vector<16xi32>, vector<16xi32>], vector<16xf32>,
        %scatter3A_773 = arith.constant 0 : i32
        %scatter3A_774 = arith.constant 0 : i32
        %scatter3A_775 = tpu.memref_slice %arg8[%scan3A_175, %scatter3A_773, %scatter3A_774] : memref<2x64x256xf32, #tpu.memory_space<vmem>> -> memref<1x64x256xf32, #tpu.memory_space<vmem>>
        %scatter3A_776 = tpu.memref_squeeze %scatter3A_775 : memref<1x64x256xf32, #tpu.memory_space<vmem>> -> memref<64x256xf32, #tpu.memory_space<vmem>>
        tpu.vector_store_idx %scatter3A_776[%add3A_643, %add3A_246], %gather3A_701 : memref<64x256xf32, #tpu.memory_space<vmem>>[vector<16xi32>, vector<16xi32>], vector<16xf32>,
        %scatter3A_777 = arith.constant 0 : i32
        %scatter3A_778 = arith.constant 0 : i32
        %scatter3A_779 = tpu.memref_slice %arg8[%scan3A_175, %scatter3A_777, %scatter3A_778] : memref<2x64x256xf32, #tpu.memory_space<vmem>> -> memref<1x64x256xf32, #tpu.memory_space<vmem>>
        %scatter3A_780 = tpu.memref_squeeze %scatter3A_779 : memref<1x64x256xf32, #tpu.memory_space<vmem>> -> memref<64x256xf32, #tpu.memory_space<vmem>>
        tpu.vector_store_idx %scatter3A_780[%add3A_646, %add3A_246], %gather3A_706 : memref<64x256xf32, #tpu.memory_space<vmem>>[vector<16xi32>, vector<16xi32>], vector<16xf32>,
        %scatter3A_781 = arith.constant 0 : i32
        %scatter3A_782 = arith.constant 0 : i32
        %scatter3A_783 = tpu.memref_slice %arg8[%scan3A_175, %scatter3A_781, %scatter3A_782] : memref<2x64x256xf32, #tpu.memory_space<vmem>> -> memref<1x64x256xf32, #tpu.memory_space<vmem>>
        %scatter3A_784 = tpu.memref_squeeze %scatter3A_783 : memref<1x64x256xf32, #tpu.memory_space<vmem>> -> memref<64x256xf32, #tpu.memory_space<vmem>>
        tpu.vector_store_idx %scatter3A_784[%add3A_649, %add3A_246], %gather3A_711 : memref<64x256xf32, #tpu.memory_space<vmem>>[vector<16xi32>, vector<16xi32>], vector<16xf32>,
        %scatter3A_785 = arith.constant 0 : i32
        %scatter3A_786 = arith.constant 0 : i32
        %scatter3A_787 = tpu.memref_slice %arg8[%scan3A_175, %scatter3A_785, %scatter3A_786] : memref<2x64x256xf32, #tpu.memory_space<vmem>> -> memref<1x64x256xf32, #tpu.memory_space<vmem>>
        %scatter3A_788 = tpu.memref_squeeze %scatter3A_787 : memref<1x64x256xf32, #tpu.memory_space<vmem>> -> memref<64x256xf32, #tpu.memory_space<vmem>>
        tpu.vector_store_idx %scatter3A_788[%add3A_652, %add3A_246], %gather3A_716 : memref<64x256xf32, #tpu.memory_space<vmem>>[vector<16xi32>, vector<16xi32>], vector<16xf32>,
        %scatter3A_789 = arith.constant 0 : i32
        %scatter3A_790 = arith.constant 0 : i32
        %scatter3A_791 = tpu.memref_slice %arg8[%scan3A_175, %scatter3A_789, %scatter3A_790] : memref<2x64x256xf32, #tpu.memory_space<vmem>> -> memref<1x64x256xf32, #tpu.memory_space<vmem>>
        %scatter3A_792 = tpu.memref_squeeze %scatter3A_791 : memref<1x64x256xf32, #tpu.memory_space<vmem>> -> memref<64x256xf32, #tpu.memory_space<vmem>>
        tpu.vector_store_idx %scatter3A_792[%add3A_655, %add3A_246], %gather3A_721 : memref<64x256xf32, #tpu.memory_space<vmem>>[vector<16xi32>, vector<16xi32>], vector<16xf32>,
        %scatter3A_793 = arith.constant 0 : i32
        %scatter3A_794 = arith.constant 0 : i32
        %scatter3A_795 = tpu.memref_slice %arg8[%scan3A_175, %scatter3A_793, %scatter3A_794] : memref<2x64x256xf32, #tpu.memory_space<vmem>> -> memref<1x64x256xf32, #tpu.memory_space<vmem>>
        %scatter3A_796 = tpu.memref_squeeze %scatter3A_795 : memref<1x64x256xf32, #tpu.memory_space<vmem>> -> memref<64x256xf32, #tpu.memory_space<vmem>>
        tpu.vector_store_idx %scatter3A_796[%add3A_658, %add3A_246], %gather3A_726 : memref<64x256xf32, #tpu.memory_space<vmem>>[vector<16xi32>, vector<16xi32>], vector<16xf32>,
        %scatter3A_797 = arith.constant 0 : i32
        %scatter3A_798 = arith.constant 0 : i32
        %scatter3A_799 = tpu.memref_slice %arg8[%scan3A_175, %scatter3A_797, %scatter3A_798] : memref<2x64x256xf32, #tpu.memory_space<vmem>> -> memref<1x64x256xf32, #tpu.memory_space<vmem>>
        %scatter3A_800 = tpu.memref_squeeze %scatter3A_799 : memref<1x64x256xf32, #tpu.memory_space<vmem>> -> memref<64x256xf32, #tpu.memory_space<vmem>>
        tpu.vector_store_idx %scatter3A_800[%add3A_661, %add3A_246], %gather3A_731 : memref<64x256xf32, #tpu.memory_space<vmem>>[vector<16xi32>, vector<16xi32>], vector<16xf32>,
        %scatter3A_801 = arith.constant 0 : i32
        %scatter3A_802 = arith.constant 0 : i32
        %scatter3A_803 = tpu.memref_slice %arg8[%scan3A_175, %scatter3A_801, %scatter3A_802] : memref<2x64x256xf32, #tpu.memory_space<vmem>> -> memref<1x64x256xf32, #tpu.memory_space<vmem>>
        %scatter3A_804 = tpu.memref_squeeze %scatter3A_803 : memref<1x64x256xf32, #tpu.memory_space<vmem>> -> memref<64x256xf32, #tpu.memory_space<vmem>>
        tpu.vector_store_idx %scatter3A_804[%add3A_664, %add3A_246], %gather3A_736 : memref<64x256xf32, #tpu.memory_space<vmem>>[vector<16xi32>, vector<16xi32>], vector<16xf32>,
        %scatter3A_805 = arith.constant 0 : i32
        %scatter3A_806 = arith.constant 0 : i32
        %scatter3A_807 = tpu.memref_slice %arg8[%scan3A_175, %scatter3A_805, %scatter3A_806] : memref<2x64x256xf32, #tpu.memory_space<vmem>> -> memref<1x64x256xf32, #tpu.memory_space<vmem>>
        %scatter3A_808 = tpu.memref_squeeze %scatter3A_807 : memref<1x64x256xf32, #tpu.memory_space<vmem>> -> memref<64x256xf32, #tpu.memory_space<vmem>>
        tpu.vector_store_idx %scatter3A_808[%add3A_667, %add3A_246], %gather3A_741 : memref<64x256xf32, #tpu.memory_space<vmem>>[vector<16xi32>, vector<16xi32>], vector<16xf32>,
        %scatter3A_809 = arith.constant 0 : i32
        %scatter3A_810 = arith.constant 0 : i32
        %scatter3A_811 = tpu.memref_slice %arg8[%scan3A_175, %scatter3A_809, %scatter3A_810] : memref<2x64x256xf32, #tpu.memory_space<vmem>> -> memref<1x64x256xf32, #tpu.memory_space<vmem>>
        %scatter3A_812 = tpu.memref_squeeze %scatter3A_811 : memref<1x64x256xf32, #tpu.memory_space<vmem>> -> memref<64x256xf32, #tpu.memory_space<vmem>>
        tpu.vector_store_idx %scatter3A_812[%add3A_670, %add3A_246], %gather3A_746 : memref<64x256xf32, #tpu.memory_space<vmem>>[vector<16xi32>, vector<16xi32>], vector<16xf32>,
        %scatter3A_813 = arith.constant 0 : i32
        %scatter3A_814 = arith.constant 0 : i32
        %scatter3A_815 = tpu.memref_slice %arg8[%scan3A_175, %scatter3A_813, %scatter3A_814] : memref<2x64x256xf32, #tpu.memory_space<vmem>> -> memref<1x64x256xf32, #tpu.memory_space<vmem>>
        %scatter3A_816 = tpu.memref_squeeze %scatter3A_815 : memref<1x64x256xf32, #tpu.memory_space<vmem>> -> memref<64x256xf32, #tpu.memory_space<vmem>>
        tpu.vector_store_idx %scatter3A_816[%add3A_673, %add3A_246], %gather3A_751 : memref<64x256xf32, #tpu.memory_space<vmem>>[vector<16xi32>, vector<16xi32>], vector<16xf32>,
        %scatter3A_817 = arith.constant 0 : i32
        %scatter3A_818 = arith.constant 0 : i32
        %scatter3A_819 = tpu.memref_slice %arg8[%scan3A_175, %scatter3A_817, %scatter3A_818] : memref<2x64x256xf32, #tpu.memory_space<vmem>> -> memref<1x64x256xf32, #tpu.memory_space<vmem>>
        %scatter3A_820 = tpu.memref_squeeze %scatter3A_819 : memref<1x64x256xf32, #tpu.memory_space<vmem>> -> memref<64x256xf32, #tpu.memory_space<vmem>>
        tpu.vector_store_idx %scatter3A_820[%add3A_676, %add3A_246], %gather3A_756 : memref<64x256xf32, #tpu.memory_space<vmem>>[vector<16xi32>, vector<16xi32>], vector<16xf32>,
        %add3A_821 = arith.constant 48 : i32
        %add3A_822 = vector.broadcast %add3A_821 : i32 to vector<16xi32>
        %add3A_823 = arith.addi %rem3A_7, %add3A_822 : vector<16xi32>
        %add3A_824 = arith.constant 48 : i32
        %add3A_825 = vector.broadcast %add3A_824 : i32 to vector<16xi32>
        %add3A_826 = arith.addi %rem3A_13, %add3A_825 : vector<16xi32>
        %add3A_827 = arith.constant 48 : i32
        %add3A_828 = vector.broadcast %add3A_827 : i32 to vector<16xi32>
        %add3A_829 = arith.addi %rem3A_19, %add3A_828 : vector<16xi32>
        %add3A_830 = arith.constant 48 : i32
        %add3A_831 = vector.broadcast %add3A_830 : i32 to vector<16xi32>
        %add3A_832 = arith.addi %rem3A_25, %add3A_831 : vector<16xi32>
        %add3A_833 = arith.constant 48 : i32
        %add3A_834 = vector.broadcast %add3A_833 : i32 to vector<16xi32>
        %add3A_835 = arith.addi %rem3A_31, %add3A_834 : vector<16xi32>
        %add3A_836 = arith.constant 48 : i32
        %add3A_837 = vector.broadcast %add3A_836 : i32 to vector<16xi32>
        %add3A_838 = arith.addi %rem3A_37, %add3A_837 : vector<16xi32>
        %add3A_839 = arith.constant 48 : i32
        %add3A_840 = vector.broadcast %add3A_839 : i32 to vector<16xi32>
        %add3A_841 = arith.addi %rem3A_43, %add3A_840 : vector<16xi32>
        %add3A_842 = arith.constant 48 : i32
        %add3A_843 = vector.broadcast %add3A_842 : i32 to vector<16xi32>
        %add3A_844 = arith.addi %rem3A_49, %add3A_843 : vector<16xi32>
        %add3A_845 = arith.constant 48 : i32
        %add3A_846 = vector.broadcast %add3A_845 : i32 to vector<16xi32>
        %add3A_847 = arith.addi %rem3A_55, %add3A_846 : vector<16xi32>
        %add3A_848 = arith.constant 48 : i32
        %add3A_849 = vector.broadcast %add3A_848 : i32 to vector<16xi32>
        %add3A_850 = arith.addi %rem3A_61, %add3A_849 : vector<16xi32>
        %add3A_851 = arith.constant 48 : i32
        %add3A_852 = vector.broadcast %add3A_851 : i32 to vector<16xi32>
        %add3A_853 = arith.addi %rem3A_67, %add3A_852 : vector<16xi32>
        %add3A_854 = arith.constant 48 : i32
        %add3A_855 = vector.broadcast %add3A_854 : i32 to vector<16xi32>
        %add3A_856 = arith.addi %rem3A_73, %add3A_855 : vector<16xi32>
        %add3A_857 = arith.constant 48 : i32
        %add3A_858 = vector.broadcast %add3A_857 : i32 to vector<16xi32>
        %add3A_859 = arith.addi %rem3A_79, %add3A_858 : vector<16xi32>
        %add3A_860 = arith.constant 48 : i32
        %add3A_861 = vector.broadcast %add3A_860 : i32 to vector<16xi32>
        %add3A_862 = arith.addi %rem3A_85, %add3A_861 : vector<16xi32>
        %add3A_863 = arith.constant 48 : i32
        %add3A_864 = vector.broadcast %add3A_863 : i32 to vector<16xi32>
        %add3A_865 = arith.addi %rem3A_91, %add3A_864 : vector<16xi32>
        %add3A_866 = arith.constant 48 : i32
        %add3A_867 = vector.broadcast %add3A_866 : i32 to vector<16xi32>
        %add3A_868 = arith.addi %rem3A_97, %add3A_867 : vector<16xi32>
        %gather3A_869 = arith.constant 0 : i32
        %gather3A_870 = arith.constant 0 : i32
        %gather3A_871 = tpu.memref_slice %arg7[%scan3A_174, %gather3A_869, %gather3A_870] : memref<2x256x128xf32, #tpu.memory_space<vmem>> -> memref<1x256x128xf32, #tpu.memory_space<vmem>>
        %gather3A_872 = tpu.memref_squeeze %gather3A_871 : memref<1x256x128xf32, #tpu.memory_space<vmem>> -> memref<256x128xf32, #tpu.memory_space<vmem>>
        %gather3A_873 = tpu.vector_load_idx %gather3A_872[%add3A_246, %add3A_823] : memref<256x128xf32, #tpu.memory_space<vmem>>[vector<16xi32>, vector<16xi32>], vector<16xf32>,
        %gather3A_874 = arith.constant 0 : i32
        %gather3A_875 = arith.constant 0 : i32
        %gather3A_876 = tpu.memref_slice %arg7[%scan3A_174, %gather3A_874, %gather3A_875] : memref<2x256x128xf32, #tpu.memory_space<vmem>> -> memref<1x256x128xf32, #tpu.memory_space<vmem>>
        %gather3A_877 = tpu.memref_squeeze %gather3A_876 : memref<1x256x128xf32, #tpu.memory_space<vmem>> -> memref<256x128xf32, #tpu.memory_space<vmem>>
        %gather3A_878 = tpu.vector_load_idx %gather3A_877[%add3A_246, %add3A_826] : memref<256x128xf32, #tpu.memory_space<vmem>>[vector<16xi32>, vector<16xi32>], vector<16xf32>,
        %gather3A_879 = arith.constant 0 : i32
        %gather3A_880 = arith.constant 0 : i32
        %gather3A_881 = tpu.memref_slice %arg7[%scan3A_174, %gather3A_879, %gather3A_880] : memref<2x256x128xf32, #tpu.memory_space<vmem>> -> memref<1x256x128xf32, #tpu.memory_space<vmem>>
        %gather3A_882 = tpu.memref_squeeze %gather3A_881 : memref<1x256x128xf32, #tpu.memory_space<vmem>> -> memref<256x128xf32, #tpu.memory_space<vmem>>
        %gather3A_883 = tpu.vector_load_idx %gather3A_882[%add3A_246, %add3A_829] : memref<256x128xf32, #tpu.memory_space<vmem>>[vector<16xi32>, vector<16xi32>], vector<16xf32>,
        %gather3A_884 = arith.constant 0 : i32
        %gather3A_885 = arith.constant 0 : i32
        %gather3A_886 = tpu.memref_slice %arg7[%scan3A_174, %gather3A_884, %gather3A_885] : memref<2x256x128xf32, #tpu.memory_space<vmem>> -> memref<1x256x128xf32, #tpu.memory_space<vmem>>
        %gather3A_887 = tpu.memref_squeeze %gather3A_886 : memref<1x256x128xf32, #tpu.memory_space<vmem>> -> memref<256x128xf32, #tpu.memory_space<vmem>>
        %gather3A_888 = tpu.vector_load_idx %gather3A_887[%add3A_246, %add3A_832] : memref<256x128xf32, #tpu.memory_space<vmem>>[vector<16xi32>, vector<16xi32>], vector<16xf32>,
        %gather3A_889 = arith.constant 0 : i32
        %gather3A_890 = arith.constant 0 : i32
        %gather3A_891 = tpu.memref_slice %arg7[%scan3A_174, %gather3A_889, %gather3A_890] : memref<2x256x128xf32, #tpu.memory_space<vmem>> -> memref<1x256x128xf32, #tpu.memory_space<vmem>>
        %gather3A_892 = tpu.memref_squeeze %gather3A_891 : memref<1x256x128xf32, #tpu.memory_space<vmem>> -> memref<256x128xf32, #tpu.memory_space<vmem>>
        %gather3A_893 = tpu.vector_load_idx %gather3A_892[%add3A_246, %add3A_835] : memref<256x128xf32, #tpu.memory_space<vmem>>[vector<16xi32>, vector<16xi32>], vector<16xf32>,
        %gather3A_894 = arith.constant 0 : i32
        %gather3A_895 = arith.constant 0 : i32
        %gather3A_896 = tpu.memref_slice %arg7[%scan3A_174, %gather3A_894, %gather3A_895] : memref<2x256x128xf32, #tpu.memory_space<vmem>> -> memref<1x256x128xf32, #tpu.memory_space<vmem>>
        %gather3A_897 = tpu.memref_squeeze %gather3A_896 : memref<1x256x128xf32, #tpu.memory_space<vmem>> -> memref<256x128xf32, #tpu.memory_space<vmem>>
        %gather3A_898 = tpu.vector_load_idx %gather3A_897[%add3A_246, %add3A_838] : memref<256x128xf32, #tpu.memory_space<vmem>>[vector<16xi32>, vector<16xi32>], vector<16xf32>,
        %gather3A_899 = arith.constant 0 : i32
        %gather3A_900 = arith.constant 0 : i32
        %gather3A_901 = tpu.memref_slice %arg7[%scan3A_174, %gather3A_899, %gather3A_900] : memref<2x256x128xf32, #tpu.memory_space<vmem>> -> memref<1x256x128xf32, #tpu.memory_space<vmem>>
        %gather3A_902 = tpu.memref_squeeze %gather3A_901 : memref<1x256x128xf32, #tpu.memory_space<vmem>> -> memref<256x128xf32, #tpu.memory_space<vmem>>
        %gather3A_903 = tpu.vector_load_idx %gather3A_902[%add3A_246, %add3A_841] : memref<256x128xf32, #tpu.memory_space<vmem>>[vector<16xi32>, vector<16xi32>], vector<16xf32>,
        %gather3A_904 = arith.constant 0 : i32
        %gather3A_905 = arith.constant 0 : i32
        %gather3A_906 = tpu.memref_slice %arg7[%scan3A_174, %gather3A_904, %gather3A_905] : memref<2x256x128xf32, #tpu.memory_space<vmem>> -> memref<1x256x128xf32, #tpu.memory_space<vmem>>
        %gather3A_907 = tpu.memref_squeeze %gather3A_906 : memref<1x256x128xf32, #tpu.memory_space<vmem>> -> memref<256x128xf32, #tpu.memory_space<vmem>>
        %gather3A_908 = tpu.vector_load_idx %gather3A_907[%add3A_246, %add3A_844] : memref<256x128xf32, #tpu.memory_space<vmem>>[vector<16xi32>, vector<16xi32>], vector<16xf32>,
        %gather3A_909 = arith.constant 0 : i32
        %gather3A_910 = arith.constant 0 : i32
        %gather3A_911 = tpu.memref_slice %arg7[%scan3A_174, %gather3A_909, %gather3A_910] : memref<2x256x128xf32, #tpu.memory_space<vmem>> -> memref<1x256x128xf32, #tpu.memory_space<vmem>>
        %gather3A_912 = tpu.memref_squeeze %gather3A_911 : memref<1x256x128xf32, #tpu.memory_space<vmem>> -> memref<256x128xf32, #tpu.memory_space<vmem>>
        %gather3A_913 = tpu.vector_load_idx %gather3A_912[%add3A_246, %add3A_847] : memref<256x128xf32, #tpu.memory_space<vmem>>[vector<16xi32>, vector<16xi32>], vector<16xf32>,
        %gather3A_914 = arith.constant 0 : i32
        %gather3A_915 = arith.constant 0 : i32
        %gather3A_916 = tpu.memref_slice %arg7[%scan3A_174, %gather3A_914, %gather3A_915] : memref<2x256x128xf32, #tpu.memory_space<vmem>> -> memref<1x256x128xf32, #tpu.memory_space<vmem>>
        %gather3A_917 = tpu.memref_squeeze %gather3A_916 : memref<1x256x128xf32, #tpu.memory_space<vmem>> -> memref<256x128xf32, #tpu.memory_space<vmem>>
        %gather3A_918 = tpu.vector_load_idx %gather3A_917[%add3A_246, %add3A_850] : memref<256x128xf32, #tpu.memory_space<vmem>>[vector<16xi32>, vector<16xi32>], vector<16xf32>,
        %gather3A_919 = arith.constant 0 : i32
        %gather3A_920 = arith.constant 0 : i32
        %gather3A_921 = tpu.memref_slice %arg7[%scan3A_174, %gather3A_919, %gather3A_920] : memref<2x256x128xf32, #tpu.memory_space<vmem>> -> memref<1x256x128xf32, #tpu.memory_space<vmem>>
        %gather3A_922 = tpu.memref_squeeze %gather3A_921 : memref<1x256x128xf32, #tpu.memory_space<vmem>> -> memref<256x128xf32, #tpu.memory_space<vmem>>
        %gather3A_923 = tpu.vector_load_idx %gather3A_922[%add3A_246, %add3A_853] : memref<256x128xf32, #tpu.memory_space<vmem>>[vector<16xi32>, vector<16xi32>], vector<16xf32>,
        %gather3A_924 = arith.constant 0 : i32
        %gather3A_925 = arith.constant 0 : i32
        %gather3A_926 = tpu.memref_slice %arg7[%scan3A_174, %gather3A_924, %gather3A_925] : memref<2x256x128xf32, #tpu.memory_space<vmem>> -> memref<1x256x128xf32, #tpu.memory_space<vmem>>
        %gather3A_927 = tpu.memref_squeeze %gather3A_926 : memref<1x256x128xf32, #tpu.memory_space<vmem>> -> memref<256x128xf32, #tpu.memory_space<vmem>>
        %gather3A_928 = tpu.vector_load_idx %gather3A_927[%add3A_246, %add3A_856] : memref<256x128xf32, #tpu.memory_space<vmem>>[vector<16xi32>, vector<16xi32>], vector<16xf32>,
        %gather3A_929 = arith.constant 0 : i32
        %gather3A_930 = arith.constant 0 : i32
        %gather3A_931 = tpu.memref_slice %arg7[%scan3A_174, %gather3A_929, %gather3A_930] : memref<2x256x128xf32, #tpu.memory_space<vmem>> -> memref<1x256x128xf32, #tpu.memory_space<vmem>>
        %gather3A_932 = tpu.memref_squeeze %gather3A_931 : memref<1x256x128xf32, #tpu.memory_space<vmem>> -> memref<256x128xf32, #tpu.memory_space<vmem>>
        %gather3A_933 = tpu.vector_load_idx %gather3A_932[%add3A_246, %add3A_859] : memref<256x128xf32, #tpu.memory_space<vmem>>[vector<16xi32>, vector<16xi32>], vector<16xf32>,
        %gather3A_934 = arith.constant 0 : i32
        %gather3A_935 = arith.constant 0 : i32
        %gather3A_936 = tpu.memref_slice %arg7[%scan3A_174, %gather3A_934, %gather3A_935] : memref<2x256x128xf32, #tpu.memory_space<vmem>> -> memref<1x256x128xf32, #tpu.memory_space<vmem>>
        %gather3A_937 = tpu.memref_squeeze %gather3A_936 : memref<1x256x128xf32, #tpu.memory_space<vmem>> -> memref<256x128xf32, #tpu.memory_space<vmem>>
        %gather3A_938 = tpu.vector_load_idx %gather3A_937[%add3A_246, %add3A_862] : memref<256x128xf32, #tpu.memory_space<vmem>>[vector<16xi32>, vector<16xi32>], vector<16xf32>,
        %gather3A_939 = arith.constant 0 : i32
        %gather3A_940 = arith.constant 0 : i32
        %gather3A_941 = tpu.memref_slice %arg7[%scan3A_174, %gather3A_939, %gather3A_940] : memref<2x256x128xf32, #tpu.memory_space<vmem>> -> memref<1x256x128xf32, #tpu.memory_space<vmem>>
        %gather3A_942 = tpu.memref_squeeze %gather3A_941 : memref<1x256x128xf32, #tpu.memory_space<vmem>> -> memref<256x128xf32, #tpu.memory_space<vmem>>
        %gather3A_943 = tpu.vector_load_idx %gather3A_942[%add3A_246, %add3A_865] : memref<256x128xf32, #tpu.memory_space<vmem>>[vector<16xi32>, vector<16xi32>], vector<16xf32>,
        %gather3A_944 = arith.constant 0 : i32
        %gather3A_945 = arith.constant 0 : i32
        %gather3A_946 = tpu.memref_slice %arg7[%scan3A_174, %gather3A_944, %gather3A_945] : memref<2x256x128xf32, #tpu.memory_space<vmem>> -> memref<1x256x128xf32, #tpu.memory_space<vmem>>
        %gather3A_947 = tpu.memref_squeeze %gather3A_946 : memref<1x256x128xf32, #tpu.memory_space<vmem>> -> memref<256x128xf32, #tpu.memory_space<vmem>>
        %gather3A_948 = tpu.vector_load_idx %gather3A_947[%add3A_246, %add3A_868] : memref<256x128xf32, #tpu.memory_space<vmem>>[vector<16xi32>, vector<16xi32>], vector<16xf32>,
        %scatter3A_949 = arith.constant 0 : i32
        %scatter3A_950 = arith.constant 0 : i32
        %scatter3A_951 = tpu.memref_slice %arg8[%scan3A_175, %scatter3A_949, %scatter3A_950] : memref<2x64x256xf32, #tpu.memory_space<vmem>> -> memref<1x64x256xf32, #tpu.memory_space<vmem>>
        %scatter3A_952 = tpu.memref_squeeze %scatter3A_951 : memref<1x64x256xf32, #tpu.memory_space<vmem>> -> memref<64x256xf32, #tpu.memory_space<vmem>>
        tpu.vector_store_idx %scatter3A_952[%add3A_823, %add3A_246], %gather3A_873 : memref<64x256xf32, #tpu.memory_space<vmem>>[vector<16xi32>, vector<16xi32>], vector<16xf32>,
        %scatter3A_953 = arith.constant 0 : i32
        %scatter3A_954 = arith.constant 0 : i32
        %scatter3A_955 = tpu.memref_slice %arg8[%scan3A_175, %scatter3A_953, %scatter3A_954] : memref<2x64x256xf32, #tpu.memory_space<vmem>> -> memref<1x64x256xf32, #tpu.memory_space<vmem>>
        %scatter3A_956 = tpu.memref_squeeze %scatter3A_955 : memref<1x64x256xf32, #tpu.memory_space<vmem>> -> memref<64x256xf32, #tpu.memory_space<vmem>>
        tpu.vector_store_idx %scatter3A_956[%add3A_826, %add3A_246], %gather3A_878 : memref<64x256xf32, #tpu.memory_space<vmem>>[vector<16xi32>, vector<16xi32>], vector<16xf32>,
        %scatter3A_957 = arith.constant 0 : i32
        %scatter3A_958 = arith.constant 0 : i32
        %scatter3A_959 = tpu.memref_slice %arg8[%scan3A_175, %scatter3A_957, %scatter3A_958] : memref<2x64x256xf32, #tpu.memory_space<vmem>> -> memref<1x64x256xf32, #tpu.memory_space<vmem>>
        %scatter3A_960 = tpu.memref_squeeze %scatter3A_959 : memref<1x64x256xf32, #tpu.memory_space<vmem>> -> memref<64x256xf32, #tpu.memory_space<vmem>>
        tpu.vector_store_idx %scatter3A_960[%add3A_829, %add3A_246], %gather3A_883 : memref<64x256xf32, #tpu.memory_space<vmem>>[vector<16xi32>, vector<16xi32>], vector<16xf32>,
        %scatter3A_961 = arith.constant 0 : i32
        %scatter3A_962 = arith.constant 0 : i32
        %scatter3A_963 = tpu.memref_slice %arg8[%scan3A_175, %scatter3A_961, %scatter3A_962] : memref<2x64x256xf32, #tpu.memory_space<vmem>> -> memref<1x64x256xf32, #tpu.memory_space<vmem>>
        %scatter3A_964 = tpu.memref_squeeze %scatter3A_963 : memref<1x64x256xf32, #tpu.memory_space<vmem>> -> memref<64x256xf32, #tpu.memory_space<vmem>>
        tpu.vector_store_idx %scatter3A_964[%add3A_832, %add3A_246], %gather3A_888 : memref<64x256xf32, #tpu.memory_space<vmem>>[vector<16xi32>, vector<16xi32>], vector<16xf32>,
        %scatter3A_965 = arith.constant 0 : i32
        %scatter3A_966 = arith.constant 0 : i32
        %scatter3A_967 = tpu.memref_slice %arg8[%scan3A_175, %scatter3A_965, %scatter3A_966] : memref<2x64x256xf32, #tpu.memory_space<vmem>> -> memref<1x64x256xf32, #tpu.memory_space<vmem>>
        %scatter3A_968 = tpu.memref_squeeze %scatter3A_967 : memref<1x64x256xf32, #tpu.memory_space<vmem>> -> memref<64x256xf32, #tpu.memory_space<vmem>>
        tpu.vector_store_idx %scatter3A_968[%add3A_835, %add3A_246], %gather3A_893 : memref<64x256xf32, #tpu.memory_space<vmem>>[vector<16xi32>, vector<16xi32>], vector<16xf32>,
        %scatter3A_969 = arith.constant 0 : i32
        %scatter3A_970 = arith.constant 0 : i32
        %scatter3A_971 = tpu.memref_slice %arg8[%scan3A_175, %scatter3A_969, %scatter3A_970] : memref<2x64x256xf32, #tpu.memory_space<vmem>> -> memref<1x64x256xf32, #tpu.memory_space<vmem>>
        %scatter3A_972 = tpu.memref_squeeze %scatter3A_971 : memref<1x64x256xf32, #tpu.memory_space<vmem>> -> memref<64x256xf32, #tpu.memory_space<vmem>>
        tpu.vector_store_idx %scatter3A_972[%add3A_838, %add3A_246], %gather3A_898 : memref<64x256xf32, #tpu.memory_space<vmem>>[vector<16xi32>, vector<16xi32>], vector<16xf32>,
        %scatter3A_973 = arith.constant 0 : i32
        %scatter3A_974 = arith.constant 0 : i32
        %scatter3A_975 = tpu.memref_slice %arg8[%scan3A_175, %scatter3A_973, %scatter3A_974] : memref<2x64x256xf32, #tpu.memory_space<vmem>> -> memref<1x64x256xf32, #tpu.memory_space<vmem>>
        %scatter3A_976 = tpu.memref_squeeze %scatter3A_975 : memref<1x64x256xf32, #tpu.memory_space<vmem>> -> memref<64x256xf32, #tpu.memory_space<vmem>>
        tpu.vector_store_idx %scatter3A_976[%add3A_841, %add3A_246], %gather3A_903 : memref<64x256xf32, #tpu.memory_space<vmem>>[vector<16xi32>, vector<16xi32>], vector<16xf32>,
        %scatter3A_977 = arith.constant 0 : i32
        %scatter3A_978 = arith.constant 0 : i32
        %scatter3A_979 = tpu.memref_slice %arg8[%scan3A_175, %scatter3A_977, %scatter3A_978] : memref<2x64x256xf32, #tpu.memory_space<vmem>> -> memref<1x64x256xf32, #tpu.memory_space<vmem>>
        %scatter3A_980 = tpu.memref_squeeze %scatter3A_979 : memref<1x64x256xf32, #tpu.memory_space<vmem>> -> memref<64x256xf32, #tpu.memory_space<vmem>>
        tpu.vector_store_idx %scatter3A_980[%add3A_844, %add3A_246], %gather3A_908 : memref<64x256xf32, #tpu.memory_space<vmem>>[vector<16xi32>, vector<16xi32>], vector<16xf32>,
        %scatter3A_981 = arith.constant 0 : i32
        %scatter3A_982 = arith.constant 0 : i32
        %scatter3A_983 = tpu.memref_slice %arg8[%scan3A_175, %scatter3A_981, %scatter3A_982] : memref<2x64x256xf32, #tpu.memory_space<vmem>> -> memref<1x64x256xf32, #tpu.memory_space<vmem>>
        %scatter3A_984 = tpu.memref_squeeze %scatter3A_983 : memref<1x64x256xf32, #tpu.memory_space<vmem>> -> memref<64x256xf32, #tpu.memory_space<vmem>>
        tpu.vector_store_idx %scatter3A_984[%add3A_847, %add3A_246], %gather3A_913 : memref<64x256xf32, #tpu.memory_space<vmem>>[vector<16xi32>, vector<16xi32>], vector<16xf32>,
        %scatter3A_985 = arith.constant 0 : i32
        %scatter3A_986 = arith.constant 0 : i32
        %scatter3A_987 = tpu.memref_slice %arg8[%scan3A_175, %scatter3A_985, %scatter3A_986] : memref<2x64x256xf32, #tpu.memory_space<vmem>> -> memref<1x64x256xf32, #tpu.memory_space<vmem>>
        %scatter3A_988 = tpu.memref_squeeze %scatter3A_987 : memref<1x64x256xf32, #tpu.memory_space<vmem>> -> memref<64x256xf32, #tpu.memory_space<vmem>>
        tpu.vector_store_idx %scatter3A_988[%add3A_850, %add3A_246], %gather3A_918 : memref<64x256xf32, #tpu.memory_space<vmem>>[vector<16xi32>, vector<16xi32>], vector<16xf32>,
        %scatter3A_989 = arith.constant 0 : i32
        %scatter3A_990 = arith.constant 0 : i32
        %scatter3A_991 = tpu.memref_slice %arg8[%scan3A_175, %scatter3A_989, %scatter3A_990] : memref<2x64x256xf32, #tpu.memory_space<vmem>> -> memref<1x64x256xf32, #tpu.memory_space<vmem>>
        %scatter3A_992 = tpu.memref_squeeze %scatter3A_991 : memref<1x64x256xf32, #tpu.memory_space<vmem>> -> memref<64x256xf32, #tpu.memory_space<vmem>>
        tpu.vector_store_idx %scatter3A_992[%add3A_853, %add3A_246], %gather3A_923 : memref<64x256xf32, #tpu.memory_space<vmem>>[vector<16xi32>, vector<16xi32>], vector<16xf32>,
        %scatter3A_993 = arith.constant 0 : i32
        %scatter3A_994 = arith.constant 0 : i32
        %scatter3A_995 = tpu.memref_slice %arg8[%scan3A_175, %scatter3A_993, %scatter3A_994] : memref<2x64x256xf32, #tpu.memory_space<vmem>> -> memref<1x64x256xf32, #tpu.memory_space<vmem>>
        %scatter3A_996 = tpu.memref_squeeze %scatter3A_995 : memref<1x64x256xf32, #tpu.memory_space<vmem>> -> memref<64x256xf32, #tpu.memory_space<vmem>>
        tpu.vector_store_idx %scatter3A_996[%add3A_856, %add3A_246], %gather3A_928 : memref<64x256xf32, #tpu.memory_space<vmem>>[vector<16xi32>, vector<16xi32>], vector<16xf32>,
        %scatter3A_997 = arith.constant 0 : i32
        %scatter3A_998 = arith.constant 0 : i32
        %scatter3A_999 = tpu.memref_slice %arg8[%scan3A_175, %scatter3A_997, %scatter3A_998] : memref<2x64x256xf32, #tpu.memory_space<vmem>> -> memref<1x64x256xf32, #tpu.memory_space<vmem>>
        %scatter3A_1000 = tpu.memref_squeeze %scatter3A_999 : memref<1x64x256xf32, #tpu.memory_space<vmem>> -> memref<64x256xf32, #tpu.memory_space<vmem>>
        tpu.vector_store_idx %scatter3A_1000[%add3A_859, %add3A_246], %gather3A_933 : memref<64x256xf32, #tpu.memory_space<vmem>>[vector<16xi32>, vector<16xi32>], vector<16xf32>,
        %scatter3A_1001 = arith.constant 0 : i32
        %scatter3A_1002 = arith.constant 0 : i32
        %scatter3A_1003 = tpu.memref_slice %arg8[%scan3A_175, %scatter3A_1001, %scatter3A_1002] : memref<2x64x256xf32, #tpu.memory_space<vmem>> -> memref<1x64x256xf32, #tpu.memory_space<vmem>>
        %scatter3A_1004 = tpu.memref_squeeze %scatter3A_1003 : memref<1x64x256xf32, #tpu.memory_space<vmem>> -> memref<64x256xf32, #tpu.memory_space<vmem>>
        tpu.vector_store_idx %scatter3A_1004[%add3A_862, %add3A_246], %gather3A_938 : memref<64x256xf32, #tpu.memory_space<vmem>>[vector<16xi32>, vector<16xi32>], vector<16xf32>,
        %scatter3A_1005 = arith.constant 0 : i32
        %scatter3A_1006 = arith.constant 0 : i32
        %scatter3A_1007 = tpu.memref_slice %arg8[%scan3A_175, %scatter3A_1005, %scatter3A_1006] : memref<2x64x256xf32, #tpu.memory_space<vmem>> -> memref<1x64x256xf32, #tpu.memory_space<vmem>>
        %scatter3A_1008 = tpu.memref_squeeze %scatter3A_1007 : memref<1x64x256xf32, #tpu.memory_space<vmem>> -> memref<64x256xf32, #tpu.memory_space<vmem>>
        tpu.vector_store_idx %scatter3A_1008[%add3A_865, %add3A_246], %gather3A_943 : memref<64x256xf32, #tpu.memory_space<vmem>>[vector<16xi32>, vector<16xi32>], vector<16xf32>,
        %scatter3A_1009 = arith.constant 0 : i32
        %scatter3A_1010 = arith.constant 0 : i32
        %scatter3A_1011 = tpu.memref_slice %arg8[%scan3A_175, %scatter3A_1009, %scatter3A_1010] : memref<2x64x256xf32, #tpu.memory_space<vmem>> -> memref<1x64x256xf32, #tpu.memory_space<vmem>>
        %scatter3A_1012 = tpu.memref_squeeze %scatter3A_1011 : memref<1x64x256xf32, #tpu.memory_space<vmem>> -> memref<64x256xf32, #tpu.memory_space<vmem>>
        tpu.vector_store_idx %scatter3A_1012[%add3A_868, %add3A_246], %gather3A_948 : memref<64x256xf32, #tpu.memory_space<vmem>>[vector<16xi32>, vector<16xi32>], vector<16xf32>,
      }
      %scan3A_180 = arith.constant 16 : i32
      %add3A_181 = arith.constant 0 : i32
      %add3A_182 = arith.addi %mul3A_2, %add3A_181 : i32
      %dma_start3A_183 = arith.constant 0 : i32
      %dma_start3A_184 = arith.constant 0 : i32
      %dma_start3A_185 = arith.constant 0 : i32
      %dma_start3A_186 = tpu.memref_slice %arg8[%dma_start3A_183, %dma_start3A_184, %dma_start3A_185] : memref<2x64x256xf32, #tpu.memory_space<vmem>> -> memref<1x64x256xf32, #tpu.memory_space<vmem>>
      %dma_start3A_187 = tpu.memref_squeeze %dma_start3A_186 : memref<1x64x256xf32, #tpu.memory_space<vmem>> -> memref<64x256xf32, #tpu.memory_space<vmem>>
      %dma_start3A_188 = arith.constant 0 : i32
      %dma_start3A_189 = tpu.memref_slice %arg4[%scan3A_149, %dma_start3A_188, %add3A_182] : memref<200x64x16384xf32, #tpu.memory_space<hbm>> -> memref<1x64x256xf32, #tpu.memory_space<hbm>>
      %dma_start3A_190 = tpu.memref_squeeze %dma_start3A_189 : memref<1x64x256xf32, #tpu.memory_space<hbm>> -> memref<64x256xf32, #tpu.memory_space<hbm>>
      %dma_start3A_191 = arith.constant 0 : i32
      %dma_start3A_192 = tpu.memref_slice %arg4[%scan3A_149, %dma_start3A_191, %add3A_182] : memref<200x64x16384xf32, #tpu.memory_space<hbm>> -> memref<1x64x256xf32, #tpu.memory_space<hbm>>
      %dma_start3A_193 = tpu.memref_squeeze %dma_start3A_192 : memref<1x64x256xf32, #tpu.memory_space<hbm>> -> memref<64x256xf32, #tpu.memory_space<hbm>>
      %dma_start3A_194 = arith.constant 0 : i32
      %dma_start3A_195 = arith.constant 0 : i32
      %dma_start3A_196 = tpu.memref_slice %arg8[%dma_start3A_183, %dma_start3A_194, %dma_start3A_195] : memref<2x64x256xf32, #tpu.memory_space<vmem>> -> memref<1x64x256xf32, #tpu.memory_space<vmem>>
      %dma_start3A_197 = tpu.memref_squeeze %dma_start3A_196 : memref<1x64x256xf32, #tpu.memory_space<vmem>> -> memref<64x256xf32, #tpu.memory_space<vmem>>
      tpu.enqueue_dma source(%dma_start3A_197 : memref<64x256xf32, #tpu.memory_space<vmem>>) target(%dma_start3A_193 : memref<64x256xf32, #tpu.memory_space<hbm>>) target_semaphore(%arg11 : memref<!tpu.dma_semaphore, #tpu.memory_space<semaphore_mem>>)
      %add3A_198 = arith.constant 1 : i32
      %add3A_199 = arith.addi %scan3A_149, %add3A_198 : i32
      %le3A = arith.constant 199 : i32
      %le3A_200 = arith.cmpi sle, %add3A_199, %le3A : i32
      %convert_element_type3A_201 = arith.extui %le3A_200 : i1 to i32
      %cond3A_202 = arith.constant 0 : i32
      %cond3A_203 = arith.cmpi ne, %convert_element_type3A_201, %cond3A_202 : i32
      scf.if %cond3A_203 {
        %add3A_242 = arith.constant 1 : i32
        %add3A_243 = arith.addi %scan3A_149, %add3A_242 : i32
        %mul3A_244 = arith.constant 16384 : i32
        %mul3A_245 = arith.muli %add3A_243, %mul3A_244 : i32
        %add3A_246 = arith.addi %mul3A_245, %mul3A_2 : i32
        %add3A_247 = arith.constant 0 : i32
        %add3A_248 = arith.addi %add3A_246, %add3A_247 : i32
        "tpu.region"() ({
          %run_scoped3A = tpu.sem_alloc : memref<!tpu.dma_semaphore, #tpu.memory_space<semaphore_mem>>
          %dma_start3A_257 = tpu.memref_slice %arg2[%add3A_248] : memref<3276800xi32, #tpu.memory_space<hbm>> -> memref<256xi32, #tpu.memory_space<hbm>>
          %dma_start3A_258 = tpu.memref_slice %arg2[%add3A_248] : memref<3276800xi32, #tpu.memory_space<hbm>> -> memref<256xi32, #tpu.memory_space<hbm>>
          tpu.enqueue_dma source(%dma_start3A_258 : memref<256xi32, #tpu.memory_space<hbm>>) target(%arg5 : memref<256xi32, #tpu.memory_space<vmem>>) target_semaphore(%run_scoped3A : memref<!tpu.dma_semaphore, #tpu.memory_space<semaphore_mem>>)
          %dma_wait3A_259 = tpu.memref_slice %arg2[%add3A_248] : memref<3276800xi32, #tpu.memory_space<hbm>> -> memref<256xi32, #tpu.memory_space<hbm>>
          %dma_wait3A_260 = tpu.memref_slice %arg2[%add3A_248] : memref<3276800xi32, #tpu.memory_space<hbm>> -> memref<256xi32, #tpu.memory_space<hbm>>
          tpu.wait_dma2 semaphore(%run_scoped3A : memref<!tpu.dma_semaphore, #tpu.memory_space<semaphore_mem>>) src(%dma_wait3A_260 : memref<256xi32, #tpu.memory_space<hbm>>) dst(%arg5 : memref<256xi32, #tpu.memory_space<vmem>>)
          tpu.yield
        }) : () -> ()
        %dma_start3A_249 = arith.constant 0 : i32
        %dma_start3A_250 = arith.constant 0 : i32
        %dma_start3A_251 = arith.constant 0 : i32
        %dma_start3A_252 = tpu.memref_slice %arg7[%dma_start3A_249, %dma_start3A_250, %dma_start3A_251] : memref<2x256x128xf32, #tpu.memory_space<vmem>> -> memref<1x256x128xf32, #tpu.memory_space<vmem>>
        %dma_start3A_253 = tpu.memref_squeeze %dma_start3A_252 : memref<1x256x128xf32, #tpu.memory_space<vmem>> -> memref<256x128xf32, #tpu.memory_space<vmem>>
        %dma_start3A_254 = arith.constant 0 : i32
        %dma_start3A_255 = arith.constant 0 : i32
        %dma_start3A_256 = tpu.memref_slice %arg3[%dma_start3A_254, %dma_start3A_255] : memref<100000x128xf32, #tpu.memory_space<hbm>> -> memref<100000x128xf32, #tpu.memory_space<hbm>>
        tpu.enqueue_indirect_dma source(%dma_start3A_256 : memref<100000x128xf32, #tpu.memory_space<hbm>>) target(%dma_start3A_253 : memref<256x128xf32, #tpu.memory_space<vmem>>) offsets(%arg5 : memref<256xi32, #tpu.memory_space<vmem>>) semaphore(%arg9 : memref<!tpu.dma_semaphore, #tpu.memory_space<semaphore_mem>>)
      } else {
      }
      %dma_wait3A_204 = arith.constant 1 : i32
      %dma_wait3A_205 = arith.constant 0 : i32
      %dma_wait3A_206 = arith.constant 0 : i32
      %dma_wait3A_207 = tpu.memref_slice %arg7[%dma_wait3A_204, %dma_wait3A_205, %dma_wait3A_206] : memref<2x256x128xf32, #tpu.memory_space<vmem>> -> memref<1x256x128xf32, #tpu.memory_space<vmem>>
      %dma_wait3A_208 = tpu.memref_squeeze %dma_wait3A_207 : memref<1x256x128xf32, #tpu.memory_space<vmem>> -> memref<256x128xf32, #tpu.memory_space<vmem>>
      %dma_wait3A_209 = arith.constant 0 : i32
      %dma_wait3A_210 = arith.constant 0 : i32
      %dma_wait3A_211 = tpu.memref_slice %arg3[%dma_wait3A_209, %dma_wait3A_210] : memref<100000x128xf32, #tpu.memory_space<hbm>> -> memref<100000x128xf32, #tpu.memory_space<hbm>>
      tpu.wait_indirect_dma semaphore(%arg10 : memref<!tpu.dma_semaphore, #tpu.memory_space<semaphore_mem>>) src(%dma_wait3A_211 : memref<100000x128xf32, #tpu.memory_space<hbm>>) dst(%dma_wait3A_208 : memref<256x128xf32, #tpu.memory_space<vmem>>)
      %ge3A_212 = arith.constant 1 : i32
      %ge3A_213 = arith.cmpi sge, %scan3A_149, %ge3A_212 : i32
      %convert_element_type3A_214 = arith.extui %ge3A_213 : i1 to i32
      %cond3A_215 = arith.constant 0 : i32
      %cond3A_216 = arith.cmpi ne, %convert_element_type3A_214, %cond3A_215 : i32
      scf.if %cond3A_216 {
        %sub3A = arith.constant 1 : i32
        %sub3A_242 = arith.subi %scan3A_149, %sub3A : i32
        %add3A_243 = arith.constant 256 : i32
        %add3A_244 = arith.addi %mul3A_2, %add3A_243 : i32
        %dma_wait3A_245 = arith.constant 1 : i32
        %dma_wait3A_246 = arith.constant 0 : i32
        %dma_wait3A_247 = arith.constant 0 : i32
        %dma_wait3A_248 = tpu.memref_slice %arg8[%dma_wait3A_245, %dma_wait3A_246, %dma_wait3A_247] : memref<2x64x256xf32, #tpu.memory_space<vmem>> -> memref<1x64x256xf32, #tpu.memory_space<vmem>>
        %dma_wait3A_249 = tpu.memref_squeeze %dma_wait3A_248 : memref<1x64x256xf32, #tpu.memory_space<vmem>> -> memref<64x256xf32, #tpu.memory_space<vmem>>
        %dma_wait3A_250 = arith.constant 0 : i32
        %dma_wait3A_251 = tpu.memref_slice %arg4[%sub3A_242, %dma_wait3A_250, %add3A_244] : memref<200x64x16384xf32, #tpu.memory_space<hbm>> -> memref<1x64x256xf32, #tpu.memory_space<hbm>>
        %dma_wait3A_252 = tpu.memref_squeeze %dma_wait3A_251 : memref<1x64x256xf32, #tpu.memory_space<hbm>> -> memref<64x256xf32, #tpu.memory_space<hbm>>
        %dma_wait3A_253 = arith.constant 0 : i32
        %dma_wait3A_254 = tpu.memref_slice %arg4[%sub3A_242, %dma_wait3A_253, %add3A_244] : memref<200x64x16384xf32, #tpu.memory_space<hbm>> -> memref<1x64x256xf32, #tpu.memory_space<hbm>>
        %dma_wait3A_255 = tpu.memref_squeeze %dma_wait3A_254 : memref<1x64x256xf32, #tpu.memory_space<hbm>> -> memref<64x256xf32, #tpu.memory_space<hbm>>
        %dma_wait3A_256 = arith.constant 0 : i32
        %dma_wait3A_257 = arith.constant 0 : i32
        %dma_wait3A_258 = tpu.memref_slice %arg8[%dma_wait3A_245, %dma_wait3A_256, %dma_wait3A_257] : memref<2x64x256xf32, #tpu.memory_space<vmem>> -> memref<1x64x256xf32, #tpu.memory_space<vmem>>
        %dma_wait3A_259 = tpu.memref_squeeze %dma_wait3A_258 : memref<1x64x256xf32, #tpu.memory_space<vmem>> -> memref<64x256xf32, #tpu.memory_space<vmem>>
        tpu.wait_dma2 semaphore(%arg12 : memref<!tpu.dma_semaphore, #tpu.memory_space<semaphore_mem>>) src(%dma_wait3A_259 : memref<64x256xf32, #tpu.memory_space<vmem>>) dst(%dma_wait3A_255 : memref<64x256xf32, #tpu.memory_space<hbm>>)
      } else {
      }
      %scan3A_217 = arith.constant 0 : i32
      %scan3A_218 = arith.constant 1 : i32
      %scan3A_219 = arith.constant 1 : i32
      %scan3A_220 = arith.constant 0 : i32
      %scan3A_221 = arith.constant 16 : i32
      %scan3A_222 = arith.addi %scan3A_220, %scan3A_221 : i32
      %scan3A_223 = arith.constant 1 : i32
      scf.for %scan3A_242 = %scan3A_220 to %scan3A_222 step %scan3A_223  : i32 {
        %mul3A_243 = arith.constant 16 : i32
        %mul3A_244 = arith.muli %scan3A_242, %mul3A_243 : i32
        %add3A_245 = vector.broadcast %mul3A_244 : i32 to vector<16xi32>
        %add3A_246 = arith.addi %iota3A, %add3A_245 : vector<16xi32>
        %add3A_247 = arith.constant 0 : i32
        %add3A_248 = vector.broadcast %add3A_247 : i32 to vector<16xi32>
        %add3A_249 = arith.addi %rem3A_7, %add3A_248 : vector<16xi32>
        %add3A_250 = arith.constant 0 : i32
        %add3A_251 = vector.broadcast %add3A_250 : i32 to vector<16xi32>
        %add3A_252 = arith.addi %rem3A_13, %add3A_251 : vector<16xi32>
        %add3A_253 = arith.constant 0 : i32
        %add3A_254 = vector.broadcast %add3A_253 : i32 to vector<16xi32>
        %add3A_255 = arith.addi %rem3A_19, %add3A_254 : vector<16xi32>
        %add3A_256 = arith.constant 0 : i32
        %add3A_257 = vector.broadcast %add3A_256 : i32 to vector<16xi32>
        %add3A_258 = arith.addi %rem3A_25, %add3A_257 : vector<16xi32>
        %add3A_259 = arith.constant 0 : i32
        %add3A_260 = vector.broadcast %add3A_259 : i32 to vector<16xi32>
        %add3A_261 = arith.addi %rem3A_31, %add3A_260 : vector<16xi32>
        %add3A_262 = arith.constant 0 : i32
        %add3A_263 = vector.broadcast %add3A_262 : i32 to vector<16xi32>
        %add3A_264 = arith.addi %rem3A_37, %add3A_263 : vector<16xi32>
        %add3A_265 = arith.constant 0 : i32
        %add3A_266 = vector.broadcast %add3A_265 : i32 to vector<16xi32>
        %add3A_267 = arith.addi %rem3A_43, %add3A_266 : vector<16xi32>
        %add3A_268 = arith.constant 0 : i32
        %add3A_269 = vector.broadcast %add3A_268 : i32 to vector<16xi32>
        %add3A_270 = arith.addi %rem3A_49, %add3A_269 : vector<16xi32>
        %add3A_271 = arith.constant 0 : i32
        %add3A_272 = vector.broadcast %add3A_271 : i32 to vector<16xi32>
        %add3A_273 = arith.addi %rem3A_55, %add3A_272 : vector<16xi32>
        %add3A_274 = arith.constant 0 : i32
        %add3A_275 = vector.broadcast %add3A_274 : i32 to vector<16xi32>
        %add3A_276 = arith.addi %rem3A_61, %add3A_275 : vector<16xi32>
        %add3A_277 = arith.constant 0 : i32
        %add3A_278 = vector.broadcast %add3A_277 : i32 to vector<16xi32>
        %add3A_279 = arith.addi %rem3A_67, %add3A_278 : vector<16xi32>
        %add3A_280 = arith.constant 0 : i32
        %add3A_281 = vector.broadcast %add3A_280 : i32 to vector<16xi32>
        %add3A_282 = arith.addi %rem3A_73, %add3A_281 : vector<16xi32>
        %add3A_283 = arith.constant 0 : i32
        %add3A_284 = vector.broadcast %add3A_283 : i32 to vector<16xi32>
        %add3A_285 = arith.addi %rem3A_79, %add3A_284 : vector<16xi32>
        %add3A_286 = arith.constant 0 : i32
        %add3A_287 = vector.broadcast %add3A_286 : i32 to vector<16xi32>
        %add3A_288 = arith.addi %rem3A_85, %add3A_287 : vector<16xi32>
        %add3A_289 = arith.constant 0 : i32
        %add3A_290 = vector.broadcast %add3A_289 : i32 to vector<16xi32>
        %add3A_291 = arith.addi %rem3A_91, %add3A_290 : vector<16xi32>
        %add3A_292 = arith.constant 0 : i32
        %add3A_293 = vector.broadcast %add3A_292 : i32 to vector<16xi32>
        %add3A_294 = arith.addi %rem3A_97, %add3A_293 : vector<16xi32>
        %gather3A = arith.constant 0 : i32
        %gather3A_295 = arith.constant 0 : i32
        %gather3A_296 = tpu.memref_slice %arg7[%scan3A_218, %gather3A, %gather3A_295] : memref<2x256x128xf32, #tpu.memory_space<vmem>> -> memref<1x256x128xf32, #tpu.memory_space<vmem>>
        %gather3A_297 = tpu.memref_squeeze %gather3A_296 : memref<1x256x128xf32, #tpu.memory_space<vmem>> -> memref<256x128xf32, #tpu.memory_space<vmem>>
        %gather3A_298 = tpu.vector_load_idx %gather3A_297[%add3A_246, %add3A_249] : memref<256x128xf32, #tpu.memory_space<vmem>>[vector<16xi32>, vector<16xi32>], vector<16xf32>,
        %gather3A_299 = arith.constant 0 : i32
        %gather3A_300 = arith.constant 0 : i32
        %gather3A_301 = tpu.memref_slice %arg7[%scan3A_218, %gather3A_299, %gather3A_300] : memref<2x256x128xf32, #tpu.memory_space<vmem>> -> memref<1x256x128xf32, #tpu.memory_space<vmem>>
        %gather3A_302 = tpu.memref_squeeze %gather3A_301 : memref<1x256x128xf32, #tpu.memory_space<vmem>> -> memref<256x128xf32, #tpu.memory_space<vmem>>
        %gather3A_303 = tpu.vector_load_idx %gather3A_302[%add3A_246, %add3A_252] : memref<256x128xf32, #tpu.memory_space<vmem>>[vector<16xi32>, vector<16xi32>], vector<16xf32>,
        %gather3A_304 = arith.constant 0 : i32
        %gather3A_305 = arith.constant 0 : i32
        %gather3A_306 = tpu.memref_slice %arg7[%scan3A_218, %gather3A_304, %gather3A_305] : memref<2x256x128xf32, #tpu.memory_space<vmem>> -> memref<1x256x128xf32, #tpu.memory_space<vmem>>
        %gather3A_307 = tpu.memref_squeeze %gather3A_306 : memref<1x256x128xf32, #tpu.memory_space<vmem>> -> memref<256x128xf32, #tpu.memory_space<vmem>>
        %gather3A_308 = tpu.vector_load_idx %gather3A_307[%add3A_246, %add3A_255] : memref<256x128xf32, #tpu.memory_space<vmem>>[vector<16xi32>, vector<16xi32>], vector<16xf32>,
        %gather3A_309 = arith.constant 0 : i32
        %gather3A_310 = arith.constant 0 : i32
        %gather3A_311 = tpu.memref_slice %arg7[%scan3A_218, %gather3A_309, %gather3A_310] : memref<2x256x128xf32, #tpu.memory_space<vmem>> -> memref<1x256x128xf32, #tpu.memory_space<vmem>>
        %gather3A_312 = tpu.memref_squeeze %gather3A_311 : memref<1x256x128xf32, #tpu.memory_space<vmem>> -> memref<256x128xf32, #tpu.memory_space<vmem>>
        %gather3A_313 = tpu.vector_load_idx %gather3A_312[%add3A_246, %add3A_258] : memref<256x128xf32, #tpu.memory_space<vmem>>[vector<16xi32>, vector<16xi32>], vector<16xf32>,
        %gather3A_314 = arith.constant 0 : i32
        %gather3A_315 = arith.constant 0 : i32
        %gather3A_316 = tpu.memref_slice %arg7[%scan3A_218, %gather3A_314, %gather3A_315] : memref<2x256x128xf32, #tpu.memory_space<vmem>> -> memref<1x256x128xf32, #tpu.memory_space<vmem>>
        %gather3A_317 = tpu.memref_squeeze %gather3A_316 : memref<1x256x128xf32, #tpu.memory_space<vmem>> -> memref<256x128xf32, #tpu.memory_space<vmem>>
        %gather3A_318 = tpu.vector_load_idx %gather3A_317[%add3A_246, %add3A_261] : memref<256x128xf32, #tpu.memory_space<vmem>>[vector<16xi32>, vector<16xi32>], vector<16xf32>,
        %gather3A_319 = arith.constant 0 : i32
        %gather3A_320 = arith.constant 0 : i32
        %gather3A_321 = tpu.memref_slice %arg7[%scan3A_218, %gather3A_319, %gather3A_320] : memref<2x256x128xf32, #tpu.memory_space<vmem>> -> memref<1x256x128xf32, #tpu.memory_space<vmem>>
        %gather3A_322 = tpu.memref_squeeze %gather3A_321 : memref<1x256x128xf32, #tpu.memory_space<vmem>> -> memref<256x128xf32, #tpu.memory_space<vmem>>
        %gather3A_323 = tpu.vector_load_idx %gather3A_322[%add3A_246, %add3A_264] : memref<256x128xf32, #tpu.memory_space<vmem>>[vector<16xi32>, vector<16xi32>], vector<16xf32>,
        %gather3A_324 = arith.constant 0 : i32
        %gather3A_325 = arith.constant 0 : i32
        %gather3A_326 = tpu.memref_slice %arg7[%scan3A_218, %gather3A_324, %gather3A_325] : memref<2x256x128xf32, #tpu.memory_space<vmem>> -> memref<1x256x128xf32, #tpu.memory_space<vmem>>
        %gather3A_327 = tpu.memref_squeeze %gather3A_326 : memref<1x256x128xf32, #tpu.memory_space<vmem>> -> memref<256x128xf32, #tpu.memory_space<vmem>>
        %gather3A_328 = tpu.vector_load_idx %gather3A_327[%add3A_246, %add3A_267] : memref<256x128xf32, #tpu.memory_space<vmem>>[vector<16xi32>, vector<16xi32>], vector<16xf32>,
        %gather3A_329 = arith.constant 0 : i32
        %gather3A_330 = arith.constant 0 : i32
        %gather3A_331 = tpu.memref_slice %arg7[%scan3A_218, %gather3A_329, %gather3A_330] : memref<2x256x128xf32, #tpu.memory_space<vmem>> -> memref<1x256x128xf32, #tpu.memory_space<vmem>>
        %gather3A_332 = tpu.memref_squeeze %gather3A_331 : memref<1x256x128xf32, #tpu.memory_space<vmem>> -> memref<256x128xf32, #tpu.memory_space<vmem>>
        %gather3A_333 = tpu.vector_load_idx %gather3A_332[%add3A_246, %add3A_270] : memref<256x128xf32, #tpu.memory_space<vmem>>[vector<16xi32>, vector<16xi32>], vector<16xf32>,
        %gather3A_334 = arith.constant 0 : i32
        %gather3A_335 = arith.constant 0 : i32
        %gather3A_336 = tpu.memref_slice %arg7[%scan3A_218, %gather3A_334, %gather3A_335] : memref<2x256x128xf32, #tpu.memory_space<vmem>> -> memref<1x256x128xf32, #tpu.memory_space<vmem>>
        %gather3A_337 = tpu.memref_squeeze %gather3A_336 : memref<1x256x128xf32, #tpu.memory_space<vmem>> -> memref<256x128xf32, #tpu.memory_space<vmem>>
        %gather3A_338 = tpu.vector_load_idx %gather3A_337[%add3A_246, %add3A_273] : memref<256x128xf32, #tpu.memory_space<vmem>>[vector<16xi32>, vector<16xi32>], vector<16xf32>,
        %gather3A_339 = arith.constant 0 : i32
        %gather3A_340 = arith.constant 0 : i32
        %gather3A_341 = tpu.memref_slice %arg7[%scan3A_218, %gather3A_339, %gather3A_340] : memref<2x256x128xf32, #tpu.memory_space<vmem>> -> memref<1x256x128xf32, #tpu.memory_space<vmem>>
        %gather3A_342 = tpu.memref_squeeze %gather3A_341 : memref<1x256x128xf32, #tpu.memory_space<vmem>> -> memref<256x128xf32, #tpu.memory_space<vmem>>
        %gather3A_343 = tpu.vector_load_idx %gather3A_342[%add3A_246, %add3A_276] : memref<256x128xf32, #tpu.memory_space<vmem>>[vector<16xi32>, vector<16xi32>], vector<16xf32>,
        %gather3A_344 = arith.constant 0 : i32
        %gather3A_345 = arith.constant 0 : i32
        %gather3A_346 = tpu.memref_slice %arg7[%scan3A_218, %gather3A_344, %gather3A_345] : memref<2x256x128xf32, #tpu.memory_space<vmem>> -> memref<1x256x128xf32, #tpu.memory_space<vmem>>
        %gather3A_347 = tpu.memref_squeeze %gather3A_346 : memref<1x256x128xf32, #tpu.memory_space<vmem>> -> memref<256x128xf32, #tpu.memory_space<vmem>>
        %gather3A_348 = tpu.vector_load_idx %gather3A_347[%add3A_246, %add3A_279] : memref<256x128xf32, #tpu.memory_space<vmem>>[vector<16xi32>, vector<16xi32>], vector<16xf32>,
        %gather3A_349 = arith.constant 0 : i32
        %gather3A_350 = arith.constant 0 : i32
        %gather3A_351 = tpu.memref_slice %arg7[%scan3A_218, %gather3A_349, %gather3A_350] : memref<2x256x128xf32, #tpu.memory_space<vmem>> -> memref<1x256x128xf32, #tpu.memory_space<vmem>>
        %gather3A_352 = tpu.memref_squeeze %gather3A_351 : memref<1x256x128xf32, #tpu.memory_space<vmem>> -> memref<256x128xf32, #tpu.memory_space<vmem>>
        %gather3A_353 = tpu.vector_load_idx %gather3A_352[%add3A_246, %add3A_282] : memref<256x128xf32, #tpu.memory_space<vmem>>[vector<16xi32>, vector<16xi32>], vector<16xf32>,
        %gather3A_354 = arith.constant 0 : i32
        %gather3A_355 = arith.constant 0 : i32
        %gather3A_356 = tpu.memref_slice %arg7[%scan3A_218, %gather3A_354, %gather3A_355] : memref<2x256x128xf32, #tpu.memory_space<vmem>> -> memref<1x256x128xf32, #tpu.memory_space<vmem>>
        %gather3A_357 = tpu.memref_squeeze %gather3A_356 : memref<1x256x128xf32, #tpu.memory_space<vmem>> -> memref<256x128xf32, #tpu.memory_space<vmem>>
        %gather3A_358 = tpu.vector_load_idx %gather3A_357[%add3A_246, %add3A_285] : memref<256x128xf32, #tpu.memory_space<vmem>>[vector<16xi32>, vector<16xi32>], vector<16xf32>,
        %gather3A_359 = arith.constant 0 : i32
        %gather3A_360 = arith.constant 0 : i32
        %gather3A_361 = tpu.memref_slice %arg7[%scan3A_218, %gather3A_359, %gather3A_360] : memref<2x256x128xf32, #tpu.memory_space<vmem>> -> memref<1x256x128xf32, #tpu.memory_space<vmem>>
        %gather3A_362 = tpu.memref_squeeze %gather3A_361 : memref<1x256x128xf32, #tpu.memory_space<vmem>> -> memref<256x128xf32, #tpu.memory_space<vmem>>
        %gather3A_363 = tpu.vector_load_idx %gather3A_362[%add3A_246, %add3A_288] : memref<256x128xf32, #tpu.memory_space<vmem>>[vector<16xi32>, vector<16xi32>], vector<16xf32>,
        %gather3A_364 = arith.constant 0 : i32
        %gather3A_365 = arith.constant 0 : i32
        %gather3A_366 = tpu.memref_slice %arg7[%scan3A_218, %gather3A_364, %gather3A_365] : memref<2x256x128xf32, #tpu.memory_space<vmem>> -> memref<1x256x128xf32, #tpu.memory_space<vmem>>
        %gather3A_367 = tpu.memref_squeeze %gather3A_366 : memref<1x256x128xf32, #tpu.memory_space<vmem>> -> memref<256x128xf32, #tpu.memory_space<vmem>>
        %gather3A_368 = tpu.vector_load_idx %gather3A_367[%add3A_246, %add3A_291] : memref<256x128xf32, #tpu.memory_space<vmem>>[vector<16xi32>, vector<16xi32>], vector<16xf32>,
        %gather3A_369 = arith.constant 0 : i32
        %gather3A_370 = arith.constant 0 : i32
        %gather3A_371 = tpu.memref_slice %arg7[%scan3A_218, %gather3A_369, %gather3A_370] : memref<2x256x128xf32, #tpu.memory_space<vmem>> -> memref<1x256x128xf32, #tpu.memory_space<vmem>>
        %gather3A_372 = tpu.memref_squeeze %gather3A_371 : memref<1x256x128xf32, #tpu.memory_space<vmem>> -> memref<256x128xf32, #tpu.memory_space<vmem>>
        %gather3A_373 = tpu.vector_load_idx %gather3A_372[%add3A_246, %add3A_294] : memref<256x128xf32, #tpu.memory_space<vmem>>[vector<16xi32>, vector<16xi32>], vector<16xf32>,
        %scatter3A = arith.constant 0 : i32
        %scatter3A_374 = arith.constant 0 : i32
        %scatter3A_375 = tpu.memref_slice %arg8[%scan3A_219, %scatter3A, %scatter3A_374] : memref<2x64x256xf32, #tpu.memory_space<vmem>> -> memref<1x64x256xf32, #tpu.memory_space<vmem>>
        %scatter3A_376 = tpu.memref_squeeze %scatter3A_375 : memref<1x64x256xf32, #tpu.memory_space<vmem>> -> memref<64x256xf32, #tpu.memory_space<vmem>>
        tpu.vector_store_idx %scatter3A_376[%add3A_249, %add3A_246], %gather3A_298 : memref<64x256xf32, #tpu.memory_space<vmem>>[vector<16xi32>, vector<16xi32>], vector<16xf32>,
        %scatter3A_377 = arith.constant 0 : i32
        %scatter3A_378 = arith.constant 0 : i32
        %scatter3A_379 = tpu.memref_slice %arg8[%scan3A_219, %scatter3A_377, %scatter3A_378] : memref<2x64x256xf32, #tpu.memory_space<vmem>> -> memref<1x64x256xf32, #tpu.memory_space<vmem>>
        %scatter3A_380 = tpu.memref_squeeze %scatter3A_379 : memref<1x64x256xf32, #tpu.memory_space<vmem>> -> memref<64x256xf32, #tpu.memory_space<vmem>>
        tpu.vector_store_idx %scatter3A_380[%add3A_252, %add3A_246], %gather3A_303 : memref<64x256xf32, #tpu.memory_space<vmem>>[vector<16xi32>, vector<16xi32>], vector<16xf32>,
        %scatter3A_381 = arith.constant 0 : i32
        %scatter3A_382 = arith.constant 0 : i32
        %scatter3A_383 = tpu.memref_slice %arg8[%scan3A_219, %scatter3A_381, %scatter3A_382] : memref<2x64x256xf32, #tpu.memory_space<vmem>> -> memref<1x64x256xf32, #tpu.memory_space<vmem>>
        %scatter3A_384 = tpu.memref_squeeze %scatter3A_383 : memref<1x64x256xf32, #tpu.memory_space<vmem>> -> memref<64x256xf32, #tpu.memory_space<vmem>>
        tpu.vector_store_idx %scatter3A_384[%add3A_255, %add3A_246], %gather3A_308 : memref<64x256xf32, #tpu.memory_space<vmem>>[vector<16xi32>, vector<16xi32>], vector<16xf32>,
        %scatter3A_385 = arith.constant 0 : i32
        %scatter3A_386 = arith.constant 0 : i32
        %scatter3A_387 = tpu.memref_slice %arg8[%scan3A_219, %scatter3A_385, %scatter3A_386] : memref<2x64x256xf32, #tpu.memory_space<vmem>> -> memref<1x64x256xf32, #tpu.memory_space<vmem>>
        %scatter3A_388 = tpu.memref_squeeze %scatter3A_387 : memref<1x64x256xf32, #tpu.memory_space<vmem>> -> memref<64x256xf32, #tpu.memory_space<vmem>>
        tpu.vector_store_idx %scatter3A_388[%add3A_258, %add3A_246], %gather3A_313 : memref<64x256xf32, #tpu.memory_space<vmem>>[vector<16xi32>, vector<16xi32>], vector<16xf32>,
        %scatter3A_389 = arith.constant 0 : i32
        %scatter3A_390 = arith.constant 0 : i32
        %scatter3A_391 = tpu.memref_slice %arg8[%scan3A_219, %scatter3A_389, %scatter3A_390] : memref<2x64x256xf32, #tpu.memory_space<vmem>> -> memref<1x64x256xf32, #tpu.memory_space<vmem>>
        %scatter3A_392 = tpu.memref_squeeze %scatter3A_391 : memref<1x64x256xf32, #tpu.memory_space<vmem>> -> memref<64x256xf32, #tpu.memory_space<vmem>>
        tpu.vector_store_idx %scatter3A_392[%add3A_261, %add3A_246], %gather3A_318 : memref<64x256xf32, #tpu.memory_space<vmem>>[vector<16xi32>, vector<16xi32>], vector<16xf32>,
        %scatter3A_393 = arith.constant 0 : i32
        %scatter3A_394 = arith.constant 0 : i32
        %scatter3A_395 = tpu.memref_slice %arg8[%scan3A_219, %scatter3A_393, %scatter3A_394] : memref<2x64x256xf32, #tpu.memory_space<vmem>> -> memref<1x64x256xf32, #tpu.memory_space<vmem>>
        %scatter3A_396 = tpu.memref_squeeze %scatter3A_395 : memref<1x64x256xf32, #tpu.memory_space<vmem>> -> memref<64x256xf32, #tpu.memory_space<vmem>>
        tpu.vector_store_idx %scatter3A_396[%add3A_264, %add3A_246], %gather3A_323 : memref<64x256xf32, #tpu.memory_space<vmem>>[vector<16xi32>, vector<16xi32>], vector<16xf32>,
        %scatter3A_397 = arith.constant 0 : i32
        %scatter3A_398 = arith.constant 0 : i32
        %scatter3A_399 = tpu.memref_slice %arg8[%scan3A_219, %scatter3A_397, %scatter3A_398] : memref<2x64x256xf32, #tpu.memory_space<vmem>> -> memref<1x64x256xf32, #tpu.memory_space<vmem>>
        %scatter3A_400 = tpu.memref_squeeze %scatter3A_399 : memref<1x64x256xf32, #tpu.memory_space<vmem>> -> memref<64x256xf32, #tpu.memory_space<vmem>>
        tpu.vector_store_idx %scatter3A_400[%add3A_267, %add3A_246], %gather3A_328 : memref<64x256xf32, #tpu.memory_space<vmem>>[vector<16xi32>, vector<16xi32>], vector<16xf32>,
        %scatter3A_401 = arith.constant 0 : i32
        %scatter3A_402 = arith.constant 0 : i32
        %scatter3A_403 = tpu.memref_slice %arg8[%scan3A_219, %scatter3A_401, %scatter3A_402] : memref<2x64x256xf32, #tpu.memory_space<vmem>> -> memref<1x64x256xf32, #tpu.memory_space<vmem>>
        %scatter3A_404 = tpu.memref_squeeze %scatter3A_403 : memref<1x64x256xf32, #tpu.memory_space<vmem>> -> memref<64x256xf32, #tpu.memory_space<vmem>>
        tpu.vector_store_idx %scatter3A_404[%add3A_270, %add3A_246], %gather3A_333 : memref<64x256xf32, #tpu.memory_space<vmem>>[vector<16xi32>, vector<16xi32>], vector<16xf32>,
        %scatter3A_405 = arith.constant 0 : i32
        %scatter3A_406 = arith.constant 0 : i32
        %scatter3A_407 = tpu.memref_slice %arg8[%scan3A_219, %scatter3A_405, %scatter3A_406] : memref<2x64x256xf32, #tpu.memory_space<vmem>> -> memref<1x64x256xf32, #tpu.memory_space<vmem>>
        %scatter3A_408 = tpu.memref_squeeze %scatter3A_407 : memref<1x64x256xf32, #tpu.memory_space<vmem>> -> memref<64x256xf32, #tpu.memory_space<vmem>>
        tpu.vector_store_idx %scatter3A_408[%add3A_273, %add3A_246], %gather3A_338 : memref<64x256xf32, #tpu.memory_space<vmem>>[vector<16xi32>, vector<16xi32>], vector<16xf32>,
        %scatter3A_409 = arith.constant 0 : i32
        %scatter3A_410 = arith.constant 0 : i32
        %scatter3A_411 = tpu.memref_slice %arg8[%scan3A_219, %scatter3A_409, %scatter3A_410] : memref<2x64x256xf32, #tpu.memory_space<vmem>> -> memref<1x64x256xf32, #tpu.memory_space<vmem>>
        %scatter3A_412 = tpu.memref_squeeze %scatter3A_411 : memref<1x64x256xf32, #tpu.memory_space<vmem>> -> memref<64x256xf32, #tpu.memory_space<vmem>>
        tpu.vector_store_idx %scatter3A_412[%add3A_276, %add3A_246], %gather3A_343 : memref<64x256xf32, #tpu.memory_space<vmem>>[vector<16xi32>, vector<16xi32>], vector<16xf32>,
        %scatter3A_413 = arith.constant 0 : i32
        %scatter3A_414 = arith.constant 0 : i32
        %scatter3A_415 = tpu.memref_slice %arg8[%scan3A_219, %scatter3A_413, %scatter3A_414] : memref<2x64x256xf32, #tpu.memory_space<vmem>> -> memref<1x64x256xf32, #tpu.memory_space<vmem>>
        %scatter3A_416 = tpu.memref_squeeze %scatter3A_415 : memref<1x64x256xf32, #tpu.memory_space<vmem>> -> memref<64x256xf32, #tpu.memory_space<vmem>>
        tpu.vector_store_idx %scatter3A_416[%add3A_279, %add3A_246], %gather3A_348 : memref<64x256xf32, #tpu.memory_space<vmem>>[vector<16xi32>, vector<16xi32>], vector<16xf32>,
        %scatter3A_417 = arith.constant 0 : i32
        %scatter3A_418 = arith.constant 0 : i32
        %scatter3A_419 = tpu.memref_slice %arg8[%scan3A_219, %scatter3A_417, %scatter3A_418] : memref<2x64x256xf32, #tpu.memory_space<vmem>> -> memref<1x64x256xf32, #tpu.memory_space<vmem>>
        %scatter3A_420 = tpu.memref_squeeze %scatter3A_419 : memref<1x64x256xf32, #tpu.memory_space<vmem>> -> memref<64x256xf32, #tpu.memory_space<vmem>>
        tpu.vector_store_idx %scatter3A_420[%add3A_282, %add3A_246], %gather3A_353 : memref<64x256xf32, #tpu.memory_space<vmem>>[vector<16xi32>, vector<16xi32>], vector<16xf32>,
        %scatter3A_421 = arith.constant 0 : i32
        %scatter3A_422 = arith.constant 0 : i32
        %scatter3A_423 = tpu.memref_slice %arg8[%scan3A_219, %scatter3A_421, %scatter3A_422] : memref<2x64x256xf32, #tpu.memory_space<vmem>> -> memref<1x64x256xf32, #tpu.memory_space<vmem>>
        %scatter3A_424 = tpu.memref_squeeze %scatter3A_423 : memref<1x64x256xf32, #tpu.memory_space<vmem>> -> memref<64x256xf32, #tpu.memory_space<vmem>>
        tpu.vector_store_idx %scatter3A_424[%add3A_285, %add3A_246], %gather3A_358 : memref<64x256xf32, #tpu.memory_space<vmem>>[vector<16xi32>, vector<16xi32>], vector<16xf32>,
        %scatter3A_425 = arith.constant 0 : i32
        %scatter3A_426 = arith.constant 0 : i32
        %scatter3A_427 = tpu.memref_slice %arg8[%scan3A_219, %scatter3A_425, %scatter3A_426] : memref<2x64x256xf32, #tpu.memory_space<vmem>> -> memref<1x64x256xf32, #tpu.memory_space<vmem>>
        %scatter3A_428 = tpu.memref_squeeze %scatter3A_427 : memref<1x64x256xf32, #tpu.memory_space<vmem>> -> memref<64x256xf32, #tpu.memory_space<vmem>>
        tpu.vector_store_idx %scatter3A_428[%add3A_288, %add3A_246], %gather3A_363 : memref<64x256xf32, #tpu.memory_space<vmem>>[vector<16xi32>, vector<16xi32>], vector<16xf32>,
        %scatter3A_429 = arith.constant 0 : i32
        %scatter3A_430 = arith.constant 0 : i32
        %scatter3A_431 = tpu.memref_slice %arg8[%scan3A_219, %scatter3A_429, %scatter3A_430] : memref<2x64x256xf32, #tpu.memory_space<vmem>> -> memref<1x64x256xf32, #tpu.memory_space<vmem>>
        %scatter3A_432 = tpu.memref_squeeze %scatter3A_431 : memref<1x64x256xf32, #tpu.memory_space<vmem>> -> memref<64x256xf32, #tpu.memory_space<vmem>>
        tpu.vector_store_idx %scatter3A_432[%add3A_291, %add3A_246], %gather3A_368 : memref<64x256xf32, #tpu.memory_space<vmem>>[vector<16xi32>, vector<16xi32>], vector<16xf32>,
        %scatter3A_433 = arith.constant 0 : i32
        %scatter3A_434 = arith.constant 0 : i32
        %scatter3A_435 = tpu.memref_slice %arg8[%scan3A_219, %scatter3A_433, %scatter3A_434] : memref<2x64x256xf32, #tpu.memory_space<vmem>> -> memref<1x64x256xf32, #tpu.memory_space<vmem>>
        %scatter3A_436 = tpu.memref_squeeze %scatter3A_435 : memref<1x64x256xf32, #tpu.memory_space<vmem>> -> memref<64x256xf32, #tpu.memory_space<vmem>>
        tpu.vector_store_idx %scatter3A_436[%add3A_294, %add3A_246], %gather3A_373 : memref<64x256xf32, #tpu.memory_space<vmem>>[vector<16xi32>, vector<16xi32>], vector<16xf32>,
        %add3A_437 = arith.constant 16 : i32
        %add3A_438 = vector.broadcast %add3A_437 : i32 to vector<16xi32>
        %add3A_439 = arith.addi %rem3A_7, %add3A_438 : vector<16xi32>
        %add3A_440 = arith.constant 16 : i32
        %add3A_441 = vector.broadcast %add3A_440 : i32 to vector<16xi32>
        %add3A_442 = arith.addi %rem3A_13, %add3A_441 : vector<16xi32>
        %add3A_443 = arith.constant 16 : i32
        %add3A_444 = vector.broadcast %add3A_443 : i32 to vector<16xi32>
        %add3A_445 = arith.addi %rem3A_19, %add3A_444 : vector<16xi32>
        %add3A_446 = arith.constant 16 : i32
        %add3A_447 = vector.broadcast %add3A_446 : i32 to vector<16xi32>
        %add3A_448 = arith.addi %rem3A_25, %add3A_447 : vector<16xi32>
        %add3A_449 = arith.constant 16 : i32
        %add3A_450 = vector.broadcast %add3A_449 : i32 to vector<16xi32>
        %add3A_451 = arith.addi %rem3A_31, %add3A_450 : vector<16xi32>
        %add3A_452 = arith.constant 16 : i32
        %add3A_453 = vector.broadcast %add3A_452 : i32 to vector<16xi32>
        %add3A_454 = arith.addi %rem3A_37, %add3A_453 : vector<16xi32>
        %add3A_455 = arith.constant 16 : i32
        %add3A_456 = vector.broadcast %add3A_455 : i32 to vector<16xi32>
        %add3A_457 = arith.addi %rem3A_43, %add3A_456 : vector<16xi32>
        %add3A_458 = arith.constant 16 : i32
        %add3A_459 = vector.broadcast %add3A_458 : i32 to vector<16xi32>
        %add3A_460 = arith.addi %rem3A_49, %add3A_459 : vector<16xi32>
        %add3A_461 = arith.constant 16 : i32
        %add3A_462 = vector.broadcast %add3A_461 : i32 to vector<16xi32>
        %add3A_463 = arith.addi %rem3A_55, %add3A_462 : vector<16xi32>
        %add3A_464 = arith.constant 16 : i32
        %add3A_465 = vector.broadcast %add3A_464 : i32 to vector<16xi32>
        %add3A_466 = arith.addi %rem3A_61, %add3A_465 : vector<16xi32>
        %add3A_467 = arith.constant 16 : i32
        %add3A_468 = vector.broadcast %add3A_467 : i32 to vector<16xi32>
        %add3A_469 = arith.addi %rem3A_67, %add3A_468 : vector<16xi32>
        %add3A_470 = arith.constant 16 : i32
        %add3A_471 = vector.broadcast %add3A_470 : i32 to vector<16xi32>
        %add3A_472 = arith.addi %rem3A_73, %add3A_471 : vector<16xi32>
        %add3A_473 = arith.constant 16 : i32
        %add3A_474 = vector.broadcast %add3A_473 : i32 to vector<16xi32>
        %add3A_475 = arith.addi %rem3A_79, %add3A_474 : vector<16xi32>
        %add3A_476 = arith.constant 16 : i32
        %add3A_477 = vector.broadcast %add3A_476 : i32 to vector<16xi32>
        %add3A_478 = arith.addi %rem3A_85, %add3A_477 : vector<16xi32>
        %add3A_479 = arith.constant 16 : i32
        %add3A_480 = vector.broadcast %add3A_479 : i32 to vector<16xi32>
        %add3A_481 = arith.addi %rem3A_91, %add3A_480 : vector<16xi32>
        %add3A_482 = arith.constant 16 : i32
        %add3A_483 = vector.broadcast %add3A_482 : i32 to vector<16xi32>
        %add3A_484 = arith.addi %rem3A_97, %add3A_483 : vector<16xi32>
        %gather3A_485 = arith.constant 0 : i32
        %gather3A_486 = arith.constant 0 : i32
        %gather3A_487 = tpu.memref_slice %arg7[%scan3A_218, %gather3A_485, %gather3A_486] : memref<2x256x128xf32, #tpu.memory_space<vmem>> -> memref<1x256x128xf32, #tpu.memory_space<vmem>>
        %gather3A_488 = tpu.memref_squeeze %gather3A_487 : memref<1x256x128xf32, #tpu.memory_space<vmem>> -> memref<256x128xf32, #tpu.memory_space<vmem>>
        %gather3A_489 = tpu.vector_load_idx %gather3A_488[%add3A_246, %add3A_439] : memref<256x128xf32, #tpu.memory_space<vmem>>[vector<16xi32>, vector<16xi32>], vector<16xf32>,
        %gather3A_490 = arith.constant 0 : i32
        %gather3A_491 = arith.constant 0 : i32
        %gather3A_492 = tpu.memref_slice %arg7[%scan3A_218, %gather3A_490, %gather3A_491] : memref<2x256x128xf32, #tpu.memory_space<vmem>> -> memref<1x256x128xf32, #tpu.memory_space<vmem>>
        %gather3A_493 = tpu.memref_squeeze %gather3A_492 : memref<1x256x128xf32, #tpu.memory_space<vmem>> -> memref<256x128xf32, #tpu.memory_space<vmem>>
        %gather3A_494 = tpu.vector_load_idx %gather3A_493[%add3A_246, %add3A_442] : memref<256x128xf32, #tpu.memory_space<vmem>>[vector<16xi32>, vector<16xi32>], vector<16xf32>,
        %gather3A_495 = arith.constant 0 : i32
        %gather3A_496 = arith.constant 0 : i32
        %gather3A_497 = tpu.memref_slice %arg7[%scan3A_218, %gather3A_495, %gather3A_496] : memref<2x256x128xf32, #tpu.memory_space<vmem>> -> memref<1x256x128xf32, #tpu.memory_space<vmem>>
        %gather3A_498 = tpu.memref_squeeze %gather3A_497 : memref<1x256x128xf32, #tpu.memory_space<vmem>> -> memref<256x128xf32, #tpu.memory_space<vmem>>
        %gather3A_499 = tpu.vector_load_idx %gather3A_498[%add3A_246, %add3A_445] : memref<256x128xf32, #tpu.memory_space<vmem>>[vector<16xi32>, vector<16xi32>], vector<16xf32>,
        %gather3A_500 = arith.constant 0 : i32
        %gather3A_501 = arith.constant 0 : i32
        %gather3A_502 = tpu.memref_slice %arg7[%scan3A_218, %gather3A_500, %gather3A_501] : memref<2x256x128xf32, #tpu.memory_space<vmem>> -> memref<1x256x128xf32, #tpu.memory_space<vmem>>
        %gather3A_503 = tpu.memref_squeeze %gather3A_502 : memref<1x256x128xf32, #tpu.memory_space<vmem>> -> memref<256x128xf32, #tpu.memory_space<vmem>>
        %gather3A_504 = tpu.vector_load_idx %gather3A_503[%add3A_246, %add3A_448] : memref<256x128xf32, #tpu.memory_space<vmem>>[vector<16xi32>, vector<16xi32>], vector<16xf32>,
        %gather3A_505 = arith.constant 0 : i32
        %gather3A_506 = arith.constant 0 : i32
        %gather3A_507 = tpu.memref_slice %arg7[%scan3A_218, %gather3A_505, %gather3A_506] : memref<2x256x128xf32, #tpu.memory_space<vmem>> -> memref<1x256x128xf32, #tpu.memory_space<vmem>>
        %gather3A_508 = tpu.memref_squeeze %gather3A_507 : memref<1x256x128xf32, #tpu.memory_space<vmem>> -> memref<256x128xf32, #tpu.memory_space<vmem>>
        %gather3A_509 = tpu.vector_load_idx %gather3A_508[%add3A_246, %add3A_451] : memref<256x128xf32, #tpu.memory_space<vmem>>[vector<16xi32>, vector<16xi32>], vector<16xf32>,
        %gather3A_510 = arith.constant 0 : i32
        %gather3A_511 = arith.constant 0 : i32
        %gather3A_512 = tpu.memref_slice %arg7[%scan3A_218, %gather3A_510, %gather3A_511] : memref<2x256x128xf32, #tpu.memory_space<vmem>> -> memref<1x256x128xf32, #tpu.memory_space<vmem>>
        %gather3A_513 = tpu.memref_squeeze %gather3A_512 : memref<1x256x128xf32, #tpu.memory_space<vmem>> -> memref<256x128xf32, #tpu.memory_space<vmem>>
        %gather3A_514 = tpu.vector_load_idx %gather3A_513[%add3A_246, %add3A_454] : memref<256x128xf32, #tpu.memory_space<vmem>>[vector<16xi32>, vector<16xi32>], vector<16xf32>,
        %gather3A_515 = arith.constant 0 : i32
        %gather3A_516 = arith.constant 0 : i32
        %gather3A_517 = tpu.memref_slice %arg7[%scan3A_218, %gather3A_515, %gather3A_516] : memref<2x256x128xf32, #tpu.memory_space<vmem>> -> memref<1x256x128xf32, #tpu.memory_space<vmem>>
        %gather3A_518 = tpu.memref_squeeze %gather3A_517 : memref<1x256x128xf32, #tpu.memory_space<vmem>> -> memref<256x128xf32, #tpu.memory_space<vmem>>
        %gather3A_519 = tpu.vector_load_idx %gather3A_518[%add3A_246, %add3A_457] : memref<256x128xf32, #tpu.memory_space<vmem>>[vector<16xi32>, vector<16xi32>], vector<16xf32>,
        %gather3A_520 = arith.constant 0 : i32
        %gather3A_521 = arith.constant 0 : i32
        %gather3A_522 = tpu.memref_slice %arg7[%scan3A_218, %gather3A_520, %gather3A_521] : memref<2x256x128xf32, #tpu.memory_space<vmem>> -> memref<1x256x128xf32, #tpu.memory_space<vmem>>
        %gather3A_523 = tpu.memref_squeeze %gather3A_522 : memref<1x256x128xf32, #tpu.memory_space<vmem>> -> memref<256x128xf32, #tpu.memory_space<vmem>>
        %gather3A_524 = tpu.vector_load_idx %gather3A_523[%add3A_246, %add3A_460] : memref<256x128xf32, #tpu.memory_space<vmem>>[vector<16xi32>, vector<16xi32>], vector<16xf32>,
        %gather3A_525 = arith.constant 0 : i32
        %gather3A_526 = arith.constant 0 : i32
        %gather3A_527 = tpu.memref_slice %arg7[%scan3A_218, %gather3A_525, %gather3A_526] : memref<2x256x128xf32, #tpu.memory_space<vmem>> -> memref<1x256x128xf32, #tpu.memory_space<vmem>>
        %gather3A_528 = tpu.memref_squeeze %gather3A_527 : memref<1x256x128xf32, #tpu.memory_space<vmem>> -> memref<256x128xf32, #tpu.memory_space<vmem>>
        %gather3A_529 = tpu.vector_load_idx %gather3A_528[%add3A_246, %add3A_463] : memref<256x128xf32, #tpu.memory_space<vmem>>[vector<16xi32>, vector<16xi32>], vector<16xf32>,
        %gather3A_530 = arith.constant 0 : i32
        %gather3A_531 = arith.constant 0 : i32
        %gather3A_532 = tpu.memref_slice %arg7[%scan3A_218, %gather3A_530, %gather3A_531] : memref<2x256x128xf32, #tpu.memory_space<vmem>> -> memref<1x256x128xf32, #tpu.memory_space<vmem>>
        %gather3A_533 = tpu.memref_squeeze %gather3A_532 : memref<1x256x128xf32, #tpu.memory_space<vmem>> -> memref<256x128xf32, #tpu.memory_space<vmem>>
        %gather3A_534 = tpu.vector_load_idx %gather3A_533[%add3A_246, %add3A_466] : memref<256x128xf32, #tpu.memory_space<vmem>>[vector<16xi32>, vector<16xi32>], vector<16xf32>,
        %gather3A_535 = arith.constant 0 : i32
        %gather3A_536 = arith.constant 0 : i32
        %gather3A_537 = tpu.memref_slice %arg7[%scan3A_218, %gather3A_535, %gather3A_536] : memref<2x256x128xf32, #tpu.memory_space<vmem>> -> memref<1x256x128xf32, #tpu.memory_space<vmem>>
        %gather3A_538 = tpu.memref_squeeze %gather3A_537 : memref<1x256x128xf32, #tpu.memory_space<vmem>> -> memref<256x128xf32, #tpu.memory_space<vmem>>
        %gather3A_539 = tpu.vector_load_idx %gather3A_538[%add3A_246, %add3A_469] : memref<256x128xf32, #tpu.memory_space<vmem>>[vector<16xi32>, vector<16xi32>], vector<16xf32>,
        %gather3A_540 = arith.constant 0 : i32
        %gather3A_541 = arith.constant 0 : i32
        %gather3A_542 = tpu.memref_slice %arg7[%scan3A_218, %gather3A_540, %gather3A_541] : memref<2x256x128xf32, #tpu.memory_space<vmem>> -> memref<1x256x128xf32, #tpu.memory_space<vmem>>
        %gather3A_543 = tpu.memref_squeeze %gather3A_542 : memref<1x256x128xf32, #tpu.memory_space<vmem>> -> memref<256x128xf32, #tpu.memory_space<vmem>>
        %gather3A_544 = tpu.vector_load_idx %gather3A_543[%add3A_246, %add3A_472] : memref<256x128xf32, #tpu.memory_space<vmem>>[vector<16xi32>, vector<16xi32>], vector<16xf32>,
        %gather3A_545 = arith.constant 0 : i32
        %gather3A_546 = arith.constant 0 : i32
        %gather3A_547 = tpu.memref_slice %arg7[%scan3A_218, %gather3A_545, %gather3A_546] : memref<2x256x128xf32, #tpu.memory_space<vmem>> -> memref<1x256x128xf32, #tpu.memory_space<vmem>>
        %gather3A_548 = tpu.memref_squeeze %gather3A_547 : memref<1x256x128xf32, #tpu.memory_space<vmem>> -> memref<256x128xf32, #tpu.memory_space<vmem>>
        %gather3A_549 = tpu.vector_load_idx %gather3A_548[%add3A_246, %add3A_475] : memref<256x128xf32, #tpu.memory_space<vmem>>[vector<16xi32>, vector<16xi32>], vector<16xf32>,
        %gather3A_550 = arith.constant 0 : i32
        %gather3A_551 = arith.constant 0 : i32
        %gather3A_552 = tpu.memref_slice %arg7[%scan3A_218, %gather3A_550, %gather3A_551] : memref<2x256x128xf32, #tpu.memory_space<vmem>> -> memref<1x256x128xf32, #tpu.memory_space<vmem>>
        %gather3A_553 = tpu.memref_squeeze %gather3A_552 : memref<1x256x128xf32, #tpu.memory_space<vmem>> -> memref<256x128xf32, #tpu.memory_space<vmem>>
        %gather3A_554 = tpu.vector_load_idx %gather3A_553[%add3A_246, %add3A_478] : memref<256x128xf32, #tpu.memory_space<vmem>>[vector<16xi32>, vector<16xi32>], vector<16xf32>,
        %gather3A_555 = arith.constant 0 : i32
        %gather3A_556 = arith.constant 0 : i32
        %gather3A_557 = tpu.memref_slice %arg7[%scan3A_218, %gather3A_555, %gather3A_556] : memref<2x256x128xf32, #tpu.memory_space<vmem>> -> memref<1x256x128xf32, #tpu.memory_space<vmem>>
        %gather3A_558 = tpu.memref_squeeze %gather3A_557 : memref<1x256x128xf32, #tpu.memory_space<vmem>> -> memref<256x128xf32, #tpu.memory_space<vmem>>
        %gather3A_559 = tpu.vector_load_idx %gather3A_558[%add3A_246, %add3A_481] : memref<256x128xf32, #tpu.memory_space<vmem>>[vector<16xi32>, vector<16xi32>], vector<16xf32>,
        %gather3A_560 = arith.constant 0 : i32
        %gather3A_561 = arith.constant 0 : i32
        %gather3A_562 = tpu.memref_slice %arg7[%scan3A_218, %gather3A_560, %gather3A_561] : memref<2x256x128xf32, #tpu.memory_space<vmem>> -> memref<1x256x128xf32, #tpu.memory_space<vmem>>
        %gather3A_563 = tpu.memref_squeeze %gather3A_562 : memref<1x256x128xf32, #tpu.memory_space<vmem>> -> memref<256x128xf32, #tpu.memory_space<vmem>>
        %gather3A_564 = tpu.vector_load_idx %gather3A_563[%add3A_246, %add3A_484] : memref<256x128xf32, #tpu.memory_space<vmem>>[vector<16xi32>, vector<16xi32>], vector<16xf32>,
        %scatter3A_565 = arith.constant 0 : i32
        %scatter3A_566 = arith.constant 0 : i32
        %scatter3A_567 = tpu.memref_slice %arg8[%scan3A_219, %scatter3A_565, %scatter3A_566] : memref<2x64x256xf32, #tpu.memory_space<vmem>> -> memref<1x64x256xf32, #tpu.memory_space<vmem>>
        %scatter3A_568 = tpu.memref_squeeze %scatter3A_567 : memref<1x64x256xf32, #tpu.memory_space<vmem>> -> memref<64x256xf32, #tpu.memory_space<vmem>>
        tpu.vector_store_idx %scatter3A_568[%add3A_439, %add3A_246], %gather3A_489 : memref<64x256xf32, #tpu.memory_space<vmem>>[vector<16xi32>, vector<16xi32>], vector<16xf32>,
        %scatter3A_569 = arith.constant 0 : i32
        %scatter3A_570 = arith.constant 0 : i32
        %scatter3A_571 = tpu.memref_slice %arg8[%scan3A_219, %scatter3A_569, %scatter3A_570] : memref<2x64x256xf32, #tpu.memory_space<vmem>> -> memref<1x64x256xf32, #tpu.memory_space<vmem>>
        %scatter3A_572 = tpu.memref_squeeze %scatter3A_571 : memref<1x64x256xf32, #tpu.memory_space<vmem>> -> memref<64x256xf32, #tpu.memory_space<vmem>>
        tpu.vector_store_idx %scatter3A_572[%add3A_442, %add3A_246], %gather3A_494 : memref<64x256xf32, #tpu.memory_space<vmem>>[vector<16xi32>, vector<16xi32>], vector<16xf32>,
        %scatter3A_573 = arith.constant 0 : i32
        %scatter3A_574 = arith.constant 0 : i32
        %scatter3A_575 = tpu.memref_slice %arg8[%scan3A_219, %scatter3A_573, %scatter3A_574] : memref<2x64x256xf32, #tpu.memory_space<vmem>> -> memref<1x64x256xf32, #tpu.memory_space<vmem>>
        %scatter3A_576 = tpu.memref_squeeze %scatter3A_575 : memref<1x64x256xf32, #tpu.memory_space<vmem>> -> memref<64x256xf32, #tpu.memory_space<vmem>>
        tpu.vector_store_idx %scatter3A_576[%add3A_445, %add3A_246], %gather3A_499 : memref<64x256xf32, #tpu.memory_space<vmem>>[vector<16xi32>, vector<16xi32>], vector<16xf32>,
        %scatter3A_577 = arith.constant 0 : i32
        %scatter3A_578 = arith.constant 0 : i32
        %scatter3A_579 = tpu.memref_slice %arg8[%scan3A_219, %scatter3A_577, %scatter3A_578] : memref<2x64x256xf32, #tpu.memory_space<vmem>> -> memref<1x64x256xf32, #tpu.memory_space<vmem>>
        %scatter3A_580 = tpu.memref_squeeze %scatter3A_579 : memref<1x64x256xf32, #tpu.memory_space<vmem>> -> memref<64x256xf32, #tpu.memory_space<vmem>>
        tpu.vector_store_idx %scatter3A_580[%add3A_448, %add3A_246], %gather3A_504 : memref<64x256xf32, #tpu.memory_space<vmem>>[vector<16xi32>, vector<16xi32>], vector<16xf32>,
        %scatter3A_581 = arith.constant 0 : i32
        %scatter3A_582 = arith.constant 0 : i32
        %scatter3A_583 = tpu.memref_slice %arg8[%scan3A_219, %scatter3A_581, %scatter3A_582] : memref<2x64x256xf32, #tpu.memory_space<vmem>> -> memref<1x64x256xf32, #tpu.memory_space<vmem>>
        %scatter3A_584 = tpu.memref_squeeze %scatter3A_583 : memref<1x64x256xf32, #tpu.memory_space<vmem>> -> memref<64x256xf32, #tpu.memory_space<vmem>>
        tpu.vector_store_idx %scatter3A_584[%add3A_451, %add3A_246], %gather3A_509 : memref<64x256xf32, #tpu.memory_space<vmem>>[vector<16xi32>, vector<16xi32>], vector<16xf32>,
        %scatter3A_585 = arith.constant 0 : i32
        %scatter3A_586 = arith.constant 0 : i32
        %scatter3A_587 = tpu.memref_slice %arg8[%scan3A_219, %scatter3A_585, %scatter3A_586] : memref<2x64x256xf32, #tpu.memory_space<vmem>> -> memref<1x64x256xf32, #tpu.memory_space<vmem>>
        %scatter3A_588 = tpu.memref_squeeze %scatter3A_587 : memref<1x64x256xf32, #tpu.memory_space<vmem>> -> memref<64x256xf32, #tpu.memory_space<vmem>>
        tpu.vector_store_idx %scatter3A_588[%add3A_454, %add3A_246], %gather3A_514 : memref<64x256xf32, #tpu.memory_space<vmem>>[vector<16xi32>, vector<16xi32>], vector<16xf32>,
        %scatter3A_589 = arith.constant 0 : i32
        %scatter3A_590 = arith.constant 0 : i32
        %scatter3A_591 = tpu.memref_slice %arg8[%scan3A_219, %scatter3A_589, %scatter3A_590] : memref<2x64x256xf32, #tpu.memory_space<vmem>> -> memref<1x64x256xf32, #tpu.memory_space<vmem>>
        %scatter3A_592 = tpu.memref_squeeze %scatter3A_591 : memref<1x64x256xf32, #tpu.memory_space<vmem>> -> memref<64x256xf32, #tpu.memory_space<vmem>>
        tpu.vector_store_idx %scatter3A_592[%add3A_457, %add3A_246], %gather3A_519 : memref<64x256xf32, #tpu.memory_space<vmem>>[vector<16xi32>, vector<16xi32>], vector<16xf32>,
        %scatter3A_593 = arith.constant 0 : i32
        %scatter3A_594 = arith.constant 0 : i32
        %scatter3A_595 = tpu.memref_slice %arg8[%scan3A_219, %scatter3A_593, %scatter3A_594] : memref<2x64x256xf32, #tpu.memory_space<vmem>> -> memref<1x64x256xf32, #tpu.memory_space<vmem>>
        %scatter3A_596 = tpu.memref_squeeze %scatter3A_595 : memref<1x64x256xf32, #tpu.memory_space<vmem>> -> memref<64x256xf32, #tpu.memory_space<vmem>>
        tpu.vector_store_idx %scatter3A_596[%add3A_460, %add3A_246], %gather3A_524 : memref<64x256xf32, #tpu.memory_space<vmem>>[vector<16xi32>, vector<16xi32>], vector<16xf32>,
        %scatter3A_597 = arith.constant 0 : i32
        %scatter3A_598 = arith.constant 0 : i32
        %scatter3A_599 = tpu.memref_slice %arg8[%scan3A_219, %scatter3A_597, %scatter3A_598] : memref<2x64x256xf32, #tpu.memory_space<vmem>> -> memref<1x64x256xf32, #tpu.memory_space<vmem>>
        %scatter3A_600 = tpu.memref_squeeze %scatter3A_599 : memref<1x64x256xf32, #tpu.memory_space<vmem>> -> memref<64x256xf32, #tpu.memory_space<vmem>>
        tpu.vector_store_idx %scatter3A_600[%add3A_463, %add3A_246], %gather3A_529 : memref<64x256xf32, #tpu.memory_space<vmem>>[vector<16xi32>, vector<16xi32>], vector<16xf32>,
        %scatter3A_601 = arith.constant 0 : i32
        %scatter3A_602 = arith.constant 0 : i32
        %scatter3A_603 = tpu.memref_slice %arg8[%scan3A_219, %scatter3A_601, %scatter3A_602] : memref<2x64x256xf32, #tpu.memory_space<vmem>> -> memref<1x64x256xf32, #tpu.memory_space<vmem>>
        %scatter3A_604 = tpu.memref_squeeze %scatter3A_603 : memref<1x64x256xf32, #tpu.memory_space<vmem>> -> memref<64x256xf32, #tpu.memory_space<vmem>>
        tpu.vector_store_idx %scatter3A_604[%add3A_466, %add3A_246], %gather3A_534 : memref<64x256xf32, #tpu.memory_space<vmem>>[vector<16xi32>, vector<16xi32>], vector<16xf32>,
        %scatter3A_605 = arith.constant 0 : i32
        %scatter3A_606 = arith.constant 0 : i32
        %scatter3A_607 = tpu.memref_slice %arg8[%scan3A_219, %scatter3A_605, %scatter3A_606] : memref<2x64x256xf32, #tpu.memory_space<vmem>> -> memref<1x64x256xf32, #tpu.memory_space<vmem>>
        %scatter3A_608 = tpu.memref_squeeze %scatter3A_607 : memref<1x64x256xf32, #tpu.memory_space<vmem>> -> memref<64x256xf32, #tpu.memory_space<vmem>>
        tpu.vector_store_idx %scatter3A_608[%add3A_469, %add3A_246], %gather3A_539 : memref<64x256xf32, #tpu.memory_space<vmem>>[vector<16xi32>, vector<16xi32>], vector<16xf32>,
        %scatter3A_609 = arith.constant 0 : i32
        %scatter3A_610 = arith.constant 0 : i32
        %scatter3A_611 = tpu.memref_slice %arg8[%scan3A_219, %scatter3A_609, %scatter3A_610] : memref<2x64x256xf32, #tpu.memory_space<vmem>> -> memref<1x64x256xf32, #tpu.memory_space<vmem>>
        %scatter3A_612 = tpu.memref_squeeze %scatter3A_611 : memref<1x64x256xf32, #tpu.memory_space<vmem>> -> memref<64x256xf32, #tpu.memory_space<vmem>>
        tpu.vector_store_idx %scatter3A_612[%add3A_472, %add3A_246], %gather3A_544 : memref<64x256xf32, #tpu.memory_space<vmem>>[vector<16xi32>, vector<16xi32>], vector<16xf32>,
        %scatter3A_613 = arith.constant 0 : i32
        %scatter3A_614 = arith.constant 0 : i32
        %scatter3A_615 = tpu.memref_slice %arg8[%scan3A_219, %scatter3A_613, %scatter3A_614] : memref<2x64x256xf32, #tpu.memory_space<vmem>> -> memref<1x64x256xf32, #tpu.memory_space<vmem>>
        %scatter3A_616 = tpu.memref_squeeze %scatter3A_615 : memref<1x64x256xf32, #tpu.memory_space<vmem>> -> memref<64x256xf32, #tpu.memory_space<vmem>>
        tpu.vector_store_idx %scatter3A_616[%add3A_475, %add3A_246], %gather3A_549 : memref<64x256xf32, #tpu.memory_space<vmem>>[vector<16xi32>, vector<16xi32>], vector<16xf32>,
        %scatter3A_617 = arith.constant 0 : i32
        %scatter3A_618 = arith.constant 0 : i32
        %scatter3A_619 = tpu.memref_slice %arg8[%scan3A_219, %scatter3A_617, %scatter3A_618] : memref<2x64x256xf32, #tpu.memory_space<vmem>> -> memref<1x64x256xf32, #tpu.memory_space<vmem>>
        %scatter3A_620 = tpu.memref_squeeze %scatter3A_619 : memref<1x64x256xf32, #tpu.memory_space<vmem>> -> memref<64x256xf32, #tpu.memory_space<vmem>>
        tpu.vector_store_idx %scatter3A_620[%add3A_478, %add3A_246], %gather3A_554 : memref<64x256xf32, #tpu.memory_space<vmem>>[vector<16xi32>, vector<16xi32>], vector<16xf32>,
        %scatter3A_621 = arith.constant 0 : i32
        %scatter3A_622 = arith.constant 0 : i32
        %scatter3A_623 = tpu.memref_slice %arg8[%scan3A_219, %scatter3A_621, %scatter3A_622] : memref<2x64x256xf32, #tpu.memory_space<vmem>> -> memref<1x64x256xf32, #tpu.memory_space<vmem>>
        %scatter3A_624 = tpu.memref_squeeze %scatter3A_623 : memref<1x64x256xf32, #tpu.memory_space<vmem>> -> memref<64x256xf32, #tpu.memory_space<vmem>>
        tpu.vector_store_idx %scatter3A_624[%add3A_481, %add3A_246], %gather3A_559 : memref<64x256xf32, #tpu.memory_space<vmem>>[vector<16xi32>, vector<16xi32>], vector<16xf32>,
        %scatter3A_625 = arith.constant 0 : i32
        %scatter3A_626 = arith.constant 0 : i32
        %scatter3A_627 = tpu.memref_slice %arg8[%scan3A_219, %scatter3A_625, %scatter3A_626] : memref<2x64x256xf32, #tpu.memory_space<vmem>> -> memref<1x64x256xf32, #tpu.memory_space<vmem>>
        %scatter3A_628 = tpu.memref_squeeze %scatter3A_627 : memref<1x64x256xf32, #tpu.memory_space<vmem>> -> memref<64x256xf32, #tpu.memory_space<vmem>>
        tpu.vector_store_idx %scatter3A_628[%add3A_484, %add3A_246], %gather3A_564 : memref<64x256xf32, #tpu.memory_space<vmem>>[vector<16xi32>, vector<16xi32>], vector<16xf32>,
        %add3A_629 = arith.constant 32 : i32
        %add3A_630 = vector.broadcast %add3A_629 : i32 to vector<16xi32>
        %add3A_631 = arith.addi %rem3A_7, %add3A_630 : vector<16xi32>
        %add3A_632 = arith.constant 32 : i32
        %add3A_633 = vector.broadcast %add3A_632 : i32 to vector<16xi32>
        %add3A_634 = arith.addi %rem3A_13, %add3A_633 : vector<16xi32>
        %add3A_635 = arith.constant 32 : i32
        %add3A_636 = vector.broadcast %add3A_635 : i32 to vector<16xi32>
        %add3A_637 = arith.addi %rem3A_19, %add3A_636 : vector<16xi32>
        %add3A_638 = arith.constant 32 : i32
        %add3A_639 = vector.broadcast %add3A_638 : i32 to vector<16xi32>
        %add3A_640 = arith.addi %rem3A_25, %add3A_639 : vector<16xi32>
        %add3A_641 = arith.constant 32 : i32
        %add3A_642 = vector.broadcast %add3A_641 : i32 to vector<16xi32>
        %add3A_643 = arith.addi %rem3A_31, %add3A_642 : vector<16xi32>
        %add3A_644 = arith.constant 32 : i32
        %add3A_645 = vector.broadcast %add3A_644 : i32 to vector<16xi32>
        %add3A_646 = arith.addi %rem3A_37, %add3A_645 : vector<16xi32>
        %add3A_647 = arith.constant 32 : i32
        %add3A_648 = vector.broadcast %add3A_647 : i32 to vector<16xi32>
        %add3A_649 = arith.addi %rem3A_43, %add3A_648 : vector<16xi32>
        %add3A_650 = arith.constant 32 : i32
        %add3A_651 = vector.broadcast %add3A_650 : i32 to vector<16xi32>
        %add3A_652 = arith.addi %rem3A_49, %add3A_651 : vector<16xi32>
        %add3A_653 = arith.constant 32 : i32
        %add3A_654 = vector.broadcast %add3A_653 : i32 to vector<16xi32>
        %add3A_655 = arith.addi %rem3A_55, %add3A_654 : vector<16xi32>
        %add3A_656 = arith.constant 32 : i32
        %add3A_657 = vector.broadcast %add3A_656 : i32 to vector<16xi32>
        %add3A_658 = arith.addi %rem3A_61, %add3A_657 : vector<16xi32>
        %add3A_659 = arith.constant 32 : i32
        %add3A_660 = vector.broadcast %add3A_659 : i32 to vector<16xi32>
        %add3A_661 = arith.addi %rem3A_67, %add3A_660 : vector<16xi32>
        %add3A_662 = arith.constant 32 : i32
        %add3A_663 = vector.broadcast %add3A_662 : i32 to vector<16xi32>
        %add3A_664 = arith.addi %rem3A_73, %add3A_663 : vector<16xi32>
        %add3A_665 = arith.constant 32 : i32
        %add3A_666 = vector.broadcast %add3A_665 : i32 to vector<16xi32>
        %add3A_667 = arith.addi %rem3A_79, %add3A_666 : vector<16xi32>
        %add3A_668 = arith.constant 32 : i32
        %add3A_669 = vector.broadcast %add3A_668 : i32 to vector<16xi32>
        %add3A_670 = arith.addi %rem3A_85, %add3A_669 : vector<16xi32>
        %add3A_671 = arith.constant 32 : i32
        %add3A_672 = vector.broadcast %add3A_671 : i32 to vector<16xi32>
        %add3A_673 = arith.addi %rem3A_91, %add3A_672 : vector<16xi32>
        %add3A_674 = arith.constant 32 : i32
        %add3A_675 = vector.broadcast %add3A_674 : i32 to vector<16xi32>
        %add3A_676 = arith.addi %rem3A_97, %add3A_675 : vector<16xi32>
        %gather3A_677 = arith.constant 0 : i32
        %gather3A_678 = arith.constant 0 : i32
        %gather3A_679 = tpu.memref_slice %arg7[%scan3A_218, %gather3A_677, %gather3A_678] : memref<2x256x128xf32, #tpu.memory_space<vmem>> -> memref<1x256x128xf32, #tpu.memory_space<vmem>>
        %gather3A_680 = tpu.memref_squeeze %gather3A_679 : memref<1x256x128xf32, #tpu.memory_space<vmem>> -> memref<256x128xf32, #tpu.memory_space<vmem>>
        %gather3A_681 = tpu.vector_load_idx %gather3A_680[%add3A_246, %add3A_631] : memref<256x128xf32, #tpu.memory_space<vmem>>[vector<16xi32>, vector<16xi32>], vector<16xf32>,
        %gather3A_682 = arith.constant 0 : i32
        %gather3A_683 = arith.constant 0 : i32
        %gather3A_684 = tpu.memref_slice %arg7[%scan3A_218, %gather3A_682, %gather3A_683] : memref<2x256x128xf32, #tpu.memory_space<vmem>> -> memref<1x256x128xf32, #tpu.memory_space<vmem>>
        %gather3A_685 = tpu.memref_squeeze %gather3A_684 : memref<1x256x128xf32, #tpu.memory_space<vmem>> -> memref<256x128xf32, #tpu.memory_space<vmem>>
        %gather3A_686 = tpu.vector_load_idx %gather3A_685[%add3A_246, %add3A_634] : memref<256x128xf32, #tpu.memory_space<vmem>>[vector<16xi32>, vector<16xi32>], vector<16xf32>,
        %gather3A_687 = arith.constant 0 : i32
        %gather3A_688 = arith.constant 0 : i32
        %gather3A_689 = tpu.memref_slice %arg7[%scan3A_218, %gather3A_687, %gather3A_688] : memref<2x256x128xf32, #tpu.memory_space<vmem>> -> memref<1x256x128xf32, #tpu.memory_space<vmem>>
        %gather3A_690 = tpu.memref_squeeze %gather3A_689 : memref<1x256x128xf32, #tpu.memory_space<vmem>> -> memref<256x128xf32, #tpu.memory_space<vmem>>
        %gather3A_691 = tpu.vector_load_idx %gather3A_690[%add3A_246, %add3A_637] : memref<256x128xf32, #tpu.memory_space<vmem>>[vector<16xi32>, vector<16xi32>], vector<16xf32>,
        %gather3A_692 = arith.constant 0 : i32
        %gather3A_693 = arith.constant 0 : i32
        %gather3A_694 = tpu.memref_slice %arg7[%scan3A_218, %gather3A_692, %gather3A_693] : memref<2x256x128xf32, #tpu.memory_space<vmem>> -> memref<1x256x128xf32, #tpu.memory_space<vmem>>
        %gather3A_695 = tpu.memref_squeeze %gather3A_694 : memref<1x256x128xf32, #tpu.memory_space<vmem>> -> memref<256x128xf32, #tpu.memory_space<vmem>>
        %gather3A_696 = tpu.vector_load_idx %gather3A_695[%add3A_246, %add3A_640] : memref<256x128xf32, #tpu.memory_space<vmem>>[vector<16xi32>, vector<16xi32>], vector<16xf32>,
        %gather3A_697 = arith.constant 0 : i32
        %gather3A_698 = arith.constant 0 : i32
        %gather3A_699 = tpu.memref_slice %arg7[%scan3A_218, %gather3A_697, %gather3A_698] : memref<2x256x128xf32, #tpu.memory_space<vmem>> -> memref<1x256x128xf32, #tpu.memory_space<vmem>>
        %gather3A_700 = tpu.memref_squeeze %gather3A_699 : memref<1x256x128xf32, #tpu.memory_space<vmem>> -> memref<256x128xf32, #tpu.memory_space<vmem>>
        %gather3A_701 = tpu.vector_load_idx %gather3A_700[%add3A_246, %add3A_643] : memref<256x128xf32, #tpu.memory_space<vmem>>[vector<16xi32>, vector<16xi32>], vector<16xf32>,
        %gather3A_702 = arith.constant 0 : i32
        %gather3A_703 = arith.constant 0 : i32
        %gather3A_704 = tpu.memref_slice %arg7[%scan3A_218, %gather3A_702, %gather3A_703] : memref<2x256x128xf32, #tpu.memory_space<vmem>> -> memref<1x256x128xf32, #tpu.memory_space<vmem>>
        %gather3A_705 = tpu.memref_squeeze %gather3A_704 : memref<1x256x128xf32, #tpu.memory_space<vmem>> -> memref<256x128xf32, #tpu.memory_space<vmem>>
        %gather3A_706 = tpu.vector_load_idx %gather3A_705[%add3A_246, %add3A_646] : memref<256x128xf32, #tpu.memory_space<vmem>>[vector<16xi32>, vector<16xi32>], vector<16xf32>,
        %gather3A_707 = arith.constant 0 : i32
        %gather3A_708 = arith.constant 0 : i32
        %gather3A_709 = tpu.memref_slice %arg7[%scan3A_218, %gather3A_707, %gather3A_708] : memref<2x256x128xf32, #tpu.memory_space<vmem>> -> memref<1x256x128xf32, #tpu.memory_space<vmem>>
        %gather3A_710 = tpu.memref_squeeze %gather3A_709 : memref<1x256x128xf32, #tpu.memory_space<vmem>> -> memref<256x128xf32, #tpu.memory_space<vmem>>
        %gather3A_711 = tpu.vector_load_idx %gather3A_710[%add3A_246, %add3A_649] : memref<256x128xf32, #tpu.memory_space<vmem>>[vector<16xi32>, vector<16xi32>], vector<16xf32>,
        %gather3A_712 = arith.constant 0 : i32
        %gather3A_713 = arith.constant 0 : i32
        %gather3A_714 = tpu.memref_slice %arg7[%scan3A_218, %gather3A_712, %gather3A_713] : memref<2x256x128xf32, #tpu.memory_space<vmem>> -> memref<1x256x128xf32, #tpu.memory_space<vmem>>
        %gather3A_715 = tpu.memref_squeeze %gather3A_714 : memref<1x256x128xf32, #tpu.memory_space<vmem>> -> memref<256x128xf32, #tpu.memory_space<vmem>>
        %gather3A_716 = tpu.vector_load_idx %gather3A_715[%add3A_246, %add3A_652] : memref<256x128xf32, #tpu.memory_space<vmem>>[vector<16xi32>, vector<16xi32>], vector<16xf32>,
        %gather3A_717 = arith.constant 0 : i32
        %gather3A_718 = arith.constant 0 : i32
        %gather3A_719 = tpu.memref_slice %arg7[%scan3A_218, %gather3A_717, %gather3A_718] : memref<2x256x128xf32, #tpu.memory_space<vmem>> -> memref<1x256x128xf32, #tpu.memory_space<vmem>>
        %gather3A_720 = tpu.memref_squeeze %gather3A_719 : memref<1x256x128xf32, #tpu.memory_space<vmem>> -> memref<256x128xf32, #tpu.memory_space<vmem>>
        %gather3A_721 = tpu.vector_load_idx %gather3A_720[%add3A_246, %add3A_655] : memref<256x128xf32, #tpu.memory_space<vmem>>[vector<16xi32>, vector<16xi32>], vector<16xf32>,
        %gather3A_722 = arith.constant 0 : i32
        %gather3A_723 = arith.constant 0 : i32
        %gather3A_724 = tpu.memref_slice %arg7[%scan3A_218, %gather3A_722, %gather3A_723] : memref<2x256x128xf32, #tpu.memory_space<vmem>> -> memref<1x256x128xf32, #tpu.memory_space<vmem>>
        %gather3A_725 = tpu.memref_squeeze %gather3A_724 : memref<1x256x128xf32, #tpu.memory_space<vmem>> -> memref<256x128xf32, #tpu.memory_space<vmem>>
        %gather3A_726 = tpu.vector_load_idx %gather3A_725[%add3A_246, %add3A_658] : memref<256x128xf32, #tpu.memory_space<vmem>>[vector<16xi32>, vector<16xi32>], vector<16xf32>,
        %gather3A_727 = arith.constant 0 : i32
        %gather3A_728 = arith.constant 0 : i32
        %gather3A_729 = tpu.memref_slice %arg7[%scan3A_218, %gather3A_727, %gather3A_728] : memref<2x256x128xf32, #tpu.memory_space<vmem>> -> memref<1x256x128xf32, #tpu.memory_space<vmem>>
        %gather3A_730 = tpu.memref_squeeze %gather3A_729 : memref<1x256x128xf32, #tpu.memory_space<vmem>> -> memref<256x128xf32, #tpu.memory_space<vmem>>
        %gather3A_731 = tpu.vector_load_idx %gather3A_730[%add3A_246, %add3A_661] : memref<256x128xf32, #tpu.memory_space<vmem>>[vector<16xi32>, vector<16xi32>], vector<16xf32>,
        %gather3A_732 = arith.constant 0 : i32
        %gather3A_733 = arith.constant 0 : i32
        %gather3A_734 = tpu.memref_slice %arg7[%scan3A_218, %gather3A_732, %gather3A_733] : memref<2x256x128xf32, #tpu.memory_space<vmem>> -> memref<1x256x128xf32, #tpu.memory_space<vmem>>
        %gather3A_735 = tpu.memref_squeeze %gather3A_734 : memref<1x256x128xf32, #tpu.memory_space<vmem>> -> memref<256x128xf32, #tpu.memory_space<vmem>>
        %gather3A_736 = tpu.vector_load_idx %gather3A_735[%add3A_246, %add3A_664] : memref<256x128xf32, #tpu.memory_space<vmem>>[vector<16xi32>, vector<16xi32>], vector<16xf32>,
        %gather3A_737 = arith.constant 0 : i32
        %gather3A_738 = arith.constant 0 : i32
        %gather3A_739 = tpu.memref_slice %arg7[%scan3A_218, %gather3A_737, %gather3A_738] : memref<2x256x128xf32, #tpu.memory_space<vmem>> -> memref<1x256x128xf32, #tpu.memory_space<vmem>>
        %gather3A_740 = tpu.memref_squeeze %gather3A_739 : memref<1x256x128xf32, #tpu.memory_space<vmem>> -> memref<256x128xf32, #tpu.memory_space<vmem>>
        %gather3A_741 = tpu.vector_load_idx %gather3A_740[%add3A_246, %add3A_667] : memref<256x128xf32, #tpu.memory_space<vmem>>[vector<16xi32>, vector<16xi32>], vector<16xf32>,
        %gather3A_742 = arith.constant 0 : i32
        %gather3A_743 = arith.constant 0 : i32
        %gather3A_744 = tpu.memref_slice %arg7[%scan3A_218, %gather3A_742, %gather3A_743] : memref<2x256x128xf32, #tpu.memory_space<vmem>> -> memref<1x256x128xf32, #tpu.memory_space<vmem>>
        %gather3A_745 = tpu.memref_squeeze %gather3A_744 : memref<1x256x128xf32, #tpu.memory_space<vmem>> -> memref<256x128xf32, #tpu.memory_space<vmem>>
        %gather3A_746 = tpu.vector_load_idx %gather3A_745[%add3A_246, %add3A_670] : memref<256x128xf32, #tpu.memory_space<vmem>>[vector<16xi32>, vector<16xi32>], vector<16xf32>,
        %gather3A_747 = arith.constant 0 : i32
        %gather3A_748 = arith.constant 0 : i32
        %gather3A_749 = tpu.memref_slice %arg7[%scan3A_218, %gather3A_747, %gather3A_748] : memref<2x256x128xf32, #tpu.memory_space<vmem>> -> memref<1x256x128xf32, #tpu.memory_space<vmem>>
        %gather3A_750 = tpu.memref_squeeze %gather3A_749 : memref<1x256x128xf32, #tpu.memory_space<vmem>> -> memref<256x128xf32, #tpu.memory_space<vmem>>
        %gather3A_751 = tpu.vector_load_idx %gather3A_750[%add3A_246, %add3A_673] : memref<256x128xf32, #tpu.memory_space<vmem>>[vector<16xi32>, vector<16xi32>], vector<16xf32>,
        %gather3A_752 = arith.constant 0 : i32
        %gather3A_753 = arith.constant 0 : i32
        %gather3A_754 = tpu.memref_slice %arg7[%scan3A_218, %gather3A_752, %gather3A_753] : memref<2x256x128xf32, #tpu.memory_space<vmem>> -> memref<1x256x128xf32, #tpu.memory_space<vmem>>
        %gather3A_755 = tpu.memref_squeeze %gather3A_754 : memref<1x256x128xf32, #tpu.memory_space<vmem>> -> memref<256x128xf32, #tpu.memory_space<vmem>>
        %gather3A_756 = tpu.vector_load_idx %gather3A_755[%add3A_246, %add3A_676] : memref<256x128xf32, #tpu.memory_space<vmem>>[vector<16xi32>, vector<16xi32>], vector<16xf32>,
        %scatter3A_757 = arith.constant 0 : i32
        %scatter3A_758 = arith.constant 0 : i32
        %scatter3A_759 = tpu.memref_slice %arg8[%scan3A_219, %scatter3A_757, %scatter3A_758] : memref<2x64x256xf32, #tpu.memory_space<vmem>> -> memref<1x64x256xf32, #tpu.memory_space<vmem>>
        %scatter3A_760 = tpu.memref_squeeze %scatter3A_759 : memref<1x64x256xf32, #tpu.memory_space<vmem>> -> memref<64x256xf32, #tpu.memory_space<vmem>>
        tpu.vector_store_idx %scatter3A_760[%add3A_631, %add3A_246], %gather3A_681 : memref<64x256xf32, #tpu.memory_space<vmem>>[vector<16xi32>, vector<16xi32>], vector<16xf32>,
        %scatter3A_761 = arith.constant 0 : i32
        %scatter3A_762 = arith.constant 0 : i32
        %scatter3A_763 = tpu.memref_slice %arg8[%scan3A_219, %scatter3A_761, %scatter3A_762] : memref<2x64x256xf32, #tpu.memory_space<vmem>> -> memref<1x64x256xf32, #tpu.memory_space<vmem>>
        %scatter3A_764 = tpu.memref_squeeze %scatter3A_763 : memref<1x64x256xf32, #tpu.memory_space<vmem>> -> memref<64x256xf32, #tpu.memory_space<vmem>>
        tpu.vector_store_idx %scatter3A_764[%add3A_634, %add3A_246], %gather3A_686 : memref<64x256xf32, #tpu.memory_space<vmem>>[vector<16xi32>, vector<16xi32>], vector<16xf32>,
        %scatter3A_765 = arith.constant 0 : i32
        %scatter3A_766 = arith.constant 0 : i32
        %scatter3A_767 = tpu.memref_slice %arg8[%scan3A_219, %scatter3A_765, %scatter3A_766] : memref<2x64x256xf32, #tpu.memory_space<vmem>> -> memref<1x64x256xf32, #tpu.memory_space<vmem>>
        %scatter3A_768 = tpu.memref_squeeze %scatter3A_767 : memref<1x64x256xf32, #tpu.memory_space<vmem>> -> memref<64x256xf32, #tpu.memory_space<vmem>>
        tpu.vector_store_idx %scatter3A_768[%add3A_637, %add3A_246], %gather3A_691 : memref<64x256xf32, #tpu.memory_space<vmem>>[vector<16xi32>, vector<16xi32>], vector<16xf32>,
        %scatter3A_769 = arith.constant 0 : i32
        %scatter3A_770 = arith.constant 0 : i32
        %scatter3A_771 = tpu.memref_slice %arg8[%scan3A_219, %scatter3A_769, %scatter3A_770] : memref<2x64x256xf32, #tpu.memory_space<vmem>> -> memref<1x64x256xf32, #tpu.memory_space<vmem>>
        %scatter3A_772 = tpu.memref_squeeze %scatter3A_771 : memref<1x64x256xf32, #tpu.memory_space<vmem>> -> memref<64x256xf32, #tpu.memory_space<vmem>>
        tpu.vector_store_idx %scatter3A_772[%add3A_640, %add3A_246], %gather3A_696 : memref<64x256xf32, #tpu.memory_space<vmem>>[vector<16xi32>, vector<16xi32>], vector<16xf32>,
        %scatter3A_773 = arith.constant 0 : i32
        %scatter3A_774 = arith.constant 0 : i32
        %scatter3A_775 = tpu.memref_slice %arg8[%scan3A_219, %scatter3A_773, %scatter3A_774] : memref<2x64x256xf32, #tpu.memory_space<vmem>> -> memref<1x64x256xf32, #tpu.memory_space<vmem>>
        %scatter3A_776 = tpu.memref_squeeze %scatter3A_775 : memref<1x64x256xf32, #tpu.memory_space<vmem>> -> memref<64x256xf32, #tpu.memory_space<vmem>>
        tpu.vector_store_idx %scatter3A_776[%add3A_643, %add3A_246], %gather3A_701 : memref<64x256xf32, #tpu.memory_space<vmem>>[vector<16xi32>, vector<16xi32>], vector<16xf32>,
        %scatter3A_777 = arith.constant 0 : i32
        %scatter3A_778 = arith.constant 0 : i32
        %scatter3A_779 = tpu.memref_slice %arg8[%scan3A_219, %scatter3A_777, %scatter3A_778] : memref<2x64x256xf32, #tpu.memory_space<vmem>> -> memref<1x64x256xf32, #tpu.memory_space<vmem>>
        %scatter3A_780 = tpu.memref_squeeze %scatter3A_779 : memref<1x64x256xf32, #tpu.memory_space<vmem>> -> memref<64x256xf32, #tpu.memory_space<vmem>>
        tpu.vector_store_idx %scatter3A_780[%add3A_646, %add3A_246], %gather3A_706 : memref<64x256xf32, #tpu.memory_space<vmem>>[vector<16xi32>, vector<16xi32>], vector<16xf32>,
        %scatter3A_781 = arith.constant 0 : i32
        %scatter3A_782 = arith.constant 0 : i32
        %scatter3A_783 = tpu.memref_slice %arg8[%scan3A_219, %scatter3A_781, %scatter3A_782] : memref<2x64x256xf32, #tpu.memory_space<vmem>> -> memref<1x64x256xf32, #tpu.memory_space<vmem>>
        %scatter3A_784 = tpu.memref_squeeze %scatter3A_783 : memref<1x64x256xf32, #tpu.memory_space<vmem>> -> memref<64x256xf32, #tpu.memory_space<vmem>>
        tpu.vector_store_idx %scatter3A_784[%add3A_649, %add3A_246], %gather3A_711 : memref<64x256xf32, #tpu.memory_space<vmem>>[vector<16xi32>, vector<16xi32>], vector<16xf32>,
        %scatter3A_785 = arith.constant 0 : i32
        %scatter3A_786 = arith.constant 0 : i32
        %scatter3A_787 = tpu.memref_slice %arg8[%scan3A_219, %scatter3A_785, %scatter3A_786] : memref<2x64x256xf32, #tpu.memory_space<vmem>> -> memref<1x64x256xf32, #tpu.memory_space<vmem>>
        %scatter3A_788 = tpu.memref_squeeze %scatter3A_787 : memref<1x64x256xf32, #tpu.memory_space<vmem>> -> memref<64x256xf32, #tpu.memory_space<vmem>>
        tpu.vector_store_idx %scatter3A_788[%add3A_652, %add3A_246], %gather3A_716 : memref<64x256xf32, #tpu.memory_space<vmem>>[vector<16xi32>, vector<16xi32>], vector<16xf32>,
        %scatter3A_789 = arith.constant 0 : i32
        %scatter3A_790 = arith.constant 0 : i32
        %scatter3A_791 = tpu.memref_slice %arg8[%scan3A_219, %scatter3A_789, %scatter3A_790] : memref<2x64x256xf32, #tpu.memory_space<vmem>> -> memref<1x64x256xf32, #tpu.memory_space<vmem>>
        %scatter3A_792 = tpu.memref_squeeze %scatter3A_791 : memref<1x64x256xf32, #tpu.memory_space<vmem>> -> memref<64x256xf32, #tpu.memory_space<vmem>>
        tpu.vector_store_idx %scatter3A_792[%add3A_655, %add3A_246], %gather3A_721 : memref<64x256xf32, #tpu.memory_space<vmem>>[vector<16xi32>, vector<16xi32>], vector<16xf32>,
        %scatter3A_793 = arith.constant 0 : i32
        %scatter3A_794 = arith.constant 0 : i32
        %scatter3A_795 = tpu.memref_slice %arg8[%scan3A_219, %scatter3A_793, %scatter3A_794] : memref<2x64x256xf32, #tpu.memory_space<vmem>> -> memref<1x64x256xf32, #tpu.memory_space<vmem>>
        %scatter3A_796 = tpu.memref_squeeze %scatter3A_795 : memref<1x64x256xf32, #tpu.memory_space<vmem>> -> memref<64x256xf32, #tpu.memory_space<vmem>>
        tpu.vector_store_idx %scatter3A_796[%add3A_658, %add3A_246], %gather3A_726 : memref<64x256xf32, #tpu.memory_space<vmem>>[vector<16xi32>, vector<16xi32>], vector<16xf32>,
        %scatter3A_797 = arith.constant 0 : i32
        %scatter3A_798 = arith.constant 0 : i32
        %scatter3A_799 = tpu.memref_slice %arg8[%scan3A_219, %scatter3A_797, %scatter3A_798] : memref<2x64x256xf32, #tpu.memory_space<vmem>> -> memref<1x64x256xf32, #tpu.memory_space<vmem>>
        %scatter3A_800 = tpu.memref_squeeze %scatter3A_799 : memref<1x64x256xf32, #tpu.memory_space<vmem>> -> memref<64x256xf32, #tpu.memory_space<vmem>>
        tpu.vector_store_idx %scatter3A_800[%add3A_661, %add3A_246], %gather3A_731 : memref<64x256xf32, #tpu.memory_space<vmem>>[vector<16xi32>, vector<16xi32>], vector<16xf32>,
        %scatter3A_801 = arith.constant 0 : i32
        %scatter3A_802 = arith.constant 0 : i32
        %scatter3A_803 = tpu.memref_slice %arg8[%scan3A_219, %scatter3A_801, %scatter3A_802] : memref<2x64x256xf32, #tpu.memory_space<vmem>> -> memref<1x64x256xf32, #tpu.memory_space<vmem>>
        %scatter3A_804 = tpu.memref_squeeze %scatter3A_803 : memref<1x64x256xf32, #tpu.memory_space<vmem>> -> memref<64x256xf32, #tpu.memory_space<vmem>>
        tpu.vector_store_idx %scatter3A_804[%add3A_664, %add3A_246], %gather3A_736 : memref<64x256xf32, #tpu.memory_space<vmem>>[vector<16xi32>, vector<16xi32>], vector<16xf32>,
        %scatter3A_805 = arith.constant 0 : i32
        %scatter3A_806 = arith.constant 0 : i32
        %scatter3A_807 = tpu.memref_slice %arg8[%scan3A_219, %scatter3A_805, %scatter3A_806] : memref<2x64x256xf32, #tpu.memory_space<vmem>> -> memref<1x64x256xf32, #tpu.memory_space<vmem>>
        %scatter3A_808 = tpu.memref_squeeze %scatter3A_807 : memref<1x64x256xf32, #tpu.memory_space<vmem>> -> memref<64x256xf32, #tpu.memory_space<vmem>>
        tpu.vector_store_idx %scatter3A_808[%add3A_667, %add3A_246], %gather3A_741 : memref<64x256xf32, #tpu.memory_space<vmem>>[vector<16xi32>, vector<16xi32>], vector<16xf32>,
        %scatter3A_809 = arith.constant 0 : i32
        %scatter3A_810 = arith.constant 0 : i32
        %scatter3A_811 = tpu.memref_slice %arg8[%scan3A_219, %scatter3A_809, %scatter3A_810] : memref<2x64x256xf32, #tpu.memory_space<vmem>> -> memref<1x64x256xf32, #tpu.memory_space<vmem>>
        %scatter3A_812 = tpu.memref_squeeze %scatter3A_811 : memref<1x64x256xf32, #tpu.memory_space<vmem>> -> memref<64x256xf32, #tpu.memory_space<vmem>>
        tpu.vector_store_idx %scatter3A_812[%add3A_670, %add3A_246], %gather3A_746 : memref<64x256xf32, #tpu.memory_space<vmem>>[vector<16xi32>, vector<16xi32>], vector<16xf32>,
        %scatter3A_813 = arith.constant 0 : i32
        %scatter3A_814 = arith.constant 0 : i32
        %scatter3A_815 = tpu.memref_slice %arg8[%scan3A_219, %scatter3A_813, %scatter3A_814] : memref<2x64x256xf32, #tpu.memory_space<vmem>> -> memref<1x64x256xf32, #tpu.memory_space<vmem>>
        %scatter3A_816 = tpu.memref_squeeze %scatter3A_815 : memref<1x64x256xf32, #tpu.memory_space<vmem>> -> memref<64x256xf32, #tpu.memory_space<vmem>>
        tpu.vector_store_idx %scatter3A_816[%add3A_673, %add3A_246], %gather3A_751 : memref<64x256xf32, #tpu.memory_space<vmem>>[vector<16xi32>, vector<16xi32>], vector<16xf32>,
        %scatter3A_817 = arith.constant 0 : i32
        %scatter3A_818 = arith.constant 0 : i32
        %scatter3A_819 = tpu.memref_slice %arg8[%scan3A_219, %scatter3A_817, %scatter3A_818] : memref<2x64x256xf32, #tpu.memory_space<vmem>> -> memref<1x64x256xf32, #tpu.memory_space<vmem>>
        %scatter3A_820 = tpu.memref_squeeze %scatter3A_819 : memref<1x64x256xf32, #tpu.memory_space<vmem>> -> memref<64x256xf32, #tpu.memory_space<vmem>>
        tpu.vector_store_idx %scatter3A_820[%add3A_676, %add3A_246], %gather3A_756 : memref<64x256xf32, #tpu.memory_space<vmem>>[vector<16xi32>, vector<16xi32>], vector<16xf32>,
        %add3A_821 = arith.constant 48 : i32
        %add3A_822 = vector.broadcast %add3A_821 : i32 to vector<16xi32>
        %add3A_823 = arith.addi %rem3A_7, %add3A_822 : vector<16xi32>
        %add3A_824 = arith.constant 48 : i32
        %add3A_825 = vector.broadcast %add3A_824 : i32 to vector<16xi32>
        %add3A_826 = arith.addi %rem3A_13, %add3A_825 : vector<16xi32>
        %add3A_827 = arith.constant 48 : i32
        %add3A_828 = vector.broadcast %add3A_827 : i32 to vector<16xi32>
        %add3A_829 = arith.addi %rem3A_19, %add3A_828 : vector<16xi32>
        %add3A_830 = arith.constant 48 : i32
        %add3A_831 = vector.broadcast %add3A_830 : i32 to vector<16xi32>
        %add3A_832 = arith.addi %rem3A_25, %add3A_831 : vector<16xi32>
        %add3A_833 = arith.constant 48 : i32
        %add3A_834 = vector.broadcast %add3A_833 : i32 to vector<16xi32>
        %add3A_835 = arith.addi %rem3A_31, %add3A_834 : vector<16xi32>
        %add3A_836 = arith.constant 48 : i32
        %add3A_837 = vector.broadcast %add3A_836 : i32 to vector<16xi32>
        %add3A_838 = arith.addi %rem3A_37, %add3A_837 : vector<16xi32>
        %add3A_839 = arith.constant 48 : i32
        %add3A_840 = vector.broadcast %add3A_839 : i32 to vector<16xi32>
        %add3A_841 = arith.addi %rem3A_43, %add3A_840 : vector<16xi32>
        %add3A_842 = arith.constant 48 : i32
        %add3A_843 = vector.broadcast %add3A_842 : i32 to vector<16xi32>
        %add3A_844 = arith.addi %rem3A_49, %add3A_843 : vector<16xi32>
        %add3A_845 = arith.constant 48 : i32
        %add3A_846 = vector.broadcast %add3A_845 : i32 to vector<16xi32>
        %add3A_847 = arith.addi %rem3A_55, %add3A_846 : vector<16xi32>
        %add3A_848 = arith.constant 48 : i32
        %add3A_849 = vector.broadcast %add3A_848 : i32 to vector<16xi32>
        %add3A_850 = arith.addi %rem3A_61, %add3A_849 : vector<16xi32>
        %add3A_851 = arith.constant 48 : i32
        %add3A_852 = vector.broadcast %add3A_851 : i32 to vector<16xi32>
        %add3A_853 = arith.addi %rem3A_67, %add3A_852 : vector<16xi32>
        %add3A_854 = arith.constant 48 : i32
        %add3A_855 = vector.broadcast %add3A_854 : i32 to vector<16xi32>
        %add3A_856 = arith.addi %rem3A_73, %add3A_855 : vector<16xi32>
        %add3A_857 = arith.constant 48 : i32
        %add3A_858 = vector.broadcast %add3A_857 : i32 to vector<16xi32>
        %add3A_859 = arith.addi %rem3A_79, %add3A_858 : vector<16xi32>
        %add3A_860 = arith.constant 48 : i32
        %add3A_861 = vector.broadcast %add3A_860 : i32 to vector<16xi32>
        %add3A_862 = arith.addi %rem3A_85, %add3A_861 : vector<16xi32>
        %add3A_863 = arith.constant 48 : i32
        %add3A_864 = vector.broadcast %add3A_863 : i32 to vector<16xi32>
        %add3A_865 = arith.addi %rem3A_91, %add3A_864 : vector<16xi32>
        %add3A_866 = arith.constant 48 : i32
        %add3A_867 = vector.broadcast %add3A_866 : i32 to vector<16xi32>
        %add3A_868 = arith.addi %rem3A_97, %add3A_867 : vector<16xi32>
        %gather3A_869 = arith.constant 0 : i32
        %gather3A_870 = arith.constant 0 : i32
        %gather3A_871 = tpu.memref_slice %arg7[%scan3A_218, %gather3A_869, %gather3A_870] : memref<2x256x128xf32, #tpu.memory_space<vmem>> -> memref<1x256x128xf32, #tpu.memory_space<vmem>>
        %gather3A_872 = tpu.memref_squeeze %gather3A_871 : memref<1x256x128xf32, #tpu.memory_space<vmem>> -> memref<256x128xf32, #tpu.memory_space<vmem>>
        %gather3A_873 = tpu.vector_load_idx %gather3A_872[%add3A_246, %add3A_823] : memref<256x128xf32, #tpu.memory_space<vmem>>[vector<16xi32>, vector<16xi32>], vector<16xf32>,
        %gather3A_874 = arith.constant 0 : i32
        %gather3A_875 = arith.constant 0 : i32
        %gather3A_876 = tpu.memref_slice %arg7[%scan3A_218, %gather3A_874, %gather3A_875] : memref<2x256x128xf32, #tpu.memory_space<vmem>> -> memref<1x256x128xf32, #tpu.memory_space<vmem>>
        %gather3A_877 = tpu.memref_squeeze %gather3A_876 : memref<1x256x128xf32, #tpu.memory_space<vmem>> -> memref<256x128xf32, #tpu.memory_space<vmem>>
        %gather3A_878 = tpu.vector_load_idx %gather3A_877[%add3A_246, %add3A_826] : memref<256x128xf32, #tpu.memory_space<vmem>>[vector<16xi32>, vector<16xi32>], vector<16xf32>,
        %gather3A_879 = arith.constant 0 : i32
        %gather3A_880 = arith.constant 0 : i32
        %gather3A_881 = tpu.memref_slice %arg7[%scan3A_218, %gather3A_879, %gather3A_880] : memref<2x256x128xf32, #tpu.memory_space<vmem>> -> memref<1x256x128xf32, #tpu.memory_space<vmem>>
        %gather3A_882 = tpu.memref_squeeze %gather3A_881 : memref<1x256x128xf32, #tpu.memory_space<vmem>> -> memref<256x128xf32, #tpu.memory_space<vmem>>
        %gather3A_883 = tpu.vector_load_idx %gather3A_882[%add3A_246, %add3A_829] : memref<256x128xf32, #tpu.memory_space<vmem>>[vector<16xi32>, vector<16xi32>], vector<16xf32>,
        %gather3A_884 = arith.constant 0 : i32
        %gather3A_885 = arith.constant 0 : i32
        %gather3A_886 = tpu.memref_slice %arg7[%scan3A_218, %gather3A_884, %gather3A_885] : memref<2x256x128xf32, #tpu.memory_space<vmem>> -> memref<1x256x128xf32, #tpu.memory_space<vmem>>
        %gather3A_887 = tpu.memref_squeeze %gather3A_886 : memref<1x256x128xf32, #tpu.memory_space<vmem>> -> memref<256x128xf32, #tpu.memory_space<vmem>>
        %gather3A_888 = tpu.vector_load_idx %gather3A_887[%add3A_246, %add3A_832] : memref<256x128xf32, #tpu.memory_space<vmem>>[vector<16xi32>, vector<16xi32>], vector<16xf32>,
        %gather3A_889 = arith.constant 0 : i32
        %gather3A_890 = arith.constant 0 : i32
        %gather3A_891 = tpu.memref_slice %arg7[%scan3A_218, %gather3A_889, %gather3A_890] : memref<2x256x128xf32, #tpu.memory_space<vmem>> -> memref<1x256x128xf32, #tpu.memory_space<vmem>>
        %gather3A_892 = tpu.memref_squeeze %gather3A_891 : memref<1x256x128xf32, #tpu.memory_space<vmem>> -> memref<256x128xf32, #tpu.memory_space<vmem>>
        %gather3A_893 = tpu.vector_load_idx %gather3A_892[%add3A_246, %add3A_835] : memref<256x128xf32, #tpu.memory_space<vmem>>[vector<16xi32>, vector<16xi32>], vector<16xf32>,
        %gather3A_894 = arith.constant 0 : i32
        %gather3A_895 = arith.constant 0 : i32
        %gather3A_896 = tpu.memref_slice %arg7[%scan3A_218, %gather3A_894, %gather3A_895] : memref<2x256x128xf32, #tpu.memory_space<vmem>> -> memref<1x256x128xf32, #tpu.memory_space<vmem>>
        %gather3A_897 = tpu.memref_squeeze %gather3A_896 : memref<1x256x128xf32, #tpu.memory_space<vmem>> -> memref<256x128xf32, #tpu.memory_space<vmem>>
        %gather3A_898 = tpu.vector_load_idx %gather3A_897[%add3A_246, %add3A_838] : memref<256x128xf32, #tpu.memory_space<vmem>>[vector<16xi32>, vector<16xi32>], vector<16xf32>,
        %gather3A_899 = arith.constant 0 : i32
        %gather3A_900 = arith.constant 0 : i32
        %gather3A_901 = tpu.memref_slice %arg7[%scan3A_218, %gather3A_899, %gather3A_900] : memref<2x256x128xf32, #tpu.memory_space<vmem>> -> memref<1x256x128xf32, #tpu.memory_space<vmem>>
        %gather3A_902 = tpu.memref_squeeze %gather3A_901 : memref<1x256x128xf32, #tpu.memory_space<vmem>> -> memref<256x128xf32, #tpu.memory_space<vmem>>
        %gather3A_903 = tpu.vector_load_idx %gather3A_902[%add3A_246, %add3A_841] : memref<256x128xf32, #tpu.memory_space<vmem>>[vector<16xi32>, vector<16xi32>], vector<16xf32>,
        %gather3A_904 = arith.constant 0 : i32
        %gather3A_905 = arith.constant 0 : i32
        %gather3A_906 = tpu.memref_slice %arg7[%scan3A_218, %gather3A_904, %gather3A_905] : memref<2x256x128xf32, #tpu.memory_space<vmem>> -> memref<1x256x128xf32, #tpu.memory_space<vmem>>
        %gather3A_907 = tpu.memref_squeeze %gather3A_906 : memref<1x256x128xf32, #tpu.memory_space<vmem>> -> memref<256x128xf32, #tpu.memory_space<vmem>>
        %gather3A_908 = tpu.vector_load_idx %gather3A_907[%add3A_246, %add3A_844] : memref<256x128xf32, #tpu.memory_space<vmem>>[vector<16xi32>, vector<16xi32>], vector<16xf32>,
        %gather3A_909 = arith.constant 0 : i32
        %gather3A_910 = arith.constant 0 : i32
        %gather3A_911 = tpu.memref_slice %arg7[%scan3A_218, %gather3A_909, %gather3A_910] : memref<2x256x128xf32, #tpu.memory_space<vmem>> -> memref<1x256x128xf32, #tpu.memory_space<vmem>>
        %gather3A_912 = tpu.memref_squeeze %gather3A_911 : memref<1x256x128xf32, #tpu.memory_space<vmem>> -> memref<256x128xf32, #tpu.memory_space<vmem>>
        %gather3A_913 = tpu.vector_load_idx %gather3A_912[%add3A_246, %add3A_847] : memref<256x128xf32, #tpu.memory_space<vmem>>[vector<16xi32>, vector<16xi32>], vector<16xf32>,
        %gather3A_914 = arith.constant 0 : i32
        %gather3A_915 = arith.constant 0 : i32
        %gather3A_916 = tpu.memref_slice %arg7[%scan3A_218, %gather3A_914, %gather3A_915] : memref<2x256x128xf32, #tpu.memory_space<vmem>> -> memref<1x256x128xf32, #tpu.memory_space<vmem>>
        %gather3A_917 = tpu.memref_squeeze %gather3A_916 : memref<1x256x128xf32, #tpu.memory_space<vmem>> -> memref<256x128xf32, #tpu.memory_space<vmem>>
        %gather3A_918 = tpu.vector_load_idx %gather3A_917[%add3A_246, %add3A_850] : memref<256x128xf32, #tpu.memory_space<vmem>>[vector<16xi32>, vector<16xi32>], vector<16xf32>,
        %gather3A_919 = arith.constant 0 : i32
        %gather3A_920 = arith.constant 0 : i32
        %gather3A_921 = tpu.memref_slice %arg7[%scan3A_218, %gather3A_919, %gather3A_920] : memref<2x256x128xf32, #tpu.memory_space<vmem>> -> memref<1x256x128xf32, #tpu.memory_space<vmem>>
        %gather3A_922 = tpu.memref_squeeze %gather3A_921 : memref<1x256x128xf32, #tpu.memory_space<vmem>> -> memref<256x128xf32, #tpu.memory_space<vmem>>
        %gather3A_923 = tpu.vector_load_idx %gather3A_922[%add3A_246, %add3A_853] : memref<256x128xf32, #tpu.memory_space<vmem>>[vector<16xi32>, vector<16xi32>], vector<16xf32>,
        %gather3A_924 = arith.constant 0 : i32
        %gather3A_925 = arith.constant 0 : i32
        %gather3A_926 = tpu.memref_slice %arg7[%scan3A_218, %gather3A_924, %gather3A_925] : memref<2x256x128xf32, #tpu.memory_space<vmem>> -> memref<1x256x128xf32, #tpu.memory_space<vmem>>
        %gather3A_927 = tpu.memref_squeeze %gather3A_926 : memref<1x256x128xf32, #tpu.memory_space<vmem>> -> memref<256x128xf32, #tpu.memory_space<vmem>>
        %gather3A_928 = tpu.vector_load_idx %gather3A_927[%add3A_246, %add3A_856] : memref<256x128xf32, #tpu.memory_space<vmem>>[vector<16xi32>, vector<16xi32>], vector<16xf32>,
        %gather3A_929 = arith.constant 0 : i32
        %gather3A_930 = arith.constant 0 : i32
        %gather3A_931 = tpu.memref_slice %arg7[%scan3A_218, %gather3A_929, %gather3A_930] : memref<2x256x128xf32, #tpu.memory_space<vmem>> -> memref<1x256x128xf32, #tpu.memory_space<vmem>>
        %gather3A_932 = tpu.memref_squeeze %gather3A_931 : memref<1x256x128xf32, #tpu.memory_space<vmem>> -> memref<256x128xf32, #tpu.memory_space<vmem>>
        %gather3A_933 = tpu.vector_load_idx %gather3A_932[%add3A_246, %add3A_859] : memref<256x128xf32, #tpu.memory_space<vmem>>[vector<16xi32>, vector<16xi32>], vector<16xf32>,
        %gather3A_934 = arith.constant 0 : i32
        %gather3A_935 = arith.constant 0 : i32
        %gather3A_936 = tpu.memref_slice %arg7[%scan3A_218, %gather3A_934, %gather3A_935] : memref<2x256x128xf32, #tpu.memory_space<vmem>> -> memref<1x256x128xf32, #tpu.memory_space<vmem>>
        %gather3A_937 = tpu.memref_squeeze %gather3A_936 : memref<1x256x128xf32, #tpu.memory_space<vmem>> -> memref<256x128xf32, #tpu.memory_space<vmem>>
        %gather3A_938 = tpu.vector_load_idx %gather3A_937[%add3A_246, %add3A_862] : memref<256x128xf32, #tpu.memory_space<vmem>>[vector<16xi32>, vector<16xi32>], vector<16xf32>,
        %gather3A_939 = arith.constant 0 : i32
        %gather3A_940 = arith.constant 0 : i32
        %gather3A_941 = tpu.memref_slice %arg7[%scan3A_218, %gather3A_939, %gather3A_940] : memref<2x256x128xf32, #tpu.memory_space<vmem>> -> memref<1x256x128xf32, #tpu.memory_space<vmem>>
        %gather3A_942 = tpu.memref_squeeze %gather3A_941 : memref<1x256x128xf32, #tpu.memory_space<vmem>> -> memref<256x128xf32, #tpu.memory_space<vmem>>
        %gather3A_943 = tpu.vector_load_idx %gather3A_942[%add3A_246, %add3A_865] : memref<256x128xf32, #tpu.memory_space<vmem>>[vector<16xi32>, vector<16xi32>], vector<16xf32>,
        %gather3A_944 = arith.constant 0 : i32
        %gather3A_945 = arith.constant 0 : i32
        %gather3A_946 = tpu.memref_slice %arg7[%scan3A_218, %gather3A_944, %gather3A_945] : memref<2x256x128xf32, #tpu.memory_space<vmem>> -> memref<1x256x128xf32, #tpu.memory_space<vmem>>
        %gather3A_947 = tpu.memref_squeeze %gather3A_946 : memref<1x256x128xf32, #tpu.memory_space<vmem>> -> memref<256x128xf32, #tpu.memory_space<vmem>>
        %gather3A_948 = tpu.vector_load_idx %gather3A_947[%add3A_246, %add3A_868] : memref<256x128xf32, #tpu.memory_space<vmem>>[vector<16xi32>, vector<16xi32>], vector<16xf32>,
        %scatter3A_949 = arith.constant 0 : i32
        %scatter3A_950 = arith.constant 0 : i32
        %scatter3A_951 = tpu.memref_slice %arg8[%scan3A_219, %scatter3A_949, %scatter3A_950] : memref<2x64x256xf32, #tpu.memory_space<vmem>> -> memref<1x64x256xf32, #tpu.memory_space<vmem>>
        %scatter3A_952 = tpu.memref_squeeze %scatter3A_951 : memref<1x64x256xf32, #tpu.memory_space<vmem>> -> memref<64x256xf32, #tpu.memory_space<vmem>>
        tpu.vector_store_idx %scatter3A_952[%add3A_823, %add3A_246], %gather3A_873 : memref<64x256xf32, #tpu.memory_space<vmem>>[vector<16xi32>, vector<16xi32>], vector<16xf32>,
        %scatter3A_953 = arith.constant 0 : i32
        %scatter3A_954 = arith.constant 0 : i32
        %scatter3A_955 = tpu.memref_slice %arg8[%scan3A_219, %scatter3A_953, %scatter3A_954] : memref<2x64x256xf32, #tpu.memory_space<vmem>> -> memref<1x64x256xf32, #tpu.memory_space<vmem>>
        %scatter3A_956 = tpu.memref_squeeze %scatter3A_955 : memref<1x64x256xf32, #tpu.memory_space<vmem>> -> memref<64x256xf32, #tpu.memory_space<vmem>>
        tpu.vector_store_idx %scatter3A_956[%add3A_826, %add3A_246], %gather3A_878 : memref<64x256xf32, #tpu.memory_space<vmem>>[vector<16xi32>, vector<16xi32>], vector<16xf32>,
        %scatter3A_957 = arith.constant 0 : i32
        %scatter3A_958 = arith.constant 0 : i32
        %scatter3A_959 = tpu.memref_slice %arg8[%scan3A_219, %scatter3A_957, %scatter3A_958] : memref<2x64x256xf32, #tpu.memory_space<vmem>> -> memref<1x64x256xf32, #tpu.memory_space<vmem>>
        %scatter3A_960 = tpu.memref_squeeze %scatter3A_959 : memref<1x64x256xf32, #tpu.memory_space<vmem>> -> memref<64x256xf32, #tpu.memory_space<vmem>>
        tpu.vector_store_idx %scatter3A_960[%add3A_829, %add3A_246], %gather3A_883 : memref<64x256xf32, #tpu.memory_space<vmem>>[vector<16xi32>, vector<16xi32>], vector<16xf32>,
        %scatter3A_961 = arith.constant 0 : i32
        %scatter3A_962 = arith.constant 0 : i32
        %scatter3A_963 = tpu.memref_slice %arg8[%scan3A_219, %scatter3A_961, %scatter3A_962] : memref<2x64x256xf32, #tpu.memory_space<vmem>> -> memref<1x64x256xf32, #tpu.memory_space<vmem>>
        %scatter3A_964 = tpu.memref_squeeze %scatter3A_963 : memref<1x64x256xf32, #tpu.memory_space<vmem>> -> memref<64x256xf32, #tpu.memory_space<vmem>>
        tpu.vector_store_idx %scatter3A_964[%add3A_832, %add3A_246], %gather3A_888 : memref<64x256xf32, #tpu.memory_space<vmem>>[vector<16xi32>, vector<16xi32>], vector<16xf32>,
        %scatter3A_965 = arith.constant 0 : i32
        %scatter3A_966 = arith.constant 0 : i32
        %scatter3A_967 = tpu.memref_slice %arg8[%scan3A_219, %scatter3A_965, %scatter3A_966] : memref<2x64x256xf32, #tpu.memory_space<vmem>> -> memref<1x64x256xf32, #tpu.memory_space<vmem>>
        %scatter3A_968 = tpu.memref_squeeze %scatter3A_967 : memref<1x64x256xf32, #tpu.memory_space<vmem>> -> memref<64x256xf32, #tpu.memory_space<vmem>>
        tpu.vector_store_idx %scatter3A_968[%add3A_835, %add3A_246], %gather3A_893 : memref<64x256xf32, #tpu.memory_space<vmem>>[vector<16xi32>, vector<16xi32>], vector<16xf32>,
        %scatter3A_969 = arith.constant 0 : i32
        %scatter3A_970 = arith.constant 0 : i32
        %scatter3A_971 = tpu.memref_slice %arg8[%scan3A_219, %scatter3A_969, %scatter3A_970] : memref<2x64x256xf32, #tpu.memory_space<vmem>> -> memref<1x64x256xf32, #tpu.memory_space<vmem>>
        %scatter3A_972 = tpu.memref_squeeze %scatter3A_971 : memref<1x64x256xf32, #tpu.memory_space<vmem>> -> memref<64x256xf32, #tpu.memory_space<vmem>>
        tpu.vector_store_idx %scatter3A_972[%add3A_838, %add3A_246], %gather3A_898 : memref<64x256xf32, #tpu.memory_space<vmem>>[vector<16xi32>, vector<16xi32>], vector<16xf32>,
        %scatter3A_973 = arith.constant 0 : i32
        %scatter3A_974 = arith.constant 0 : i32
        %scatter3A_975 = tpu.memref_slice %arg8[%scan3A_219, %scatter3A_973, %scatter3A_974] : memref<2x64x256xf32, #tpu.memory_space<vmem>> -> memref<1x64x256xf32, #tpu.memory_space<vmem>>
        %scatter3A_976 = tpu.memref_squeeze %scatter3A_975 : memref<1x64x256xf32, #tpu.memory_space<vmem>> -> memref<64x256xf32, #tpu.memory_space<vmem>>
        tpu.vector_store_idx %scatter3A_976[%add3A_841, %add3A_246], %gather3A_903 : memref<64x256xf32, #tpu.memory_space<vmem>>[vector<16xi32>, vector<16xi32>], vector<16xf32>,
        %scatter3A_977 = arith.constant 0 : i32
        %scatter3A_978 = arith.constant 0 : i32
        %scatter3A_979 = tpu.memref_slice %arg8[%scan3A_219, %scatter3A_977, %scatter3A_978] : memref<2x64x256xf32, #tpu.memory_space<vmem>> -> memref<1x64x256xf32, #tpu.memory_space<vmem>>
        %scatter3A_980 = tpu.memref_squeeze %scatter3A_979 : memref<1x64x256xf32, #tpu.memory_space<vmem>> -> memref<64x256xf32, #tpu.memory_space<vmem>>
        tpu.vector_store_idx %scatter3A_980[%add3A_844, %add3A_246], %gather3A_908 : memref<64x256xf32, #tpu.memory_space<vmem>>[vector<16xi32>, vector<16xi32>], vector<16xf32>,
        %scatter3A_981 = arith.constant 0 : i32
        %scatter3A_982 = arith.constant 0 : i32
        %scatter3A_983 = tpu.memref_slice %arg8[%scan3A_219, %scatter3A_981, %scatter3A_982] : memref<2x64x256xf32, #tpu.memory_space<vmem>> -> memref<1x64x256xf32, #tpu.memory_space<vmem>>
        %scatter3A_984 = tpu.memref_squeeze %scatter3A_983 : memref<1x64x256xf32, #tpu.memory_space<vmem>> -> memref<64x256xf32, #tpu.memory_space<vmem>>
        tpu.vector_store_idx %scatter3A_984[%add3A_847, %add3A_246], %gather3A_913 : memref<64x256xf32, #tpu.memory_space<vmem>>[vector<16xi32>, vector<16xi32>], vector<16xf32>,
        %scatter3A_985 = arith.constant 0 : i32
        %scatter3A_986 = arith.constant 0 : i32
        %scatter3A_987 = tpu.memref_slice %arg8[%scan3A_219, %scatter3A_985, %scatter3A_986] : memref<2x64x256xf32, #tpu.memory_space<vmem>> -> memref<1x64x256xf32, #tpu.memory_space<vmem>>
        %scatter3A_988 = tpu.memref_squeeze %scatter3A_987 : memref<1x64x256xf32, #tpu.memory_space<vmem>> -> memref<64x256xf32, #tpu.memory_space<vmem>>
        tpu.vector_store_idx %scatter3A_988[%add3A_850, %add3A_246], %gather3A_918 : memref<64x256xf32, #tpu.memory_space<vmem>>[vector<16xi32>, vector<16xi32>], vector<16xf32>,
        %scatter3A_989 = arith.constant 0 : i32
        %scatter3A_990 = arith.constant 0 : i32
        %scatter3A_991 = tpu.memref_slice %arg8[%scan3A_219, %scatter3A_989, %scatter3A_990] : memref<2x64x256xf32, #tpu.memory_space<vmem>> -> memref<1x64x256xf32, #tpu.memory_space<vmem>>
        %scatter3A_992 = tpu.memref_squeeze %scatter3A_991 : memref<1x64x256xf32, #tpu.memory_space<vmem>> -> memref<64x256xf32, #tpu.memory_space<vmem>>
        tpu.vector_store_idx %scatter3A_992[%add3A_853, %add3A_246], %gather3A_923 : memref<64x256xf32, #tpu.memory_space<vmem>>[vector<16xi32>, vector<16xi32>], vector<16xf32>,
        %scatter3A_993 = arith.constant 0 : i32
        %scatter3A_994 = arith.constant 0 : i32
        %scatter3A_995 = tpu.memref_slice %arg8[%scan3A_219, %scatter3A_993, %scatter3A_994] : memref<2x64x256xf32, #tpu.memory_space<vmem>> -> memref<1x64x256xf32, #tpu.memory_space<vmem>>
        %scatter3A_996 = tpu.memref_squeeze %scatter3A_995 : memref<1x64x256xf32, #tpu.memory_space<vmem>> -> memref<64x256xf32, #tpu.memory_space<vmem>>
        tpu.vector_store_idx %scatter3A_996[%add3A_856, %add3A_246], %gather3A_928 : memref<64x256xf32, #tpu.memory_space<vmem>>[vector<16xi32>, vector<16xi32>], vector<16xf32>,
        %scatter3A_997 = arith.constant 0 : i32
        %scatter3A_998 = arith.constant 0 : i32
        %scatter3A_999 = tpu.memref_slice %arg8[%scan3A_219, %scatter3A_997, %scatter3A_998] : memref<2x64x256xf32, #tpu.memory_space<vmem>> -> memref<1x64x256xf32, #tpu.memory_space<vmem>>
        %scatter3A_1000 = tpu.memref_squeeze %scatter3A_999 : memref<1x64x256xf32, #tpu.memory_space<vmem>> -> memref<64x256xf32, #tpu.memory_space<vmem>>
        tpu.vector_store_idx %scatter3A_1000[%add3A_859, %add3A_246], %gather3A_933 : memref<64x256xf32, #tpu.memory_space<vmem>>[vector<16xi32>, vector<16xi32>], vector<16xf32>,
        %scatter3A_1001 = arith.constant 0 : i32
        %scatter3A_1002 = arith.constant 0 : i32
        %scatter3A_1003 = tpu.memref_slice %arg8[%scan3A_219, %scatter3A_1001, %scatter3A_1002] : memref<2x64x256xf32, #tpu.memory_space<vmem>> -> memref<1x64x256xf32, #tpu.memory_space<vmem>>
        %scatter3A_1004 = tpu.memref_squeeze %scatter3A_1003 : memref<1x64x256xf32, #tpu.memory_space<vmem>> -> memref<64x256xf32, #tpu.memory_space<vmem>>
        tpu.vector_store_idx %scatter3A_1004[%add3A_862, %add3A_246], %gather3A_938 : memref<64x256xf32, #tpu.memory_space<vmem>>[vector<16xi32>, vector<16xi32>], vector<16xf32>,
        %scatter3A_1005 = arith.constant 0 : i32
        %scatter3A_1006 = arith.constant 0 : i32
        %scatter3A_1007 = tpu.memref_slice %arg8[%scan3A_219, %scatter3A_1005, %scatter3A_1006] : memref<2x64x256xf32, #tpu.memory_space<vmem>> -> memref<1x64x256xf32, #tpu.memory_space<vmem>>
        %scatter3A_1008 = tpu.memref_squeeze %scatter3A_1007 : memref<1x64x256xf32, #tpu.memory_space<vmem>> -> memref<64x256xf32, #tpu.memory_space<vmem>>
        tpu.vector_store_idx %scatter3A_1008[%add3A_865, %add3A_246], %gather3A_943 : memref<64x256xf32, #tpu.memory_space<vmem>>[vector<16xi32>, vector<16xi32>], vector<16xf32>,
        %scatter3A_1009 = arith.constant 0 : i32
        %scatter3A_1010 = arith.constant 0 : i32
        %scatter3A_1011 = tpu.memref_slice %arg8[%scan3A_219, %scatter3A_1009, %scatter3A_1010] : memref<2x64x256xf32, #tpu.memory_space<vmem>> -> memref<1x64x256xf32, #tpu.memory_space<vmem>>
        %scatter3A_1012 = tpu.memref_squeeze %scatter3A_1011 : memref<1x64x256xf32, #tpu.memory_space<vmem>> -> memref<64x256xf32, #tpu.memory_space<vmem>>
        tpu.vector_store_idx %scatter3A_1012[%add3A_868, %add3A_246], %gather3A_948 : memref<64x256xf32, #tpu.memory_space<vmem>>[vector<16xi32>, vector<16xi32>], vector<16xf32>,
      }
      %scan3A_224 = arith.constant 16 : i32
      %add3A_225 = arith.constant 256 : i32
      %add3A_226 = arith.addi %mul3A_2, %add3A_225 : i32
      %dma_start3A_227 = arith.constant 1 : i32
      %dma_start3A_228 = arith.constant 0 : i32
      %dma_start3A_229 = arith.constant 0 : i32
      %dma_start3A_230 = tpu.memref_slice %arg8[%dma_start3A_227, %dma_start3A_228, %dma_start3A_229] : memref<2x64x256xf32, #tpu.memory_space<vmem>> -> memref<1x64x256xf32, #tpu.memory_space<vmem>>
      %dma_start3A_231 = tpu.memref_squeeze %dma_start3A_230 : memref<1x64x256xf32, #tpu.memory_space<vmem>> -> memref<64x256xf32, #tpu.memory_space<vmem>>
      %dma_start3A_232 = arith.constant 0 : i32
      %dma_start3A_233 = tpu.memref_slice %arg4[%scan3A_149, %dma_start3A_232, %add3A_226] : memref<200x64x16384xf32, #tpu.memory_space<hbm>> -> memref<1x64x256xf32, #tpu.memory_space<hbm>>
      %dma_start3A_234 = tpu.memref_squeeze %dma_start3A_233 : memref<1x64x256xf32, #tpu.memory_space<hbm>> -> memref<64x256xf32, #tpu.memory_space<hbm>>
      %dma_start3A_235 = arith.constant 0 : i32
      %dma_start3A_236 = tpu.memref_slice %arg4[%scan3A_149, %dma_start3A_235, %add3A_226] : memref<200x64x16384xf32, #tpu.memory_space<hbm>> -> memref<1x64x256xf32, #tpu.memory_space<hbm>>
      %dma_start3A_237 = tpu.memref_squeeze %dma_start3A_236 : memref<1x64x256xf32, #tpu.memory_space<hbm>> -> memref<64x256xf32, #tpu.memory_space<hbm>>
      %dma_start3A_238 = arith.constant 0 : i32
      %dma_start3A_239 = arith.constant 0 : i32
      %dma_start3A_240 = tpu.memref_slice %arg8[%dma_start3A_227, %dma_start3A_238, %dma_start3A_239] : memref<2x64x256xf32, #tpu.memory_space<vmem>> -> memref<1x64x256xf32, #tpu.memory_space<vmem>>
      %dma_start3A_241 = tpu.memref_squeeze %dma_start3A_240 : memref<1x64x256xf32, #tpu.memory_space<vmem>> -> memref<64x256xf32, #tpu.memory_space<vmem>>
      tpu.enqueue_dma source(%dma_start3A_241 : memref<64x256xf32, #tpu.memory_space<vmem>>) target(%dma_start3A_237 : memref<64x256xf32, #tpu.memory_space<hbm>>) target_semaphore(%arg12 : memref<!tpu.dma_semaphore, #tpu.memory_space<semaphore_mem>>)
    }
    %scan3A_113 = arith.constant 200 : i32
    %add3A_114 = arith.constant 0 : i32
    %add3A_115 = arith.addi %mul3A_2, %add3A_114 : i32
    %dma_wait3A = arith.constant 0 : i32
    %dma_wait3A_116 = arith.constant 199 : i32
    %dma_wait3A_117 = arith.constant 0 : i32
    %dma_wait3A_118 = arith.constant 0 : i32
    %dma_wait3A_119 = tpu.memref_slice %arg8[%dma_wait3A, %dma_wait3A_117, %dma_wait3A_118] : memref<2x64x256xf32, #tpu.memory_space<vmem>> -> memref<1x64x256xf32, #tpu.memory_space<vmem>>
    %dma_wait3A_120 = tpu.memref_squeeze %dma_wait3A_119 : memref<1x64x256xf32, #tpu.memory_space<vmem>> -> memref<64x256xf32, #tpu.memory_space<vmem>>
    %dma_wait3A_121 = arith.constant 0 : i32
    %dma_wait3A_122 = tpu.memref_slice %arg4[%dma_wait3A_116, %dma_wait3A_121, %add3A_115] : memref<200x64x16384xf32, #tpu.memory_space<hbm>> -> memref<1x64x256xf32, #tpu.memory_space<hbm>>
    %dma_wait3A_123 = tpu.memref_squeeze %dma_wait3A_122 : memref<1x64x256xf32, #tpu.memory_space<hbm>> -> memref<64x256xf32, #tpu.memory_space<hbm>>
    %dma_wait3A_124 = arith.constant 0 : i32
    %dma_wait3A_125 = tpu.memref_slice %arg4[%dma_wait3A_116, %dma_wait3A_124, %add3A_115] : memref<200x64x16384xf32, #tpu.memory_space<hbm>> -> memref<1x64x256xf32, #tpu.memory_space<hbm>>
    %dma_wait3A_126 = tpu.memref_squeeze %dma_wait3A_125 : memref<1x64x256xf32, #tpu.memory_space<hbm>> -> memref<64x256xf32, #tpu.memory_space<hbm>>
    %dma_wait3A_127 = arith.constant 0 : i32
    %dma_wait3A_128 = arith.constant 0 : i32
    %dma_wait3A_129 = tpu.memref_slice %arg8[%dma_wait3A, %dma_wait3A_127, %dma_wait3A_128] : memref<2x64x256xf32, #tpu.memory_space<vmem>> -> memref<1x64x256xf32, #tpu.memory_space<vmem>>
    %dma_wait3A_130 = tpu.memref_squeeze %dma_wait3A_129 : memref<1x64x256xf32, #tpu.memory_space<vmem>> -> memref<64x256xf32, #tpu.memory_space<vmem>>
    tpu.wait_dma2 semaphore(%arg11 : memref<!tpu.dma_semaphore, #tpu.memory_space<semaphore_mem>>) src(%dma_wait3A_130 : memref<64x256xf32, #tpu.memory_space<vmem>>) dst(%dma_wait3A_126 : memref<64x256xf32, #tpu.memory_space<hbm>>)
    %add3A_131 = arith.constant 256 : i32
    %add3A_132 = arith.addi %mul3A_2, %add3A_131 : i32
    %dma_wait3A_133 = arith.constant 1 : i32
    %dma_wait3A_134 = arith.constant 199 : i32
    %dma_wait3A_135 = arith.constant 0 : i32
    %dma_wait3A_136 = arith.constant 0 : i32
    %dma_wait3A_137 = tpu.memref_slice %arg8[%dma_wait3A_133, %dma_wait3A_135, %dma_wait3A_136] : memref<2x64x256xf32, #tpu.memory_space<vmem>> -> memref<1x64x256xf32, #tpu.memory_space<vmem>>
    %dma_wait3A_138 = tpu.memref_squeeze %dma_wait3A_137 : memref<1x64x256xf32, #tpu.memory_space<vmem>> -> memref<64x256xf32, #tpu.memory_space<vmem>>
    %dma_wait3A_139 = arith.constant 0 : i32
    %dma_wait3A_140 = tpu.memref_slice %arg4[%dma_wait3A_134, %dma_wait3A_139, %add3A_132] : memref<200x64x16384xf32, #tpu.memory_space<hbm>> -> memref<1x64x256xf32, #tpu.memory_space<hbm>>
    %dma_wait3A_141 = tpu.memref_squeeze %dma_wait3A_140 : memref<1x64x256xf32, #tpu.memory_space<hbm>> -> memref<64x256xf32, #tpu.memory_space<hbm>>
    %dma_wait3A_142 = arith.constant 0 : i32
    %dma_wait3A_143 = tpu.memref_slice %arg4[%dma_wait3A_134, %dma_wait3A_142, %add3A_132] : memref<200x64x16384xf32, #tpu.memory_space<hbm>> -> memref<1x64x256xf32, #tpu.memory_space<hbm>>
    %dma_wait3A_144 = tpu.memref_squeeze %dma_wait3A_143 : memref<1x64x256xf32, #tpu.memory_space<hbm>> -> memref<64x256xf32, #tpu.memory_space<hbm>>
    %dma_wait3A_145 = arith.constant 0 : i32
    %dma_wait3A_146 = arith.constant 0 : i32
    %dma_wait3A_147 = tpu.memref_slice %arg8[%dma_wait3A_133, %dma_wait3A_145, %dma_wait3A_146] : memref<2x64x256xf32, #tpu.memory_space<vmem>> -> memref<1x64x256xf32, #tpu.memory_space<vmem>>
    %dma_wait3A_148 = tpu.memref_squeeze %dma_wait3A_147 : memref<1x64x256xf32, #tpu.memory_space<vmem>> -> memref<64x256xf32, #tpu.memory_space<vmem>>
    tpu.wait_dma2 semaphore(%arg12 : memref<!tpu.dma_semaphore, #tpu.memory_space<semaphore_mem>>) src(%dma_wait3A_148 : memref<64x256xf32, #tpu.memory_space<vmem>>) dst(%dma_wait3A_144 : memref<64x256xf32, #tpu.memory_space<hbm>>)
    return
  }
}

</mosaic_0001>

<sc_bundles>
// kernel: kernel.3.cloned.1.call-start
scs
__scs_entry_jumppad:
0x0: {  	(pc) =	sbr.rel $0x88, $3  }
0x1: {  	(tag) =	ssettag $0x0;
	lr =	simm.s32 $0x1  }
0x2: {  	[smem:$0x3F9F] =	sst lr;
	_ =	strace $0xD0000000  }
0x3: {  	_ = 	snop  }
0x4: {  	_ = 	snop  }
0x5: {  	_ = 	snop  }
0x6: {  	_ = 	snop  }
0x7: {  	_ = 	snop  }
__scs_overlays_trampoline_lowered:
0x8: {  	[smem:$0x3FAE] =	sst s0  }
0x9: {  	[smem:$0x3FAF] =	sst s1  }
0xa: {  	[smem:$0x3FB0] =	sst s2  }
0xb: {  	[smem:$0x3FB1] =	sst s3  }
0xc: {  	[smem:$0x3FB2] =	sst s4  }
0xd: {  	[smem:$0x3FB3] =	sst s5  }
0xe: {  	[smem:$0x3FB4] =	sst s6  }
0xf: {  	[smem:$0x3FB5] =	sst s7  }
0x10: {  	[smem:$0x3FB6] =	sst s8  }
0x11: {  	[smem:$0x3FB7] =	sst s9;
	s0 =	simm.s32 @!p0 $0x0  }
0x12: {  	s1 =	sld [smem:$0x3F9D];
	s0 =	simm.s32 @p0 $0x1  }
0x13: {  	[smem:$0x3FB8] =	sst s0;
	s0 =	simm.s32 @!p1 $0x0  }
0x14: {  	s2 =	sld [smem:$0x3F9C];
	s0 =	simm.s32 @p1 $0x1  }
0x15: {  	[smem:$0x3FB9] =	sst s0;
	s0 =	simm.s32 @!p2 $0x0  }
0x16: {  	s3 =	sld [smem:$0x3FDB];
	s0 =	simm.s32 @p2 $0x1  }
0x17: {  	s4 =	simm.s32 $0x1BF5;
	[smem:$0x3FBB] =	sst s0  }
0x18: {  	s0 =	sld [smem:$0x3F9E];
	_ =	swait.ge [sflag:s4], $0x0  }
0x19: {  	s7 =	sld [smem:$0x3F9F]  }
0x1a: {  	s8 =	sadd.s32 $0xFFFFE003, lr  }
0x1b: {  	s9 =	sadd.s32 $0xFFFFFEF7, lr;
	s5 =	simm.s32 $0xFFFFFFFF;
	p2 =	slt.u32 s8, $0xFFFFF086  }
0x1c: {  	p1 =	slt.u32 s9, $0xF7A;
	s5 =	simm.s32 @!p2 $0x0  }
0x1d: {  	s5 =	simm.s32 @p1 $0x1;
	p0 =	seq.s32 s7, s2  }
0x1e: {  	s7 =	smul.u32 @!p0 $0xF7A, s2;
	p2 =	seq.s32 @!p0 s5, $0x0  }
0x1f: {  	s9 =	smul.u32 $0xF7A, s1;
	s8 =	simm.s32 @!p0 $0x1BF5;
	p2 =	por !p2, p0  }
0x20: {  	[sflag:s8] =	ssyncset.s32 @!p0 $0xFFFFF086;
	s6 =	sadd.s32 @!p0 s3, s7;
	s7 =	simm.s32 @!p0 $0x108  }
0x21: {  	s3 =	sadd.s32 s3, s9;
	s6 =	sadd.s32 @!p0 $0x88, s6;
	s7 =	simm.s32 @p2 $0x1082  }
0x22: {  	[simem:s7], [sflag:s8] =	dma.local @!p0 [hbm:s6], $0xF7A  }
0x23: {  	s9 =	sor.u32 $0xD0000000, s2;
	s6 =	simm.s32 $0x108;
	_ =	swait.ge @!p0 [sflag:s8], $0x0  }
0x24: {  	s3 =	sadd.s32 $0x88, s3;
	s6 =	simm.s32 @!p1 $0x1082;
	[sflag:s4] =	ssyncset.s32 $0xFFFFF086  }
0x25: {  	[simem:s6], [sflag:s4] =	dma.local [hbm:s3], $0xF7A  }
0x26: {  	[smem:$0x3F9F] =	sst s1;
	(tag) =	ssettag s2;
	_ =	strace s9  }
0x27: {  	s1 =	sld [smem:$0x3FAF]  }
0x28: {  	s2 =	sld [smem:$0x3FB0]  }
0x29: {  	s4 =	sld [smem:$0x3FB2]  }
0x2a: {  	p0 =	seq.s32 s5, $0x0;
	s5 =	sld [smem:$0x3FB3]  }
0x2b: {  	s6 =	sld [smem:$0x3FB4]  }
0x2c: {  	s7 =	sld [smem:$0x3FB5]  }
0x2d: {  	s3 =	simm.s32 $0x108;
	s8 =	sld [smem:$0x3FB6]  }
0x2e: {  	s3 =	simm.s32 @!p0 $0x1082;
	s9 =	sld [smem:$0x3FB7]  }
0x2f: {  	lr =	sadd.s32 s0, s3;
	s0 =	sld [smem:$0x3FAE]  }
0x30: {  	s3 =	sld [smem:$0x3FB1]  }
0x31: {  	[smem:$0x3FBA] =	sst s10  }
0x32: {  	s10 =	sld [smem:$0x3FB8];
	_ =	sdelay $0x3  }
0x33: {  	p0 =	seq.s32 s10, $0x1;
	s10 =	sld [smem:$0x3FBA];
	_ =	sdelay $0x3  }
0x34: {  	[smem:$0x3FBA] =	sst s10  }
0x35: {  	s10 =	sld [smem:$0x3FB9];
	_ =	sdelay $0x3  }
0x36: {  	p1 =	seq.s32 s10, $0x1;
	s10 =	sld [smem:$0x3FBA];
	_ =	sdelay $0x3  }
0x37: {  	[smem:$0x3FBA] =	sst s10  }
0x38: {  	s10 =	sld [smem:$0x3FBB]  }
0x39: {  	_ = 	snop;
	(pc) =	sbr.ind lr, $3  }
0x3a: {  	_ = 	snop  }
0x3b: {  	_ = 	snop  }
0x3c: {  	p2 =	seq.s32 s10, $0x1;
	s10 =	sld [smem:$0x3FBA]  }
0x3d: {  	_ =	shalt  }
0x3e: {  	_ =	shalt  }
0x3f: {  	_ =	shalt  }
0x40: {  	_ =	shalt  }
0x41: {  	_ =	shalt  }
0x42: {  	_ =	shalt  }
0x43: {  	_ =	shalt  }
0x44: {  	_ =	shalt  }
0x45: {  	_ =	shalt  }
0x46: {  	_ =	shalt  }
0x47: {  	_ =	shalt  }
0x48: {  	_ =	shalt  }
0x49: {  	_ =	shalt  }
0x4a: {  	_ =	shalt  }
0x4b: {  	_ =	shalt  }
0x4c: {  	_ =	shalt  }
0x4d: {  	_ =	shalt  }
0x4e: {  	_ =	shalt  }
0x4f: {  	_ =	shalt  }
0x50: {  	_ =	shalt  }
0x51: {  	_ =	shalt  }
0x52: {  	_ =	shalt  }
0x53: {  	_ =	shalt  }
0x54: {  	_ =	shalt  }
0x55: {  	_ =	shalt  }
0x56: {  	_ =	shalt  }
0x57: {  	_ =	shalt  }
0x58: {  	_ =	shalt  }
0x59: {  	_ =	shalt  }
0x5a: {  	_ =	shalt  }
0x5b: {  	_ =	shalt  }
0x5c: {  	_ =	shalt  }
0x5d: {  	_ =	shalt  }
0x5e: {  	_ =	shalt  }
0x5f: {  	_ =	shalt  }
0x60: {  	_ =	shalt  }
0x61: {  	_ =	shalt  }
0x62: {  	_ =	shalt  }
0x63: {  	_ =	shalt  }
0x64: {  	_ =	shalt  }
0x65: {  	_ =	shalt  }
0x66: {  	_ =	shalt  }
0x67: {  	_ =	shalt  }
0x68: {  	_ =	shalt  }
0x69: {  	_ =	shalt  }
0x6a: {  	_ =	shalt  }
0x6b: {  	_ =	shalt  }
0x6c: {  	_ =	shalt  }
0x6d: {  	_ =	shalt  }
0x6e: {  	_ =	shalt  }
0x6f: {  	_ =	shalt  }
0x70: {  	_ =	shalt  }
0x71: {  	_ =	shalt  }
0x72: {  	_ =	shalt  }
0x73: {  	_ =	shalt  }
0x74: {  	_ =	shalt  }
0x75: {  	_ =	shalt  }
0x76: {  	_ =	shalt  }
0x77: {  	_ =	shalt  }
0x78: {  	_ =	shalt  }
0x79: {  	_ =	shalt  }
0x7a: {  	_ =	shalt  }
0x7b: {  	_ =	shalt  }
0x7c: {  	_ =	shalt  }
0x7d: {  	_ =	shalt  }
0x7e: {  	_ =	shalt  }
0x7f: {  	_ =	shalt  }
0x80: {  	_ =	shalt  }
0x81: {  	_ =	shalt  }
0x82: {  	_ =	shalt  }
0x83: {  	_ =	shalt  }
0x84: {  	_ =	shalt  }
0x85: {  	_ =	shalt  }
0x86: {  	_ =	shalt  }
0x87: {  	_ =	shalt  }
.Lfunc_end0:
.L_simem_size_0:
called_computation_lowered:
.L_overlay_start_0:
0x88: {  	s2 =	sld [smem:$0x3FD9]  }
0x89: {  	s3 =	sld [smem:$0x3FFE];
	_ =	sdelay $0x1  }
0x8a: {  	s1 =	srdreg.scid  }
0x8b: {  	s0 =	sand.u32 $0x1, s1  }
0x8c: {  	s17 =	sshll.u32 s0, $0xA;
	s2 =	sadd.s32 s3, s2  }
0x8d: {  	s2 =	sadd.s32 s2, s17  }
0x8e: {  	[smem:$0x3FC6] =	sst s2  }
0x8f: {  	_ = 	snop  }
0x90: {  	s2 =	sld [smem:$0x3FD0];
	(tm) =	ssettm $0x1  }
0x91: {  	s18 =	sld [smem:$0x3FFB];
	_ =	sdelay $0x3  }
0x92: {  	_ =	strace s18  }
0x93: {  	s3 =	sld [smem:$0x3FFC];
	_ =	sdelay $0x3  }
0x94: {  	_ =	strace s3  }
0x95: {  	s3 =	sld [smem:$0x3FFD];
	_ =	sdelay $0x3  }
0x96: {  	_ =	strace s3  }
0x97: {  	_ =	strace $0x8FFFFFFF  }
0x98: {  	s19 =	sld [smem:$0x3FDB];
	_ =	sdelay $0x1  }
0x99: {  	s4 =	simm.s32 $_scs_section_size  }
0x9a: {  	s5 =	simm.s32 $_size__tile_overlayer_lowered;
	s6 =	simm.s32 $_tile_overlayer_lowered  }
0x9b: {  	s22 =	simm.s32 $0x1BFF;
	s21 =	sshll.u32 s6, $0x1;
	s3 =	sadd.s32 s4, s19  }
0x9c: {  	s7 =	simm.s32 $0x0;
	s20 =	sshll.u32 s5, $0x1;
	s5 =	sadd.s32 s21, s3  }
0x9d: {  	[timem:s7], [sflag:s22] =	dma.local [hbm:s5], s20  }
0x9e: {  	_ =	swait.ge [sflag:s22], s20  }
0x9f: {  	s4 =	ssub.s32 $0x0, s20;
	[sflag:s22] =	ssyncset.done $0x0  }
0xa0: {  	[sflag:s22] =	ssyncadd.s32 s4;
	_ =	sdelay $0x1  }
0xa1: {  	s23 =	simm.s32 $0x1B8B  }
0xa2: {  	_ =	swait.ge [sflag:s23], $0x1  }
0xa3: {  	[sflag:s23] =	ssyncset.done $0x0  }
0xa4: {  	s25 =	simm.s32 $0x1B8E;
	s24 =	sld [smem:$0x3FFE];
	[sflag:s23] =	ssyncadd.s32 $0xFFFFFFFF  }
0xa5: {  	s26 =	simm.s32 $execute0_lowered;
	[smem:$0x3FD2] =	sst s25  }
0xa6: {  	s5 =	sshll.u32 s26, $0x1;
	_ =	strace $0x80000046;
	[dreg:$0x1] =	wrdreg $0xFFFFFFFF  }
0xa7: {  	s28 =	simm.s32 $_size_execute0_lowered;
	s3 =	sadd.s32 s3, s5;
	[dreg:$0x0] =	wrdreg $0x0  }
0xa8: {  	s5 =	sshll.u32 s28, $0x1;
	[dreg:$0x2] =	wrdreg s3  }
0xa9: {  	[dreg:$0x3] =	wrdreg s5  }
0xaa: {  	[dreg:$0x4] =	wrdreg $0xC0  }
0xab: {  	_ =	task [dreg:s7], $0x5FFFF  }
0xac: {  	[dreg:$0x1] =	wrdreg $0xFFFFFFFF  }
0xad: {  	[dreg:$0x0] =	wrdreg $0x60  }
0xae: {  	[dreg:$0x2] =	wrdreg s24  }
0xaf: {  	[dreg:$0x3] =	wrdreg s2  }
0xb0: {  	[dreg:$0x4] =	wrdreg $0x9  }
0xb1: {  	_ =	task.clear_ibuf [dreg:s7], $0x5FFFF;
	_ =	strace $0x90000046  }
0xb2: {  	s29 =	simm.s32 $0x9;
	_ =	strace $0x80000048  }
0xb3: {  	_ =	swait.ge [sflag:s29], $0x1  }
0xb4: {  	[sflag:s29] =	ssyncadd.s32 $0xFFFFFFFF  }
0xb5: {  	_ =	strace $0x90000048  }
0xb6: {  	_ =	sfence  }
0xb7: {  	s30 =	sld [smem:$0x0];
	_ =	sdelay $0x2  }
0xb8: {  	s31 =	sshll.u32 s1, $0xD;
	s1 =	sshrl.u32 s1, $0x2  }
0xb9: {  	s3 =	sand.u32 $0x4000, s31;
	s1 =	sadd.s32 s1, s30  }
0xba: {  	s0 =	sor.u32 s3, s0;
	s1 =	sshll.u32 s1, $0x11  }
0xbb: {  	s0 =	sor.u32 s1, s0  }
0xbc: {  	s0 =	sadd.s32 $0x8F2B, s0  }
0xbd: {  	[sflag:s0] =	ssyncadd.remote.s32 $0x1  }
0xbe: {  	_ =	sfence.sel $0xFFFF  }
0xbf: {  	[dreg:$0x0] =	wrdreg $0xFFFFFFFF;
	(pc) =	sbr.abs _section_cstart, $3  }
0xc0: {  	[dreg:$0x1] =	wrdreg $0xFFFFFFFF  }
0xc1: {  	_ =	task.clear_ibuf [dreg:s7], $0x2FFFF;
	_ =	strace $0x9FFFFFFF  }
0xc2: {  	(tm) =	ssettm $0x7FFFFFFF  }
0xc3: {  	_ =	shalt  }
tec
execute0_lowered:
.L_overlay_start_1:
0x0: {  	(tag) =	ssettag $0x1  }
0x1: {  	v0 =	vimm.s32 $0xFEDCBA9;
	v1 =	vimm.s32 $0x87654321;
	v2 =	vimm.s32 $0x10FEDCBA  }
0x2: {  	v3 =	vimm.s32 $0x98765432;
	v4 =	vimm.s32 $0x210FEDCB;
	v5 =	vimm.s32 $0xA9876543  }
0x3: {  	v6 =	vimm.s32 $0x3210FEDC;
	v7 =	vimm.s32 $0xBA987654;
	v11 =	vimm.s32 $0x543210FE  }
0x4: {  	v12 =	vimm.s32 $0xDCBA9876;
	v13 =	vimm.s32 $0x6543210F;
	v14 =	vimm.s32 $0xEDCBA987  }
0x5: {  	v15 =	vimm.s32 $0xFEDCBA98;
	v17 =	vimm.s32 $0x76543210;
	vm12 =	vcmask $0x300  }
0x6: {  	v42 =	vimm.s32 $0xB80;
	vm13 =	vcmask $0x704;
	vm14 =	vcmask $0xB08  }
0x7: {  	vm9 =	vcmask $0xF0C;
	vm10 =	vcmask $0x1310;
	vm11 =	vcmask $0x1714  }
0x8: {  	vm6 =	vcmask $0x1B18;
	vm7 =	vcmask $0x1F1C;
	vm8 =	vcmask $0x2320  }
0x9: {  	vm3 =	vcmask $0x2724;
	vm4 =	vcmask $0x2B28;
	vm5 =	vcmask $0x2F2C  }
0xa: {  	vm0 =	vcmask $0x3330;
	vm1 =	vcmask $0x3734;
	vm2 =	vcmask $0x3B38  }
0xb: {  	v43 =	vimm.s32 $0x1180;
	v44 =	vimm.s32 $0x1200;
	v45 =	vimm.s32 $0x1980  }
0xc: {  	v46 =	vimm.s32 $0x1A00;
	v47 =	vimm.s32 $0x1A80;
	v48 =	vimm.s32 $0x1B00  }
0xd: {  	v49 =	vimm.s32 $0x2B80;
	v50 =	vimm.s32 $0x2000;
	v55 =	vimm.s32 $0x2080  }
0xe: {  	v56 =	vimm.s32 $0x2100;
	v20 =	vimm.s32 $0x2180;
	v21 =	vimm.s32 $0x2200  }
0xf: {  	v22 =	vimm.s32 $0x2280;
	v23 =	vimm.s32 $0x2300;
	v24 =	vimm.s32 $0x2380  }
0x10: {  	v25 =	vimm.s32 $0x2800;
	v26 =	vimm.s32 $0x2880;
	v27 =	vimm.s32 $0x2900  }
0x11: {  	v28 =	vimm.s32 $0x2980;
	v29 =	vimm.s32 $0x2A00;
	v30 =	vimm.s32 $0x2A80  }
0x12: {  	v31 =	vimm.s32 $0x2B00;
	v32 =	vimm.s32 $0x3B80;
	v33 =	vimm.s32 $0x3000  }
0x13: {  	v34 =	vimm.s32 $0x3080;
	v35 =	vimm.s32 $0x3100;
	v36 =	vimm.s32 $0x3180  }
0x14: {  	v37 =	vimm.s32 $0x3200;
	v38 =	vimm.s32 $0x3280;
	v63 =	vimm.s32 $0x11101F1E  }
0x15: {  	v0 =	vunpack.c.l.s4.s8 v0;
	v1 =	vunpack.c.l.s4.s8 v1;
	v2 =	vunpack.c.l.s4.s8 v2  }
0x16: {  	v3 =	vunpack.c.l.s4.s8 v3;
	v4 =	vunpack.c.l.s4.s8 v4;
	v5 =	vunpack.c.l.s4.s8 v5  }
0x17: {  	v6 =	vunpack.c.l.s4.s8 v6;
	v7 =	vunpack.c.l.s4.s8 v7;
	v11 =	vunpack.c.l.s4.s8 v11  }
0x18: {  	v12 =	vunpack.c.l.s4.s8 v12;
	v13 =	vunpack.c.l.s4.s8 v13;
	v14 =	vunpack.c.l.s4.s8 v14  }
0x19: {  	v15 =	vunpack.c.l.s4.s8 v15;
	v17 =	vunpack.c.l.s4.s8 v17;
	v20 =	vsel vm12, $0x2200, v20  }
0x1a: {  	v21 =	vsel vm12, $0x2280, v21;
	v22 =	vsel vm12, $0x2300, v22;
	v23 =	vsel vm12, $0x2380, v23  }
0x1b: {  	v24 =	vsel vm12, $0x2800, v24;
	v25 =	vsel vm12, $0x2880, v25;
	v26 =	vsel vm12, $0x2900, v26  }
0x1c: {  	v27 =	vsel vm12, $0x2980, v27;
	v28 =	vsel vm12, $0x2A00, v28;
	v29 =	vsel vm12, $0x2A80, v29  }
0x1d: {  	v30 =	vsel vm12, $0x2B00, v30;
	v31 =	vsel vm12, $0x2B80, v31;
	v32 =	vsel vm12, $0x3000, v32  }
0x1e: {  	v33 =	vsel vm12, $0x3080, v33;
	v34 =	vsel vm12, $0x3100, v34;
	v35 =	vsel vm12, $0x3180, v35  }
0x1f: {  	v36 =	vsel vm12, $0x3200, v36;
	v37 =	vsel vm12, $0x3280, v37;
	v38 =	vsel vm12, $0x3300, v38  }
0x20: {  	v20 =	vsel vm13, $0x2280, v20;
	v21 =	vsel vm13, $0x2300, v21;
	v22 =	vsel vm13, $0x2380, v22  }
0x21: {  	v23 =	vsel vm13, $0x2800, v23;
	v24 =	vsel vm13, $0x2880, v24;
	v25 =	vsel vm13, $0x2900, v25  }
0x22: {  	v26 =	vsel vm13, $0x2980, v26;
	v27 =	vsel vm13, $0x2A00, v27;
	v28 =	vsel vm13, $0x2A80, v28  }
0x23: {  	v29 =	vsel vm13, $0x2B00, v29;
	v30 =	vsel vm13, $0x2B80, v30;
	v31 =	vsel vm13, $0x2000, v31  }
0x24: {  	v32 =	vsel vm13, $0x3080, v32;
	v33 =	vsel vm13, $0x3100, v33;
	v34 =	vsel vm13, $0x3180, v34  }
0x25: {  	v35 =	vsel vm13, $0x3200, v35;
	v36 =	vsel vm13, $0x3280, v36;
	v37 =	vsel vm13, $0x3300, v37  }
0x26: {  	v38 =	vsel vm13, $0x3380, v38;
	v0 =	vunpack.c.0.s8.s32 v0;
	v1 =	vunpack.c.0.s8.s32 v1  }
0x27: {  	v2 =	vunpack.c.0.s8.s32 v2;
	v3 =	vunpack.c.0.s8.s32 v3;
	v4 =	vunpack.c.0.s8.s32 v4  }
0x28: {  	v5 =	vunpack.c.0.s8.s32 v5;
	v6 =	vunpack.c.0.s8.s32 v6;
	v7 =	vunpack.c.0.s8.s32 v7  }
0x29: {  	v11 =	vunpack.c.0.s8.s32 v11;
	v12 =	vunpack.c.0.s8.s32 v12;
	v13 =	vunpack.c.0.s8.s32 v13  }
0x2a: {  	v14 =	vunpack.c.0.s8.s32 v14;
	v41 =	vunpack.c.0.s8.s32 v17;
	v17 =	vsel vm12, $0x2080, v50  }
0x2b: {  	v20 =	vsel vm14, $0x2300, v20;
	v21 =	vsel vm14, $0x2380, v21;
	v22 =	vsel vm14, $0x2800, v22  }
0x2c: {  	v23 =	vsel vm14, $0x2880, v23;
	v24 =	vsel vm14, $0x2900, v24;
	v25 =	vsel vm14, $0x2980, v25  }
0x2d: {  	v26 =	vsel vm14, $0x2A00, v26;
	v27 =	vsel vm14, $0x2A80, v27;
	v28 =	vsel vm14, $0x2B00, v28  }
0x2e: {  	v29 =	vsel vm14, $0x2B80, v29;
	v30 =	vsel vm14, $0x2000, v30;
	v31 =	vsel vm14, $0x2080, v31  }
0x2f: {  	v32 =	vsel vm14, $0x3100, v32;
	v33 =	vsel vm14, $0x3180, v33;
	v34 =	vsel vm14, $0x3200, v34  }
0x30: {  	v35 =	vsel vm14, $0x3280, v35;
	v36 =	vsel vm14, $0x3300, v36;
	v37 =	vsel vm14, $0x3380, v37  }
0x31: {  	v38 =	vsel vm14, $0x3800, v38;
	v50 =	vimm.s32 $0x1D1C1B1A;
	v17 =	vsel vm13, $0x2100, v17  }
0x32: {  	v62 =	vunpack.c.0.s8.s32 v50;
	v20 =	vsel vm9, $0x2380, v20;
	v21 =	vsel vm9, $0x2800, v21  }
0x33: {  	v22 =	vsel vm9, $0x2880, v22;
	v23 =	vsel vm9, $0x2900, v23;
	v24 =	vsel vm9, $0x2980, v24  }
0x34: {  	v25 =	vsel vm9, $0x2A00, v25;
	v26 =	vsel vm9, $0x2A80, v26;
	v27 =	vsel vm9, $0x2B00, v27  }
0x35: {  	v28 =	vsel vm9, $0x2B80, v28;
	v29 =	vsel vm9, $0x2000, v29;
	v30 =	vsel vm9, $0x2080, v30  }
0x36: {  	v31 =	vsel vm9, $0x2100, v31;
	v32 =	vsel vm9, $0x3180, v32;
	v33 =	vsel vm9, $0x3200, v33  }
0x37: {  	v34 =	vsel vm9, $0x3280, v34;
	v35 =	vsel vm9, $0x3300, v35;
	v8 =	vcombine.low v1, v0  }
0x38: {  	v36 =	vsel vm9, $0x3380, v36;
	v9 =	vcombine.low v3, v2;
	v10 =	vcombine.low v5, v4  }
0x39: {  	v37 =	vsel vm9, $0x3800, v37;
	v18 =	vcombine.low v12, v11;
	v19 =	vcombine.low v14, v13  }
0x3a: {  	v38 =	vsel vm9, $0x3880, v38;
	v0 =	vcombine.low v0, v1;
	v2 =	vcombine.low v2, v3  }
0x3b: {  	v3 =	vcombine.low v13, v14;
	v13 =	vsel vm12, $0x1A80, v46;
	v14 =	vsel vm12, $0x1B00, v47  }
0x3c: {  	v17 =	vsel vm14, $0x2180, v17;
	v46 =	vimm.s32 $0x3A80;
	v47 =	vimm.s32 $0x3B00  }
0x3d: {  	v20 =	vsel vm10, $0x2800, v20;
	v21 =	vsel vm10, $0x2880, v21;
	v22 =	vsel vm10, $0x2900, v22  }
0x3e: {  	v23 =	vsel vm10, $0x2980, v23;
	v24 =	vsel vm10, $0x2A00, v24;
	v25 =	vsel vm10, $0x2A80, v25  }
0x3f: {  	v26 =	vsel vm10, $0x2B00, v26;
	v27 =	vsel vm10, $0x2B80, v27;
	v28 =	vsel vm10, $0x2000, v28  }
0x40: {  	v29 =	vsel vm10, $0x2080, v29;
	v30 =	vsel vm10, $0x2100, v30;
	v31 =	vsel vm10, $0x2180, v31  }
0x41: {  	v32 =	vsel vm10, $0x3200, v32;
	v33 =	vsel vm10, $0x3280, v33;
	v34 =	vsel vm10, $0x3300, v34  }
0x42: {  	v35 =	vsel vm10, $0x3380, v35;
	v36 =	vsel vm10, $0x3800, v36;
	v37 =	vsel vm10, $0x3880, v37  }
0x43: {  	v38 =	vsel vm10, $0x3900, v38;
	v13 =	vsel vm13, $0x1B00, v13;
	v14 =	vsel vm13, $0x1B80, v14  }
0x44: {  	v46 =	vsel vm12, $0x3B00, v46;
	v47 =	vsel vm12, $0x3B80, v47;
	v17 =	vsel vm9, $0x2200, v17  }
0x45: {  	v20 =	vsel vm11, $0x2880, v20;
	v21 =	vsel vm11, $0x2900, v21;
	v22 =	vsel vm11, $0x2980, v22  }
0x46: {  	v23 =	vsel vm11, $0x2A00, v23;
	v24 =	vsel vm11, $0x2A80, v24;
	v25 =	vsel vm11, $0x2B00, v25  }
0x47: {  	v26 =	vsel vm11, $0x2B80, v26;
	v27 =	vsel vm11, $0x2000, v27;
	v28 =	vsel vm11, $0x2080, v28  }
0x48: {  	v29 =	vsel vm11, $0x2100, v29;
	v30 =	vsel vm11, $0x2180, v30;
	v31 =	vsel vm11, $0x2200, v31  }
0x49: {  	v32 =	vsel vm11, $0x3280, v32;
	v33 =	vsel vm11, $0x3300, v33;
	v34 =	vsel vm11, $0x3380, v34  }
0x4a: {  	v35 =	vsel vm11, $0x3800, v35;
	v36 =	vsel vm11, $0x3880, v36;
	v37 =	vsel vm11, $0x3900, v37  }
0x4b: {  	v38 =	vsel vm11, $0x3980, v38;
	v8 =	vand.u32 $0xF, v8;
	v39 =	vand.u32 $0xF, v18  }
0x4c: {  	v40 =	vand.u32 $0xF, v19;
	v0 =	vand.u32 $0xF, v0;
	v13 =	vsel vm14, $0x1B80, v13  }
0x4d: {  	v14 =	vsel vm14, $0x1000, v14;
	v18 =	vsel vm12, $0x2100, v55;
	v19 =	vsel vm12, $0x2180, v56  }
0x4e: {  	v46 =	vsel vm13, $0x3B80, v46;
	v47 =	vsel vm13, $0x3000, v47;
	v17 =	vsel vm10, $0x2280, v17  }
0x4f: {  	v56 =	vimm.s32 $0x15141312;
	v55 =	vimm.s32 $0x19181716;
	v20 =	vsel vm6, $0x2900, v20  }
0x50: {  	v21 =	vsel vm6, $0x2980, v21;
	v22 =	vsel vm6, $0x2A00, v22;
	v23 =	vsel vm6, $0x2A80, v23  }
0x51: {  	v24 =	vsel vm6, $0x2B00, v24;
	v25 =	vsel vm6, $0x2B80, v25;
	v26 =	vsel vm6, $0x2000, v26  }
0x52: {  	v27 =	vsel vm6, $0x2080, v27;
	v28 =	vsel vm6, $0x2100, v28;
	v29 =	vsel vm6, $0x2180, v29  }
0x53: {  	v30 =	vsel vm6, $0x2200, v30;
	v31 =	vsel vm6, $0x2280, v31;
	v32 =	vsel vm6, $0x3300, v32  }
0x54: {  	v33 =	vsel vm6, $0x3380, v33;
	v34 =	vsel vm6, $0x3800, v34;
	v35 =	vsel vm6, $0x3880, v35  }
0x55: {  	v36 =	vsel vm6, $0x3900, v36;
	v37 =	vsel vm6, $0x3980, v37;
	v38 =	vsel vm6, $0x3A00, v38;
	[tilespmem:$0x1F9A0] =	vst v8  }
0x56: {  	v8 =	vand.u32 $0xF, v9;
	v9 =	vimm.s32 $0x43210FED;
	[tilespmem:$0x1FA20] =	vst v39;
	v18 =	vsel vm13, $0x2180, v18  }
0x57: {  	[tilespmem:$0x1FA30] =	vst v40;
	v19 =	vsel vm13, $0x2200, v19;
	v39 =	vimm.s32 $0x3300;
	v40 =	vimm.s32 $0x3380  }
0x58: {  	v46 =	vsel vm14, $0x3000, v46;
	v47 =	vsel vm14, $0x3080, v47;
	v13 =	vsel vm9, $0x1000, v13  }
0x59: {  	v14 =	vsel vm9, $0x1080, v14;
	v17 =	vsel vm11, $0x2300, v17;
	v56 =	vunpack.c.0.s8.s32 v56  }
0x5a: {  	[tilespmem:$0x1FB70] =	vst v62;
	v62 =	vunpack.c.0.s8.s32 v55;
	v20 =	vsel vm7, $0x2980, v20;
	v21 =	vsel vm7, $0x2A00, v21  }
0x5b: {  	v22 =	vsel vm7, $0x2A80, v22;
	v23 =	vsel vm7, $0x2B00, v23;
	v24 =	vsel vm7, $0x2B80, v24  }
0x5c: {  	v25 =	vsel vm7, $0x2000, v25;
	v26 =	vsel vm7, $0x2080, v26;
	v27 =	vsel vm7, $0x2100, v27  }
0x5d: {  	v28 =	vsel vm7, $0x2180, v28;
	v29 =	vsel vm7, $0x2200, v29;
	v30 =	vsel vm7, $0x2280, v30  }
0x5e: {  	v31 =	vsel vm7, $0x2300, v31;
	v32 =	vsel vm7, $0x3380, v32;
	v33 =	vsel vm7, $0x3800, v33  }
0x5f: {  	v34 =	vsel vm7, $0x3880, v34;
	v35 =	vsel vm7, $0x3900, v35;
	v36 =	vsel vm7, $0x3980, v36  }
0x60: {  	v37 =	vsel vm7, $0x3A00, v37;
	v38 =	vsel vm7, $0x3A80, v38;
	v55 =	vimm.s32 $0x1211101F  }
0x61: {  	[tilespmem:$0x1F9F0] =	vst v8;
	v8 =	vand.u32 $0xF, v10;
	v9 =	vunpack.c.l.s4.s8 v9;
	v10 =	vimm.s32 $0xCBA98765  }
0x62: {  	v18 =	vsel vm14, $0x2200, v18;
	v19 =	vsel vm14, $0x2280, v19;
	v39 =	vsel vm12, $0x3380, v39  }
0x63: {  	v40 =	vsel vm12, $0x3800, v40;
	v13 =	vsel vm10, $0x1080, v13;
	v14 =	vsel vm10, $0x1100, v14  }
0x64: {  	v46 =	vsel vm9, $0x3080, v46;
	v47 =	vsel vm9, $0x3100, v47;
	v17 =	vsel vm6, $0x2380, v17  }
0x65: {  	v20 =	vsel vm8, $0x2A00, v20;
	v21 =	vsel vm8, $0x2A80, v21;
	v22 =	vsel vm8, $0x2B00, v22  }
0x66: {  	v23 =	vsel vm8, $0x2B80, v23;
	v24 =	vsel vm8, $0x2000, v24;
	v25 =	vsel vm8, $0x2080, v25  }
0x67: {  	v26 =	vsel vm8, $0x2100, v26;
	v27 =	vsel vm8, $0x2180, v27;
	v28 =	vsel vm8, $0x2200, v28  }
0x68: {  	v29 =	vsel vm8, $0x2280, v29;
	v30 =	vsel vm8, $0x2300, v30;
	v31 =	vsel vm8, $0x2380, v31  }
0x69: {  	v32 =	vsel vm8, $0x3800, v32;
	v33 =	vsel vm8, $0x3880, v33;
	v34 =	vsel vm8, $0x3900, v34  }
0x6a: {  	v35 =	vsel vm8, $0x3980, v35;
	v36 =	vsel vm8, $0x3A00, v36;
	v37 =	vsel vm8, $0x3A80, v37  }
0x6b: {  	v38 =	vsel vm8, $0x3B00, v38;
	[tilespmem:$0x1F9D0] =	vst v8;
	v8 =	vcombine.low v7, v6;
	v10 =	vunpack.c.l.s4.s8 v10  }
0x6c: {  	v39 =	vsel vm13, $0x3800, v39;
	v40 =	vsel vm13, $0x3880, v40;
	v13 =	vsel vm11, $0x1100, v13  }
0x6d: {  	v14 =	vsel vm11, $0x1180, v14;
	v18 =	vsel vm9, $0x2280, v18;
	v19 =	vsel vm9, $0x2300, v19  }
0x6e: {  	v46 =	vsel vm10, $0x3100, v46;
	v47 =	vsel vm10, $0x3180, v47;
	[tilespmem:$0x1FA40] =	vst v56;
	v17 =	vsel vm7, $0x2800, v17  }
0x6f: {  	[tilespmem:$0x1FAE0] =	vst v62;
	v56 =	vimm.s32 $0x16151413;
	v62 =	vunpack.c.0.s8.s32 v55;
	v20 =	vsel vm3, $0x2A80, v20  }
0x70: {  	v21 =	vsel vm3, $0x2B00, v21;
	v22 =	vsel vm3, $0x2B80, v22;
	v23 =	vsel vm3, $0x2000, v23  }
0x71: {  	v24 =	vsel vm3, $0x2080, v24;
	v25 =	vsel vm3, $0x2100, v25;
	v26 =	vsel vm3, $0x2180, v26  }
0x72: {  	v27 =	vsel vm3, $0x2200, v27;
	v28 =	vsel vm3, $0x2280, v28;
	v29 =	vsel vm3, $0x2300, v29  }
0x73: {  	v30 =	vsel vm3, $0x2380, v30;
	v31 =	vsel vm3, $0x2800, v31;
	v32 =	vsel vm3, $0x3880, v32  }
0x74: {  	v33 =	vsel vm3, $0x3900, v33;
	v34 =	vsel vm3, $0x3980, v34;
	v35 =	vsel vm3, $0x3A00, v35  }
0x75: {  	v36 =	vsel vm3, $0x3A80, v36;
	v37 =	vsel vm3, $0x3B00, v37;
	v38 =	vsel vm3, $0x3B80, v38  }
0x76: {  	v9 =	vunpack.c.0.s8.s32 v9;
	v39 =	vsel vm14, $0x3880, v39;
	v40 =	vsel vm14, $0x3900, v40  }
0x77: {  	v18 =	vsel vm10, $0x2300, v18;
	v19 =	vsel vm10, $0x2380, v19;
	v46 =	vsel vm11, $0x3180, v46  }
0x78: {  	v47 =	vsel vm11, $0x3200, v47;
	v13 =	vsel vm6, $0x1180, v13;
	v14 =	vsel vm6, $0x1200, v14  }
0x79: {  	v17 =	vsel vm8, $0x2880, v17;
	v20 =	vsel vm4, $0x2B00, v20;
	v21 =	vsel vm4, $0x2B80, v21  }
0x7a: {  	v22 =	vsel vm4, $0x2000, v22;
	v23 =	vsel vm4, $0x2080, v23;
	v24 =	vsel vm4, $0x2100, v24  }
0x7b: {  	v25 =	vsel vm4, $0x2180, v25;
	v26 =	vsel vm4, $0x2200, v26;
	v27 =	vsel vm4, $0x2280, v27  }
0x7c: {  	v28 =	vsel vm4, $0x2300, v28;
	v29 =	vsel vm4, $0x2380, v29;
	v30 =	vsel vm4, $0x2800, v30  }
0x7d: {  	v31 =	vsel vm4, $0x2880, v31;
	v32 =	vsel vm4, $0x3900, v32;
	v33 =	vsel vm4, $0x3980, v33  }
0x7e: {  	v34 =	vsel vm4, $0x3A00, v34;
	v35 =	vsel vm4, $0x3A80, v35;
	v36 =	vsel vm4, $0x3B00, v36  }
0x7f: {  	v37 =	vsel vm4, $0x3B80, v37;
	v38 =	vsel vm4, $0x3000, v38;
	v10 =	vunpack.c.0.s8.s32 v10  }
0x80: {  	v8 =	vand.u32 $0xF, v8;
	v18 =	vsel vm11, $0x2380, v18;
	v19 =	vsel vm11, $0x2800, v19  }
0x81: {  	v39 =	vsel vm9, $0x3900, v39;
	v40 =	vsel vm9, $0x3980, v40;
	v13 =	vsel vm7, $0x1200, v13  }
0x82: {  	v14 =	vsel vm7, $0x1280, v14;
	v46 =	vsel vm6, $0x3200, v46;
	v47 =	vsel vm6, $0x3280, v47  }
0x83: {  	v17 =	vsel vm3, $0x2900, v17;
	v20 =	vsel vm5, $0x2B80, v20;
	v21 =	vsel vm5, $0x2000, v21  }
0x84: {  	v22 =	vsel vm5, $0x2080, v22;
	v23 =	vsel vm5, $0x2100, v23;
	v24 =	vsel vm5, $0x2180, v24  }
0x85: {  	v25 =	vsel vm5, $0x2200, v25;
	v26 =	vsel vm5, $0x2280, v26;
	v27 =	vsel vm5, $0x2300, v27  }
0x86: {  	v28 =	vsel vm5, $0x2380, v28;
	v29 =	vsel vm5, $0x2800, v29;
	v30 =	vsel vm5, $0x2880, v30  }
0x87: {  	v31 =	vsel vm5, $0x2900, v31;
	v33 =	vsel vm5, $0x3A00, v33;
	v34 =	vsel vm5, $0x3A80, v34  }
0x88: {  	v35 =	vsel vm5, $0x3B00, v35;
	v36 =	vsel vm5, $0x3B80, v36;
	v37 =	vsel vm5, $0x3000, v37  }
0x89: {  	v38 =	vsel vm5, $0x3080, v38;
	v39 =	vsel vm10, $0x3980, v39;
	v40 =	vsel vm10, $0x3A00, v40  }
0x8a: {  	v13 =	vsel vm8, $0x1280, v13;
	v14 =	vsel vm8, $0x1300, v14;
	v18 =	vsel vm6, $0x2800, v18  }
0x8b: {  	v19 =	vsel vm6, $0x2880, v19;
	v46 =	vsel vm7, $0x3280, v46;
	v47 =	vsel vm7, $0x3300, v47  }
0x8c: {  	v17 =	vsel vm4, $0x2980, v17;
	v16 =	vcombine.low v10, v9;
	v39 =	vsel vm11, $0x3A00, v39  }
0x8d: {  	v40 =	vsel vm11, $0x3A80, v40;
	v18 =	vsel vm7, $0x2880, v18;
	v19 =	vsel vm7, $0x2900, v19  }
0x8e: {  	v46 =	vsel vm8, $0x3300, v46;
	v47 =	vsel vm8, $0x3380, v47;
	v13 =	vsel vm3, $0x1300, v13  }
0x8f: {  	v14 =	vsel vm3, $0x1380, v14;
	v17 =	vsel vm5, $0x2A00, v17;
	v18 =	vsel vm8, $0x2900, v18  }
0x90: {  	v19 =	vsel vm8, $0x2980, v19;
	v39 =	vsel vm6, $0x3A80, v39;
	v40 =	vsel vm6, $0x3B00, v40  }
0x91: {  	[tilespmem:$0x1FA00] =	vst v8;
	v13 =	vsel vm4, $0x1380, v13;
	v14 =	vsel vm4, $0x1800, v14;
	v8 =	vand.u32 $0xF, v16  }
0x92: {  	v16 =	vsel vm12, $0x2000, v49;
	v49 =	vimm.s32 $0x18171615;
	v39 =	vsel vm7, $0x3B00, v39  }
0x93: {  	v40 =	vsel vm7, $0x3B80, v40;
	v13 =	vsel vm5, $0x1800, v13;
	v14 =	vsel vm5, $0x1880, v14  }
0x94: {  	v18 =	vsel vm3, $0x2980, v18;
	v19 =	vsel vm3, $0x2A00, v19;
	[tilespmem:$0x1FA10] =	vst v8;
	v8 =	vunpack.c.0.s8.s32 v15  }
0x95: {  	v15 =	vsel vm12, $0x1B80, v48;
	v16 =	vsel vm13, $0x2080, v16;
	v48 =	vimm.s32 $0x14131211  }
0x96: {  	v61 =	vunpack.c.0.s8.s32 v49;
	v39 =	vsel vm8, $0x3B80, v39;
	v40 =	vsel vm8, $0x3000, v40  }
0x97: {  	v18 =	vsel vm4, $0x2A00, v18;
	v19 =	vsel vm4, $0x2A80, v19;
	v15 =	vsel vm13, $0x1000, v15  }
0x98: {  	v16 =	vsel vm14, $0x2100, v16;
	v48 =	vunpack.c.0.s8.s32 v48;
	v18 =	vsel vm5, $0x2A80, v18  }
0x99: {  	v19 =	vsel vm5, $0x2B00, v19;
	v39 =	vsel vm3, $0x3000, v39;
	v40 =	vsel vm3, $0x3080, v40  }
0x9a: {  	v8 =	vand.u32 $0xF, v8;
	v15 =	vsel vm14, $0x1080, v15;
	v16 =	vsel vm9, $0x2180, v16  }
0x9b: {  	[tilespmem:$0x1FB50] =	vst v61;
	v61 =	vunpack.c.0.s8.s32 v63;
	v63 =	vimm.s32 $0x1E1D1C1B;
	v39 =	vsel vm4, $0x3080, v39  }
0x9c: {  	v40 =	vsel vm4, $0x3100, v40;
	v8 =	vcombine.low v8, v41;
	v41 =	vimm.s32 $0x3800  }
0x9d: {  	[tilespmem:$0x1FB60] =	vst v48;
	v15 =	vsel vm9, $0x1100, v15;
	v16 =	vsel vm10, $0x2200, v16;
	v48 =	vunpack.c.0.s8.s32 v63  }
0x9e: {  	v63 =	vunpack.c.0.s8.s32 v56;
	v56 =	vsel vm5, $0x3980, v32;
	v32 =	vsel vm5, $0x3100, v39  }
0x9f: {  	v41 =	vsel vm12, $0x3880, v41;
	v15 =	vsel vm10, $0x1180, v15;
	v16 =	vsel vm11, $0x2280, v16  }
0xa0: {  	[tilespmem:$0x1FB90] =	vst v8;
	v8 =	vsel vm12, $0x0, v42;
	v41 =	vsel vm13, $0x3900, v41;
	v42 =	vimm.s32 $0x3880  }
0xa1: {  	v15 =	vsel vm11, $0x1200, v15;
	v16 =	vsel vm6, $0x2300, v16;
	[tilespmem:$0x1F820] =	vst v63;
	v63 =	vsel vm5, $0x3180, v40  }
0xa2: {  	v1 =	vsel vm13, $0x80, v8;
	v8 =	vimm.s32 $0x1380;
	v41 =	vsel vm14, $0x3980, v41  }
0xa3: {  	v42 =	vsel vm12, $0x3900, v42;
	v15 =	vsel vm6, $0x1280, v15;
	v16 =	vsel vm7, $0x2380, v16  }
0xa4: {  	v1 =	vsel vm14, $0x100, v1;
	v8 =	vsel vm12, $0x1800, v8;
	v42 =	vsel vm13, $0x3980, v42  }
0xa5: {  	v41 =	vsel vm9, $0x3A00, v41;
	v15 =	vsel vm7, $0x1300, v15;
	v16 =	vsel vm8, $0x2800, v16  }
0xa6: {  	[tilespmem:$0x1FBB0] =	vst v0;
	v0 =	vsel vm9, $0x180, v1;
	v1 =	vand.u32 $0xF, v2;
	v2 =	vcombine.low v6, v7  }
0xa7: {  	v6 =	vimm.s32 $0x1280;
	v7 =	vimm.s32 $0x1300;
	v8 =	vsel vm13, $0x1880, v8  }
0xa8: {  	v42 =	vsel vm14, $0x3A00, v42;
	v41 =	vsel vm10, $0x3A80, v41;
	v15 =	vsel vm8, $0x1380, v15  }
0xa9: {  	v16 =	vsel vm3, $0x2880, v16;
	[tilespmem:$0x1FBA0] =	vst v1;
	v0 =	vsel vm10, $0x200, v0;
	v1 =	vcombine.low v4, v5  }
0xaa: {  	v4 =	vsel vm12, $0x1200, v43;
	v5 =	vsel vm12, $0x1280, v44;
	v6 =	vsel vm12, $0x1300, v6  }
0xab: {  	v7 =	vsel vm12, $0x1380, v7;
	v8 =	vsel vm14, $0x1900, v8;
	v43 =	vimm.s32 $0x3900  }
0xac: {  	v44 =	vimm.s32 $0x3980;
	v41 =	vsel vm11, $0x3B00, v41;
	v42 =	vsel vm9, $0x3A80, v42  }
0xad: {  	v15 =	vsel vm3, $0x1800, v15;
	v16 =	vsel vm4, $0x2900, v16;
	v0 =	vsel vm11, $0x280, v0  }
0xae: {  	v52 =	vand.u32 $0xF, v2;
	v2 =	vcombine.low v11, v12;
	v4 =	vsel vm13, $0x1280, v4  }
0xaf: {  	v5 =	vsel vm13, $0x1300, v5;
	v6 =	vsel vm13, $0x1380, v6;
	v7 =	vsel vm13, $0x1800, v7  }
0xb0: {  	v11 =	vimm.s32 $0x1900;
	v12 =	vsel vm12, $0x1A00, v45;
	v43 =	vsel vm12, $0x3980, v43  }
0xb1: {  	v44 =	vsel vm12, $0x3A00, v44;
	v45 =	vimm.s32 $0x3A00;
	v8 =	vsel vm9, $0x1980, v8  }
0xb2: {  	v42 =	vsel vm10, $0x3B00, v42;
	v41 =	vsel vm6, $0x3B80, v41;
	v15 =	vsel vm4, $0x1880, v15  }
0xb3: {  	v16 =	vsel vm5, $0x2980, v16;
	v0 =	vsel vm6, $0x300, v0;
	v53 =	vand.u32 $0xF, v1  }
0xb4: {  	v1 =	vcombine.low v9, v10;
	v4 =	vsel vm14, $0x1300, v4;
	v5 =	vsel vm14, $0x1380, v5  }
0xb5: {  	v6 =	vsel vm14, $0x1800, v6;
	v7 =	vsel vm14, $0x1880, v7;
	v9 =	vimm.s32 $0x1800  }
0xb6: {  	v10 =	vimm.s32 $0x1880;
	v11 =	vsel vm12, $0x1980, v11;
	v12 =	vsel vm13, $0x1A80, v12  }
0xb7: {  	v43 =	vsel vm13, $0x3A00, v43;
	v44 =	vsel vm13, $0x3A80, v44;
	v45 =	vsel vm12, $0x3A80, v45  }
0xb8: {  	v8 =	vsel vm10, $0x1A00, v8;
	v42 =	vsel vm11, $0x3B80, v42;
	v41 =	vsel vm7, $0x3000, v41  }
0xb9: {  	v15 =	vsel vm5, $0x1900, v15;
	v0 =	vsel vm7, $0x380, v0;
	v9 =	vsel vm12, $0x1880, v9  }
0xba: {  	v10 =	vsel vm12, $0x1900, v10;
	v11 =	vsel vm13, $0x1A00, v11;
	v12 =	vsel vm14, $0x1B00, v12  }
0xbb: {  	v43 =	vsel vm14, $0x3A80, v43;
	v44 =	vsel vm14, $0x3B00, v44;
	v45 =	vsel vm13, $0x3B00, v45  }
0xbc: {  	v4 =	vsel vm9, $0x1380, v4;
	v5 =	vsel vm9, $0x1800, v5;
	v6 =	vsel vm9, $0x1880, v6  }
0xbd: {  	v7 =	vsel vm9, $0x1900, v7;
	v8 =	vsel vm11, $0x1A80, v8;
	v41 =	vsel vm8, $0x3080, v41  }
0xbe: {  	v42 =	vsel vm6, $0x3000, v42;
	v0 =	vsel vm8, $0x800, v0;
	v51 =	vand.u32 $0xF, v1  }
0xbf: {  	v1 =	vand.u32 $0xF, v2;
	v2 =	vimm.s32 $0x80;
	v9 =	vsel vm13, $0x1900, v9  }
0xc0: {  	v10 =	vsel vm13, $0x1980, v10;
	v11 =	vsel vm14, $0x1A80, v11;
	v45 =	vsel vm14, $0x3B80, v45  }
0xc1: {  	v4 =	vsel vm10, $0x1800, v4;
	v5 =	vsel vm10, $0x1880, v5;
	v6 =	vsel vm10, $0x1900, v6  }
0xc2: {  	v7 =	vsel vm10, $0x1980, v7;
	v12 =	vsel vm9, $0x1B80, v12;
	v43 =	vsel vm9, $0x3B00, v43  }
0xc3: {  	v44 =	vsel vm9, $0x3B80, v44;
	v8 =	vsel vm6, $0x1B00, v8;
	v42 =	vsel vm7, $0x3080, v42  }
0xc4: {  	v41 =	vsel vm3, $0x3100, v41;
	v0 =	vsel vm3, $0x880, v0;
	[tilespmem:$0x1F9C0] =	vst v1;
	v1 =	vand.u32 $0xF, v3  }
0xc5: {  	v3 =	vimm.s32 $0x1100;
	v9 =	vsel vm14, $0x1980, v9;
	v10 =	vsel vm14, $0x1A00, v10  }
0xc6: {  	v4 =	vsel vm11, $0x1880, v4;
	v5 =	vsel vm11, $0x1900, v5;
	v6 =	vsel vm11, $0x1980, v6  }
0xc7: {  	v7 =	vsel vm11, $0x1A00, v7;
	v11 =	vsel vm9, $0x1B00, v11;
	v12 =	vsel vm10, $0x1000, v12  }
0xc8: {  	v43 =	vsel vm10, $0x3B80, v43;
	v44 =	vsel vm10, $0x3000, v44;
	v45 =	vsel vm9, $0x3000, v45  }
0xc9: {  	v8 =	vsel vm7, $0x1B80, v8;
	v42 =	vsel vm8, $0x3100, v42;
	v41 =	vsel vm4, $0x3180, v41  }
0xca: {  	v0 =	vsel vm4, $0x900, v0;
	[tilespmem:$0x1F9B0] =	vst v1;
	v1 =	vimm.s32 $0x0;
	v3 =	vsel vm12, $0x1180, v3  }
0xcb: {  	v9 =	vsel vm9, $0x1A00, v9;
	v10 =	vsel vm9, $0x1A80, v10;
	v11 =	vsel vm10, $0x1B80, v11  }
0xcc: {  	v12 =	vsel vm11, $0x1080, v12;
	v43 =	vsel vm11, $0x3000, v43;
	v44 =	vsel vm11, $0x3080, v44  }
0xcd: {  	v4 =	vsel vm6, $0x1900, v4;
	v5 =	vsel vm6, $0x1980, v5;
	v6 =	vsel vm6, $0x1A00, v6  }
0xce: {  	v7 =	vsel vm6, $0x1A80, v7;
	v8 =	vsel vm8, $0x1000, v8;
	v0 =	vsel vm5, $0x980, v0  }
0xcf: {  	v55 =	vsel vm5, $0x3200, v41;
	v42 =	vsel vm3, $0x3180, v42;
	v0 =	vsel vm0, $0xA00, v0  }
0xd0: {  	v3 =	vsel vm13, $0x1200, v3;
	v9 =	vsel vm10, $0x1A80, v9;
	v0 =	vsel vm1, $0xA80, v0  }
0xd1: {  	v10 =	vsel vm10, $0x1B00, v10;
	v11 =	vsel vm11, $0x1000, v11;
	v0 =	vsel vm2, $0xB00, v0  }
0xd2: {  	v4 =	vsel vm7, $0x1980, v4;
	v5 =	vsel vm7, $0x1A00, v5;
	[tilespmem:$0x1F9E0] =	vst v0;
	v0 =	vsel vm12, $0x80, v1  }
0xd3: {  	v1 =	vsel vm12, $0x100, v2;
	v2 =	vimm.s32 $0x100;
	v0 =	vsel vm13, $0x100, v0  }
0xd4: {  	v1 =	vsel vm13, $0x180, v1;
	v2 =	vsel vm12, $0x180, v2;
	v0 =	vsel vm14, $0x180, v0  }
0xd5: {  	v1 =	vsel vm14, $0x200, v1;
	v2 =	vsel vm13, $0x200, v2;
	v0 =	vsel vm9, $0x200, v0  }
0xd6: {  	v1 =	vsel vm9, $0x280, v1;
	v2 =	vsel vm14, $0x280, v2;
	v0 =	vsel vm10, $0x280, v0  }
0xd7: {  	v1 =	vsel vm10, $0x300, v1;
	v2 =	vsel vm9, $0x300, v2;
	v0 =	vsel vm11, $0x300, v0  }
0xd8: {  	v1 =	vsel vm11, $0x380, v1;
	v2 =	vsel vm10, $0x380, v2;
	v0 =	vsel vm6, $0x380, v0  }
0xd9: {  	v1 =	vsel vm6, $0x800, v1;
	v2 =	vsel vm11, $0x800, v2;
	v0 =	vsel vm7, $0x800, v0  }
0xda: {  	v1 =	vsel vm7, $0x880, v1;
	v2 =	vsel vm6, $0x880, v2;
	v0 =	vsel vm8, $0x880, v0  }
0xdb: {  	v1 =	vsel vm8, $0x900, v1;
	v2 =	vsel vm7, $0x900, v2;
	v0 =	vsel vm3, $0x900, v0  }
0xdc: {  	v1 =	vsel vm3, $0x980, v1;
	v2 =	vsel vm8, $0x980, v2;
	v0 =	vsel vm4, $0x980, v0  }
0xdd: {  	v1 =	vsel vm4, $0xA00, v1;
	v2 =	vsel vm3, $0xA00, v2;
	v0 =	vsel vm5, $0xA00, v0  }
0xde: {  	v1 =	vsel vm5, $0xA80, v1;
	v2 =	vsel vm4, $0xA80, v2;
	v0 =	vsel vm0, $0xA80, v0  }
0xdf: {  	v1 =	vsel vm0, $0xB00, v1;
	v2 =	vsel vm5, $0xB00, v2;
	v0 =	vsel vm1, $0xB00, v0  }
0xe0: {  	v1 =	vsel vm1, $0xB80, v1;
	v54 =	vsel vm2, $0xB80, v0;
	v0 =	vsel vm0, $0xB80, v2  }
0xe1: {  	v57 =	vsel vm2, $0x0, v1;
	v1 =	vimm.s32 $0x180;
	v0 =	vsel vm1, $0x0, v0  }
0xe2: {  	v2 =	vimm.s32 $0x200;
	v58 =	vsel vm2, $0x80, v0;
	v0 =	vsel vm12, $0x200, v1  }
0xe3: {  	v1 =	vsel vm12, $0x280, v2;
	v2 =	vimm.s32 $0x280;
	v0 =	vsel vm13, $0x280, v0  }
0xe4: {  	v6 =	vsel vm7, $0x1A80, v6;
	v2 =	vsel vm12, $0x300, v2;
	v0 =	vsel vm14, $0x300, v0  }
0xe5: {  	v1 =	vsel vm13, $0x300, v1;
	v2 =	vsel vm13, $0x380, v2;
	v0 =	vsel vm9, $0x380, v0  }
0xe6: {  	v1 =	vsel vm14, $0x380, v1;
	v2 =	vsel vm14, $0x800, v2;
	v0 =	vsel vm10, $0x800, v0  }
0xe7: {  	v1 =	vsel vm9, $0x800, v1;
	v2 =	vsel vm9, $0x880, v2;
	v0 =	vsel vm11, $0x880, v0  }
0xe8: {  	v1 =	vsel vm10, $0x880, v1;
	v2 =	vsel vm10, $0x900, v2;
	v0 =	vsel vm6, $0x900, v0  }
0xe9: {  	v1 =	vsel vm11, $0x900, v1;
	v2 =	vsel vm11, $0x980, v2;
	v0 =	vsel vm7, $0x980, v0  }
0xea: {  	v1 =	vsel vm6, $0x980, v1;
	v2 =	vsel vm6, $0xA00, v2;
	v0 =	vsel vm8, $0xA00, v0  }
0xeb: {  	v1 =	vsel vm7, $0xA00, v1;
	v2 =	vsel vm7, $0xA80, v2;
	v0 =	vsel vm3, $0xA80, v0  }
0xec: {  	v1 =	vsel vm8, $0xA80, v1;
	v2 =	vsel vm8, $0xB00, v2;
	v0 =	vsel vm4, $0xB00, v0  }
0xed: {  	v1 =	vsel vm3, $0xB00, v1;
	v2 =	vsel vm3, $0xB80, v2;
	v0 =	vsel vm5, $0xB80, v0  }
0xee: {  	v1 =	vsel vm4, $0xB80, v1;
	v2 =	vsel vm4, $0x0, v2;
	v0 =	vsel vm0, $0x0, v0  }
0xef: {  	v1 =	vsel vm5, $0x0, v1;
	v2 =	vsel vm5, $0x80, v2;
	v0 =	vsel vm1, $0x80, v0  }
0xf0: {  	v1 =	vsel vm0, $0x80, v1;
	v59 =	vsel vm2, $0x100, v0;
	v0 =	vsel vm0, $0x100, v2  }
0xf1: {  	v7 =	vsel vm7, $0x1B00, v7;
	v1 =	vsel vm1, $0x100, v1;
	v0 =	vsel vm1, $0x180, v0  }
0xf2: {  	v60 =	vsel vm2, $0x180, v1;
	v1 =	vimm.s32 $0x300;
	v0 =	vsel vm2, $0x200, v0  }
0xf3: {  	v12 =	vsel vm6, $0x1100, v12;
	v2 =	vimm.s32 $0x380;
	[tilespmem:$0x1FA60] =	vst v0;
	v0 =	vsel vm12, $0x380, v1  }
0xf4: {  	v43 =	vsel vm6, $0x3080, v43;
	v1 =	vsel vm12, $0x800, v2;
	v0 =	vsel vm13, $0x800, v0  }
0xf5: {  	v44 =	vsel vm6, $0x3100, v44;
	v1 =	vsel vm13, $0x880, v1;
	v0 =	vsel vm14, $0x880, v0  }
0xf6: {  	v2 =	vimm.s32 $0x800;
	v1 =	vsel vm14, $0x900, v1;
	v0 =	vsel vm9, $0x900, v0  }
0xf7: {  	v2 =	vsel vm12, $0x880, v2;
	v1 =	vsel vm9, $0x980, v1;
	v0 =	vsel vm10, $0x980, v0  }
0xf8: {  	v2 =	vsel vm13, $0x900, v2;
	v1 =	vsel vm10, $0xA00, v1;
	v0 =	vsel vm11, $0xA00, v0  }
0xf9: {  	v2 =	vsel vm14, $0x980, v2;
	v1 =	vsel vm11, $0xA80, v1;
	v0 =	vsel vm6, $0xA80, v0  }
0xfa: {  	v2 =	vsel vm9, $0xA00, v2;
	v1 =	vsel vm6, $0xB00, v1;
	v0 =	vsel vm7, $0xB00, v0  }
0xfb: {  	v2 =	vsel vm10, $0xA80, v2;
	v1 =	vsel vm7, $0xB80, v1;
	v0 =	vsel vm8, $0xB80, v0  }
0xfc: {  	v2 =	vsel vm11, $0xB00, v2;
	v1 =	vsel vm8, $0x0, v1;
	v0 =	vsel vm3, $0x0, v0  }
0xfd: {  	v2 =	vsel vm6, $0xB80, v2;
	v1 =	vsel vm3, $0x80, v1;
	v0 =	vsel vm4, $0x80, v0  }
0xfe: {  	v2 =	vsel vm7, $0x0, v2;
	v1 =	vsel vm4, $0x100, v1;
	v0 =	vsel vm5, $0x100, v0  }
0xff: {  	v2 =	vsel vm8, $0x80, v2;
	v1 =	vsel vm5, $0x180, v1;
	v0 =	vsel vm0, $0x180, v0  }
0x100: {  	v2 =	vsel vm3, $0x100, v2;
	v1 =	vsel vm0, $0x200, v1;
	v0 =	vsel vm1, $0x200, v0  }
0x101: {  	[tilespmem:$0x1FB00] =	vst v55;
	v2 =	vsel vm4, $0x180, v2;
	v1 =	vsel vm1, $0x280, v1;
	v0 =	vsel vm2, $0x280, v0  }
0x102: {  	v8 =	vsel vm3, $0x1080, v8;
	v2 =	vsel vm5, $0x200, v2;
	[tilespmem:$0x1FA70] =	vst v0;
	v0 =	vsel vm2, $0x300, v1  }
0x103: {  	v42 =	vsel vm4, $0x3200, v42;
	v55 =	vimm.s32 $0x1F1E1D1C;
	[tilespmem:$0x1FA80] =	vst v0;
	v0 =	vsel vm0, $0x280, v2  }
0x104: {  	v3 =	vsel vm14, $0x1280, v3;
	v9 =	vsel vm11, $0x1B00, v9;
	v0 =	vsel vm1, $0x300, v0  }
0x105: {  	v10 =	vsel vm11, $0x1B80, v10;
	v1 =	vimm.s32 $0x880;
	v0 =	vsel vm2, $0x380, v0  }
0x106: {  	v4 =	vsel vm8, $0x1A00, v4;
	v2 =	vimm.s32 $0x900;
	[tilespmem:$0x1FAC0] =	vst v0;
	v0 =	vsel vm12, $0x900, v1  }
0x107: {  	v5 =	vsel vm8, $0x1A80, v5;
	v1 =	vsel vm12, $0x980, v2;
	v0 =	vsel vm13, $0x980, v0  }
0x108: {  	v6 =	vsel vm8, $0x1B00, v6;
	v1 =	vsel vm13, $0xA00, v1;
	v0 =	vsel vm14, $0xA00, v0  }
0x109: {  	v2 =	vimm.s32 $0x980;
	v1 =	vsel vm14, $0xA80, v1;
	v0 =	vsel vm9, $0xA80, v0  }
0x10a: {  	v2 =	vsel vm12, $0xA00, v2;
	v1 =	vsel vm9, $0xB00, v1;
	v0 =	vsel vm10, $0xB00, v0  }
0x10b: {  	v2 =	vsel vm13, $0xA80, v2;
	v1 =	vsel vm10, $0xB80, v1;
	v0 =	vsel vm11, $0xB80, v0  }
0x10c: {  	v2 =	vsel vm14, $0xB00, v2;
	v1 =	vsel vm11, $0x0, v1;
	v0 =	vsel vm6, $0x0, v0  }
0x10d: {  	v2 =	vsel vm9, $0xB80, v2;
	v1 =	vsel vm6, $0x80, v1;
	v0 =	vsel vm7, $0x80, v0  }
0x10e: {  	v2 =	vsel vm10, $0x0, v2;
	v1 =	vsel vm7, $0x100, v1;
	v0 =	vsel vm8, $0x100, v0  }
0x10f: {  	v2 =	vsel vm11, $0x80, v2;
	v1 =	vsel vm8, $0x180, v1;
	v0 =	vsel vm3, $0x180, v0  }
0x110: {  	v2 =	vsel vm6, $0x100, v2;
	v1 =	vsel vm3, $0x200, v1;
	v0 =	vsel vm4, $0x200, v0  }
0x111: {  	v2 =	vsel vm7, $0x180, v2;
	v1 =	vsel vm4, $0x280, v1;
	v0 =	vsel vm5, $0x280, v0  }
0x112: {  	v2 =	vsel vm8, $0x200, v2;
	v1 =	vsel vm5, $0x300, v1;
	v0 =	vsel vm0, $0x300, v0  }
0x113: {  	v2 =	vsel vm3, $0x280, v2;
	v1 =	vsel vm0, $0x380, v1;
	v0 =	vsel vm1, $0x380, v0  }
0x114: {  	v2 =	vsel vm4, $0x300, v2;
	v1 =	vsel vm1, $0x800, v1;
	v0 =	vsel vm2, $0x800, v0  }
0x115: {  	v7 =	vsel vm8, $0x1B80, v7;
	v2 =	vsel vm5, $0x380, v2;
	[tilespmem:$0x1FAD0] =	vst v0;
	v0 =	vsel vm2, $0x880, v1  }
0x116: {  	v11 =	vsel vm6, $0x1080, v11;
	v12 =	vsel vm7, $0x1180, v12;
	[tilespmem:$0x1F7D0] =	vst v0;
	v0 =	vsel vm0, $0x800, v2  }
0x117: {  	v8 =	vsel vm4, $0x1100, v8;
	v3 =	vsel vm9, $0x1300, v3;
	v0 =	vsel vm1, $0x880, v0  }
0x118: {  	v9 =	vsel vm6, $0x1B80, v9;
	v1 =	vimm.s32 $0xA00;
	v0 =	vsel vm2, $0x900, v0  }
0x119: {  	v10 =	vsel vm6, $0x1000, v10;
	v2 =	vimm.s32 $0xA80;
	[tilespmem:$0x1F7E0] =	vst v0;
	v0 =	vsel vm12, $0xA80, v1  }
0x11a: {  	v11 =	vsel vm7, $0x1100, v11;
	v1 =	vsel vm12, $0xB00, v2;
	v0 =	vsel vm13, $0xB00, v0  }
0x11b: {  	v12 =	vsel vm8, $0x1200, v12;
	v1 =	vsel vm13, $0xB80, v1;
	v0 =	vsel vm14, $0xB80, v0  }
0x11c: {  	v2 =	vimm.s32 $0xB00;
	v1 =	vsel vm14, $0x0, v1;
	v0 =	vsel vm9, $0x0, v0  }
0x11d: {  	v2 =	vsel vm12, $0xB80, v2;
	v1 =	vsel vm9, $0x80, v1;
	v0 =	vsel vm10, $0x80, v0  }
0x11e: {  	v2 =	vsel vm13, $0x0, v2;
	v1 =	vsel vm10, $0x100, v1;
	v0 =	vsel vm11, $0x100, v0  }
0x11f: {  	v2 =	vsel vm14, $0x80, v2;
	v1 =	vsel vm11, $0x180, v1;
	v0 =	vsel vm6, $0x180, v0  }
0x120: {  	v2 =	vsel vm9, $0x100, v2;
	v1 =	vsel vm6, $0x200, v1;
	v0 =	vsel vm7, $0x200, v0  }
0x121: {  	v2 =	vsel vm10, $0x180, v2;
	v1 =	vsel vm7, $0x280, v1;
	v0 =	vsel vm8, $0x280, v0  }
0x122: {  	v2 =	vsel vm11, $0x200, v2;
	v1 =	vsel vm8, $0x300, v1;
	v0 =	vsel vm3, $0x300, v0  }
0x123: {  	v2 =	vsel vm6, $0x280, v2;
	v1 =	vsel vm3, $0x380, v1;
	v0 =	vsel vm4, $0x380, v0  }
0x124: {  	v2 =	vsel vm7, $0x300, v2;
	v1 =	vsel vm4, $0x800, v1;
	v0 =	vsel vm5, $0x800, v0  }
0x125: {  	v2 =	vsel vm8, $0x380, v2;
	v1 =	vsel vm5, $0x880, v1;
	v0 =	vsel vm0, $0x880, v0  }
0x126: {  	v2 =	vsel vm3, $0x800, v2;
	v1 =	vsel vm0, $0x900, v1;
	v0 =	vsel vm1, $0x900, v0  }
0x127: {  	v2 =	vsel vm4, $0x880, v2;
	v1 =	vsel vm1, $0x980, v1;
	v0 =	vsel vm2, $0x980, v0  }
0x128: {  	v4 =	vsel vm3, $0x1A80, v4;
	v2 =	vsel vm5, $0x900, v2;
	[tilespmem:$0x1F7F0] =	vst v0;
	v0 =	vsel vm2, $0xA00, v1  }
0x129: {  	v5 =	vsel vm3, $0x1B00, v5;
	v6 =	vsel vm3, $0x1B80, v6;
	[tilespmem:$0x1F800] =	vst v0;
	v0 =	vsel vm0, $0x980, v2  }
0x12a: {  	v7 =	vsel vm3, $0x1000, v7;
	v8 =	vsel vm5, $0x1180, v8;
	v0 =	vsel vm1, $0xA00, v0  }
0x12b: {  	v3 =	vsel vm10, $0x1380, v3;
	v1 =	vimm.s32 $0x1C1B1A19;
	v0 =	vsel vm2, $0xA80, v0  }
0x12c: {  	v9 =	vsel vm7, $0x1000, v9;
	v10 =	vsel vm7, $0x1080, v10;
	[tilespmem:$0x1F810] =	vst v0;
	v0 =	vunpack.c.0.s8.s32 v1  }
0x12d: {  	v11 =	vsel vm8, $0x1180, v11;
	v3 =	vsel vm11, $0x1800, v3;
	v2 =	vimm.s32 $0x101F1E1D  }
0x12e: {  	v4 =	vsel vm4, $0x1B00, v4;
	v3 =	vsel vm6, $0x1880, v3;
	[tilespmem:$0x1FB40] =	vst v0;
	v0 =	vunpack.c.0.s8.s32 v2  }
0x12f: {  	v5 =	vsel vm4, $0x1B80, v5;
	v6 =	vsel vm4, $0x1000, v6;
	v3 =	vsel vm7, $0x1900, v3  }
0x130: {  	v7 =	vsel vm4, $0x1080, v7;
	v3 =	vsel vm8, $0x1980, v3;
	[tilespmem:$0x1FB30] =	vst v0;
	v0 =	vimm.s32 $0x1B80  }
0x131: {  	v3 =	vsel vm3, $0x1A00, v3;
	v1 =	vimm.s32 $0x1000;
	v0 =	vsel vm12, $0x1000, v0  }
0x132: {  	v1 =	vsel vm12, $0x1080, v1;
	v2 =	vimm.s32 $0x1080;
	v0 =	vsel vm13, $0x1080, v0  }
0x133: {  	v1 =	vsel vm13, $0x1100, v1;
	v2 =	vsel vm12, $0x1100, v2;
	v0 =	vsel vm14, $0x1100, v0  }
0x134: {  	v1 =	vsel vm14, $0x1180, v1;
	v2 =	vsel vm13, $0x1180, v2;
	v0 =	vsel vm9, $0x1180, v0  }
0x135: {  	v1 =	vsel vm9, $0x1200, v1;
	v2 =	vsel vm14, $0x1200, v2;
	v0 =	vsel vm10, $0x1200, v0  }
0x136: {  	v1 =	vsel vm10, $0x1280, v1;
	v2 =	vsel vm9, $0x1280, v2;
	v0 =	vsel vm11, $0x1280, v0  }
0x137: {  	v1 =	vsel vm11, $0x1300, v1;
	v2 =	vsel vm10, $0x1300, v2;
	v0 =	vsel vm6, $0x1300, v0  }
0x138: {  	v1 =	vsel vm6, $0x1380, v1;
	v2 =	vsel vm11, $0x1380, v2;
	v0 =	vsel vm7, $0x1380, v0  }
0x139: {  	v1 =	vsel vm7, $0x1800, v1;
	v2 =	vsel vm6, $0x1800, v2;
	v0 =	vsel vm8, $0x1800, v0  }
0x13a: {  	v1 =	vsel vm8, $0x1880, v1;
	v2 =	vsel vm7, $0x1880, v2;
	v0 =	vsel vm3, $0x1880, v0  }
0x13b: {  	v1 =	vsel vm3, $0x1900, v1;
	v2 =	vsel vm8, $0x1900, v2;
	v0 =	vsel vm4, $0x1900, v0  }
0x13c: {  	v1 =	vsel vm4, $0x1980, v1;
	v2 =	vsel vm3, $0x1980, v2;
	v0 =	vsel vm5, $0x1980, v0  }
0x13d: {  	v1 =	vsel vm5, $0x1A00, v1;
	v2 =	vsel vm4, $0x1A00, v2;
	v0 =	vsel vm0, $0x1A00, v0  }
0x13e: {  	v1 =	vsel vm0, $0x1A80, v1;
	v2 =	vsel vm5, $0x1A80, v2;
	v0 =	vsel vm1, $0x1A80, v0  }
0x13f: {  	v1 =	vsel vm1, $0x1B00, v1;
	v2 =	vsel vm0, $0x1B00, v2;
	v0 =	vsel vm2, $0x1B00, v0  }
0x140: {  	v3 =	vsel vm4, $0x1A80, v3;
	v2 =	vsel vm1, $0x1B80, v2;
	[tilespmem:$0x1F860] =	vst v0;
	v0 =	vsel vm2, $0x1B80, v1  }
0x141: {  	v12 =	vsel vm3, $0x1280, v12;
	v3 =	vsel vm5, $0x1B00, v3;
	[tilespmem:$0x1F870] =	vst v0;
	v0 =	vsel vm2, $0x1000, v2  }
0x142: {  	v9 =	vsel vm8, $0x1080, v9;
	v4 =	vsel vm5, $0x1B80, v4;
	[tilespmem:$0x1F880] =	vst v0;
	v0 =	vsel vm0, $0x1B80, v3  }
0x143: {  	v5 =	vsel vm5, $0x1000, v5;
	v1 =	vsel vm0, $0x1000, v4;
	v0 =	vsel vm1, $0x1000, v0  }
0x144: {  	v2 =	vsel vm0, $0x1080, v5;
	v1 =	vsel vm1, $0x1080, v1;
	v0 =	vsel vm2, $0x1080, v0  }
0x145: {  	v10 =	vsel vm8, $0x1100, v10;
	v2 =	vsel vm1, $0x1100, v2;
	[tilespmem:$0x1F890] =	vst v0;
	v0 =	vsel vm2, $0x1100, v1  }
0x146: {  	v6 =	vsel vm5, $0x1080, v6;
	v7 =	vsel vm5, $0x1100, v7;
	[tilespmem:$0x1F8A0] =	vst v0;
	v0 =	vsel vm2, $0x1180, v2  }
0x147: {  	v11 =	vsel vm3, $0x1200, v11;
	v9 =	vsel vm3, $0x1100, v9;
	[tilespmem:$0x1F8B0] =	vst v0;
	v0 =	vsel vm0, $0x1100, v6  }
0x148: {  	v10 =	vsel vm3, $0x1180, v10;
	v1 =	vsel vm0, $0x1180, v7;
	v0 =	vsel vm1, $0x1180, v0  }
0x149: {  	v2 =	vsel vm0, $0x1200, v8;
	v1 =	vsel vm1, $0x1200, v1;
	v0 =	vsel vm2, $0x1200, v0  }
0x14a: {  	v9 =	vsel vm4, $0x1180, v9;
	v2 =	vsel vm1, $0x1280, v2;
	[tilespmem:$0x1F8C0] =	vst v0;
	v0 =	vsel vm2, $0x1280, v1  }
0x14b: {  	v10 =	vsel vm4, $0x1200, v10;
	v9 =	vsel vm5, $0x1200, v9;
	[tilespmem:$0x1F8D0] =	vst v0;
	v0 =	vsel vm2, $0x1300, v2  }
0x14c: {  	v11 =	vsel vm4, $0x1280, v11;
	v10 =	vsel vm5, $0x1280, v10;
	[tilespmem:$0x1F8E0] =	vst v0;
	v0 =	vsel vm0, $0x1280, v9  }
0x14d: {  	v11 =	vsel vm5, $0x1300, v11;
	v1 =	vsel vm0, $0x1300, v10;
	v0 =	vsel vm1, $0x1300, v0  }
0x14e: {  	[tilespmem:$0x1FE50] =	vst v62;
	v2 =	vsel vm0, $0x1380, v11;
	v1 =	vsel vm1, $0x1380, v1;
	v0 =	vsel vm2, $0x1380, v0  }
0x14f: {  	v12 =	vsel vm4, $0x1300, v12;
	v2 =	vsel vm1, $0x1800, v2;
	[tilespmem:$0x1F8F0] =	vst v0;
	v0 =	vsel vm2, $0x1800, v1  }
0x150: {  	v43 =	vsel vm7, $0x3100, v43;
	v12 =	vsel vm5, $0x1380, v12;
	[tilespmem:$0x1F900] =	vst v0;
	v0 =	vsel vm2, $0x1880, v2  }
0x151: {  	v44 =	vsel vm7, $0x3180, v44;
	v62 =	vsel vm5, $0x3280, v42;
	[tilespmem:$0x1F910] =	vst v0;
	v0 =	vsel vm0, $0x1800, v12  }
0x152: {  	v49 =	vunpack.c.0.s8.s32 v55;
	v1 =	vsel vm0, $0x1880, v13;
	v0 =	vsel vm1, $0x1880, v0  }
0x153: {  	v43 =	vsel vm8, $0x3180, v43;
	[tilespmem:$0x1FB10] =	vst v62;
	v1 =	vsel vm1, $0x1900, v1;
	v0 =	vsel vm2, $0x1900, v0  }
0x154: {  	v44 =	vsel vm8, $0x3200, v44;
	v2 =	vsel vm0, $0x1900, v14;
	[tilespmem:$0x1F920] =	vst v0;
	v0 =	vsel vm2, $0x1980, v1  }
0x155: {  	v62 =	vimm.s32 $0x13121110;
	v2 =	vsel vm1, $0x1980, v2;
	[tilespmem:$0x1F930] =	vst v0;
	v0 =	vsel vm0, $0x1980, v15  }
0x156: {  	v3 =	vsel vm2, $0x1A00, v2;
	v1 =	vsel vm0, $0x2A00, v16;
	v0 =	vsel vm1, $0x1A00, v0  }
0x157: {  	v2 =	vsel vm0, $0x2A80, v17;
	v1 =	vsel vm1, $0x2A80, v1;
	v0 =	vsel vm2, $0x1A80, v0  }
0x158: {  	v43 =	vsel vm3, $0x3200, v43;
	v2 =	vsel vm1, $0x2B00, v2;
	[tilespmem:$0x1F940] =	vst v0;
	v0 =	vsel vm2, $0x2B00, v1  }
0x159: {  	v44 =	vsel vm3, $0x3280, v44;
	v43 =	vsel vm4, $0x3280, v43;
	[tilespmem:$0x1F950] =	vst v0;
	v0 =	vsel vm2, $0x2B80, v2  }
0x15a: {  	v44 =	vsel vm4, $0x3300, v44;
	v42 =	vsel vm5, $0x3300, v43;
	[tilespmem:$0x1F960] =	vst v0;
	v0 =	vsel vm0, $0x2B00, v18  }
0x15b: {  	v43 =	vsel vm5, $0x3380, v44;
	v1 =	vsel vm0, $0x2B80, v19;
	v0 =	vsel vm1, $0x2B80, v0  }
0x15c: {  	[tilespmem:$0x1FAF0] =	vst v48;
	v2 =	vsel vm0, $0x2000, v20;
	v1 =	vsel vm1, $0x2000, v1;
	v0 =	vsel vm2, $0x2000, v0  }
0x15d: {  	v44 =	vimm.s32 $0x1A191817;
	v2 =	vsel vm1, $0x2080, v2;
	[tilespmem:$0x1F970] =	vst v0;
	v0 =	vsel vm2, $0x2080, v1  }
0x15e: {  	v48 =	vunpack.c.0.s8.s32 v44;
	v1 =	vsel vm0, $0x2100, v22;
	[tilespmem:$0x1F980] =	vst v0;
	v0 =	vsel vm2, $0x2100, v2  }
0x15f: {  	v2 =	vsel vm0, $0x2180, v23;
	v1 =	vsel vm1, $0x2180, v1;
	[tilespmem:$0x1F990] =	vst v0;
	v0 =	vsel vm0, $0x2080, v21  }
0x160: {  	v2 =	vsel vm1, $0x2200, v2;
	v12 =	vsel vm2, $0x2200, v1;
	v1 =	vsel vm0, $0x2280, v25  }
0x161: {  	[tilespmem:$0x1FB20] =	vst v42;
	v0 =	vsel vm1, $0x2100, v0;
	v42 =	vsel vm2, $0x2280, v2;
	v2 =	vsel vm0, $0x2300, v26  }
0x162: {  	[tilespmem:$0x1FB80] =	vst v43;
	v1 =	vsel vm1, $0x2300, v1;
	v43 =	vsel vm2, $0x2180, v0;
	v0 =	vsel vm0, $0x2200, v24  }
0x163: {  	v2 =	vsel vm1, $0x2380, v2;
	v55 =	vsel vm2, $0x2380, v1;
	v1 =	vsel vm0, $0x2800, v28  }
0x164: {  	v0 =	vsel vm1, $0x2280, v0;
	v41 =	vsel vm2, $0x2800, v2;
	v2 =	vsel vm0, $0x2880, v29  }
0x165: {  	v44 =	vsel vm2, $0x2300, v0;
	v0 =	vsel vm0, $0x2380, v27;
	v2 =	vsel vm1, $0x2900, v2  }
0x166: {  	v1 =	vsel vm1, $0x2880, v1;
	v0 =	vsel vm1, $0x2800, v0;
	v11 =	vsel vm2, $0x2980, v2  }
0x167: {  	v2 =	vsel vm0, $0x3A00, v56;
	v9 =	vsel vm2, $0x2880, v0;
	v0 =	vsel vm0, $0x2900, v30  }
0x168: {  	v10 =	vsel vm2, $0x2900, v1;
	v2 =	vsel vm1, $0x3A80, v2;
	v0 =	vsel vm1, $0x2980, v0  }
0x169: {  	v1 =	vsel vm0, $0x2980, v31;
	v56 =	vsel vm2, $0x2A00, v0;
	v0 =	vsel vm2, $0x3B00, v2  }
0x16a: {  	v50 =	vunpack.c.0.s8.s32 v62;
	v1 =	vsel vm1, $0x2A00, v1;
	[tilespmem:$0x1FA50] =	vst v0;
	v0 =	vsel vm0, $0x3A80, v33  }
0x16b: {  	v62 =	vsel vm2, $0x2A80, v1;
	v1 =	vsel vm0, $0x3B00, v34;
	v0 =	vsel vm1, $0x3B00, v0  }
0x16c: {  	v1 =	vsel vm1, $0x3B80, v1;
	v2 =	vsel vm0, $0x3B80, v35;
	v0 =	vsel vm2, $0x3B80, v0  }
0x16d: {  	v2 =	vsel vm1, $0x3000, v2;
	[tilespmem:$0x1FA90] =	vst v0;
	v0 =	vsel vm2, $0x3000, v1;
	v1 =	vsel vm0, $0x3080, v37  }
0x16e: {  	[tilespmem:$0x1FAA0] =	vst v0;
	v0 =	vsel vm2, $0x3080, v2;
	v2 =	vsel vm0, $0x3100, v38;
	v1 =	vsel vm1, $0x3100, v1  }
0x16f: {  	[tilespmem:$0x1FAB0] =	vst v0;
	v0 =	vsel vm0, $0x3000, v36;
	v2 =	vsel vm1, $0x3180, v2;
	v17 =	vsel vm2, $0x3180, v1  }
0x170: {  	v1 =	vsel vm0, $0x3200, v63;
	v0 =	vsel vm1, $0x3080, v0;
	v18 =	vsel vm2, $0x3200, v2;
	v2 =	vld [tilespmem:$0x1FB00]  }
0x171: {  	v1 =	vsel vm1, $0x3280, v1;
	v13 =	vsel vm2, $0x3100, v0;
	v0 =	vsel vm0, $0x3180, v32  }
0x172: {  	v45 =	vsel vm10, $0x3080, v45;
	v20 =	vsel vm2, $0x3300, v1;
	v1 =	vld [tilespmem:$0x1FB20];
	v0 =	vsel vm1, $0x3200, v0  }
0x173: {  	v46 =	vsel vm3, $0x3380, v46;
	v45 =	vsel vm11, $0x3100, v45;
	v19 =	vsel vm2, $0x3280, v0;
	v0 =	vld [tilespmem:$0x1FB10]  }
0x174: {  	v47 =	vsel vm3, $0x3800, v47;
	v46 =	vsel vm4, $0x3800, v46;
	v45 =	vsel vm6, $0x3180, v45  }
0x175: {  	v47 =	vsel vm4, $0x3880, v47;
	v45 =	vsel vm7, $0x3200, v45;
	v2 =	vsel vm0, $0x3280, v2  }
0x176: {  	v46 =	vsel vm5, $0x3880, v46;
	v45 =	vsel vm8, $0x3280, v45;
	v2 =	vsel vm1, $0x3300, v2  }
0x177: {  	v45 =	vsel vm3, $0x3300, v45;
	v1 =	vsel vm0, $0x3380, v1;
	v21 =	vsel vm2, $0x3380, v2;
	v2 =	vld [tilespmem:$0x1FB80]  }
0x178: {  	v45 =	vsel vm4, $0x3380, v45;
	v1 =	vsel vm1, $0x3800, v1;
	v0 =	vsel vm0, $0x3300, v0  }
0x179: {  	v45 =	vsel vm5, $0x3800, v45;
	v14 =	vsel vm2, $0x3880, v1;
	v0 =	vsel vm1, $0x3380, v0  }
0x17a: {  	v63 =	vmovc v3;
	v1 =	vsel vm0, $0x3900, v46;
	v3 =	vsel vm2, $0x3800, v0;
	v0 =	vsel vm0, $0x3880, v45  }
0x17b: {  	v47 =	vsel vm5, $0x3900, v47;
	v1 =	vsel vm1, $0x3980, v1;
	v0 =	vsel vm1, $0x3900, v0  }
0x17c: {  	v2 =	vsel vm0, $0x3800, v2;
	v16 =	vsel vm2, $0x3980, v0;
	v0 =	vimm.s32 $0x17161514  }
0x17d: {  	v31 =	vsel vm2, $0x3A00, v1;
	v2 =	vsel vm1, $0x3880, v2;
	v0 =	vunpack.c.0.s8.s32 v0  }
0x17e: {  	v1 =	vimm.s32 $0x1B1A1918;
	v15 =	vsel vm2, $0x3900, v2;
	v2 =	vsel vm0, $0x3980, v47  }
0x17f: {  	v2 =	vsel vm1, $0x3A00, v2;
	[tilespmem:$0x1FBC0] =	vst v0;
	v0 =	vunpack.c.0.s8.s32 v1  }
0x180: {  	v37 =	vsel vm2, $0x3A80, v2;
	v2 =	vimm.s32 $0x2C2B2A29  }
0x181: {  	[tilespmem:$0x1FBD0] =	vst v0;
	v0 =	vunpack.c.0.s8.s32 v2;
	_ =	sdelay $0x1  }
0x182: {  	[tilespmem:$0x1FBE0] =	vst v0;
	v0 =	vimm.s32 $0x202F2E2D  }
0x183: {  	v0 =	vunpack.c.0.s8.s32 v0  }
0x184: {  	v1 =	vimm.s32 $0x24232221  }
0x185: {  	[tilespmem:$0x1FBF0] =	vst v0;
	v0 =	vunpack.c.0.s8.s32 v1  }
0x186: {  	v2 =	vimm.s32 $0x28272625  }
0x187: {  	[tilespmem:$0x1FC00] =	vst v0;
	v0 =	vunpack.c.0.s8.s32 v2;
	_ =	sdelay $0x1  }
0x188: {  	[tilespmem:$0x1FC10] =	vst v0;
	v0 =	vimm.s32 $0x2D2C2B2A  }
0x189: {  	v0 =	vunpack.c.0.s8.s32 v0  }
0x18a: {  	v1 =	vimm.s32 $0x21202F2E  }
0x18b: {  	[tilespmem:$0x1FC20] =	vst v0;
	v0 =	vunpack.c.0.s8.s32 v1  }
0x18c: {  	v2 =	vimm.s32 $0x25242322  }
0x18d: {  	[tilespmem:$0x1FC30] =	vst v0;
	v0 =	vunpack.c.0.s8.s32 v2;
	_ =	sdelay $0x1  }
0x18e: {  	[tilespmem:$0x1FC40] =	vst v0;
	v0 =	vimm.s32 $0x29282726  }
0x18f: {  	v0 =	vunpack.c.0.s8.s32 v0  }
0x190: {  	v1 =	vimm.s32 $0x2E2D2C2B  }
0x191: {  	[tilespmem:$0x1FC50] =	vst v0;
	v0 =	vunpack.c.0.s8.s32 v1  }
0x192: {  	v39 =	vld [tilespmem:$0x1FAE0];
	[tilespmem:$0x1F840] =	vst v49;
	v2 =	vimm.s32 $0x2221202F  }
0x193: {  	v40 =	vld [tilespmem:$0x1FAF0];
	[tilespmem:$0x1FC60] =	vst v0;
	v0 =	vunpack.c.0.s8.s32 v2  }
0x194: {  	v49 =	vmov v52;
	[tilespmem:$0x1F850] =	vst v50;
	v52 =	vld [tilespmem:$0x1F9B0]  }
0x195: {  	v50 =	vmov v51;
	v51 =	vld [tilespmem:$0x1F9C0];
	[tilespmem:$0x1FC70] =	vst v0;
	v0 =	vimm.s32 $0x26252423  }
0x196: {  	[tilespmem:$0x1F830] =	vst v48;
	v48 =	vmov v53;
	v53 =	vld [tilespmem:$0x1F9E0];
	v0 =	vunpack.c.0.s8.s32 v0  }
0x197: {  	v4 =	vld [tilespmem:$0x1FB40];
	v1 =	vimm.s32 $0x2A292827  }
0x198: {  	v5 =	vmov v61;
	v61 =	vld [tilespmem:$0x1FAD0];
	[tilespmem:$0x1FC80] =	vst v0;
	v0 =	vunpack.c.0.s8.s32 v1  }
0x199: {  	v7 =	vld [tilespmem:$0x1FB30];
	v2 =	vimm.s32 $0x2F2E2D2C  }
0x19a: {  	v6 =	vld [tilespmem:$0x1FB60];
	[tilespmem:$0x1FC90] =	vst v0;
	v0 =	vunpack.c.0.s8.s32 v2  }
0x19b: {  	v22 =	vld [tilespmem:$0x1FA40]  }
0x19c: {  	v25 =	vld [tilespmem:$0x1F9D0];
	[tilespmem:$0x1FCA0] =	vst v0;
	v0 =	vimm.s32 $0x23222120  }
0x19d: {  	v26 =	vld [tilespmem:$0x1F9F0];
	v0 =	vunpack.c.0.s8.s32 v0  }
0x19e: {  	v24 =	vld [tilespmem:$0x1F9A0];
	v1 =	vimm.s32 $0x27262524  }
0x19f: {  	v28 =	vld [tilespmem:$0x1FA10];
	[tilespmem:$0x1FCB0] =	vst v0;
	v0 =	vunpack.c.0.s8.s32 v1  }
0x1a0: {  	v29 =	vld [tilespmem:$0x1FA20];
	v2 =	vimm.s32 $0x2B2A2928  }
0x1a1: {  	v27 =	vld [tilespmem:$0x1FA00];
	[tilespmem:$0x1FCC0] =	vst v0;
	v0 =	vunpack.c.0.s8.s32 v2  }
0x1a2: {  	v30 =	vld [tilespmem:$0x1FA30]  }
0x1a3: {  	v34 =	vld [tilespmem:$0x1FA70];
	[tilespmem:$0x1FCD0] =	vst v0;
	v0 =	vimm.s32 $0x3C3B3A39  }
0x1a4: {  	v35 =	vld [tilespmem:$0x1FA80];
	v0 =	vunpack.c.0.s8.s32 v0  }
0x1a5: {  	v33 =	vld [tilespmem:$0x1FA60];
	v1 =	vimm.s32 $0x303F3E3D  }
0x1a6: {  	v38 =	vld [tilespmem:$0x1FB70];
	[tilespmem:$0x1FCE0] =	vst v0;
	v0 =	vunpack.c.0.s8.s32 v1  }
0x1a7: {  	v36 =	vld [tilespmem:$0x1FAC0];
	v2 =	vimm.s32 $0x34333231  }
0x1a8: {  	s6 =	rddreg [dreg:$0x0];
	v32 =	vld [tilespmem:$0x1FB50];
	[tilespmem:$0x1FCF0] =	vst v0;
	v0 =	vunpack.c.0.s8.s32 v2  }
0x1a9: {  	s8 =	rddreg [dreg:$0x1];
	s0 =	simm.s32 $0x0;
	v46 =	vld [tilespmem:$0x1FBA0];
	vm0 =	vcmask $0x1F10  }
0x1aa: {  	[smem:$0x7FF] =	sst s0;
	v45 =	vld [tilespmem:$0x1FB90];
	v23 =	vsel vm0, v39, v22;
	[tilespmem:$0x1FD00] =	vst v0  }
0x1ab: {  	s1 =	rddreg [dreg:$0x2];
	v47 =	vld [tilespmem:$0x1FBB0];
	v0 =	vimm.s32 $0x38373635;
	_ =	strace $0x80000047;
	[tilespmem:$0x1FE30] =	vst v23  }
0x1ac: {  	v0 =	vunpack.c.0.s8.s32 v0;
	[tilespmem:$0x1FE70] =	vst v5  }
0x1ad: {  	v1 =	vimm.s32 $0x3D3C3B3A;
	[tilespmem:$0x1FE80] =	vst v63  }
0x1ae: {  	[tilespmem:$0x1FD10] =	vst v0;
	v0 =	vunpack.c.0.s8.s32 v1  }
0x1af: {  	v2 =	vimm.s32 $0x31303F3E;
	[tilespmem:$0x1FE90] =	vst v43  }
0x1b0: {  	[tilespmem:$0x1FD20] =	vst v0;
	v0 =	vunpack.c.0.s8.s32 v2  }
0x1b1: {  	[tilespmem:$0x1FEA0] =	vst v12  }
0x1b2: {  	[tilespmem:$0x1FD30] =	vst v0;
	v0 =	vimm.s32 $0x35343332  }
0x1b3: {  	[tilespmem:$0x1FEB0] =	vst v42;
	v0 =	vunpack.c.0.s8.s32 v0  }
0x1b4: {  	[tilespmem:$0x1FEC0] =	vst v44;
	v1 =	vimm.s32 $0x39383736  }
0x1b5: {  	[tilespmem:$0x1FD40] =	vst v0;
	v0 =	vunpack.c.0.s8.s32 v1  }
0x1b6: {  	[tilespmem:$0x1FED0] =	vst v55;
	v2 =	vimm.s32 $0x3E3D3C3B  }
0x1b7: {  	[tilespmem:$0x1FD50] =	vst v0;
	v0 =	vunpack.c.0.s8.s32 v2  }
0x1b8: {  	[tilespmem:$0x1FEE0] =	vst v41  }
0x1b9: {  	[tilespmem:$0x1FD60] =	vst v0;
	v0 =	vimm.s32 $0x3231303F  }
0x1ba: {  	[tilespmem:$0x1FEF0] =	vst v9;
	v0 =	vunpack.c.0.s8.s32 v0  }
0x1bb: {  	[tilespmem:$0x1FF00] =	vst v10;
	v1 =	vimm.s32 $0x36353433  }
0x1bc: {  	[tilespmem:$0x1FD70] =	vst v0;
	v0 =	vunpack.c.0.s8.s32 v1  }
0x1bd: {  	[tilespmem:$0x1FF10] =	vst v11;
	v2 =	vimm.s32 $0x3A393837  }
0x1be: {  	[tilespmem:$0x1FD80] =	vst v0;
	v0 =	vunpack.c.0.s8.s32 v2  }
0x1bf: {  	[tilespmem:$0x1FF20] =	vst v56  }
0x1c0: {  	[tilespmem:$0x1FD90] =	vst v0;
	v0 =	vimm.s32 $0x3F3E3D3C  }
0x1c1: {  	[tilespmem:$0x1FF30] =	vst v62;
	v0 =	vunpack.c.0.s8.s32 v0  }
0x1c2: {  	[tilespmem:$0x1FF40] =	vst v13;
	v1 =	vimm.s32 $0x33323130  }
0x1c3: {  	[tilespmem:$0x1FDA0] =	vst v0;
	v0 =	vunpack.c.0.s8.s32 v1  }
0x1c4: {  	[tilespmem:$0x1FF50] =	vst v17;
	v2 =	vimm.s32 $0x37363534  }
0x1c5: {  	[tilespmem:$0x1FDB0] =	vst v0;
	v0 =	vunpack.c.0.s8.s32 v2  }
0x1c6: {  	[tilespmem:$0x1FF60] =	vst v3  }
0x1c7: {  	[tilespmem:$0x1FDC0] =	vst v0;
	v0 =	vimm.s32 $0x3B3A3938  }
0x1c8: {  	[tilespmem:$0x1FF70] =	vst v14;
	v0 =	vunpack.c.0.s8.s32 v0  }
0x1c9: {  	[tilespmem:$0x1FF80] =	vst v15;
	v1 =	vlaneseq.u32  }
0x1ca: {  	[tilespmem:$0x1FDD0] =	vst v0;
	v0 =	vor.u32 $0x10, v1  }
0x1cb: {  	v1 =	vsel vm0, v32, v6;
	[tilespmem:$0x1FDE0] =	vst v0;
	v0 =	vsel vm0, v7, v4  }
0x1cc: {  	[tilespmem:$0x1FDF0] =	vst v0;
	v0 =	vcombine.low v1, v0  }
0x1cd: {  	[tilespmem:$0x1FF90] =	vst v16;
	v2 =	vsel vm0, v5, v38  }
0x1ce: {  	[tilespmem:$0x1FE10] =	vst v0;
	v0 =	vcombine.low v23, v2  }
0x1cf: {  	s4 =	srdreg.scid;
	s3 =	stileid.u32;
	s11 =	simm.s32 $0x5;
	[tilespmem:$0x1FFA0] =	vst v31  }
0x1d0: {  	s12 =	simm.s32 $0x100;
	s13 =	simm.s32 $0x200;
	s14 =	simm.s32 $0x8200;
	[tilespmem:$0x1FE40] =	vst v0;
	v0 =	vld [tilespmem:$0x1FE50]  }
0x1d1: {  	s15 =	simm.s32 $0x1;
	s16 =	simm.s32 $0x10200;
	s17 =	simm.s32 $0x800;
	[tilespmem:$0x1FFB0] =	vst v37  }
0x1d2: {  	s18 =	simm.s32 $0x20000;
	s19 =	simm.s32 $0x2;
	s20 =	simm.s32 $0x4;
	[tilespmem:$0x1FFC0] =	vst v18  }
0x1d3: {  	s21 =	simm.s32 $0x14200;
	s22 =	simm.s32 $0x3;
	s23 =	simm.s32 $0x0;
	[tilespmem:$0x1FFD0] =	vst v19  }
0x1d4: {  	s2 =	sadd.s32 $0x400, s6;
	s5 =	sand.u32 $0x1, s4;
	s4 =	sadd.s32 $0x64400, s6;
	[tilespmem:$0x1FFE0] =	vst v20  }
0x1d5: {  	s7 =	sshll.u32 s3, $0xA;
	s9 =	sshll.u32 s5, $0x9;
	s10 =	ssub.s32 $0x2, s5;
	[tilespmem:$0x1FFF0] =	vst v21;
	v0 =	vsel vm0, v0, v40  }
0x1d6: {  	s6 =	sadd.s32 $0x420, s6;
	s5 =	sor.u32 s9, s7;
	s31 =	sshrl.u32 s10, $0x1;
	[tilespmem:$0x1FE20] =	vst v2  }
0x1d7: {  	s9 =	sshrl.u32 s5, $0x3;
	s10 =	ssub.s32 s10, s31;
	s8 =	sadd.s32 s8, s5;
	[tilespmem:$0x1FE00] =	vst v1  }
0x1d8: {  	s7 =	sadd.s32 s2, s9;
	s9 =	sadd.s32 $0x100, s8;
	s10 =	smax.u32 s10, $0x1;
	v8 =	vmovc v39;
	v1 =	vmov v22;
	v23 =	vmov v40;
	[tilespmem:$0x1FE60] =	vst v0;
	v0 =	vmov v5  }
.LBB2_1:
0x1d9: {  	[tilespmem:s0], [sflag:$0x5] =	stream.linear.gather [hbm4b:s7+s0], $0x100, $0x38;
	[tilespmem:$0x18200] =	vst v63  }
0x1da: {  	_ =	swait.ge [sflag:s11], $0x100  }
0x1db: {  	[sflag:s11] =	ssyncset.done $0x0  }
0x1dc: {  	s25 =	simm.s32 $0x0;
	[sflag:s11] =	ssyncadd.s32 $0xFFFFFF00  }
0x1dd: {  	[tilespmem:s13], [sflag:$0x1] =	stream.indirect.gather [hbm4b:s4+s12], $0x80, s0, s12, $0xb8;
	[tilespmem:$0x18200] =	vst v63  }
.LBB2_2:
0x1de: {  	s24 =	sshll.u32 s25, $0xE  }
0x1df: {  	s24 =	sor.u32 s5, s24  }
0x1e0: {  	s24 =	sshrl.u32 s24, $0x3  }
0x1e1: {  	s24 =	sadd.s32 s24, s6  }
0x1e2: {  	[tilespmem:s12], [sflag:$0x5] =	stream.linear.gather [hbm4b:s24+s0], $0x100, $0x38;
	[tilespmem:$0x18200] =	vst v63  }
0x1e3: {  	_ =	swait.ge [sflag:s11], $0x100  }
0x1e4: {  	[sflag:s11] =	ssyncset.done $0x0  }
0x1e5: {  	[sflag:s11] =	ssyncadd.s32 $0xFFFFFF00  }
0x1e6: {  	[tilespmem:s14], [sflag:$0x2] =	stream.indirect.gather [hbm4b:s4+s12], $0x80, s12, s12, $0xb8;
	[tilespmem:$0x18200] =	vst v63  }
0x1e7: {  	_ =	swait.ge [sflag:s15], $0x8000  }
0x1e8: {  	p0 =	seq.s32 s25, $0x0;
	[sflag:s15] =	ssyncset.done $0x0  }
0x1e9: {  	s24 =	simm.s32 @!p0 $0x3;
	[sflag:s15] =	ssyncadd.s32 $0xFFFF8000  }
0x1ea: {  	_ =	swait.ge @!p0 [sflag:s24], $0x4000  }
0x1eb: {  	[sflag:s24] =	ssyncset.done @!p0 $0x0  }
0x1ec: {  	v41 =	vmov v8;
	[sflag:s24] =	ssyncadd.s32 @!p0 $0xFFFFC000;
	s24 =	simm.s32 $0x0  }
.LBB2_3:
0x1ed: {  	_ =	sdelay $0x1  }
0x1ee: {  	v37 =	vmov v41;
	v41 =	vlaneseq.u32  }
0x1ef: {  	v31 =	vmov v1;
	v1 =	vor.u32 s24, v41  }
0x1f0: {  	v38 =	vmov v23;
	v23 =	vmov v0;
	v0 =	vshll.u32 v1, $0x7  }
0x1f1: {  	v2 =	vor.u32 v41, v0  }
0x1f2: {  	v3 =	vor.u32 v24, v0  }
0x1f3: {  	v4 =	vor.u32 v26, v0  }
0x1f4: {  	v5 =	vor.u32 v25, v0  }
0x1f5: {  	v40 =	vld [tilespmem:$0x1F7E0];
	v6 =	vor.u32 v27, v0  }
0x1f6: {  	v7 =	vor.u32 v28, v0;
	v2 =	vld.idx.msk [tilespmem:v2+s13+$0x0], $0xffff  }
0x1f7: {  	v8 =	vor.u32 v29, v0;
	v3 =	vld.idx.msk [tilespmem:v3+s13+$0x0], $0xffff  }
0x1f8: {  	v9 =	vor.u32 v30, v0;
	v4 =	vld.idx.msk [tilespmem:v4+s13+$0x0], $0xffff  }
0x1f9: {  	v10 =	vor.u32 v45, v0;
	v5 =	vld.idx.msk [tilespmem:v5+s13+$0x0], $0xffff  }
0x1fa: {  	v11 =	vor.u32 v47, v0;
	v6 =	vld.idx.msk [tilespmem:v6+s13+$0x0], $0xffff  }
0x1fb: {  	v12 =	vor.u32 v46, v0;
	v7 =	vld.idx.msk [tilespmem:v7+s13+$0x0], $0xffff  }
0x1fc: {  	v14 =	vmov s24;
	v13 =	vor.u32 v48, v0;
	v8 =	vld.idx.msk [tilespmem:v8+s13+$0x0], $0xffff  }
0x1fd: {  	v14 =	vshll.u32 v14, $0x3;
	v15 =	vor.u32 v49, v0;
	v9 =	vld.idx.msk [tilespmem:v9+s13+$0x0], $0xffff  }
0x1fe: {  	v14 =	vand.u32 $0x400, v14;
	v1 =	vand.u32 $0x7F, v1;
	v16 =	vor.u32 v50, v0;
	v10 =	vld.idx.msk [tilespmem:v10+s13+$0x0], $0xffff  }
0x1ff: {  	v17 =	vor.u32 v51, v0;
	v1 =	vor.u32 v14, v1;
	v11 =	vld.idx.msk [tilespmem:v11+s13+$0x0], $0xffff  }
0x200: {  	v18 =	vor.u32 v52, v0;
	v14 =	vor.u32 v53, v1;
	v12 =	vld.idx.msk [tilespmem:v12+s13+$0x0], $0xffff  }
0x201: {  	v19 =	vor.u32 v54, v1;
	v13 =	vld.idx.msk [tilespmem:v13+s13+$0x0], $0xffff  }
0x202: {  	v20 =	vor.u32 v57, v1;
	v15 =	vld.idx.msk [tilespmem:v15+s13+$0x0], $0xffff  }
0x203: {  	v21 =	vor.u32 v58, v1;
	v16 =	vld.idx.msk [tilespmem:v16+s13+$0x0], $0xffff  }
0x204: {  	v22 =	vor.u32 v59, v1;
	v17 =	vld.idx.msk [tilespmem:v17+s13+$0x0], $0xffff  }
0x205: {  	v18 =	vld.idx.msk [tilespmem:v18+s13+$0x0], $0xffff;
	[tilespmem:v14+s16+$0x0] =	vst.idx.msk $0xffff, v2;
	v2 =	vor.u32 v60, v1  }
0x206: {  	v42 =	vld [tilespmem:$0x1F7F0];
	[tilespmem:v19+s16+$0x0] =	vst.idx.msk $0xffff, v3;
	v3 =	vor.u32 v33, v1  }
0x207: {  	v43 =	vld [tilespmem:$0x1F800];
	v19 =	vor.u32 v34, v1;
	[tilespmem:v20+s16+$0x0] =	vst.idx.msk $0xffff, v4  }
0x208: {  	v44 =	vld [tilespmem:$0x1F820];
	v32 =	vor.u32 v35, v1;
	[tilespmem:v21+s16+$0x0] =	vst.idx.msk $0xffff, v5  }
0x209: {  	v55 =	vld [tilespmem:$0x1F830];
	v39 =	vor.u32 v36, v1;
	[tilespmem:v22+s16+$0x0] =	vst.idx.msk $0xffff, v6  }
0x20a: {  	v62 =	vld [tilespmem:$0x1F840];
	[tilespmem:v2+s16+$0x0] =	vst.idx.msk $0xffff, v7;
	v2 =	vor.u32 v61, v1  }
0x20b: {  	[tilespmem:v3+s16+$0x0] =	vst.idx.msk $0xffff, v8;
	v3 =	vld [tilespmem:$0x1F7D0]  }
0x20c: {  	v14 =	vld [tilespmem:$0x1FB40];
	[tilespmem:v19+s16+$0x0] =	vst.idx.msk $0xffff, v9  }
0x20d: {  	v20 =	vld [tilespmem:$0x1F850];
	[tilespmem:v32+s16+$0x0] =	vst.idx.msk $0xffff, v10  }
0x20e: {  	v4 =	vor.u32 v40, v1;
	v40 =	vld [tilespmem:$0x1FE40];
	[tilespmem:v39+s16+$0x0] =	vst.idx.msk $0xffff, v11  }
0x20f: {  	[tilespmem:v2+s16+$0x0] =	vst.idx.msk $0xffff, v12;
	v2 =	vld [tilespmem:$0x1F810]  }
0x210: {  	v21 =	vld [tilespmem:$0x1FBC0];
	v3 =	vor.u32 v3, v1  }
0x211: {  	v5 =	vor.u32 v42, v1;
	v42 =	vld [tilespmem:$0x1FB70]  }
0x212: {  	v32 =	vld [tilespmem:$0x1FE60]  }
0x213: {  	v6 =	vor.u32 v43, v1;
	v22 =	vld [tilespmem:$0x1FBD0]  }
0x214: {  	v12 =	vld [tilespmem:$0x1FB30];
	v2 =	vor.u32 v2, v1  }
0x215: {  	v9 =	vor.u32 v40, v0;
	[tilespmem:v3+s16+$0x0] =	vst.idx.msk $0xffff, v13;
	v13 =	vld [tilespmem:$0x1FB60]  }
0x216: {  	[tilespmem:v4+s16+$0x0] =	vst.idx.msk $0xffff, v15;
	v4 =	vsel vm0, v55, v44;
	v15 =	vld [tilespmem:$0x1FB50]  }
0x217: {  	v43 =	vld [tilespmem:$0x1FE50];
	[tilespmem:v5+s16+$0x0] =	vst.idx.msk $0xffff, v16;
	v56 =	vcombine.low v4, v32;
	v5 =	vsel vm0, v20, v62  }
0x218: {  	v3 =	vld [tilespmem:$0x1FDE0];
	v16 =	vsel vm0, v38, v55;
	[tilespmem:v6+s16+$0x0] =	vst.idx.msk $0xffff, v17;
	v6 =	vsel vm0, v22, v21  }
0x219: {  	v63 =	vcombine.low v6, v5;
	[tilespmem:v2+s16+$0x0] =	vst.idx.msk $0xffff, v18;
	v2 =	vld [tilespmem:$0x1FE10];
	v10 =	vor.u32 v56, v0  }
0x21a: {  	v55 =	vsel vm0, v62, v22;
	v7 =	vsel vm0, v13, v12;
	v13 =	vsel vm0, v31, v23;
	v9 =	vld.idx.msk [tilespmem:v9+s13+$0x0], $0xffff  }
0x21b: {  	v8 =	vsel vm0, v14, v15;
	[tilespmem:$0x1F5E0] =	vst v63;
	v11 =	vor.u32 v63, v0;
	v14 =	vsel vm0, v42, v37;
	v63 =	vld [tilespmem:$0x1FDF0]  }
0x21c: {  	v15 =	vsel vm0, v44, v43;
	v44 =	vsel vm0, v21, v20;
	v20 =	vld [tilespmem:$0x1FE00];
	v23 =	vcombine.low v14, v13  }
0x21d: {  	v21 =	vcombine.low v55, v44;
	v43 =	vcombine.low v13, v14;
	v13 =	vld [tilespmem:$0x1FBE0]  }
0x21e: {  	[tilespmem:$0x1F5D0] =	vst v56;
	v40 =	vcombine.low v7, v8;
	v10 =	vld.idx.msk [tilespmem:v10+s13+$0x0], $0xffff  }
0x21f: {  	v3 =	vor.u32 v3, v0;
	[tilespmem:$0x1F620] =	vst v21;
	v37 =	vor.u32 v21, v0;
	v21 =	vld [tilespmem:$0x1FE30]  }
0x220: {  	v31 =	vcombine.low v16, v15;
	[tilespmem:$0x1F670] =	vst v40;
	v55 =	vor.u32 v40, v0;
	v40 =	vld [tilespmem:$0x1F8E0]  }
0x221: {  	v2 =	vor.u32 v2, v0;
	[tilespmem:$0x1F600] =	vst v23;
	v56 =	vor.u32 v23, v0;
	v23 =	vld [tilespmem:$0x1FC70]  }
0x222: {  	[tilespmem:$0x1F610] =	vst v31;
	v62 =	vor.u32 v31, v0;
	v31 =	vld [tilespmem:$0x1FC80]  }
0x223: {  	v22 =	vcombine.low v63, v20;
	v20 =	vld [tilespmem:$0x1FE20]  }
0x224: {  	v39 =	vcombine.low v8, v7;
	v3 =	vld.idx.msk [tilespmem:v3+s13+$0x0], $0xffff  }
0x225: {  	v11 =	vld.idx.msk [tilespmem:v11+s13+$0x0], $0xffff  }
0x226: {  	v12 =	vor.u32 v39, v0;
	v2 =	vld.idx.msk [tilespmem:v2+s13+$0x0], $0xffff  }
0x227: {  	v7 =	vld.idx.msk [tilespmem:v62+s13+$0x0], $0xffff  }
0x228: {  	v63 =	vor.u32 v43, v0;
	v44 =	vld.idx.msk [tilespmem:v37+s13+$0x0], $0xffff;
	v21 =	vcombine.low v20, v21  }
0x229: {  	v37 =	vld [tilespmem:$0x1F860]  }
0x22a: {  	v14 =	vld.idx.msk [tilespmem:v55+s13+$0x0], $0xffff;
	v38 =	vor.u32 v21, v0  }
0x22b: {  	[tilespmem:$0x1F630] =	vst v22;
	v20 =	vor.u32 v22, v0;
	v22 =	vcombine.low v32, v4;
	v4 =	vld.idx.msk [tilespmem:v12+s13+$0x0], $0xffff  }
0x22c: {  	[tilespmem:$0x1F640] =	vst v21;
	v21 =	vcombine.low v5, v6;
	v5 =	vld.idx.msk [tilespmem:v56+s13+$0x0], $0xffff  }
0x22d: {  	[tilespmem:$0x1F5F0] =	vst v39;
	v56 =	vcombine.low v15, v16;
	v16 =	vld.idx.msk [tilespmem:v63+s13+$0x0], $0xffff  }
0x22e: {  	[tilespmem:$0x1F650] =	vst v22;
	v39 =	vor.u32 v22, v0;
	v22 =	vld [tilespmem:$0x1F8A0]  }
0x22f: {  	v12 =	vld.idx.msk [tilespmem:v38+s13+$0x0], $0xffff  }
0x230: {  	v42 =	vor.u32 v21, v0;
	v38 =	vld [tilespmem:$0x1F870]  }
0x231: {  	[tilespmem:$0x1F660] =	vst v21;
	v32 =	vor.u32 v56, v0;
	v21 =	vld [tilespmem:$0x1F890]  }
0x232: {  	v18 =	vor.u32 v37, v1;
	v62 =	vld.idx.msk [tilespmem:v20+s13+$0x0], $0xffff  }
0x233: {  	v20 =	vld [tilespmem:$0x1F880]  }
0x234: {  	v6 =	vld.idx.msk [tilespmem:v39+s13+$0x0], $0xffff  }
0x235: {  	v8 =	vld.idx.msk [tilespmem:v42+s13+$0x0], $0xffff;
	v19 =	vor.u32 v38, v1  }
0x236: {  	v17 =	vld.idx.msk [tilespmem:v32+s13+$0x0], $0xffff  }
0x237: {  	[tilespmem:v18+s16+$0x0] =	vst.idx.msk $0xffff, v3;
	v3 =	vld [tilespmem:$0x1F8B0]  }
0x238: {  	[tilespmem:$0x1F680] =	vst v43;
	v43 =	vld [tilespmem:$0x1F920]  }
0x239: {  	v55 =	vld [tilespmem:$0x1FE80];
	v20 =	vor.u32 v20, v1  }
0x23a: {  	v21 =	vor.u32 v21, v1;
	[tilespmem:v19+s16+$0x0] =	vst.idx.msk $0xffff, v2;
	v2 =	vld [tilespmem:$0x1F8C0]  }
0x23b: {  	v37 =	vld [tilespmem:$0x1FCA0];
	v22 =	vor.u32 v22, v1  }
0x23c: {  	v39 =	vld [tilespmem:$0x1F8D0];
	v3 =	vor.u32 v3, v1  }
0x23d: {  	[tilespmem:$0x1F690] =	vst v56;
	v56 =	vld [tilespmem:$0x1FC00]  }
0x23e: {  	v42 =	vld [tilespmem:$0x1F8F0];
	[tilespmem:v20+s16+$0x0] =	vst.idx.msk $0xffff, v9  }
0x23f: {  	v32 =	vld [tilespmem:$0x1FC90];
	[tilespmem:v21+s16+$0x0] =	vst.idx.msk $0xffff, v10;
	v2 =	vor.u32 v2, v1  }
0x240: {  	v38 =	vld [tilespmem:$0x1FCB0];
	[tilespmem:v22+s16+$0x0] =	vst.idx.msk $0xffff, v11  }
0x241: {  	v9 =	vor.u32 v39, v1;
	[tilespmem:v3+s16+$0x0] =	vst.idx.msk $0xffff, v4;
	v3 =	vld [tilespmem:$0x1F900]  }
0x242: {  	v19 =	vld [tilespmem:$0x1FC20];
	v10 =	vor.u32 v40, v1  }
0x243: {  	v20 =	vld [tilespmem:$0x1FC40]  }
0x244: {  	[tilespmem:v2+s16+$0x0] =	vst.idx.msk $0xffff, v5;
	v2 =	vld [tilespmem:$0x1F910]  }
0x245: {  	v39 =	vld [tilespmem:$0x1FCC0];
	v11 =	vor.u32 v42, v1  }
0x246: {  	v21 =	vld [tilespmem:$0x1FC50];
	v3 =	vor.u32 v3, v1;
	[tilespmem:v9+s16+$0x0] =	vst.idx.msk $0xffff, v7  }
0x247: {  	[tilespmem:v10+s16+$0x0] =	vst.idx.msk $0xffff, v44;
	v44 =	vld [tilespmem:$0x1F930]  }
0x248: {  	v40 =	vld [tilespmem:$0x1FCD0]  }
0x249: {  	v7 =	vor.u32 v55, v1;
	v55 =	vld [tilespmem:$0x1FC30];
	v2 =	vor.u32 v2, v1  }
0x24a: {  	v22 =	vld [tilespmem:$0x1FC60];
	v4 =	vor.u32 v43, v1;
	[tilespmem:v11+s16+$0x0] =	vst.idx.msk $0xffff, v62  }
0x24b: {  	[tilespmem:v3+s16+$0x0] =	vst.idx.msk $0xffff, v12;
	v12 =	vld [tilespmem:$0x1FBF0]  }
0x24c: {  	v62 =	vld [tilespmem:$0x1FC10];
	v5 =	vor.u32 v44, v1  }
0x24d: {  	v9 =	vsel vm0, v32, v31;
	v10 =	vsel vm0, v38, v37  }
0x24e: {  	v11 =	vsel vm0, v40, v39;
	v18 =	vsel vm0, v20, v55;
	[tilespmem:v2+s16+$0x0] =	vst.idx.msk $0xffff, v6;
	v2 =	vld [tilespmem:$0x1F940]  }
0x24f: {  	v3 =	vor.u32 $0x20, v41;
	v6 =	vsel vm0, v55, v19;
	v19 =	vsel vm0, v19, v21;
	[tilespmem:v4+s16+$0x0] =	vst.idx.msk $0xffff, v8  }
0x250: {  	[tilespmem:$0x1F6A0] =	vst v3;
	v4 =	vsel vm0, v12, v13;
	v8 =	vsel vm0, v23, v22;
	v12 =	vsel vm0, v56, v12  }
0x251: {  	v13 =	vsel vm0, v13, v62;
	v55 =	vcombine.low v19, v18;
	[tilespmem:v5+s16+$0x0] =	vst.idx.msk $0xffff, v14  }
0x252: {  	v5 =	vsel vm0, v62, v56;
	v43 =	vcombine.low v9, v8;
	[tilespmem:v7+s16+$0x0] =	vst.idx.msk $0xffff, v16  }
0x253: {  	v56 =	vcombine.low v13, v12;
	v7 =	vsel vm0, v21, v20;
	[tilespmem:$0x1F700] =	vst v55;
	v2 =	vor.u32 v2, v1  }
0x254: {  	v21 =	vsel vm0, v22, v32;
	v22 =	vsel vm0, v39, v38;
	v38 =	vcombine.low v8, v9;
	[tilespmem:$0x1F6D0] =	vst v43  }
0x255: {  	v3 =	vor.u32 v3, v0;
	v20 =	vsel vm0, v31, v23;
	v42 =	vcombine.low v7, v6;
	[tilespmem:$0x1F6F0] =	vst v56  }
0x256: {  	v63 =	vcombine.low v5, v4;
	v31 =	vsel vm0, v37, v40;
	v23 =	vcombine.low v21, v20;
	[tilespmem:$0x1F750] =	vst v38  }
0x257: {  	v40 =	vcombine.low v10, v11;
	v31 =	vcombine.low v31, v22;
	[tilespmem:$0x1F6C0] =	vst v42;
	v62 =	vor.u32 v42, v0  }
0x258: {  	v22 =	vor.u32 v23, v0;
	v42 =	vor.u32 v38, v0;
	v38 =	vld [tilespmem:$0x1F950];
	[tilespmem:v2+s16+$0x0] =	vst.idx.msk $0xffff, v17  }
0x259: {  	[tilespmem:$0x1F760] =	vst v40;
	v17 =	vor.u32 v56, v0;
	v56 =	vor.u32 v55, v0;
	v55 =	vor.u32 v40, v0;
	v40 =	vld [tilespmem:$0x1FEB0]  }
0x25a: {  	[tilespmem:$0x1F6B0] =	vst v63;
	v2 =	vor.u32 v63, v0;
	v63 =	vor.u32 v43, v0;
	v43 =	vcombine.low v12, v13;
	v12 =	vld [tilespmem:$0x1FCF0]  }
0x25b: {  	v44 =	vcombine.low v11, v10;
	v3 =	vld.idx.msk [tilespmem:v3+s13+$0x0], $0xffff  }
0x25c: {  	v14 =	vld.idx.msk [tilespmem:v62+s13+$0x0], $0xffff  }
0x25d: {  	[tilespmem:$0x1F6E0] =	vst v44;
	v16 =	vor.u32 v44, v0;
	v44 =	vld.idx.msk [tilespmem:v22+s13+$0x0], $0xffff  }
0x25e: {  	v11 =	vld.idx.msk [tilespmem:v42+s13+$0x0], $0xffff  }
0x25f: {  	[tilespmem:$0x1F710] =	vst v23;
	v23 =	vcombine.low v4, v5;
	v4 =	vld.idx.msk [tilespmem:v63+s13+$0x0], $0xffff;
	v63 =	vcombine.low v6, v7  }
0x260: {  	v22 =	vld [tilespmem:$0x1F990]  }
0x261: {  	v42 =	vld [tilespmem:$0x1FEC0];
	v39 =	vor.u32 v63, v0  }
0x262: {  	v2 =	vld.idx.msk [tilespmem:v2+s13+$0x0], $0xffff  }
0x263: {  	v62 =	vor.u32 v31, v0;
	v6 =	vld.idx.msk [tilespmem:v16+s13+$0x0], $0xffff  }
0x264: {  	v37 =	vor.u32 v23, v0;
	v8 =	vld.idx.msk [tilespmem:v17+s13+$0x0], $0xffff  }
0x265: {  	v10 =	vld.idx.msk [tilespmem:v56+s13+$0x0], $0xffff  }
0x266: {  	v9 =	vld.idx.msk [tilespmem:v39+s13+$0x0], $0xffff  }
0x267: {  	v56 =	vcombine.low v18, v19;
	v39 =	vld [tilespmem:$0x1F960]  }
0x268: {  	v5 =	vld.idx.msk [tilespmem:v62+s13+$0x0], $0xffff;
	v62 =	vor.u32 v43, v0;
	[tilespmem:$0x1F740] =	vst v63;
	v63 =	vcombine.low v20, v21  }
0x269: {  	v7 =	vld.idx.msk [tilespmem:v37+s13+$0x0], $0xffff;
	v32 =	vor.u32 v56, v0  }
0x26a: {  	v13 =	vld.idx.msk [tilespmem:v55+s13+$0x0], $0xffff;
	v37 =	vor.u32 v63, v0  }
0x26b: {  	v18 =	vor.u32 v38, v1;
	v20 =	vld [tilespmem:$0x1F970]  }
0x26c: {  	v21 =	vld [tilespmem:$0x1F980];
	v19 =	vor.u32 v39, v1  }
0x26d: {  	v15 =	vld.idx.msk [tilespmem:v62+s13+$0x0], $0xffff  }
0x26e: {  	v16 =	vld.idx.msk [tilespmem:v32+s13+$0x0], $0xffff  }
0x26f: {  	v17 =	vld.idx.msk [tilespmem:v37+s13+$0x0], $0xffff  }
0x270: {  	[tilespmem:v18+s16+$0x0] =	vst.idx.msk $0xffff, v3;
	v3 =	vld [tilespmem:$0x1FE90]  }
0x271: {  	[tilespmem:v19+s16+$0x0] =	vst.idx.msk $0xffff, v2;
	v2 =	vld [tilespmem:$0x1FEA0]  }
0x272: {  	v55 =	vld [tilespmem:$0x1FF10];
	v20 =	vor.u32 v20, v1  }
0x273: {  	v38 =	vld [tilespmem:$0x1FD90];
	v21 =	vor.u32 v21, v1  }
0x274: {  	[tilespmem:$0x1F770] =	vst v43;
	v22 =	vor.u32 v22, v1;
	v43 =	vld [tilespmem:$0x1FED0]  }
0x275: {  	[tilespmem:$0x1F780] =	vst v56;
	v56 =	vld [tilespmem:$0x1FF20];
	v3 =	vor.u32 v3, v1  }
0x276: {  	v62 =	vld [tilespmem:$0x1FD10];
	v2 =	vor.u32 v2, v1  }
0x277: {  	v32 =	vld [tilespmem:$0x1FD70];
	[tilespmem:v20+s16+$0x0] =	vst.idx.msk $0xffff, v14  }
0x278: {  	v18 =	vld [tilespmem:$0x1FD30];
	v14 =	vor.u32 v40, v1;
	[tilespmem:v21+s16+$0x0] =	vst.idx.msk $0xffff, v4  }
0x279: {  	v37 =	vld [tilespmem:$0x1FD80];
	[tilespmem:v22+s16+$0x0] =	vst.idx.msk $0xffff, v6  }
0x27a: {  	[tilespmem:v3+s16+$0x0] =	vst.idx.msk $0xffff, v8;
	v3 =	vld [tilespmem:$0x1FEE0]  }
0x27b: {  	[tilespmem:v2+s16+$0x0] =	vst.idx.msk $0xffff, v10;
	v2 =	vld [tilespmem:$0x1FEF0]  }
0x27c: {  	v39 =	vld [tilespmem:$0x1FDA0]  }
0x27d: {  	v4 =	vor.u32 v42, v1;
	[tilespmem:v14+s16+$0x0] =	vst.idx.msk $0xffff, v44;
	v44 =	vld [tilespmem:$0x1FF00]  }
0x27e: {  	v19 =	vld [tilespmem:$0x1FD20];
	v6 =	vor.u32 v43, v1  }
0x27f: {  	v20 =	vld [tilespmem:$0x1FD40];
	v3 =	vor.u32 v3, v1  }
0x280: {  	v40 =	vld [tilespmem:$0x1FDB0];
	v2 =	vor.u32 v2, v1  }
0x281: {  	v21 =	vld [tilespmem:$0x1FD50]  }
0x282: {  	v22 =	vld [tilespmem:$0x1FD60];
	[tilespmem:v4+s16+$0x0] =	vst.idx.msk $0xffff, v5;
	v8 =	vor.u32 v44, v1  }
0x283: {  	v43 =	vld [tilespmem:$0x1FDC0];
	[tilespmem:v6+s16+$0x0] =	vst.idx.msk $0xffff, v7  }
0x284: {  	[tilespmem:v3+s16+$0x0] =	vst.idx.msk $0xffff, v9;
	v44 =	vld [tilespmem:$0x1FDD0]  }
0x285: {  	v10 =	vsel vm0, v40, v39;
	v4 =	vor.u32 v55, v1;
	[tilespmem:v2+s16+$0x0] =	vst.idx.msk $0xffff, v11;
	v2 =	vld [tilespmem:$0x1FF30]  }
0x286: {  	v14 =	vld [tilespmem:$0x1FD00];
	v5 =	vor.u32 v56, v1;
	v6 =	vsel vm0, v18, v19;
	v7 =	vsel vm0, v21, v20  }
0x287: {  	v18 =	vsel vm0, v20, v18;
	v19 =	vsel vm0, v19, v21;
	v3 =	vor.u32 $0x30, v41;
	[tilespmem:v8+s16+$0x0] =	vst.idx.msk $0xffff, v13;
	v13 =	vld [tilespmem:$0x1FCE0]  }
0x288: {  	[tilespmem:$0x1F730] =	vst v23;
	v23 =	vcombine.low v7, v6;
	v9 =	vsel vm0, v38, v37;
	v42 =	vcombine.low v19, v18  }
0x289: {  	[tilespmem:$0x1F7A0] =	vst v3;
	v3 =	vor.u32 v3, v0;
	v8 =	vsel vm0, v32, v22;
	v11 =	vsel vm0, v44, v43  }
0x28a: {  	[tilespmem:v4+s16+$0x0] =	vst.idx.msk $0xffff, v15;
	v55 =	vcombine.low v9, v8;
	v2 =	vor.u32 v2, v1  }
0x28b: {  	v56 =	vcombine.low v11, v10;
	[tilespmem:v5+s16+$0x0] =	vst.idx.msk $0xffff, v16;
	v5 =	vsel vm0, v62, v14  }
0x28c: {  	v4 =	vsel vm0, v12, v13;
	v12 =	vsel vm0, v14, v12;
	v14 =	vor.u32 v23, v0  }
0x28d: {  	v20 =	vsel vm0, v37, v32;
	v21 =	vsel vm0, v22, v38;
	v15 =	vor.u32 v55, v0  }
0x28e: {  	[tilespmem:$0x1F720] =	vst v31;
	v38 =	vor.u32 v42, v0;
	v32 =	vcombine.low v6, v7;
	v16 =	vor.u32 v56, v0  }
0x28f: {  	v31 =	vld [tilespmem:$0x1FA50];
	v44 =	vsel vm0, v39, v44;
	v39 =	vcombine.low v8, v9;
	[tilespmem:v2+s16+$0x0] =	vst.idx.msk $0xffff, v17  }
0x290: {  	v22 =	vsel vm0, v43, v40;
	v9 =	vor.u32 v32, v0;
	v3 =	vld.idx.msk [tilespmem:v3+s13+$0x0], $0xffff  }
0x291: {  	v44 =	vcombine.low v44, v22;
	v40 =	vcombine.low v10, v11;
	v11 =	vor.u32 v39, v0;
	v14 =	vld.idx.msk [tilespmem:v14+s13+$0x0], $0xffff  }
0x292: {  	[tilespmem:$0x1F790] =	vst v63;
	v63 =	vcombine.low v5, v4;
	v43 =	vcombine.low v4, v5;
	v4 =	vld.idx.msk [tilespmem:v15+s13+$0x0], $0xffff  }
0x293: {  	v13 =	vsel vm0, v13, v62;
	v62 =	vcombine.low v21, v20;
	v6 =	vld.idx.msk [tilespmem:v16+s13+$0x0], $0xffff  }
0x294: {  	v5 =	vor.u32 v44, v0;
	v10 =	vld.idx.msk [tilespmem:v38+s13+$0x0], $0xffff  }
0x295: {  	v22 =	vor.u32 v62, v0;
	v9 =	vld.idx.msk [tilespmem:v9+s13+$0x0], $0xffff  }
0x296: {  	v11 =	vld.idx.msk [tilespmem:v11+s13+$0x0], $0xffff  }
0x297: {  	v38 =	vcombine.low v18, v19;
	v18 =	vld [tilespmem:$0x1FA90]  }
0x298: {  	[tilespmem:$0x1F7B0] =	vst v63;
	v7 =	vor.u32 v43, v0;
	v2 =	vor.u32 v63, v0;
	v63 =	vcombine.low v13, v12;
	v19 =	vld [tilespmem:$0x1FAA0]  }
0x299: {  	v5 =	vld.idx.msk [tilespmem:v5+s13+$0x0], $0xffff  }
0x29a: {  	v37 =	vcombine.low v12, v13;
	v17 =	vor.u32 v63, v0;
	v12 =	vld.idx.msk [tilespmem:v22+s13+$0x0], $0xffff  }
0x29b: {  	v13 =	vor.u32 v40, v0;
	v22 =	vcombine.low v20, v21;
	v20 =	vld [tilespmem:$0x1FAB0]  }
0x29c: {  	v15 =	vor.u32 v37, v0;
	v21 =	vld [tilespmem:$0x1FF40]  }
0x29d: {  	v16 =	vor.u32 v38, v0;
	v7 =	vld.idx.msk [tilespmem:v7+s13+$0x0], $0xffff  }
0x29e: {  	v2 =	vld.idx.msk [tilespmem:v2+s13+$0x0], $0xffff;
	v0 =	vor.u32 v22, v0  }
0x29f: {  	v8 =	vld.idx.msk [tilespmem:v17+s13+$0x0], $0xffff;
	v17 =	vor.u32 v31, v1  }
0x2a0: {  	v13 =	vld.idx.msk [tilespmem:v13+s13+$0x0], $0xffff  }
0x2a1: {  	v15 =	vld.idx.msk [tilespmem:v15+s13+$0x0], $0xffff  }
0x2a2: {  	v16 =	vld.idx.msk [tilespmem:v16+s13+$0x0], $0xffff  }
0x2a3: {  	v0 =	vld.idx.msk [tilespmem:v0+s13+$0x0], $0xffff  }
0x2a4: {  	[tilespmem:v17+s16+$0x0] =	vst.idx.msk $0xffff, v3;
	v17 =	vld [tilespmem:$0x1FF50]  }
0x2a5: {  	v18 =	vor.u32 v18, v1  }
0x2a6: {  	v19 =	vor.u32 v19, v1  }
0x2a7: {  	v20 =	vor.u32 v20, v1  }
0x2a8: {  	v21 =	vor.u32 v21, v1  }
0x2a9: {  	v3 =	vor.u32 v17, v1  }
0x2aa: {  	[tilespmem:v18+s16+$0x0] =	vst.idx.msk $0xffff, v2;
	v18 =	vld [tilespmem:$0x1FFC0]  }
0x2ab: {  	[tilespmem:v19+s16+$0x0] =	vst.idx.msk $0xffff, v14;
	v14 =	vld [tilespmem:$0x1FFD0]  }
0x2ac: {  	[tilespmem:v20+s16+$0x0] =	vst.idx.msk $0xffff, v4;
	v20 =	vld [tilespmem:$0x1FFE0]  }
0x2ad: {  	[tilespmem:v21+s16+$0x0] =	vst.idx.msk $0xffff, v6;
	v21 =	vld [tilespmem:$0x1FFF0]  }
0x2ae: {  	[tilespmem:v3+s16+$0x0] =	vst.idx.msk $0xffff, v8;
	v3 =	vld [tilespmem:$0x1FF60]  }
0x2af: {  	v2 =	vor.u32 v18, v1  }
0x2b0: {  	v17 =	vor.u32 v14, v1  }
0x2b1: {  	v18 =	vor.u32 v20, v1  }
0x2b2: {  	v19 =	vor.u32 v21, v1  }
0x2b3: {  	v3 =	vor.u32 v3, v1  }
0x2b4: {  	[tilespmem:v2+s16+$0x0] =	vst.idx.msk $0xffff, v10;
	v2 =	vld [tilespmem:$0x1FF70]  }
0x2b5: {  	[tilespmem:v17+s16+$0x0] =	vst.idx.msk $0xffff, v12;
	v17 =	vld [tilespmem:$0x1FF80]  }
0x2b6: {  	[tilespmem:v18+s16+$0x0] =	vst.idx.msk $0xffff, v5;
	v18 =	vld [tilespmem:$0x1FF90]  }
0x2b7: {  	[tilespmem:v19+s16+$0x0] =	vst.idx.msk $0xffff, v7;
	v19 =	vld [tilespmem:$0x1FFA0]  }
0x2b8: {  	[tilespmem:v3+s16+$0x0] =	vst.idx.msk $0xffff, v9;
	v3 =	vld [tilespmem:$0x1FFB0]  }
0x2b9: {  	v2 =	vor.u32 v2, v1  }
0x2ba: {  	v8 =	vor.u32 v17, v1  }
0x2bb: {  	v4 =	vor.u32 v18, v1  }
0x2bc: {  	v5 =	vor.u32 v19, v1  }
0x2bd: {  	[tilespmem:$0x1F7C0] =	vst v23;
	v1 =	vor.u32 v3, v1  }
0x2be: {  	p1 =	sne.s32 s24, $0xF0;
	[tilespmem:v2+s16+$0x0] =	vst.idx.msk $0xffff, v11  }
.Ltmp0:
0x2bf: {  	[tilespmem:v8+s16+$0x0] =	vst.idx.msk $0xffff, v13;
	(pc) =	sbr.rel @p1 .LBB2_3-.Ltmp0, $4  }
0x2c0: {  	v41 =	vld [tilespmem:$0x1FAE0];
	[tilespmem:v4+s16+$0x0] =	vst.idx.msk $0xffff, v15  }
0x2c1: {  	v23 =	vld [tilespmem:$0x1FAF0];
	[tilespmem:v5+s16+$0x0] =	vst.idx.msk $0xffff, v16  }
0x2c2: {  	[tilespmem:v1+s16+$0x0] =	vst.idx.msk $0xffff, v0;
	v1 =	vld [tilespmem:$0x1FA40]  }
0x2c3: {  	s24 =	sadd.s32 $0x10, s24;
	v0 =	vld [tilespmem:$0x1FE70]  }
0x2c4: {  	[tilespmem:$0x1F500] =	vst v40  }
0x2c5: {  	[tilespmem:$0x1F510] =	vst v39  }
0x2c6: {  	[tilespmem:$0x1F520] =	vst v32  }
0x2c7: {  	[tilespmem:$0x1F530] =	vst v43  }
0x2c8: {  	[tilespmem:$0x1F540] =	vst v44  }
0x2c9: {  	[tilespmem:$0x1F550] =	vst v22  }
0x2ca: {  	[tilespmem:$0x1F560] =	vst v38  }
0x2cb: {  	[tilespmem:$0x1F570] =	vst v37  }
0x2cc: {  	[tilespmem:$0x1F580] =	vst v62;
	p1 =	sne.s32 s25, $0xC7  }
.Ltmp1:
0x2cd: {  	[tilespmem:$0x1F590] =	vst v42;
	(pc) =	sbr.rel @p1 .LBB2_6-.Ltmp1, $4  }
0x2ce: {  	[tilespmem:$0x1F5A0] =	vst v63  }
0x2cf: {  	[tilespmem:$0x1F5B0] =	vst v56;
	s24 =	sshll.u32 s25, $0x11  }
0x2d0: {  	[tilespmem:$0x1F5C0] =	vst v55;
	s25 =	sadd.s32 $0x1, s25;
	s26 =	sadd.s32 s24, s8  }
0x2d1: {  	[hbm4b:s26+s17] =	stream.strided.scatter [tilespmem:s16], [sflag:$0x3], $0x4000, s18, s17, $0x38;
	[tilespmem:$0x18200] =	vst v63  }
0x2d2: {  	_ =	swait.ge [sflag:s19], $0x8000  }
0x2d3: {  	v40 =	vld [tilespmem:$0x1F860]  }
0x2d4: {  	v41 =	vld [tilespmem:$0x1F870]  }
0x2d5: {  	v42 =	vld [tilespmem:$0x1F880]  }
0x2d6: {  	v43 =	vld [tilespmem:$0x1F890]  }
0x2d7: {  	v44 =	vld [tilespmem:$0x1F8A0]  }
0x2d8: {  	v55 =	vld [tilespmem:$0x1F8B0]  }
0x2d9: {  	v56 =	vld [tilespmem:$0x1F8C0]  }
0x2da: {  	v62 =	vld [tilespmem:$0x1F8D0]  }
0x2db: {  	v23 =	vld [tilespmem:$0x1F8E0]  }
0x2dc: {  	v32 =	vld [tilespmem:$0x1F8F0]  }
.Ltmp2:
0x2dd: {  	v37 =	vld [tilespmem:$0x1F900];
	(pc) =	sbr.rel .LBB2_7-.Ltmp2, $4  }
0x2de: {  	v31 =	vld [tilespmem:$0x1F910]  }
0x2df: {  	v38 =	vld [tilespmem:$0x1F920]  }
0x2e0: {  	[sflag:s19] =	ssyncset.done $0x0;
	v39 =	vld [tilespmem:$0x1F930]  }
0x2e1: {  	v5 =	vlaneseq.u32;
	v63 =	vld [tilespmem:$0x1FE80];
	[sflag:s19] =	ssyncadd.s32 $0xFFFF8000  }
.LBB2_6:
0x2e2: {  	s26 =	sshll.u32 s25, $0xE  }
0x2e3: {  	s26 =	sor.u32 s5, s26  }
0x2e4: {  	s26 =	sshrl.u32 s26, $0x3  }
0x2e5: {  	s26 =	sadd.s32 s2, s26  }
0x2e6: {  	[tilespmem:s0], [sflag:$0x5] =	stream.linear.gather [hbm4b:s26+s0], $0x100, $0x38;
	[tilespmem:$0x18200] =	vst v63  }
0x2e7: {  	_ =	swait.ge [sflag:s11], $0x100  }
0x2e8: {  	[sflag:s11] =	ssyncset.done $0x0  }
0x2e9: {  	[sflag:s11] =	ssyncadd.s32 $0xFFFFFF00  }
0x2ea: {  	[tilespmem:s13], [sflag:$0x1] =	stream.indirect.gather [hbm4b:s4+s12], $0x80, s0, s12, $0xb8;
	[tilespmem:$0x18200] =	vst v63  }
0x2eb: {  	_ =	swait.ge [sflag:s19], $0x8000  }
0x2ec: {  	v40 =	vld [tilespmem:$0x1F860]  }
0x2ed: {  	v41 =	vld [tilespmem:$0x1F870]  }
0x2ee: {  	v42 =	vld [tilespmem:$0x1F880]  }
0x2ef: {  	v43 =	vld [tilespmem:$0x1F890]  }
0x2f0: {  	v44 =	vld [tilespmem:$0x1F8A0]  }
0x2f1: {  	v55 =	vld [tilespmem:$0x1F8B0]  }
0x2f2: {  	v56 =	vld [tilespmem:$0x1F8C0]  }
0x2f3: {  	v62 =	vld [tilespmem:$0x1F8D0]  }
0x2f4: {  	v23 =	vld [tilespmem:$0x1F8E0]  }
0x2f5: {  	v32 =	vld [tilespmem:$0x1F8F0]  }
.Ltmp3:
0x2f6: {  	v37 =	vld [tilespmem:$0x1F900];
	(pc) =	sbr.rel @p0 .LBB2_8-.Ltmp3, $4  }
0x2f7: {  	v31 =	vld [tilespmem:$0x1F910]  }
0x2f8: {  	v38 =	vld [tilespmem:$0x1F920]  }
0x2f9: {  	[sflag:s19] =	ssyncset.done $0x0;
	v39 =	vld [tilespmem:$0x1F930]  }
0x2fa: {  	v5 =	vlaneseq.u32;
	v63 =	vld [tilespmem:$0x1FE80];
	[sflag:s19] =	ssyncadd.s32 $0xFFFF8000  }
.LBB2_7:
0x2fb: {  	_ =	swait.ge [sflag:s20], $0x4000  }
0x2fc: {  	[sflag:s20] =	ssyncset.done $0x0  }
0x2fd: {  	[sflag:s20] =	ssyncadd.s32 $0xFFFFC000  }
.LBB2_8:
0x2fe: {  	s26 =	simm.s32 $0x0  }
0x2ff: {  	v1 =	vor.u32 s26, v5  }
0x300: {  	v0 =	vshll.u32 v1, $0x7  }
0x301: {  	v2 =	vor.u32 v45, v0  }
0x302: {  	v3 =	vor.u32 v27, v0  }
0x303: {  	v4 =	vor.u32 v48, v0  }
0x304: {  	v5 =	vor.u32 v5, v0  }
0x305: {  	v6 =	vor.u32 v47, v0  }
0x306: {  	v7 =	vor.u32 v51, v0;
	v2 =	vld.idx.msk [tilespmem:v2+s14+$0x0], $0xffff  }
0x307: {  	v8 =	vor.u32 v46, v0;
	v3 =	vld.idx.msk [tilespmem:v3+s14+$0x0], $0xffff  }
0x308: {  	v9 =	vor.u32 v52, v0;
	v4 =	vld.idx.msk [tilespmem:v4+s14+$0x0], $0xffff  }
0x309: {  	v10 =	vor.u32 v26, v0;
	v5 =	vld.idx.msk [tilespmem:v5+s14+$0x0], $0xffff  }
0x30a: {  	v11 =	vor.u32 v25, v0;
	v6 =	vld.idx.msk [tilespmem:v6+s14+$0x0], $0xffff  }
0x30b: {  	v12 =	vor.u32 v28, v0;
	v7 =	vld.idx.msk [tilespmem:v7+s14+$0x0], $0xffff  }
0x30c: {  	v15 =	vmov s26;
	v13 =	vor.u32 v24, v0;
	v8 =	vld.idx.msk [tilespmem:v8+s14+$0x0], $0xffff  }
0x30d: {  	v15 =	vshll.u32 v15, $0x3;
	v14 =	vor.u32 v29, v0;
	v9 =	vld.idx.msk [tilespmem:v9+s14+$0x0], $0xffff  }
0x30e: {  	v1 =	vand.u32 $0x7F, v1;
	v16 =	vor.u32 v49, v0;
	v15 =	vand.u32 $0x400, v15;
	v10 =	vld.idx.msk [tilespmem:v10+s14+$0x0], $0xffff  }
0x30f: {  	v17 =	vor.u32 v50, v0;
	v1 =	vor.u32 v15, v1;
	v11 =	vld.idx.msk [tilespmem:v11+s14+$0x0], $0xffff  }
0x310: {  	v18 =	vor.u32 v30, v0;
	v15 =	vor.u32 v53, v1;
	v12 =	vld.idx.msk [tilespmem:v12+s14+$0x0], $0xffff  }
0x311: {  	v19 =	vor.u32 v54, v1;
	v13 =	vld.idx.msk [tilespmem:v13+s14+$0x0], $0xffff  }
0x312: {  	v20 =	vor.u32 v57, v1;
	v14 =	vld.idx.msk [tilespmem:v14+s14+$0x0], $0xffff  }
0x313: {  	v21 =	vor.u32 v58, v1;
	v16 =	vld.idx.msk [tilespmem:v16+s14+$0x0], $0xffff  }
0x314: {  	v22 =	vor.u32 v59, v1;
	v17 =	vld.idx.msk [tilespmem:v17+s14+$0x0], $0xffff  }
0x315: {  	v18 =	vld.idx.msk [tilespmem:v18+s14+$0x0], $0xffff;
	[tilespmem:v15+s21+$0x0] =	vst.idx.msk $0xffff, v5;
	v5 =	vor.u32 v60, v1  }
0x316: {  	[tilespmem:v19+s21+$0x0] =	vst.idx.msk $0xffff, v13  }
0x317: {  	v15 =	vor.u32 v33, v1;
	[tilespmem:v20+s21+$0x0] =	vst.idx.msk $0xffff, v10  }
0x318: {  	[tilespmem:v21+s21+$0x0] =	vst.idx.msk $0xffff, v11  }
0x319: {  	v13 =	vor.u32 v34, v1;
	[tilespmem:v22+s21+$0x0] =	vst.idx.msk $0xffff, v3  }
0x31a: {  	v10 =	vor.u32 v35, v1;
	[tilespmem:v5+s21+$0x0] =	vst.idx.msk $0xffff, v12;
	v5 =	vld [tilespmem:$0x1F7D0]  }
0x31b: {  	v12 =	vld [tilespmem:$0x1F7E0]  }
0x31c: {  	v11 =	vor.u32 v36, v1;
	[tilespmem:v15+s21+$0x0] =	vst.idx.msk $0xffff, v14;
	v14 =	vld [tilespmem:$0x1F640]  }
0x31d: {  	v15 =	vld [tilespmem:$0x1F630]  }
0x31e: {  	v3 =	vor.u32 v61, v1;
	[tilespmem:v13+s21+$0x0] =	vst.idx.msk $0xffff, v18;
	v13 =	vld [tilespmem:$0x1F7F0]  }
0x31f: {  	[tilespmem:v10+s21+$0x0] =	vst.idx.msk $0xffff, v2;
	v2 =	vld [tilespmem:$0x1F800]  }
0x320: {  	v10 =	vld [tilespmem:$0x1F600];
	v5 =	vor.u32 v5, v1  }
0x321: {  	[tilespmem:v11+s21+$0x0] =	vst.idx.msk $0xffff, v6;
	v6 =	vld [tilespmem:$0x1F810]  }
0x322: {  	v11 =	vld [tilespmem:$0x1F670];
	v12 =	vor.u32 v12, v1  }
0x323: {  	[tilespmem:v3+s21+$0x0] =	vst.idx.msk $0xffff, v8;
	v3 =	vld [tilespmem:$0x1F680]  }
0x324: {  	v8 =	vld [tilespmem:$0x1F5F0];
	v13 =	vor.u32 v13, v1  }
0x325: {  	[tilespmem:v5+s21+$0x0] =	vst.idx.msk $0xffff, v4;
	v4 =	vld [tilespmem:$0x1FE10]  }
0x326: {  	v2 =	vor.u32 v2, v1;
	v5 =	vld [tilespmem:$0x1FE40]  }
0x327: {  	[tilespmem:v12+s21+$0x0] =	vst.idx.msk $0xffff, v16;
	v12 =	vld [tilespmem:$0x1FDE0]  }
0x328: {  	v6 =	vor.u32 v6, v1;
	v16 =	vld [tilespmem:$0x1F610]  }
0x329: {  	[tilespmem:v13+s21+$0x0] =	vst.idx.msk $0xffff, v17;
	v13 =	vld [tilespmem:$0x1F650]  }
0x32a: {  	v3 =	vor.u32 v3, v0;
	v17 =	vld [tilespmem:$0x1F620]  }
0x32b: {  	v8 =	vor.u32 v8, v0;
	[tilespmem:v2+s21+$0x0] =	vst.idx.msk $0xffff, v7;
	v2 =	vld [tilespmem:$0x1F5D0]  }
0x32c: {  	v10 =	vor.u32 v10, v0;
	v7 =	vld [tilespmem:$0x1F5E0]  }
0x32d: {  	v11 =	vor.u32 v11, v0;
	[tilespmem:v6+s21+$0x0] =	vst.idx.msk $0xffff, v9;
	v6 =	vld [tilespmem:$0x1F690]  }
0x32e: {  	v14 =	vor.u32 v14, v0;
	v9 =	vld [tilespmem:$0x1F660]  }
0x32f: {  	v15 =	vor.u32 v15, v0;
	v3 =	vld.idx.msk [tilespmem:v3+s14+$0x0], $0xffff  }
0x330: {  	v4 =	vor.u32 v4, v0;
	v8 =	vld.idx.msk [tilespmem:v8+s14+$0x0], $0xffff  }
0x331: {  	v5 =	vor.u32 v5, v0;
	v10 =	vld.idx.msk [tilespmem:v10+s14+$0x0], $0xffff  }
0x332: {  	v11 =	vld.idx.msk [tilespmem:v11+s14+$0x0], $0xffff;
	v12 =	vor.u32 v12, v0  }
0x333: {  	v14 =	vld.idx.msk [tilespmem:v14+s14+$0x0], $0xffff;
	v16 =	vor.u32 v16, v0  }
0x334: {  	v15 =	vld.idx.msk [tilespmem:v15+s14+$0x0], $0xffff;
	v13 =	vor.u32 v13, v0  }
0x335: {  	v17 =	vor.u32 v17, v0;
	v4 =	vld.idx.msk [tilespmem:v4+s14+$0x0], $0xffff  }
0x336: {  	v2 =	vor.u32 v2, v0;
	v5 =	vld.idx.msk [tilespmem:v5+s14+$0x0], $0xffff  }
0x337: {  	v7 =	vor.u32 v7, v0;
	v12 =	vld.idx.msk [tilespmem:v12+s14+$0x0], $0xffff  }
0x338: {  	v6 =	vor.u32 v6, v0;
	v16 =	vld.idx.msk [tilespmem:v16+s14+$0x0], $0xffff  }
0x339: {  	v18 =	vor.u32 v40, v1;
	v9 =	vor.u32 v9, v0;
	v13 =	vld.idx.msk [tilespmem:v13+s14+$0x0], $0xffff  }
0x33a: {  	v19 =	vor.u32 v41, v1;
	v17 =	vld.idx.msk [tilespmem:v17+s14+$0x0], $0xffff  }
0x33b: {  	v20 =	vor.u32 v42, v1;
	v2 =	vld.idx.msk [tilespmem:v2+s14+$0x0], $0xffff  }
0x33c: {  	v21 =	vor.u32 v43, v1;
	v7 =	vld.idx.msk [tilespmem:v7+s14+$0x0], $0xffff  }
0x33d: {  	v22 =	vor.u32 v44, v1;
	v6 =	vld.idx.msk [tilespmem:v6+s14+$0x0], $0xffff  }
0x33e: {  	v9 =	vld.idx.msk [tilespmem:v9+s14+$0x0], $0xffff;
	[tilespmem:v18+s21+$0x0] =	vst.idx.msk $0xffff, v12;
	v12 =	vor.u32 v55, v1  }
0x33f: {  	v18 =	vor.u32 v56, v1;
	[tilespmem:v19+s21+$0x0] =	vst.idx.msk $0xffff, v4  }
0x340: {  	v4 =	vor.u32 v62, v1;
	[tilespmem:v20+s21+$0x0] =	vst.idx.msk $0xffff, v5  }
0x341: {  	v5 =	vor.u32 v23, v1;
	[tilespmem:v21+s21+$0x0] =	vst.idx.msk $0xffff, v2  }
0x342: {  	v2 =	vor.u32 v32, v1;
	[tilespmem:v22+s21+$0x0] =	vst.idx.msk $0xffff, v7  }
0x343: {  	v7 =	vor.u32 v37, v1;
	[tilespmem:v12+s21+$0x0] =	vst.idx.msk $0xffff, v8  }
0x344: {  	[tilespmem:v18+s21+$0x0] =	vst.idx.msk $0xffff, v10  }
0x345: {  	v8 =	vor.u32 v31, v1;
	[tilespmem:v4+s21+$0x0] =	vst.idx.msk $0xffff, v16  }
0x346: {  	v4 =	vor.u32 v38, v1;
	[tilespmem:v5+s21+$0x0] =	vst.idx.msk $0xffff, v17  }
0x347: {  	v5 =	vor.u32 v39, v1;
	[tilespmem:v2+s21+$0x0] =	vst.idx.msk $0xffff, v15  }
0x348: {  	v2 =	vor.u32 v63, v1;
	[tilespmem:v7+s21+$0x0] =	vst.idx.msk $0xffff, v14;
	v7 =	vld [tilespmem:$0x1F940];
	_ =	sdelay $0x1  }
0x349: {  	[tilespmem:v8+s21+$0x0] =	vst.idx.msk $0xffff, v13  }
0x34a: {  	[tilespmem:v4+s21+$0x0] =	vst.idx.msk $0xffff, v9  }
0x34b: {  	[tilespmem:v5+s21+$0x0] =	vst.idx.msk $0xffff, v11  }
0x34c: {  	[tilespmem:v2+s21+$0x0] =	vst.idx.msk $0xffff, v3;
	v3 =	vld [tilespmem:$0x1F6B0];
	v7 =	vor.u32 v7, v1;
	_ =	sdelay $0x3  }
0x34d: {  	v4 =	vld [tilespmem:$0x1F720]  }
0x34e: {  	v8 =	vld [tilespmem:$0x1F6C0];
	[tilespmem:v7+s21+$0x0] =	vst.idx.msk $0xffff, v6;
	v7 =	vor.u32 v3, v0;
	_ =	sdelay $0x2  }
0x34f: {  	v2 =	vld [tilespmem:$0x1F6F0]  }
0x350: {  	v9 =	vor.u32 v4, v0;
	v4 =	vld [tilespmem:$0x1F6E0]  }
0x351: {  	v8 =	vor.u32 v8, v0;
	v16 =	vld.idx.msk [tilespmem:v7+s14+$0x0], $0xffff  }
0x352: {  	v7 =	vld [tilespmem:$0x1F750]  }
0x353: {  	v3 =	vld [tilespmem:$0x1F710];
	_ =	sdelay $0x1  }
0x354: {  	v6 =	vld [tilespmem:$0x1F730]  }
0x355: {  	v2 =	vor.u32 v2, v0;
	v5 =	vor.u32 v4, v0;
	v4 =	vld.idx.msk [tilespmem:v8+s14+$0x0], $0xffff  }
0x356: {  	v12 =	vor.u32 v7, v0;
	v7 =	vld [tilespmem:$0x1F6A0]  }
0x357: {  	v8 =	vor.u32 v3, v0;
	v3 =	vld [tilespmem:$0x1F700];
	_ =	sdelay $0x2  }
0x358: {  	v11 =	vor.u32 v6, v0;
	v6 =	vld.idx.msk [tilespmem:v2+s14+$0x0], $0xffff  }
0x359: {  	v2 =	vld [tilespmem:$0x1F740];
	v14 =	vor.u32 v7, v0  }
0x35a: {  	v10 =	vor.u32 v3, v0;
	v3 =	vld.idx.msk [tilespmem:v9+s14+$0x0], $0xffff  }
0x35b: {  	v9 =	vld.idx.msk [tilespmem:v8+s14+$0x0], $0xffff  }
0x35c: {  	v7 =	vld [tilespmem:$0x1F760]  }
0x35d: {  	v8 =	vld [tilespmem:$0x1F770]  }
0x35e: {  	v17 =	vld.idx.msk [tilespmem:v14+s14+$0x0], $0xffff  }
0x35f: {  	v14 =	vld [tilespmem:$0x1F790]  }
0x360: {  	v2 =	vor.u32 v2, v0  }
0x361: {  	v15 =	vor.u32 v7, v0;
	v7 =	vld.idx.msk [tilespmem:v11+s14+$0x0], $0xffff  }
0x362: {  	v11 =	vor.u32 v8, v0;
	v8 =	vld [tilespmem:$0x1F6D0]  }
0x363: {  	v13 =	vld.idx.msk [tilespmem:v10+s14+$0x0], $0xffff  }
0x364: {  	v21 =	vor.u32 v14, v0;
	v14 =	vld [tilespmem:$0x1F950]  }
0x365: {  	v10 =	vld.idx.msk [tilespmem:v2+s14+$0x0], $0xffff  }
0x366: {  	v2 =	vld [tilespmem:$0x1F780]  }
0x367: {  	v18 =	vor.u32 v8, v0;
	v8 =	vld.idx.msk [tilespmem:v12+s14+$0x0], $0xffff  }
0x368: {  	v12 =	vld.idx.msk [tilespmem:v15+s14+$0x0], $0xffff  }
0x369: {  	v41 =	vmov v14;
	v15 =	vor.u32 v14, v1;
	v14 =	vld [tilespmem:$0x1F960];
	_ =	sdelay $0x4  }
0x36a: {  	v20 =	vor.u32 v2, v0;
	v42 =	vmov v14;
	v22 =	vor.u32 v14, v1;
	v14 =	vld [tilespmem:$0x1F970];
	_ =	sdelay $0x3  }
0x36b: {  	v2 =	vld [tilespmem:$0x1F990]  }
0x36c: {  	v43 =	vmov v14;
	v19 =	vor.u32 v14, v1;
	v14 =	vld.idx.msk [tilespmem:v20+s14+$0x0], $0xffff  }
0x36d: {  	v20 =	vld [tilespmem:$0x1F980]  }
0x36e: {  	v44 =	vld [tilespmem:$0x1FE90]  }
0x36f: {  	v39 =	vld [tilespmem:$0x1F540]  }
0x370: {  	v5 =	vld.idx.msk [tilespmem:v5+s14+$0x0], $0xffff  }
0x371: {  	v11 =	vld.idx.msk [tilespmem:v11+s14+$0x0], $0xffff  }
0x372: {  	s26 =	simm.s32 $0x10;
	v2 =	vor.u32 v2, v1;
	v18 =	vld.idx.msk [tilespmem:v18+s14+$0x0], $0xffff;
	v40 =	vmov v20;
	v20 =	vor.u32 v20, v1  }
.LBB2_9:
0x373: {  	_ =	sdelay $0x1  }
0x374: {  	v21 =	vld.idx.msk [tilespmem:v21+s14+$0x0], $0xffff;
	[tilespmem:v15+s21+$0x0] =	vst.idx.msk $0xffff, v17  }
0x375: {  	[tilespmem:v22+s21+$0x0] =	vst.idx.msk $0xffff, v16;
	v16 =	vld [tilespmem:$0x1FEA0]  }
0x376: {  	v17 =	vld [tilespmem:$0x1FEC0]  }
0x377: {  	[tilespmem:v19+s21+$0x0] =	vst.idx.msk $0xffff, v4;
	v4 =	vld [tilespmem:$0x1FEB0]  }
0x378: {  	v15 =	vor.u32 v44, v1;
	v19 =	vld [tilespmem:$0x1FAA0]  }
0x379: {  	[tilespmem:v20+s21+$0x0] =	vst.idx.msk $0xffff, v18;
	v18 =	vld [tilespmem:$0x1FA90]  }
0x37a: {  	[tilespmem:v2+s21+$0x0] =	vst.idx.msk $0xffff, v5;
	v2 =	vld [tilespmem:$0x1FED0];
	v16 =	vor.u32 v16, v1  }
0x37b: {  	v20 =	vld [tilespmem:$0x1FAB0]  }
0x37c: {  	v5 =	vld [tilespmem:$0x1FEE0];
	v4 =	vor.u32 v4, v1  }
0x37d: {  	v17 =	vor.u32 v17, v1;
	[tilespmem:v15+s21+$0x0] =	vst.idx.msk $0xffff, v6;
	v6 =	vld [tilespmem:$0x1FEF0]  }
0x37e: {  	v15 =	vld [tilespmem:$0x1F560]  }
0x37f: {  	v2 =	vor.u32 v2, v1;
	[tilespmem:v16+s21+$0x0] =	vst.idx.msk $0xffff, v13;
	v13 =	vld [tilespmem:$0x1F590]  }
0x380: {  	v16 =	vld [tilespmem:$0x1F550]  }
0x381: {  	v5 =	vor.u32 v5, v1;
	[tilespmem:v4+s21+$0x0] =	vst.idx.msk $0xffff, v9;
	v4 =	vld [tilespmem:$0x1FF00]  }
0x382: {  	v6 =	vor.u32 v6, v1;
	[tilespmem:v17+s21+$0x0] =	vst.idx.msk $0xffff, v3;
	v3 =	vld [tilespmem:$0x1FF10]  }
0x383: {  	v9 =	vld [tilespmem:$0x1F7C0]  }
0x384: {  	[tilespmem:v2+s21+$0x0] =	vst.idx.msk $0xffff, v7;
	v2 =	vld [tilespmem:$0x1FF20]  }
0x385: {  	v17 =	vld [tilespmem:$0x1F570]  }
0x386: {  	[tilespmem:v5+s21+$0x0] =	vst.idx.msk $0xffff, v10;
	v5 =	vld [tilespmem:$0x1FF30];
	v4 =	vor.u32 v4, v1  }
0x387: {  	[tilespmem:v6+s21+$0x0] =	vst.idx.msk $0xffff, v8;
	v6 =	vld [tilespmem:$0x1F7A0];
	v3 =	vor.u32 v3, v1  }
0x388: {  	v7 =	vld [tilespmem:$0x1F500]  }
0x389: {  	v8 =	vld [tilespmem:$0x1F7B0];
	v2 =	vor.u32 v2, v1  }
0x38a: {  	v10 =	vld [tilespmem:$0x1F5C0]  }
0x38b: {  	v5 =	vor.u32 v5, v1;
	[tilespmem:v4+s21+$0x0] =	vst.idx.msk $0xffff, v12;
	v12 =	vld [tilespmem:$0x1F5A0]  }
0x38c: {  	v6 =	vor.u32 v6, v0;
	[tilespmem:v3+s21+$0x0] =	vst.idx.msk $0xffff, v11;
	v3 =	vld [tilespmem:$0x1F530]  }
0x38d: {  	v7 =	vor.u32 v7, v0;
	v11 =	vld [tilespmem:$0x1F5B0]  }
0x38e: {  	v8 =	vor.u32 v8, v0;
	[tilespmem:v2+s21+$0x0] =	vst.idx.msk $0xffff, v14;
	v2 =	vld [tilespmem:$0x1F520]  }
0x38f: {  	v9 =	vor.u32 v9, v0;
	v14 =	vld [tilespmem:$0x1F580]  }
0x390: {  	v10 =	vor.u32 v10, v0;
	[tilespmem:v5+s21+$0x0] =	vst.idx.msk $0xffff, v21;
	v5 =	vld [tilespmem:$0x1F510]  }
0x391: {  	v13 =	vor.u32 v13, v0;
	v6 =	vld.idx.msk [tilespmem:v6+s14+$0x0], $0xffff  }
0x392: {  	v15 =	vor.u32 v15, v0;
	v7 =	vld.idx.msk [tilespmem:v7+s14+$0x0], $0xffff  }
0x393: {  	v16 =	vor.u32 v16, v0;
	v8 =	vld.idx.msk [tilespmem:v8+s14+$0x0], $0xffff  }
0x394: {  	v9 =	vld.idx.msk [tilespmem:v9+s14+$0x0], $0xffff  }
0x395: {  	v4 =	vor.u32 v39, v0;
	v10 =	vld.idx.msk [tilespmem:v10+s14+$0x0], $0xffff;
	v12 =	vor.u32 v12, v0  }
0x396: {  	v13 =	vld.idx.msk [tilespmem:v13+s14+$0x0], $0xffff;
	v3 =	vor.u32 v3, v0;
	v11 =	vor.u32 v11, v0;
	v2 =	vor.u32 v2, v0  }
0x397: {  	v15 =	vld.idx.msk [tilespmem:v15+s14+$0x0], $0xffff;
	v14 =	vor.u32 v14, v0;
	v5 =	vor.u32 v5, v0;
	v0 =	vor.u32 v17, v0  }
0x398: {  	v16 =	vld.idx.msk [tilespmem:v16+s14+$0x0], $0xffff  }
0x399: {  	v17 =	vld [tilespmem:$0x1FA50]  }
0x39a: {  	v4 =	vld.idx.msk [tilespmem:v4+s14+$0x0], $0xffff  }
0x39b: {  	v12 =	vld.idx.msk [tilespmem:v12+s14+$0x0], $0xffff  }
0x39c: {  	v21 =	vld.idx.msk [tilespmem:v0+s14+$0x0], $0xffff  }
0x39d: {  	v0 =	vld [tilespmem:$0x1FF40]  }
0x39e: {  	v3 =	vld.idx.msk [tilespmem:v3+s14+$0x0], $0xffff;
	v17 =	vor.u32 v17, v1  }
0x39f: {  	v18 =	vor.u32 v18, v1;
	v11 =	vld.idx.msk [tilespmem:v11+s14+$0x0], $0xffff  }
0x3a0: {  	v19 =	vor.u32 v19, v1;
	v2 =	vld.idx.msk [tilespmem:v2+s14+$0x0], $0xffff  }
0x3a1: {  	v20 =	vor.u32 v20, v1;
	v14 =	vld.idx.msk [tilespmem:v14+s14+$0x0], $0xffff  }
0x3a2: {  	v5 =	vld.idx.msk [tilespmem:v5+s14+$0x0], $0xffff;
	v0 =	vor.u32 v0, v1  }
0x3a3: {  	[tilespmem:v17+s21+$0x0] =	vst.idx.msk $0xffff, v6;
	v6 =	vld [tilespmem:$0x1FF50]  }
0x3a4: {  	v17 =	vld [tilespmem:$0x1FFB0];
	[tilespmem:v18+s21+$0x0] =	vst.idx.msk $0xffff, v8  }
0x3a5: {  	v8 =	vld [tilespmem:$0x1FFC0];
	[tilespmem:v19+s21+$0x0] =	vst.idx.msk $0xffff, v9  }
0x3a6: {  	v18 =	vld [tilespmem:$0x1FFA0];
	[tilespmem:v20+s21+$0x0] =	vst.idx.msk $0xffff, v10  }
0x3a7: {  	[tilespmem:v0+s21+$0x0] =	vst.idx.msk $0xffff, v11;
	v0 =	vld [tilespmem:$0x1FFF0]  }
0x3a8: {  	v9 =	vld [tilespmem:$0x1FFD0];
	v6 =	vor.u32 v6, v1  }
0x3a9: {  	v19 =	vld [tilespmem:$0x1FF90]  }
0x3aa: {  	v10 =	vld [tilespmem:$0x1FFE0]  }
0x3ab: {  	v20 =	vld [tilespmem:$0x1FF80]  }
0x3ac: {  	v11 =	vor.u32 v0, v1;
	v0 =	vld [tilespmem:$0x1FF70]  }
0x3ad: {  	[tilespmem:v6+s21+$0x0] =	vst.idx.msk $0xffff, v12;
	v6 =	vld [tilespmem:$0x1FF60]  }
0x3ae: {  	v8 =	vor.u32 v8, v1  }
0x3af: {  	v9 =	vor.u32 v9, v1  }
0x3b0: {  	v10 =	vor.u32 v10, v1  }
0x3b1: {  	v17 =	vor.u32 v17, v1;
	v18 =	vor.u32 v18, v1;
	v19 =	vor.u32 v19, v1  }
0x3b2: {  	v20 =	vor.u32 v20, v1;
	v23 =	vor.u32 v0, v1;
	v1 =	vor.u32 v6, v1  }
0x3b3: {  	[tilespmem:v8+s21+$0x0] =	vst.idx.msk $0xffff, v13  }
0x3b4: {  	s28 =	smov.u32 s26;
	v31 =	vlaneseq.u32;
	[tilespmem:v9+s21+$0x0] =	vst.idx.msk $0xffff, v14  }
0x3b5: {  	v22 =	vor.u32 s28, v31;
	[tilespmem:v10+s21+$0x0] =	vst.idx.msk $0xffff, v4  }
0x3b6: {  	v0 =	vshll.u32 v22, $0x7;
	[tilespmem:v11+s21+$0x0] =	vst.idx.msk $0xffff, v3  }
0x3b7: {  	v6 =	vor.u32 v31, v0;
	v8 =	vor.u32 v25, v0;
	[tilespmem:v1+s21+$0x0] =	vst.idx.msk $0xffff, v2  }
0x3b8: {  	v56 =	vmovc v48;
	v13 =	vor.u32 v27, v0;
	v9 =	vor.u32 v29, v0;
	v1 =	vmov s28;
	[tilespmem:v23+s21+$0x0] =	vst.idx.msk $0xffff, v5  }
0x3b9: {  	v14 =	vor.u32 v45, v0;
	v10 =	vor.u32 v48, v0;
	v1 =	vshll.u32 v1, $0x3;
	[tilespmem:v20+s21+$0x0] =	vst.idx.msk $0xffff, v7  }
0x3ba: {  	v22 =	vand.u32 $0x7F, v22;
	v48 =	vmovc v25;
	v25 =	vor.u32 v47, v0;
	v1 =	vand.u32 $0x400, v1;
	[tilespmem:v19+s21+$0x0] =	vst.idx.msk $0xffff, v21  }
0x3bb: {  	v1 =	vor.u32 v1, v22;
	[tilespmem:v18+s21+$0x0] =	vst.idx.msk $0xffff, v15;
	v15 =	vor.u32 v51, v0  }
0x3bc: {  	v32 =	vmovc v59;
	v22 =	vor.u32 v59, v1;
	v59 =	vmovc v51;
	v51 =	vmov v29;
	v29 =	vor.u32 v61, v1  }
0x3bd: {  	v38 =	vmovc v61;
	v61 =	vmov v53;
	[tilespmem:v17+s21+$0x0] =	vst.idx.msk $0xffff, v16;
	v16 =	vor.u32 v53, v1;
	v53 =	vmov v45;
	v45 =	vld [tilespmem:$0x1F7E0]  }
0x3be: {  	v4 =	vor.u32 v46, v0;
	v14 =	vld.idx.msk [tilespmem:v14+s14+$0x0], $0xffff  }
0x3bf: {  	v5 =	vor.u32 v26, v0;
	v13 =	vld.idx.msk [tilespmem:v13+s14+$0x0], $0xffff  }
0x3c0: {  	v10 =	vld.idx.msk [tilespmem:v10+s14+$0x0], $0xffff  }
0x3c1: {  	v55 =	vmov v46;
	v62 =	vmov v54;
	v12 =	vor.u32 v24, v0;
	v6 =	vld.idx.msk [tilespmem:v6+s14+$0x0], $0xffff  }
0x3c2: {  	v63 =	vmovc v57;
	v37 =	vmov v36;
	v3 =	vor.u32 v49, v0;
	v11 =	vor.u32 v50, v0;
	v20 =	vld.idx.msk [tilespmem:v25+s14+$0x0], $0xffff  }
0x3c3: {  	v46 =	vmovc v24;
	v24 =	vor.u32 v30, v0;
	v31 =	vmov v58;
	v7 =	vor.u32 v52, v0;
	v4 =	vld.idx.msk [tilespmem:v4+s14+$0x0], $0xffff  }
0x3c4: {  	v19 =	vor.u32 v28, v0;
	v18 =	vor.u32 v54, v1;
	v21 =	vor.u32 v58, v1;
	v5 =	vld.idx.msk [tilespmem:v5+s14+$0x0], $0xffff  }
0x3c5: {  	v23 =	vor.u32 v60, v1;
	v54 =	vmovc v47;
	v47 =	vmov v26;
	v26 =	vor.u32 v34, v1;
	v8 =	vld.idx.msk [tilespmem:v8+s14+$0x0], $0xffff  }
0x3c6: {  	v58 =	vmovc v50;
	v50 =	vmov v28;
	v28 =	vor.u32 v36, v1;
	v17 =	vor.u32 v57, v1;
	v12 =	vld.idx.msk [tilespmem:v12+s14+$0x0], $0xffff  }
0x3c7: {  	v36 =	vmovc v35;
	v57 =	vmovc v49;
	v49 =	vmov v27;
	v27 =	vor.u32 v35, v1;
	v35 =	vmov v34;
	v9 =	vld.idx.msk [tilespmem:v9+s14+$0x0], $0xffff  }
0x3c8: {  	v34 =	vmovc v33;
	v25 =	vor.u32 v33, v1;
	v33 =	vmovc v60;
	v60 =	vmov v52;
	v52 =	vmov v30;
	v30 =	vld [tilespmem:$0x1F7D0]  }
0x3c9: {  	v3 =	vld.idx.msk [tilespmem:v3+s14+$0x0], $0xffff  }
0x3ca: {  	v11 =	vld.idx.msk [tilespmem:v11+s14+$0x0], $0xffff  }
0x3cb: {  	v24 =	vld.idx.msk [tilespmem:v24+s14+$0x0], $0xffff  }
0x3cc: {  	v7 =	vld.idx.msk [tilespmem:v7+s14+$0x0], $0xffff  }
0x3cd: {  	v19 =	vld.idx.msk [tilespmem:v19+s14+$0x0], $0xffff  }
0x3ce: {  	v15 =	vld.idx.msk [tilespmem:v15+s14+$0x0], $0xffff  }
0x3cf: {  	[tilespmem:v16+s21+$0x0] =	vst.idx.msk $0xffff, v6;
	v6 =	vld [tilespmem:$0x1F7F0]  }
0x3d0: {  	v16 =	vld [tilespmem:$0x1FE40]  }
0x3d1: {  	[tilespmem:v18+s21+$0x0] =	vst.idx.msk $0xffff, v12;
	v12 =	vld [tilespmem:$0x1F800]  }
0x3d2: {  	v18 =	vld [tilespmem:$0x1F5F0]  }
0x3d3: {  	[tilespmem:v17+s21+$0x0] =	vst.idx.msk $0xffff, v5;
	v5 =	vld [tilespmem:$0x1F810]  }
0x3d4: {  	v17 =	vld [tilespmem:$0x1F880]  }
0x3d5: {  	[tilespmem:v21+s21+$0x0] =	vst.idx.msk $0xffff, v8;
	v8 =	vld [tilespmem:$0x1FDE0]  }
0x3d6: {  	[tilespmem:v22+s21+$0x0] =	vst.idx.msk $0xffff, v13;
	v13 =	vld [tilespmem:$0x1F5E0]  }
0x3d7: {  	v22 =	vld [tilespmem:$0x1F600]  }
0x3d8: {  	[tilespmem:v23+s21+$0x0] =	vst.idx.msk $0xffff, v19;
	v23 =	vld [tilespmem:$0x1F670]  }
0x3d9: {  	[tilespmem:v25+s21+$0x0] =	vst.idx.msk $0xffff, v9;
	v9 =	vld [tilespmem:$0x1FE10]  }
0x3da: {  	v25 =	vld [tilespmem:$0x1F640]  }
0x3db: {  	[tilespmem:v26+s21+$0x0] =	vst.idx.msk $0xffff, v24;
	v24 =	vld [tilespmem:$0x1F650]  }
0x3dc: {  	v26 =	vld [tilespmem:$0x1F630]  }
0x3dd: {  	v30 =	vor.u32 v30, v1;
	[tilespmem:v27+s21+$0x0] =	vst.idx.msk $0xffff, v14;
	v14 =	vld [tilespmem:$0x1F860]  }
0x3de: {  	v45 =	vor.u32 v45, v1;
	v27 =	vld [tilespmem:$0x1F610]  }
0x3df: {  	v6 =	vor.u32 v6, v1;
	[tilespmem:v28+s21+$0x0] =	vst.idx.msk $0xffff, v20;
	v20 =	vld [tilespmem:$0x1F660]  }
0x3e0: {  	v28 =	vld [tilespmem:$0x1F620]  }
0x3e1: {  	v12 =	vor.u32 v12, v1;
	[tilespmem:v29+s21+$0x0] =	vst.idx.msk $0xffff, v4;
	v4 =	vld [tilespmem:$0x1F870]  }
0x3e2: {  	[tilespmem:v30+s21+$0x0] =	vst.idx.msk $0xffff, v10;
	v10 =	vld [tilespmem:$0x1F680]  }
0x3e3: {  	v5 =	vor.u32 v5, v1;
	[tilespmem:v45+s21+$0x0] =	vst.idx.msk $0xffff, v3;
	v3 =	vld [tilespmem:$0x1F890]  }
0x3e4: {  	[tilespmem:v6+s21+$0x0] =	vst.idx.msk $0xffff, v11;
	v6 =	vld [tilespmem:$0x1F8A0]  }
0x3e5: {  	v9 =	vor.u32 v9, v0;
	v11 =	vld [tilespmem:$0x1F5D0]  }
0x3e6: {  	v16 =	vor.u32 v16, v0;
	[tilespmem:v12+s21+$0x0] =	vst.idx.msk $0xffff, v15;
	v12 =	vld [tilespmem:$0x1F8B0]  }
0x3e7: {  	v13 =	vor.u32 v13, v0;
	v15 =	vld [tilespmem:$0x1F8D0]  }
0x3e8: {  	v18 =	vor.u32 v18, v0;
	[tilespmem:v5+s21+$0x0] =	vst.idx.msk $0xffff, v7;
	v5 =	vld [tilespmem:$0x1F690]  }
0x3e9: {  	v22 =	vor.u32 v22, v0;
	v7 =	vld [tilespmem:$0x1F8C0]  }
0x3ea: {  	v23 =	vor.u32 v23, v0;
	v9 =	vld.idx.msk [tilespmem:v9+s14+$0x0], $0xffff  }
0x3eb: {  	v8 =	vor.u32 v8, v0;
	v16 =	vld.idx.msk [tilespmem:v16+s14+$0x0], $0xffff  }
0x3ec: {  	v25 =	vor.u32 v25, v0;
	v13 =	vld.idx.msk [tilespmem:v13+s14+$0x0], $0xffff  }
0x3ed: {  	v24 =	vor.u32 v24, v0;
	v18 =	vld.idx.msk [tilespmem:v18+s14+$0x0], $0xffff  }
0x3ee: {  	v26 =	vor.u32 v26, v0;
	v22 =	vld.idx.msk [tilespmem:v22+s14+$0x0], $0xffff  }
0x3ef: {  	v27 =	vor.u32 v27, v0;
	v23 =	vld.idx.msk [tilespmem:v23+s14+$0x0], $0xffff  }
0x3f0: {  	v20 =	vor.u32 v20, v0;
	v8 =	vld.idx.msk [tilespmem:v8+s14+$0x0], $0xffff  }
0x3f1: {  	v28 =	vor.u32 v28, v0;
	v25 =	vld.idx.msk [tilespmem:v25+s14+$0x0], $0xffff  }
0x3f2: {  	v24 =	vld.idx.msk [tilespmem:v24+s14+$0x0], $0xffff;
	v11 =	vor.u32 v11, v0  }
0x3f3: {  	v10 =	vor.u32 v10, v0;
	v26 =	vld.idx.msk [tilespmem:v26+s14+$0x0], $0xffff  }
0x3f4: {  	v14 =	vor.u32 v14, v1;
	v27 =	vld.idx.msk [tilespmem:v27+s14+$0x0], $0xffff;
	v5 =	vor.u32 v5, v0  }
0x3f5: {  	v4 =	vor.u32 v4, v1;
	v20 =	vld.idx.msk [tilespmem:v20+s14+$0x0], $0xffff  }
0x3f6: {  	v17 =	vor.u32 v17, v1;
	v28 =	vld.idx.msk [tilespmem:v28+s14+$0x0], $0xffff  }
0x3f7: {  	v3 =	vor.u32 v3, v1;
	v11 =	vld.idx.msk [tilespmem:v11+s14+$0x0], $0xffff  }
0x3f8: {  	v10 =	vld.idx.msk [tilespmem:v10+s14+$0x0], $0xffff  }
0x3f9: {  	v5 =	vld.idx.msk [tilespmem:v5+s14+$0x0], $0xffff;
	[tilespmem:v14+s21+$0x0] =	vst.idx.msk $0xffff, v8  }
0x3fa: {  	v19 =	vld [tilespmem:$0x1F8E0];
	[tilespmem:v4+s21+$0x0] =	vst.idx.msk $0xffff, v9  }
0x3fb: {  	v21 =	vld [tilespmem:$0x1F8F0];
	v6 =	vor.u32 v6, v1;
	[tilespmem:v17+s21+$0x0] =	vst.idx.msk $0xffff, v16  }
0x3fc: {  	v12 =	vor.u32 v12, v1;
	[tilespmem:v3+s21+$0x0] =	vst.idx.msk $0xffff, v11;
	v3 =	vld [tilespmem:$0x1F900]  }
0x3fd: {  	v7 =	vor.u32 v7, v1  }
0x3fe: {  	v15 =	vor.u32 v15, v1  }
0x3ff: {  	v19 =	vor.u32 v19, v1  }
0x400: {  	v21 =	vor.u32 v21, v1;
	[tilespmem:v6+s21+$0x0] =	vst.idx.msk $0xffff, v13  }
0x401: {  	[tilespmem:v12+s21+$0x0] =	vst.idx.msk $0xffff, v18;
	v3 =	vor.u32 v3, v1  }
0x402: {  	v4 =	vld [tilespmem:$0x1F910];
	[tilespmem:v7+s21+$0x0] =	vst.idx.msk $0xffff, v22  }
0x403: {  	v6 =	vld [tilespmem:$0x1F920];
	[tilespmem:v15+s21+$0x0] =	vst.idx.msk $0xffff, v27  }
0x404: {  	v7 =	vld [tilespmem:$0x1F930];
	[tilespmem:v19+s21+$0x0] =	vst.idx.msk $0xffff, v28  }
0x405: {  	v45 =	vmov v53;
	v53 =	vmov v61;
	v61 =	vmov v38;
	v38 =	vld [tilespmem:$0x1FE80];
	[tilespmem:v21+s21+$0x0] =	vst.idx.msk $0xffff, v26  }
0x406: {  	[tilespmem:v3+s21+$0x0] =	vst.idx.msk $0xffff, v25;
	v3 =	vld [tilespmem:$0x1F940]  }
0x407: {  	v4 =	vor.u32 v4, v1  }
0x408: {  	v6 =	vor.u32 v6, v1  }
0x409: {  	v7 =	vor.u32 v7, v1  }
0x40a: {  	v8 =	vor.u32 v38, v1  }
0x40b: {  	v3 =	vor.u32 v3, v1  }
0x40c: {  	[tilespmem:v4+s21+$0x0] =	vst.idx.msk $0xffff, v24  }
0x40d: {  	[tilespmem:v6+s21+$0x0] =	vst.idx.msk $0xffff, v20  }
0x40e: {  	[tilespmem:v7+s21+$0x0] =	vst.idx.msk $0xffff, v23  }
0x40f: {  	[tilespmem:v8+s21+$0x0] =	vst.idx.msk $0xffff, v10  }
0x410: {  	[tilespmem:v3+s21+$0x0] =	vst.idx.msk $0xffff, v5;
	v3 =	vld [tilespmem:$0x1F6B0];
	_ =	sdelay $0x4  }
0x411: {  	v9 =	vor.u32 v3, v0;
	_ =	sdelay $0x1  }
0x412: {  	v6 =	vld [tilespmem:$0x1F720]  }
0x413: {  	v3 =	vld [tilespmem:$0x1F710];
	_ =	sdelay $0x1  }
0x414: {  	v16 =	vld.idx.msk [tilespmem:v9+s14+$0x0], $0xffff  }
0x415: {  	v9 =	vld [tilespmem:$0x1F750]  }
0x416: {  	v7 =	vld [tilespmem:$0x1F6E0]  }
0x417: {  	v6 =	vor.u32 v6, v0;
	v10 =	vor.u32 v3, v0;
	v3 =	vld [tilespmem:$0x1F700]  }
0x418: {  	v8 =	vld [tilespmem:$0x1F6F0];
	_ =	sdelay $0x1  }
0x419: {  	v12 =	vor.u32 v9, v0;
	v9 =	vld [tilespmem:$0x1F6A0];
	_ =	sdelay $0x1  }
0x41a: {  	v7 =	vor.u32 v7, v0;
	v11 =	vor.u32 v3, v0;
	v3 =	vld.idx.msk [tilespmem:v6+s14+$0x0], $0xffff  }
0x41b: {  	v8 =	vor.u32 v8, v0;
	v6 =	vld [tilespmem:$0x1F730];
	_ =	sdelay $0x1  }
0x41c: {  	v14 =	vor.u32 v9, v0;
	v9 =	vld.idx.msk [tilespmem:v10+s14+$0x0], $0xffff  }
0x41d: {  	v10 =	vld [tilespmem:$0x1F760]  }
0x41e: {  	v5 =	vld.idx.msk [tilespmem:v7+s14+$0x0], $0xffff  }
0x41f: {  	v7 =	vor.u32 v6, v0;
	v6 =	vld.idx.msk [tilespmem:v8+s14+$0x0], $0xffff  }
0x420: {  	v8 =	vld [tilespmem:$0x1F740]  }
0x421: {  	v13 =	vld.idx.msk [tilespmem:v11+s14+$0x0], $0xffff  }
0x422: {  	v11 =	vor.u32 v10, v0;
	v10 =	vld [tilespmem:$0x1F770];
	_ =	sdelay $0x4  }
0x423: {  	v8 =	vor.u32 v8, v0;
	v18 =	vor.u32 v10, v0;
	v10 =	vld [tilespmem:$0x1F6D0];
	_ =	sdelay $0x3  }
0x424: {  	v4 =	vld [tilespmem:$0x1F6C0]  }
0x425: {  	v19 =	vor.u32 v10, v0;
	v10 =	vld.idx.msk [tilespmem:v8+s14+$0x0], $0xffff  }
0x426: {  	v8 =	vld.idx.msk [tilespmem:v12+s14+$0x0], $0xffff  }
0x427: {  	v12 =	vld [tilespmem:$0x1F780];
	_ =	sdelay $0x1  }
0x428: {  	v2 =	vld [tilespmem:$0x1F990];
	v4 =	vor.u32 v4, v0;
	_ =	sdelay $0x2  }
0x429: {  	v20 =	vor.u32 v12, v0;
	v12 =	vld [tilespmem:$0x1F790];
	_ =	sdelay $0x1  }
0x42a: {  	v2 =	vor.u32 v2, v1;
	v4 =	vld.idx.msk [tilespmem:v4+s14+$0x0], $0xffff  }
0x42b: {  	p0 =	sne.s32 s26, $0xF0;
	v29 =	vmovc v51;
	v51 =	vmovc v59;
	v59 =	vmov v32;
	v30 =	vmov v52;
	v52 =	vmov v60;
	v7 =	vld.idx.msk [tilespmem:v7+s14+$0x0], $0xffff  }
.Ltmp4:
0x42c: {  	v60 =	vmovc v33;
	v33 =	vmovc v34;
	v34 =	vmov v35;
	v35 =	vmov v36;
	v36 =	vmov v37;
	v17 =	vld.idx.msk [tilespmem:v14+s14+$0x0], $0xffff;
	(pc) =	sbr.rel @p0 .LBB2_9-.Ltmp4, $4  }
0x42d: {  	v22 =	vor.u32 v42, v1;
	v27 =	vmovc v49;
	v49 =	vmov v57;
	v21 =	vor.u32 v12, v0;
	v12 =	vld.idx.msk [tilespmem:v11+s14+$0x0], $0xffff  }
0x42e: {  	v57 =	vmovc v63;
	v15 =	vor.u32 v41, v1;
	v28 =	vmovc v50;
	v50 =	vmov v58;
	v58 =	vmov v31;
	v11 =	vld.idx.msk [tilespmem:v18+s14+$0x0], $0xffff  }
0x42f: {  	v26 =	vmovc v47;
	v47 =	vmovc v54;
	v54 =	vmov v62;
	v25 =	vmov v48;
	v48 =	vmov v56;
	v18 =	vld.idx.msk [tilespmem:v19+s14+$0x0], $0xffff  }
0x430: {  	s26 =	sadd.s32 $0x10, s26;
	v24 =	vmovc v46;
	v46 =	vmov v55;
	v19 =	vor.u32 v43, v1;
	v14 =	vld.idx.msk [tilespmem:v20+s14+$0x0], $0xffff;
	v20 =	vor.u32 v40, v1  }
0x431: {  	_ =	sdelay $0x3  }
0x432: {  	v21 =	vld.idx.msk [tilespmem:v21+s14+$0x0], $0xffff  }
0x433: {  	v37 =	vld [tilespmem:$0x1FEA0]  }
0x434: {  	v42 =	vld [tilespmem:$0x1FEB0]  }
0x435: {  	v41 =	vld [tilespmem:$0x1FEC0]  }
0x436: {  	v55 =	vld [tilespmem:$0x1FED0]  }
0x437: {  	v62 =	vld [tilespmem:$0x1FEF0]  }
0x438: {  	[tilespmem:v15+s21+$0x0] =	vst.idx.msk $0xffff, v17;
	v32 =	vor.u32 v44, v1;
	v31 =	vld [tilespmem:$0x1FF00]  }
0x439: {  	v56 =	vld [tilespmem:$0x1FF20];
	[tilespmem:v22+s21+$0x0] =	vst.idx.msk $0xffff, v16  }
0x43a: {  	v40 =	vld [tilespmem:$0x1F510];
	[tilespmem:v19+s21+$0x0] =	vst.idx.msk $0xffff, v4  }
0x43b: {  	v43 =	vld [tilespmem:$0x1F590];
	[tilespmem:v20+s21+$0x0] =	vst.idx.msk $0xffff, v18  }
0x43c: {  	[tilespmem:v2+s21+$0x0] =	vst.idx.msk $0xffff, v5;
	v44 =	vor.u32 v41, v1;
	v41 =	vld [tilespmem:$0x1FEE0]  }
0x43d: {  	[tilespmem:v32+s21+$0x0] =	vst.idx.msk $0xffff, v6;
	v6 =	vor.u32 v62, v1;
	v62 =	vld [tilespmem:$0x1F560]  }
0x43e: {  	v22 =	vld [tilespmem:$0x1FF10];
	v16 =	vor.u32 v37, v1  }
0x43f: {  	v38 =	vor.u32 v42, v1;
	v37 =	vld [tilespmem:$0x1FF30]  }
0x440: {  	v2 =	vor.u32 v55, v1;
	v55 =	vld [tilespmem:$0x1F580]  }
0x441: {  	v19 =	vor.u32 v41, v1;
	v41 =	vld [tilespmem:$0x1F5A0]  }
0x442: {  	v63 =	vor.u32 v62, v0;
	v62 =	vld [tilespmem:$0x1FAA0]  }
0x443: {  	[tilespmem:v16+s21+$0x0] =	vst.idx.msk $0xffff, v13;
	v16 =	vld [tilespmem:$0x1FAB0]  }
0x444: {  	[tilespmem:v38+s21+$0x0] =	vst.idx.msk $0xffff, v9;
	v9 =	vld [tilespmem:$0x1F7C0]  }
0x445: {  	v32 =	vor.u32 v31, v1;
	v38 =	vor.u32 v37, v1;
	v37 =	vld [tilespmem:$0x1F550]  }
0x446: {  	[tilespmem:v44+s21+$0x0] =	vst.idx.msk $0xffff, v3;
	v3 =	vor.u32 v22, v1;
	v44 =	vor.u32 v43, v0;
	v43 =	vld [tilespmem:$0x1F570]  }
0x447: {  	[tilespmem:v2+s21+$0x0] =	vst.idx.msk $0xffff, v7;
	v7 =	vld [tilespmem:$0x1F500]  }
0x448: {  	v2 =	vor.u32 v56, v1;
	[tilespmem:v19+s21+$0x0] =	vst.idx.msk $0xffff, v10;
	v10 =	vld [tilespmem:$0x1F5C0]  }
0x449: {  	[tilespmem:v6+s21+$0x0] =	vst.idx.msk $0xffff, v8;
	v6 =	vld [tilespmem:$0x1F7A0]  }
0x44a: {  	v39 =	vor.u32 v39, v0;
	v8 =	vld [tilespmem:$0x1F7B0];
	[tilespmem:v32+s21+$0x0] =	vst.idx.msk $0xffff, v12  }
0x44b: {  	v5 =	vor.u32 v40, v0;
	[tilespmem:v3+s21+$0x0] =	vst.idx.msk $0xffff, v11;
	v3 =	vld [tilespmem:$0x1F530]  }
0x44c: {  	v9 =	vor.u32 v9, v0;
	v11 =	vld [tilespmem:$0x1F5B0]  }
0x44d: {  	v42 =	vor.u32 v41, v0;
	[tilespmem:v2+s21+$0x0] =	vst.idx.msk $0xffff, v14;
	v2 =	vld [tilespmem:$0x1F520]  }
0x44e: {  	[tilespmem:v38+s21+$0x0] =	vst.idx.msk $0xffff, v21;
	v38 =	vor.u32 v37, v0;
	v37 =	vld [tilespmem:$0x1FF40]  }
0x44f: {  	v4 =	vld.idx.msk [tilespmem:v39+s14+$0x0], $0xffff  }
0x450: {  	v56 =	vor.u32 v55, v0;
	v32 =	vld.idx.msk [tilespmem:v5+s14+$0x0], $0xffff  }
0x451: {  	v9 =	vld.idx.msk [tilespmem:v9+s14+$0x0], $0xffff  }
0x452: {  	v7 =	vor.u32 v7, v0;
	v12 =	vld.idx.msk [tilespmem:v42+s14+$0x0], $0xffff  }
0x453: {  	v40 =	vld.idx.msk [tilespmem:v44+s14+$0x0], $0xffff  }
0x454: {  	v10 =	vor.u32 v10, v0;
	v44 =	vld [tilespmem:$0x1FA50]  }
0x455: {  	v14 =	vld.idx.msk [tilespmem:v56+s14+$0x0], $0xffff  }
0x456: {  	v6 =	vor.u32 v6, v0;
	v39 =	vld [tilespmem:$0x1FF50]  }
0x457: {  	v8 =	vor.u32 v8, v0;
	v23 =	vld.idx.msk [tilespmem:v7+s14+$0x0], $0xffff  }
0x458: {  	v3 =	vor.u32 v3, v0;
	v7 =	vld [tilespmem:$0x1FA90]  }
0x459: {  	v10 =	vld.idx.msk [tilespmem:v10+s14+$0x0], $0xffff  }
0x45a: {  	v11 =	vor.u32 v11, v0;
	v38 =	vld.idx.msk [tilespmem:v38+s14+$0x0], $0xffff  }
0x45b: {  	v2 =	vor.u32 v2, v0;
	v6 =	vld.idx.msk [tilespmem:v6+s14+$0x0], $0xffff  }
0x45c: {  	v0 =	vor.u32 v43, v0;
	v8 =	vld.idx.msk [tilespmem:v8+s14+$0x0], $0xffff;
	v55 =	vor.u32 v44, v1  }
0x45d: {  	v3 =	vld.idx.msk [tilespmem:v3+s14+$0x0], $0xffff;
	v56 =	vor.u32 v7, v1  }
0x45e: {  	v7 =	vld.idx.msk [tilespmem:v63+s14+$0x0], $0xffff;
	v63 =	vor.u32 v62, v1  }
0x45f: {  	v20 =	vor.u32 v16, v1;
	v11 =	vld.idx.msk [tilespmem:v11+s14+$0x0], $0xffff  }
0x460: {  	v21 =	vor.u32 v37, v1;
	v2 =	vld.idx.msk [tilespmem:v2+s14+$0x0], $0xffff  }
0x461: {  	v0 =	vld.idx.msk [tilespmem:v0+s14+$0x0], $0xffff;
	[tilespmem:v55+s21+$0x0] =	vst.idx.msk $0xffff, v6  }
0x462: {  	v41 =	vld [tilespmem:$0x1FFC0];
	[tilespmem:v56+s21+$0x0] =	vst.idx.msk $0xffff, v8  }
0x463: {  	v42 =	vld [tilespmem:$0x1FFD0];
	[tilespmem:v63+s21+$0x0] =	vst.idx.msk $0xffff, v9  }
0x464: {  	[tilespmem:v20+s21+$0x0] =	vst.idx.msk $0xffff, v10;
	v20 =	vld [tilespmem:$0x1FFE0]  }
0x465: {  	[tilespmem:v21+s21+$0x0] =	vst.idx.msk $0xffff, v11;
	v21 =	vld [tilespmem:$0x1FFF0]  }
0x466: {  	v43 =	vld [tilespmem:$0x1FF60];
	v6 =	vor.u32 v39, v1  }
0x467: {  	v8 =	vor.u32 v41, v1  }
0x468: {  	v9 =	vor.u32 v42, v1  }
0x469: {  	v10 =	vor.u32 v20, v1  }
0x46a: {  	v11 =	vor.u32 v21, v1  }
0x46b: {  	[tilespmem:v6+s21+$0x0] =	vst.idx.msk $0xffff, v12;
	v6 =	vor.u32 v43, v1  }
0x46c: {  	v44 =	vld [tilespmem:$0x1FF70];
	[tilespmem:v8+s21+$0x0] =	vst.idx.msk $0xffff, v40  }
0x46d: {  	v55 =	vld [tilespmem:$0x1FF80];
	[tilespmem:v9+s21+$0x0] =	vst.idx.msk $0xffff, v14  }
0x46e: {  	v56 =	vld [tilespmem:$0x1FF90];
	[tilespmem:v10+s21+$0x0] =	vst.idx.msk $0xffff, v4  }
0x46f: {  	v63 =	vld [tilespmem:$0x1FFA0];
	[tilespmem:v11+s21+$0x0] =	vst.idx.msk $0xffff, v3  }
0x470: {  	[tilespmem:v6+s21+$0x0] =	vst.idx.msk $0xffff, v2;
	v2 =	vld [tilespmem:$0x1FFB0]  }
0x471: {  	v8 =	vor.u32 v44, v1  }
0x472: {  	v9 =	vor.u32 v55, v1  }
0x473: {  	v62 =	vor.u32 v56, v1  }
0x474: {  	v3 =	vor.u32 v63, v1  }
0x475: {  	v1 =	vor.u32 v2, v1  }
0x476: {  	p0 =	sne.s32 s25, $0xC8;
	[tilespmem:v8+s21+$0x0] =	vst.idx.msk $0xffff, v32  }
.Ltmp5:
0x477: {  	[tilespmem:v9+s21+$0x0] =	vst.idx.msk $0xffff, v23;
	(pc) =	sbr.rel @p0 .LBB2_2-.Ltmp5, $4  }
0x478: {  	v8 =	vld [tilespmem:$0x1FAE0];
	[tilespmem:v62+s21+$0x0] =	vst.idx.msk $0xffff, v0  }
0x479: {  	v23 =	vld [tilespmem:$0x1FAF0];
	[tilespmem:v3+s21+$0x0] =	vst.idx.msk $0xffff, v7  }
0x47a: {  	s24 =	sadd.s32 s24, s9;
	[tilespmem:v1+s21+$0x0] =	vst.idx.msk $0xffff, v38;
	v1 =	vld [tilespmem:$0x1FA40]  }
0x47b: {  	v0 =	vld [tilespmem:$0x1FE70];
	[hbm4b:s24+s17] =	stream.strided.scatter [tilespmem:s21], [sflag:$0x4], $0x4000, s18, s17, $0x38  }
0x47c: {  	s23 =	sadd.s32 $0x1, s23  }
0x47d: {  	_ =	swait.ge [sflag:s22], $0x4000;
	p0 =	sne.s32 s23, s10  }
.Ltmp6:
0x47e: {  	[sflag:s22] =	ssyncset.done $0x0;
	(pc) =	sbr.rel @p0 .LBB2_1-.Ltmp6, $4  }
0x47f: {  	[sflag:s22] =	ssyncadd.s32 $0xFFFFC000  }
0x480: {  	_ =	swait.ge [sflag:s20], $0x4000  }
0x481: {  	[sflag:s20] =	ssyncset.done $0x0  }
0x482: {  	[sflag:s20] =	ssyncadd.s32 $0xFFFFC000  }
0x483: {  	_ =	sfence.sel $0x180000  }
0x484: {  	[bflag:$0x0] =	sbarrier.arrive $0xFFFF  }
0x485: {  	p0 =	sne.s32 s3, $0x0;
	_ =	strace $0x90000047  }
0x486: {  	s0 =	sadd.s32 @!p0 $0x100000, s1;
	[bflag:$0x2] =	sbarrier.arrive $0xFFFF  }
0x487: {  	[sflag:s0] =	ssyncadd.tile.s32 @!p0 $0x1;
	_ =	shalt  }
.Lfunc_end2:
_tile_overlayer_lowered:
.L_overlay_start_2:
0x488: {  	(tag) =	ssettag $0x2  }
0x489: {  	s0 =	rddreg [dreg:$0x0];
	s2 =	stileid.u32  }
0x48a: {  	s1 =	rddreg [dreg:$0x1];
	p0 =	sne.s32 s2, $0x0  }
0x48b: {  	s3 =	rddreg [dreg:$0x2];
	[bflag:$0x3] =	sbarrier.arrive $0xFFFF;
	s2 =	simm.s32 @!p0 $0x1C05  }
0x48c: {  	[timem:s3], [sflag:s2] =	dma.local @!p0 [hbm:s0], s1  }
0x48d: {  	s0 =	simm.s32 @!p0 $0x5  }
0x48e: {  	_ =	swait.ge @!p0 [sflag:s0], s1  }
0x48f: {  	s1 =	ssub.s32 @!p0 $0x0, s1;
	[sflag:s0] =	ssyncset.done @!p0 $0x0  }
0x490: {  	[sflag:s0] =	ssyncadd.s32 @!p0 s1  }
0x491: {  	[bflag:$0x3] =	sbarrier.arrive $0xFFFF  }
0x492: {  	_ =	shalt  }

</sc_bundles>
